<compile_context>
chip_gen: v7x
topology: tpu7x:2x2x1
jax: 0.10.2.dev20260603
libtpu: 0.0.44.dev20260713+nightly
codegen_flags: <defaults>
</compile_context>

<pallas_src>
import functools

import jax
import jax.numpy as jnp
from jax import lax
from jax.experimental import pallas as pl
from jax.experimental.pallas import tpu as pltpu
from jax.experimental.pallas import tpu_sc as plsc

N = 10000
E = 320000
D = 128
NP = 10240
CH = 128
NCHUNK = 2560
EP = NCHUNK * CH
NT = 16
CPT = NCHUNK // NT
GG = 160
RPT = NP // NT

_mesh = plsc.VectorSubcoreMesh(core_axis_name="c", subcore_axis_name="s")


@functools.partial(
    pl.kernel,
    out_type=jax.ShapeDtypeStruct((2, NP), jnp.float32),
    mesh=_mesh,
    scratch_types=[
        pltpu.VMEM((CPT, CH), jnp.int32),
        pltpu.VMEM((NP,), jnp.float32),
        pltpu.VMEM((NT, RPT), jnp.float32),
        pltpu.VMEM((RPT,), jnp.float32),
        pltpu.VMEM_SHARED((NT, NP), jnp.float32),
    ],
    compiler_params=pltpu.CompilerParams(needs_layout_passes=False),
)
def _deg_kernel(sidx, zeros, deg_out, ixb, hist, rbuf, obuf, part_sh):
    c = lax.axis_index("c")
    s = lax.axis_index("s")
    pltpu.sync_copy(sidx.at[c, pl.ds(s * CPT, CPT)], ixb)
    pltpu.sync_copy(zeros, hist)

    ones = jnp.full((16,), 1.0, jnp.float32)

    def body(j, carry):
        for k in range(16):
            iv = ixb[2 * j + k // 8, pl.ds((k % 8) * 16, 16)]
            plsc.addupdate_scatter(hist, [iv], ones)
        return carry

    lax.fori_loop(0, CPT // 2, body, 0)
    pltpu.sync_copy(hist, part_sh.at[s])
    plsc.subcore_barrier()
    pltpu.sync_copy(part_sh.at[:, pl.ds(s * RPT, RPT)], rbuf)
    for k in range(RPT // 16):
        v = rbuf[0, pl.ds(k * 16, 16)]
        for r in range(1, NT):
            v = v + rbuf[r, pl.ds(k * 16, 16)]
        obuf[pl.ds(k * 16, 16)] = v
    pltpu.sync_copy(obuf, deg_out.at[c, pl.ds(s * RPT, RPT)])


@functools.partial(
    pl.kernel,
    out_type=jax.ShapeDtypeStruct((2, NP, D), jnp.bfloat16),
    mesh=_mesh,
    scratch_types=[
        pltpu.VMEM((GG, CH), jnp.int32),
        pltpu.VMEM((GG, CH), jnp.int32),
        pltpu.VMEM((2, CH, D), jnp.bfloat16),
        pltpu.VMEM_SHARED((NP, D), jnp.bfloat16),
        pltpu.SemaphoreType.DMA,
        pltpu.SemaphoreType.DMA,
    ],
    compiler_params=pltpu.CompilerParams(use_tc_tiling_on_sc=False),
)
def _prop_kernel(g, gidx, sidx, out, gix, six, rows, acc, gs0, gs1):
    c = lax.axis_index("c")
    s = lax.axis_index("s")
    pltpu.sync_copy(g.at[pl.ds(c * NP + s * RPT, RPT)], acc.at[pl.ds(s * RPT, RPT)])
    plsc.subcore_barrier()

    def group(gi, carry):
        base = s * CPT + gi * GG
        pltpu.sync_copy(gidx.at[c, pl.ds(base, GG)], gix)
        pltpu.sync_copy(sidx.at[c, pl.ds(base, GG)], six)
        pltpu.make_async_copy(g.at[gix.at[0]], rows.at[0], gs0).start()

        def body(j, carry2):
            k0 = 2 * j
            pltpu.make_async_copy(g.at[gix.at[k0 + 1]], rows.at[1], gs1).start()
            pltpu.make_async_copy(g.at[gix.at[k0]], rows.at[0], gs0).wait()
            pltpu.sync_copy(rows.at[0], acc.at[six.at[k0]], add=True)
            pltpu.make_async_copy(g.at[gix.at[k0 + 2]], rows.at[0], gs0).start()
            pltpu.make_async_copy(g.at[gix.at[k0 + 1]], rows.at[1], gs1).wait()
            pltpu.sync_copy(rows.at[1], acc.at[six.at[k0 + 1]], add=True)
            return carry2

        lax.fori_loop(0, GG // 2 - 1, body, 0)
        pltpu.make_async_copy(g.at[gix.at[GG - 1]], rows.at[1], gs1).start()
        pltpu.make_async_copy(g.at[gix.at[GG - 2]], rows.at[0], gs0).wait()
        pltpu.sync_copy(rows.at[0], acc.at[six.at[GG - 2]], add=True)
        pltpu.make_async_copy(g.at[gix.at[GG - 1]], rows.at[1], gs1).wait()
        pltpu.sync_copy(rows.at[1], acc.at[six.at[GG - 1]], add=True)
        return carry

    lax.fori_loop(0, CPT // GG, group, 0)

    plsc.subcore_barrier()
    pltpu.sync_copy(acc.at[pl.ds(s * RPT, RPT)], out.at[c, pl.ds(s * RPT, RPT)])


BN = 2048


def _g_body(x_ref, w_ref, deg_ref, g_ref):
    l = pl.program_id(0)
    dinv = lax.rsqrt(deg_ref[...] + 1.0)
    w = jnp.where(l == 0, dinv[:, 0:1], dinv[:, 1:2])
    g_ref[...] = (
        jnp.dot(x_ref[...], w_ref[0], preferred_element_type=jnp.float32) * w
    ).astype(jnp.bfloat16)


def _g_table(xp, wst, deg_t):
    return pl.pallas_call(
        _g_body,
        grid=(2, NP // BN),
        in_specs=[
            pl.BlockSpec((BN, D), lambda l, i: (i, 0)),
            pl.BlockSpec((1, D, D), lambda l, i: (l, 0, 0)),
            pl.BlockSpec((BN, 2), lambda l, i: (i, 0)),
        ],
        out_specs=pl.BlockSpec((BN, D), lambda l, i: (l * (NP // BN) + i, 0)),
        out_shape=jax.ShapeDtypeStruct((2 * NP, D), jnp.bfloat16),
    )(xp, wst, deg_t)


def _ep_body(acc_ref, deg_ref, b_ref, o_ref):
    dinv = lax.rsqrt(deg_ref[...] + 1.0)
    a0 = acc_ref[0].astype(jnp.float32)
    a1 = acc_ref[1].astype(jnp.float32)
    o1 = jnp.maximum(a0 * dinv[:, 0:1] + b_ref[0][None, :], 0.0)
    o2 = jnp.maximum(a1 * dinv[:, 1:2] + b_ref[1][None, :], 0.0)
    o_ref[...] = 0.5 * (o1 + o2)


def _epilogue(acc, deg_t, bst):
    return pl.pallas_call(
        _ep_body,
        grid=(NP // BN,),
        in_specs=[
            pl.BlockSpec((2, BN, D), lambda i: (0, i, 0)),
            pl.BlockSpec((BN, 2), lambda i: (i, 0)),
            pl.BlockSpec((2, D), lambda i: (0, 0)),
        ],
        out_specs=pl.BlockSpec((BN, D), lambda i: (i, 0)),
        out_shape=jax.ShapeDtypeStruct((NP, D), jnp.float32),
    )(acc, deg_t, bst)


def kernel(x, edge_index, W1, b1, W2, b2):
    src = edge_index[0]
    dst = edge_index[1]
    gidx = jnp.pad(jnp.stack([src, dst + NP]), ((0, 0), (0, EP - E)))
    sidx = jnp.pad(jnp.stack([dst, src]), ((0, 0), (0, EP - E)), constant_values=N)
    gidx = gidx.reshape(2, NCHUNK, CH)
    sidx = sidx.reshape(2, NCHUNK, CH)

    zeros = jnp.zeros((NP,), jnp.float32)
    deg_t = _deg_kernel(sidx, zeros).T

    xp = jnp.pad(x, ((0, NP - N), (0, 0)))
    wst = jnp.stack([W1, W2])
    bst = jnp.stack([b1, b2])
    g = _g_table(xp, wst, deg_t)

    acc = _prop_kernel(g, gidx, sidx)
    out = _epilogue(acc, deg_t, bst)
    return out[:N]

# --- scband reference (transcript-rebuilt; emitter-appended) ---
"""Pipeline reference for scband-directed-gcnconv-34256659153348 (READ-ONLY COPY).

The authoritative reference and input builder live on the scoring server;
editing this copy changes nothing except your own understanding.
"""

import jax, jax.numpy as jnp
import numpy as np

N = 10000
E = 320000
D_IN = 128
D_OUT = 128


def _gcn_conv(x, edge_index, W, b):
    # Faithful PyG GCNConv: linear transform, add self-loops, symmetric norm, scatter-add aggregate, bias.
    h = x @ W
    src = edge_index[0]
    dst = edge_index[1]
    loop = jnp.arange(N, dtype=edge_index.dtype)
    src = jnp.concatenate([src, loop])
    dst = jnp.concatenate([dst, loop])
    deg = jax.ops.segment_sum(jnp.ones(src.shape[0], dtype=jnp.float32), dst, num_segments=N)
    dinv = jnp.where(deg > 0, 1.0 / jnp.sqrt(deg), 0.0)
    norm = dinv[src] * dinv[dst]
    msg = h[src] * norm[:, None]
    out = jax.ops.segment_sum(msg, dst, num_segments=N)
    return out + b


def setup_inputs(seed: int = 0):
    key = jax.random.key(seed)
    k1, k2, k3, k4 = jax.random.split(key, 4)
    x = jax.random.normal(k1, (N, D_IN), dtype=jnp.float32)
    edge_index = jax.random.randint(k2, (2, E), 0, N, dtype=jnp.int32)
    scale = 1.0 / np.sqrt(D_IN)
    W1 = jax.random.uniform(k3, (D_IN, D_OUT), dtype=jnp.float32, minval=-scale, maxval=scale)
    W2 = jax.random.uniform(k4, (D_IN, D_OUT), dtype=jnp.float32, minval=-scale, maxval=scale)
    b1 = jnp.zeros((D_OUT,), dtype=jnp.float32)
    b2 = jnp.zeros((D_OUT,), dtype=jnp.float32)
    return {"x": x, "edge_index": edge_index, "W1": W1, "b1": b1, "W2": W2, "b2": b2}


def reference(x, edge_index, W1, b1, W2, b2):
    out1 = jax.nn.relu(_gcn_conv(x, edge_index, W1, b1))
    # directed_gcn=True -> reverse edge direction for second layer
    rev = jnp.stack([edge_index[1], edge_index[0]], axis=0)
    out2 = jax.nn.relu(_gcn_conv(x, rev, W2, b2))
    return (out1 + out2) / 2.0

if __name__ == "__main__":
    import jax
    _d = setup_inputs()
    print(jax.jit(kernel)(*tuple(_d.values())))

</pallas_src>

<mosaic_0001>
#map = affine_map<(d0, d1) -> (0, 0, 0)>
#map1 = affine_map<(d0, d1) -> (0)>
#map2 = affine_map<(d0, d1) -> (0, 0)>
module attributes {stable_mosaic.version = 14 : i64} {
  func.func @_deg_kernel(%arg0: i32, %arg1: i32, %arg2: memref<2x2560x128xi32, #tpu.memory_space<hbm>>, %arg3: memref<10240xf32, #tpu.memory_space<hbm>>, %arg4: memref<2x10240xf32, #tpu.memory_space<hbm>>, %arg5: memref<160x128xi32, #tpu.memory_space<vmem>>, %arg6: memref<10240xf32, #tpu.memory_space<vmem>>, %arg7: memref<16x640xf32, #tpu.memory_space<vmem>>, %arg8: memref<640xf32, #tpu.memory_space<vmem>>, %arg9: memref<16x10240xf32, #tpu.memory_space<vmem_shared>>) attributes {dimension_semantics = [#tpu.dimension_semantics<core_parallel>, #tpu.dimension_semantics<subcore_parallel>], iteration_bounds = array<i64: 2, 16>, scalar_prefetch = 0 : i64, scratch_operands = 5 : i64, tpu.core_type = #tpu.core_type<sc_vector_subcore>, window_params = [{transform_indices = #map}, {transform_indices = #map1}, {transform_indices = #map2}]} {
    %mul3A = arith.constant 160 : i32
    %mul3A_0 = arith.muli %arg1, %mul3A : i32
    "tpu.region"() ({
      %run_scoped3A = tpu.sem_alloc : memref<!tpu.dma_semaphore, #tpu.memory_space<semaphore_mem>>
      %dma_start3A = arith.constant 0 : i32
      %dma_start3A_3248 = tpu.memref_slice %arg2[%arg0, %mul3A_0, %dma_start3A] : memref<2x2560x128xi32, #tpu.memory_space<hbm>> -> memref<1x160x128xi32, #tpu.memory_space<hbm>>
      %dma_start3A_3249 = tpu.memref_squeeze %dma_start3A_3248 : memref<1x160x128xi32, #tpu.memory_space<hbm>> -> memref<160x128xi32, #tpu.memory_space<hbm>>
      %dma_start3A_3250 = arith.constant 0 : i32
      %dma_start3A_3251 = tpu.memref_slice %arg2[%arg0, %mul3A_0, %dma_start3A_3250] : memref<2x2560x128xi32, #tpu.memory_space<hbm>> -> memref<1x160x128xi32, #tpu.memory_space<hbm>>
      %dma_start3A_3252 = tpu.memref_squeeze %dma_start3A_3251 : memref<1x160x128xi32, #tpu.memory_space<hbm>> -> memref<160x128xi32, #tpu.memory_space<hbm>>
      tpu.enqueue_dma source(%dma_start3A_3252 : memref<160x128xi32, #tpu.memory_space<hbm>>) target(%arg5 : memref<160x128xi32, #tpu.memory_space<vmem>>) target_semaphore(%run_scoped3A : memref<!tpu.dma_semaphore, #tpu.memory_space<semaphore_mem>>)
      %dma_wait3A = arith.constant 0 : i32
      %dma_wait3A_3253 = tpu.memref_slice %arg2[%arg0, %mul3A_0, %dma_wait3A] : memref<2x2560x128xi32, #tpu.memory_space<hbm>> -> memref<1x160x128xi32, #tpu.memory_space<hbm>>
      %dma_wait3A_3254 = tpu.memref_squeeze %dma_wait3A_3253 : memref<1x160x128xi32, #tpu.memory_space<hbm>> -> memref<160x128xi32, #tpu.memory_space<hbm>>
      %dma_wait3A_3255 = arith.constant 0 : i32
      %dma_wait3A_3256 = tpu.memref_slice %arg2[%arg0, %mul3A_0, %dma_wait3A_3255] : memref<2x2560x128xi32, #tpu.memory_space<hbm>> -> memref<1x160x128xi32, #tpu.memory_space<hbm>>
      %dma_wait3A_3257 = tpu.memref_squeeze %dma_wait3A_3256 : memref<1x160x128xi32, #tpu.memory_space<hbm>> -> memref<160x128xi32, #tpu.memory_space<hbm>>
      tpu.wait_dma2 semaphore(%run_scoped3A : memref<!tpu.dma_semaphore, #tpu.memory_space<semaphore_mem>>) src(%dma_wait3A_3257 : memref<160x128xi32, #tpu.memory_space<hbm>>) dst(%arg5 : memref<160x128xi32, #tpu.memory_space<vmem>>)
      tpu.yield
    }) : () -> ()
    "tpu.region"() ({
      %run_scoped3A = tpu.sem_alloc : memref<!tpu.dma_semaphore, #tpu.memory_space<semaphore_mem>>
      tpu.enqueue_dma source(%arg3 : memref<10240xf32, #tpu.memory_space<hbm>>) target(%arg6 : memref<10240xf32, #tpu.memory_space<vmem>>) target_semaphore(%run_scoped3A : memref<!tpu.dma_semaphore, #tpu.memory_space<semaphore_mem>>)
      tpu.wait_dma2 semaphore(%run_scoped3A : memref<!tpu.dma_semaphore, #tpu.memory_space<semaphore_mem>>) src(%arg3 : memref<10240xf32, #tpu.memory_space<hbm>>) dst(%arg6 : memref<10240xf32, #tpu.memory_space<vmem>>)
      tpu.yield
    }) : () -> ()
    %broadcast_in_dim3A = arith.constant 1.000000e+00 : f32
    %broadcast_in_dim3A_1 = vector.broadcast %broadcast_in_dim3A : f32 to vector<16xf32>
    %scan3A = arith.constant 0 : i32
    %scan3A_2 = arith.constant 0 : i32
    %scan3A_3 = arith.constant 80 : i32
    %scan3A_4 = arith.addi %scan3A_2, %scan3A_3 : i32
    %scan3A_5 = arith.constant 1 : i32
    scf.for %scan3A_3248 = %scan3A_2 to %scan3A_4 step %scan3A_5  : i32 {
      %mul3A_3249 = arith.constant 2 : i32
      %mul3A_3250 = arith.muli %mul3A_3249, %scan3A_3248 : i32
      %add3A_3251 = arith.constant 0 : i32
      %add3A_3252 = arith.addi %mul3A_3250, %add3A_3251 : i32
      %get3A_3253 = arith.index_cast %add3A_3252 : i32 to index
      %get3A_3254 = arith.constant 0 : index
      %get3A_3255 = tpu.vector_load %arg5[%get3A_3253, %get3A_3254] {strides = array<i32>} : memref<160x128xi32, #tpu.memory_space<vmem>>, vector<16xi32>,
      tpu.vector_store_idx %arg6[%get3A_3255], %broadcast_in_dim3A_1 {add = true} : memref<10240xf32, #tpu.memory_space<vmem>>[vector<16xi32>], vector<16xf32>,
      %mul3A_3256 = arith.constant 2 : i32
      %mul3A_3257 = arith.muli %mul3A_3256, %scan3A_3248 : i32
      %add3A_3258 = arith.constant 0 : i32
      %add3A_3259 = arith.addi %mul3A_3257, %add3A_3258 : i32
      %get3A_3260 = arith.index_cast %add3A_3259 : i32 to index
      %get3A_3261 = arith.constant 16 : index
      %get3A_3262 = tpu.vector_load %arg5[%get3A_3260, %get3A_3261] {strides = array<i32>} : memref<160x128xi32, #tpu.memory_space<vmem>>, vector<16xi32>,
      tpu.vector_store_idx %arg6[%get3A_3262], %broadcast_in_dim3A_1 {add = true} : memref<10240xf32, #tpu.memory_space<vmem>>[vector<16xi32>], vector<16xf32>,
      %mul3A_3263 = arith.constant 2 : i32
      %mul3A_3264 = arith.muli %mul3A_3263, %scan3A_3248 : i32
      %add3A_3265 = arith.constant 0 : i32
      %add3A_3266 = arith.addi %mul3A_3264, %add3A_3265 : i32
      %get3A_3267 = arith.index_cast %add3A_3266 : i32 to index
      %get3A_3268 = arith.constant 32 : index
      %get3A_3269 = tpu.vector_load %arg5[%get3A_3267, %get3A_3268] {strides = array<i32>} : memref<160x128xi32, #tpu.memory_space<vmem>>, vector<16xi32>,
      tpu.vector_store_idx %arg6[%get3A_3269], %broadcast_in_dim3A_1 {add = true} : memref<10240xf32, #tpu.memory_space<vmem>>[vector<16xi32>], vector<16xf32>,
      %mul3A_3270 = arith.constant 2 : i32
      %mul3A_3271 = arith.muli %mul3A_3270, %scan3A_3248 : i32
      %add3A_3272 = arith.constant 0 : i32
      %add3A_3273 = arith.addi %mul3A_3271, %add3A_3272 : i32
      %get3A_3274 = arith.index_cast %add3A_3273 : i32 to index
      %get3A_3275 = arith.constant 48 : index
      %get3A_3276 = tpu.vector_load %arg5[%get3A_3274, %get3A_3275] {strides = array<i32>} : memref<160x128xi32, #tpu.memory_space<vmem>>, vector<16xi32>,
      tpu.vector_store_idx %arg6[%get3A_3276], %broadcast_in_dim3A_1 {add = true} : memref<10240xf32, #tpu.memory_space<vmem>>[vector<16xi32>], vector<16xf32>,
      %mul3A_3277 = arith.constant 2 : i32
      %mul3A_3278 = arith.muli %mul3A_3277, %scan3A_3248 : i32
      %add3A_3279 = arith.constant 0 : i32
      %add3A_3280 = arith.addi %mul3A_3278, %add3A_3279 : i32
      %get3A_3281 = arith.index_cast %add3A_3280 : i32 to index
      %get3A_3282 = arith.constant 64 : index
      %get3A_3283 = tpu.vector_load %arg5[%get3A_3281, %get3A_3282] {strides = array<i32>} : memref<160x128xi32, #tpu.memory_space<vmem>>, vector<16xi32>,
      tpu.vector_store_idx %arg6[%get3A_3283], %broadcast_in_dim3A_1 {add = true} : memref<10240xf32, #tpu.memory_space<vmem>>[vector<16xi32>], vector<16xf32>,
      %mul3A_3284 = arith.constant 2 : i32
      %mul3A_3285 = arith.muli %mul3A_3284, %scan3A_3248 : i32
      %add3A_3286 = arith.constant 0 : i32
      %add3A_3287 = arith.addi %mul3A_3285, %add3A_3286 : i32
      %get3A_3288 = arith.index_cast %add3A_3287 : i32 to index
      %get3A_3289 = arith.constant 80 : index
      %get3A_3290 = tpu.vector_load %arg5[%get3A_3288, %get3A_3289] {strides = array<i32>} : memref<160x128xi32, #tpu.memory_space<vmem>>, vector<16xi32>,
      tpu.vector_store_idx %arg6[%get3A_3290], %broadcast_in_dim3A_1 {add = true} : memref<10240xf32, #tpu.memory_space<vmem>>[vector<16xi32>], vector<16xf32>,
      %mul3A_3291 = arith.constant 2 : i32
      %mul3A_3292 = arith.muli %mul3A_3291, %scan3A_3248 : i32
      %add3A_3293 = arith.constant 0 : i32
      %add3A_3294 = arith.addi %mul3A_3292, %add3A_3293 : i32
      %get3A_3295 = arith.index_cast %add3A_3294 : i32 to index
      %get3A_3296 = arith.constant 96 : index
      %get3A_3297 = tpu.vector_load %arg5[%get3A_3295, %get3A_3296] {strides = array<i32>} : memref<160x128xi32, #tpu.memory_space<vmem>>, vector<16xi32>,
      tpu.vector_store_idx %arg6[%get3A_3297], %broadcast_in_dim3A_1 {add = true} : memref<10240xf32, #tpu.memory_space<vmem>>[vector<16xi32>], vector<16xf32>,
      %mul3A_3298 = arith.constant 2 : i32
      %mul3A_3299 = arith.muli %mul3A_3298, %scan3A_3248 : i32
      %add3A_3300 = arith.constant 0 : i32
      %add3A_3301 = arith.addi %mul3A_3299, %add3A_3300 : i32
      %get3A_3302 = arith.index_cast %add3A_3301 : i32 to index
      %get3A_3303 = arith.constant 112 : index
      %get3A_3304 = tpu.vector_load %arg5[%get3A_3302, %get3A_3303] {strides = array<i32>} : memref<160x128xi32, #tpu.memory_space<vmem>>, vector<16xi32>,
      tpu.vector_store_idx %arg6[%get3A_3304], %broadcast_in_dim3A_1 {add = true} : memref<10240xf32, #tpu.memory_space<vmem>>[vector<16xi32>], vector<16xf32>,
      %mul3A_3305 = arith.constant 2 : i32
      %mul3A_3306 = arith.muli %mul3A_3305, %scan3A_3248 : i32
      %add3A_3307 = arith.constant 1 : i32
      %add3A_3308 = arith.addi %mul3A_3306, %add3A_3307 : i32
      %get3A_3309 = arith.index_cast %add3A_3308 : i32 to index
      %get3A_3310 = arith.constant 0 : index
      %get3A_3311 = tpu.vector_load %arg5[%get3A_3309, %get3A_3310] {strides = array<i32>} : memref<160x128xi32, #tpu.memory_space<vmem>>, vector<16xi32>,
      tpu.vector_store_idx %arg6[%get3A_3311], %broadcast_in_dim3A_1 {add = true} : memref<10240xf32, #tpu.memory_space<vmem>>[vector<16xi32>], vector<16xf32>,
      %mul3A_3312 = arith.constant 2 : i32
      %mul3A_3313 = arith.muli %mul3A_3312, %scan3A_3248 : i32
      %add3A_3314 = arith.constant 1 : i32
      %add3A_3315 = arith.addi %mul3A_3313, %add3A_3314 : i32
      %get3A_3316 = arith.index_cast %add3A_3315 : i32 to index
      %get3A_3317 = arith.constant 16 : index
      %get3A_3318 = tpu.vector_load %arg5[%get3A_3316, %get3A_3317] {strides = array<i32>} : memref<160x128xi32, #tpu.memory_space<vmem>>, vector<16xi32>,
      tpu.vector_store_idx %arg6[%get3A_3318], %broadcast_in_dim3A_1 {add = true} : memref<10240xf32, #tpu.memory_space<vmem>>[vector<16xi32>], vector<16xf32>,
      %mul3A_3319 = arith.constant 2 : i32
      %mul3A_3320 = arith.muli %mul3A_3319, %scan3A_3248 : i32
      %add3A_3321 = arith.constant 1 : i32
      %add3A_3322 = arith.addi %mul3A_3320, %add3A_3321 : i32
      %get3A_3323 = arith.index_cast %add3A_3322 : i32 to index
      %get3A_3324 = arith.constant 32 : index
      %get3A_3325 = tpu.vector_load %arg5[%get3A_3323, %get3A_3324] {strides = array<i32>} : memref<160x128xi32, #tpu.memory_space<vmem>>, vector<16xi32>,
      tpu.vector_store_idx %arg6[%get3A_3325], %broadcast_in_dim3A_1 {add = true} : memref<10240xf32, #tpu.memory_space<vmem>>[vector<16xi32>], vector<16xf32>,
      %mul3A_3326 = arith.constant 2 : i32
      %mul3A_3327 = arith.muli %mul3A_3326, %scan3A_3248 : i32
      %add3A_3328 = arith.constant 1 : i32
      %add3A_3329 = arith.addi %mul3A_3327, %add3A_3328 : i32
      %get3A_3330 = arith.index_cast %add3A_3329 : i32 to index
      %get3A_3331 = arith.constant 48 : index
      %get3A_3332 = tpu.vector_load %arg5[%get3A_3330, %get3A_3331] {strides = array<i32>} : memref<160x128xi32, #tpu.memory_space<vmem>>, vector<16xi32>,
      tpu.vector_store_idx %arg6[%get3A_3332], %broadcast_in_dim3A_1 {add = true} : memref<10240xf32, #tpu.memory_space<vmem>>[vector<16xi32>], vector<16xf32>,
      %mul3A_3333 = arith.constant 2 : i32
      %mul3A_3334 = arith.muli %mul3A_3333, %scan3A_3248 : i32
      %add3A_3335 = arith.constant 1 : i32
      %add3A_3336 = arith.addi %mul3A_3334, %add3A_3335 : i32
      %get3A_3337 = arith.index_cast %add3A_3336 : i32 to index
      %get3A_3338 = arith.constant 64 : index
      %get3A_3339 = tpu.vector_load %arg5[%get3A_3337, %get3A_3338] {strides = array<i32>} : memref<160x128xi32, #tpu.memory_space<vmem>>, vector<16xi32>,
      tpu.vector_store_idx %arg6[%get3A_3339], %broadcast_in_dim3A_1 {add = true} : memref<10240xf32, #tpu.memory_space<vmem>>[vector<16xi32>], vector<16xf32>,
      %mul3A_3340 = arith.constant 2 : i32
      %mul3A_3341 = arith.muli %mul3A_3340, %scan3A_3248 : i32
      %add3A_3342 = arith.constant 1 : i32
      %add3A_3343 = arith.addi %mul3A_3341, %add3A_3342 : i32
      %get3A_3344 = arith.index_cast %add3A_3343 : i32 to index
      %get3A_3345 = arith.constant 80 : index
      %get3A_3346 = tpu.vector_load %arg5[%get3A_3344, %get3A_3345] {strides = array<i32>} : memref<160x128xi32, #tpu.memory_space<vmem>>, vector<16xi32>,
      tpu.vector_store_idx %arg6[%get3A_3346], %broadcast_in_dim3A_1 {add = true} : memref<10240xf32, #tpu.memory_space<vmem>>[vector<16xi32>], vector<16xf32>,
      %mul3A_3347 = arith.constant 2 : i32
      %mul3A_3348 = arith.muli %mul3A_3347, %scan3A_3248 : i32
      %add3A_3349 = arith.constant 1 : i32
      %add3A_3350 = arith.addi %mul3A_3348, %add3A_3349 : i32
      %get3A_3351 = arith.index_cast %add3A_3350 : i32 to index
      %get3A_3352 = arith.constant 96 : index
      %get3A_3353 = tpu.vector_load %arg5[%get3A_3351, %get3A_3352] {strides = array<i32>} : memref<160x128xi32, #tpu.memory_space<vmem>>, vector<16xi32>,
      tpu.vector_store_idx %arg6[%get3A_3353], %broadcast_in_dim3A_1 {add = true} : memref<10240xf32, #tpu.memory_space<vmem>>[vector<16xi32>], vector<16xf32>,
      %mul3A_3354 = arith.constant 2 : i32
      %mul3A_3355 = arith.muli %mul3A_3354, %scan3A_3248 : i32
      %add3A_3356 = arith.constant 1 : i32
      %add3A_3357 = arith.addi %mul3A_3355, %add3A_3356 : i32
      %get3A_3358 = arith.index_cast %add3A_3357 : i32 to index
      %get3A_3359 = arith.constant 112 : index
      %get3A_3360 = tpu.vector_load %arg5[%get3A_3358, %get3A_3359] {strides = array<i32>} : memref<160x128xi32, #tpu.memory_space<vmem>>, vector<16xi32>,
      tpu.vector_store_idx %arg6[%get3A_3360], %broadcast_in_dim3A_1 {add = true} : memref<10240xf32, #tpu.memory_space<vmem>>[vector<16xi32>], vector<16xf32>,
    }
    %scan3A_6 = arith.constant 80 : i32
    "tpu.region"() ({
      %run_scoped3A = tpu.sem_alloc : memref<!tpu.dma_semaphore, #tpu.memory_space<semaphore_mem>>
      %dma_start3A = arith.constant 0 : i32
      %dma_start3A_3248 = tpu.memref_slice %arg9[%arg1, %dma_start3A] : memref<16x10240xf32, #tpu.memory_space<vmem_shared>> -> memref<1x10240xf32, #tpu.memory_space<vmem_shared>>
      %dma_start3A_3249 = tpu.memref_squeeze %dma_start3A_3248 : memref<1x10240xf32, #tpu.memory_space<vmem_shared>> -> memref<10240xf32, #tpu.memory_space<vmem_shared>>
      %dma_start3A_3250 = arith.constant 0 : i32
      %dma_start3A_3251 = tpu.memref_slice %arg9[%arg1, %dma_start3A_3250] : memref<16x10240xf32, #tpu.memory_space<vmem_shared>> -> memref<1x10240xf32, #tpu.memory_space<vmem_shared>>
      %dma_start3A_3252 = tpu.memref_squeeze %dma_start3A_3251 : memref<1x10240xf32, #tpu.memory_space<vmem_shared>> -> memref<10240xf32, #tpu.memory_space<vmem_shared>>
      tpu.enqueue_dma source(%arg6 : memref<10240xf32, #tpu.memory_space<vmem>>) target(%dma_start3A_3252 : memref<10240xf32, #tpu.memory_space<vmem_shared>>) target_semaphore(%run_scoped3A : memref<!tpu.dma_semaphore, #tpu.memory_space<semaphore_mem>>)
      %dma_wait3A = arith.constant 0 : i32
      %dma_wait3A_3253 = tpu.memref_slice %arg9[%arg1, %dma_wait3A] : memref<16x10240xf32, #tpu.memory_space<vmem_shared>> -> memref<1x10240xf32, #tpu.memory_space<vmem_shared>>
      %dma_wait3A_3254 = tpu.memref_squeeze %dma_wait3A_3253 : memref<1x10240xf32, #tpu.memory_space<vmem_shared>> -> memref<10240xf32, #tpu.memory_space<vmem_shared>>
      %dma_wait3A_3255 = arith.constant 0 : i32
      %dma_wait3A_3256 = tpu.memref_slice %arg9[%arg1, %dma_wait3A_3255] : memref<16x10240xf32, #tpu.memory_space<vmem_shared>> -> memref<1x10240xf32, #tpu.memory_space<vmem_shared>>
      %dma_wait3A_3257 = tpu.memref_squeeze %dma_wait3A_3256 : memref<1x10240xf32, #tpu.memory_space<vmem_shared>> -> memref<10240xf32, #tpu.memory_space<vmem_shared>>
      tpu.wait_dma2 semaphore(%run_scoped3A : memref<!tpu.dma_semaphore, #tpu.memory_space<semaphore_mem>>) src(%arg6 : memref<10240xf32, #tpu.memory_space<vmem>>) dst(%dma_wait3A_3257 : memref<10240xf32, #tpu.memory_space<vmem_shared>>)
      tpu.yield
    }) : () -> ()
    %barrier3A = arith.constant 0 : index
    tpu.barrier barrier_id(%barrier3A)
    %mul3A_7 = arith.constant 640 : i32
    %mul3A_8 = arith.muli %arg1, %mul3A_7 : i32
    "tpu.region"() ({
      %run_scoped3A = tpu.sem_alloc : memref<!tpu.dma_semaphore, #tpu.memory_space<semaphore_mem>>
      %dma_start3A = arith.constant 0 : i32
      %dma_start3A_3248 = tpu.memref_slice %arg9[%dma_start3A, %mul3A_8] : memref<16x10240xf32, #tpu.memory_space<vmem_shared>> -> memref<16x640xf32, #tpu.memory_space<vmem_shared>>
      %dma_start3A_3249 = arith.constant 0 : i32
      %dma_start3A_3250 = tpu.memref_slice %arg9[%dma_start3A_3249, %mul3A_8] : memref<16x10240xf32, #tpu.memory_space<vmem_shared>> -> memref<16x640xf32, #tpu.memory_space<vmem_shared>>
      tpu.enqueue_dma source(%dma_start3A_3250 : memref<16x640xf32, #tpu.memory_space<vmem_shared>>) target(%arg7 : memref<16x640xf32, #tpu.memory_space<vmem>>) target_semaphore(%run_scoped3A : memref<!tpu.dma_semaphore, #tpu.memory_space<semaphore_mem>>)
      %dma_wait3A = arith.constant 0 : i32
      %dma_wait3A_3251 = tpu.memref_slice %arg9[%dma_wait3A, %mul3A_8] : memref<16x10240xf32, #tpu.memory_space<vmem_shared>> -> memref<16x640xf32, #tpu.memory_space<vmem_shared>>
      %dma_wait3A_3252 = arith.constant 0 : i32
      %dma_wait3A_3253 = tpu.memref_slice %arg9[%dma_wait3A_3252, %mul3A_8] : memref<16x10240xf32, #tpu.memory_space<vmem_shared>> -> memref<16x640xf32, #tpu.memory_space<vmem_shared>>
      tpu.wait_dma2 semaphore(%run_scoped3A : memref<!tpu.dma_semaphore, #tpu.memory_space<semaphore_mem>>) src(%dma_wait3A_3253 : memref<16x640xf32, #tpu.memory_space<vmem_shared>>) dst(%arg7 : memref<16x640xf32, #tpu.memory_space<vmem>>)
      tpu.yield
    }) : () -> ()
    %get3A = arith.constant 0 : i32
    %get3A_9 = arith.index_cast %get3A : i32 to index
    %get3A_10 = arith.constant 0 : index
    %get3A_11 = tpu.vector_load %arg7[%get3A_9, %get3A_10] {strides = array<i32>} : memref<16x640xf32, #tpu.memory_space<vmem>>, vector<16xf32>,
    %get3A_12 = arith.constant 1 : i32
    %get3A_13 = arith.index_cast %get3A_12 : i32 to index
    %get3A_14 = arith.constant 0 : index
    %get3A_15 = tpu.vector_load %arg7[%get3A_13, %get3A_14] {strides = array<i32>} : memref<16x640xf32, #tpu.memory_space<vmem>>, vector<16xf32>,
    %add3A = arith.addf %get3A_11, %get3A_15 : vector<16xf32>
    %get3A_16 = arith.constant 2 : i32
    %get3A_17 = arith.index_cast %get3A_16 : i32 to index
    %get3A_18 = arith.constant 0 : index
    %get3A_19 = tpu.vector_load %arg7[%get3A_17, %get3A_18] {strides = array<i32>} : memref<16x640xf32, #tpu.memory_space<vmem>>, vector<16xf32>,
    %add3A_20 = arith.addf %add3A, %get3A_19 : vector<16xf32>
    %get3A_21 = arith.constant 3 : i32
    %get3A_22 = arith.index_cast %get3A_21 : i32 to index
    %get3A_23 = arith.constant 0 : index
    %get3A_24 = tpu.vector_load %arg7[%get3A_22, %get3A_23] {strides = array<i32>} : memref<16x640xf32, #tpu.memory_space<vmem>>, vector<16xf32>,
    %add3A_25 = arith.addf %add3A_20, %get3A_24 : vector<16xf32>
    %get3A_26 = arith.constant 4 : i32
    %get3A_27 = arith.index_cast %get3A_26 : i32 to index
    %get3A_28 = arith.constant 0 : index
    %get3A_29 = tpu.vector_load %arg7[%get3A_27, %get3A_28] {strides = array<i32>} : memref<16x640xf32, #tpu.memory_space<vmem>>, vector<16xf32>,
    %add3A_30 = arith.addf %add3A_25, %get3A_29 : vector<16xf32>
    %get3A_31 = arith.constant 5 : i32
    %get3A_32 = arith.index_cast %get3A_31 : i32 to index
    %get3A_33 = arith.constant 0 : index
    %get3A_34 = tpu.vector_load %arg7[%get3A_32, %get3A_33] {strides = array<i32>} : memref<16x640xf32, #tpu.memory_space<vmem>>, vector<16xf32>,
    %add3A_35 = arith.addf %add3A_30, %get3A_34 : vector<16xf32>
    %get3A_36 = arith.constant 6 : i32
    %get3A_37 = arith.index_cast %get3A_36 : i32 to index
    %get3A_38 = arith.constant 0 : index
    %get3A_39 = tpu.vector_load %arg7[%get3A_37, %get3A_38] {strides = array<i32>} : memref<16x640xf32, #tpu.memory_space<vmem>>, vector<16xf32>,
    %add3A_40 = arith.addf %add3A_35, %get3A_39 : vector<16xf32>
    %get3A_41 = arith.constant 7 : i32
    %get3A_42 = arith.index_cast %get3A_41 : i32 to index
    %get3A_43 = arith.constant 0 : index
    %get3A_44 = tpu.vector_load %arg7[%get3A_42, %get3A_43] {strides = array<i32>} : memref<16x640xf32, #tpu.memory_space<vmem>>, vector<16xf32>,
    %add3A_45 = arith.addf %add3A_40, %get3A_44 : vector<16xf32>
    %get3A_46 = arith.constant 8 : i32
    %get3A_47 = arith.index_cast %get3A_46 : i32 to index
    %get3A_48 = arith.constant 0 : index
    %get3A_49 = tpu.vector_load %arg7[%get3A_47, %get3A_48] {strides = array<i32>} : memref<16x640xf32, #tpu.memory_space<vmem>>, vector<16xf32>,
    %add3A_50 = arith.addf %add3A_45, %get3A_49 : vector<16xf32>
    %get3A_51 = arith.constant 9 : i32
    %get3A_52 = arith.index_cast %get3A_51 : i32 to index
    %get3A_53 = arith.constant 0 : index
    %get3A_54 = tpu.vector_load %arg7[%get3A_52, %get3A_53] {strides = array<i32>} : memref<16x640xf32, #tpu.memory_space<vmem>>, vector<16xf32>,
    %add3A_55 = arith.addf %add3A_50, %get3A_54 : vector<16xf32>
    %get3A_56 = arith.constant 10 : i32
    %get3A_57 = arith.index_cast %get3A_56 : i32 to index
    %get3A_58 = arith.constant 0 : index
    %get3A_59 = tpu.vector_load %arg7[%get3A_57, %get3A_58] {strides = array<i32>} : memref<16x640xf32, #tpu.memory_space<vmem>>, vector<16xf32>,
    %add3A_60 = arith.addf %add3A_55, %get3A_59 : vector<16xf32>
    %get3A_61 = arith.constant 11 : i32
    %get3A_62 = arith.index_cast %get3A_61 : i32 to index
    %get3A_63 = arith.constant 0 : index
    %get3A_64 = tpu.vector_load %arg7[%get3A_62, %get3A_63] {strides = array<i32>} : memref<16x640xf32, #tpu.memory_space<vmem>>, vector<16xf32>,
    %add3A_65 = arith.addf %add3A_60, %get3A_64 : vector<16xf32>
    %get3A_66 = arith.constant 12 : i32
    %get3A_67 = arith.index_cast %get3A_66 : i32 to index
    %get3A_68 = arith.constant 0 : index
    %get3A_69 = tpu.vector_load %arg7[%get3A_67, %get3A_68] {strides = array<i32>} : memref<16x640xf32, #tpu.memory_space<vmem>>, vector<16xf32>,
    %add3A_70 = arith.addf %add3A_65, %get3A_69 : vector<16xf32>
    %get3A_71 = arith.constant 13 : i32
    %get3A_72 = arith.index_cast %get3A_71 : i32 to index
    %get3A_73 = arith.constant 0 : index
    %get3A_74 = tpu.vector_load %arg7[%get3A_72, %get3A_73] {strides = array<i32>} : memref<16x640xf32, #tpu.memory_space<vmem>>, vector<16xf32>,
    %add3A_75 = arith.addf %add3A_70, %get3A_74 : vector<16xf32>
    %get3A_76 = arith.constant 14 : i32
    %get3A_77 = arith.index_cast %get3A_76 : i32 to index
    %get3A_78 = arith.constant 0 : index
    %get3A_79 = tpu.vector_load %arg7[%get3A_77, %get3A_78] {strides = array<i32>} : memref<16x640xf32, #tpu.memory_space<vmem>>, vector<16xf32>,
    %add3A_80 = arith.addf %add3A_75, %get3A_79 : vector<16xf32>
    %get3A_81 = arith.constant 15 : i32
    %get3A_82 = arith.index_cast %get3A_81 : i32 to index
    %get3A_83 = arith.constant 0 : index
    %get3A_84 = tpu.vector_load %arg7[%get3A_82, %get3A_83] {strides = array<i32>} : memref<16x640xf32, #tpu.memory_space<vmem>>, vector<16xf32>,
    %add3A_85 = arith.addf %add3A_80, %get3A_84 : vector<16xf32>
    %swap3A = arith.constant 0 : index
    %swap3A_86 = tpu.vector_load %arg8[%swap3A] {strides = array<i32>} : memref<640xf32, #tpu.memory_space<vmem>>, vector<16xf32>,
    tpu.vector_store %arg8[%swap3A], %add3A_85 {strides = array<i32>} : memref<640xf32, #tpu.memory_space<vmem>>, vector<16xf32>,
    %get3A_87 = arith.constant 0 : i32
    %get3A_88 = arith.index_cast %get3A_87 : i32 to index
    %get3A_89 = arith.constant 16 : index
    %get3A_90 = tpu.vector_load %arg7[%get3A_88, %get3A_89] {strides = array<i32>} : memref<16x640xf32, #tpu.memory_space<vmem>>, vector<16xf32>,
    %get3A_91 = arith.constant 1 : i32
    %get3A_92 = arith.index_cast %get3A_91 : i32 to index
    %get3A_93 = arith.constant 16 : index
    %get3A_94 = tpu.vector_load %arg7[%get3A_92, %get3A_93] {strides = array<i32>} : memref<16x640xf32, #tpu.memory_space<vmem>>, vector<16xf32>,
    %add3A_95 = arith.addf %get3A_90, %get3A_94 : vector<16xf32>
    %get3A_96 = arith.constant 2 : i32
    %get3A_97 = arith.index_cast %get3A_96 : i32 to index
    %get3A_98 = arith.constant 16 : index
    %get3A_99 = tpu.vector_load %arg7[%get3A_97, %get3A_98] {strides = array<i32>} : memref<16x640xf32, #tpu.memory_space<vmem>>, vector<16xf32>,
    %add3A_100 = arith.addf %add3A_95, %get3A_99 : vector<16xf32>
    %get3A_101 = arith.constant 3 : i32
    %get3A_102 = arith.index_cast %get3A_101 : i32 to index
    %get3A_103 = arith.constant 16 : index
    %get3A_104 = tpu.vector_load %arg7[%get3A_102, %get3A_103] {strides = array<i32>} : memref<16x640xf32, #tpu.memory_space<vmem>>, vector<16xf32>,
    %add3A_105 = arith.addf %add3A_100, %get3A_104 : vector<16xf32>
    %get3A_106 = arith.constant 4 : i32
    %get3A_107 = arith.index_cast %get3A_106 : i32 to index
    %get3A_108 = arith.constant 16 : index
    %get3A_109 = tpu.vector_load %arg7[%get3A_107, %get3A_108] {strides = array<i32>} : memref<16x640xf32, #tpu.memory_space<vmem>>, vector<16xf32>,
    %add3A_110 = arith.addf %add3A_105, %get3A_109 : vector<16xf32>
    %get3A_111 = arith.constant 5 : i32
    %get3A_112 = arith.index_cast %get3A_111 : i32 to index
    %get3A_113 = arith.constant 16 : index
    %get3A_114 = tpu.vector_load %arg7[%get3A_112, %get3A_113] {strides = array<i32>} : memref<16x640xf32, #tpu.memory_space<vmem>>, vector<16xf32>,
    %add3A_115 = arith.addf %add3A_110, %get3A_114 : vector<16xf32>
    %get3A_116 = arith.constant 6 : i32
    %get3A_117 = arith.index_cast %get3A_116 : i32 to index
    %get3A_118 = arith.constant 16 : index
    %get3A_119 = tpu.vector_load %arg7[%get3A_117, %get3A_118] {strides = array<i32>} : memref<16x640xf32, #tpu.memory_space<vmem>>, vector<16xf32>,
    %add3A_120 = arith.addf %add3A_115, %get3A_119 : vector<16xf32>
    %get3A_121 = arith.constant 7 : i32
    %get3A_122 = arith.index_cast %get3A_121 : i32 to index
    %get3A_123 = arith.constant 16 : index
    %get3A_124 = tpu.vector_load %arg7[%get3A_122, %get3A_123] {strides = array<i32>} : memref<16x640xf32, #tpu.memory_space<vmem>>, vector<16xf32>,
    %add3A_125 = arith.addf %add3A_120, %get3A_124 : vector<16xf32>
    %get3A_126 = arith.constant 8 : i32
    %get3A_127 = arith.index_cast %get3A_126 : i32 to index
    %get3A_128 = arith.constant 16 : index
    %get3A_129 = tpu.vector_load %arg7[%get3A_127, %get3A_128] {strides = array<i32>} : memref<16x640xf32, #tpu.memory_space<vmem>>, vector<16xf32>,
    %add3A_130 = arith.addf %add3A_125, %get3A_129 : vector<16xf32>
    %get3A_131 = arith.constant 9 : i32
    %get3A_132 = arith.index_cast %get3A_131 : i32 to index
    %get3A_133 = arith.constant 16 : index
    %get3A_134 = tpu.vector_load %arg7[%get3A_132, %get3A_133] {strides = array<i32>} : memref<16x640xf32, #tpu.memory_space<vmem>>, vector<16xf32>,
    %add3A_135 = arith.addf %add3A_130, %get3A_134 : vector<16xf32>
    %get3A_136 = arith.constant 10 : i32
    %get3A_137 = arith.index_cast %get3A_136 : i32 to index
    %get3A_138 = arith.constant 16 : index
    %get3A_139 = tpu.vector_load %arg7[%get3A_137, %get3A_138] {strides = array<i32>} : memref<16x640xf32, #tpu.memory_space<vmem>>, vector<16xf32>,
    %add3A_140 = arith.addf %add3A_135, %get3A_139 : vector<16xf32>
    %get3A_141 = arith.constant 11 : i32
    %get3A_142 = arith.index_cast %get3A_141 : i32 to index
    %get3A_143 = arith.constant 16 : index
    %get3A_144 = tpu.vector_load %arg7[%get3A_142, %get3A_143] {strides = array<i32>} : memref<16x640xf32, #tpu.memory_space<vmem>>, vector<16xf32>,
    %add3A_145 = arith.addf %add3A_140, %get3A_144 : vector<16xf32>
    %get3A_146 = arith.constant 12 : i32
    %get3A_147 = arith.index_cast %get3A_146 : i32 to index
    %get3A_148 = arith.constant 16 : index
    %get3A_149 = tpu.vector_load %arg7[%get3A_147, %get3A_148] {strides = array<i32>} : memref<16x640xf32, #tpu.memory_space<vmem>>, vector<16xf32>,
    %add3A_150 = arith.addf %add3A_145, %get3A_149 : vector<16xf32>
    %get3A_151 = arith.constant 13 : i32
    %get3A_152 = arith.index_cast %get3A_151 : i32 to index
    %get3A_153 = arith.constant 16 : index
    %get3A_154 = tpu.vector_load %arg7[%get3A_152, %get3A_153] {strides = array<i32>} : memref<16x640xf32, #tpu.memory_space<vmem>>, vector<16xf32>,
    %add3A_155 = arith.addf %add3A_150, %get3A_154 : vector<16xf32>
    %get3A_156 = arith.constant 14 : i32
    %get3A_157 = arith.index_cast %get3A_156 : i32 to index
    %get3A_158 = arith.constant 16 : index
    %get3A_159 = tpu.vector_load %arg7[%get3A_157, %get3A_158] {strides = array<i32>} : memref<16x640xf32, #tpu.memory_space<vmem>>, vector<16xf32>,
    %add3A_160 = arith.addf %add3A_155, %get3A_159 : vector<16xf32>
    %get3A_161 = arith.constant 15 : i32
    %get3A_162 = arith.index_cast %get3A_161 : i32 to index
    %get3A_163 = arith.constant 16 : index
    %get3A_164 = tpu.vector_load %arg7[%get3A_162, %get3A_163] {strides = array<i32>} : memref<16x640xf32, #tpu.memory_space<vmem>>, vector<16xf32>,
    %add3A_165 = arith.addf %add3A_160, %get3A_164 : vector<16xf32>
    %swap3A_166 = arith.constant 16 : index
    %swap3A_167 = tpu.vector_load %arg8[%swap3A_166] {strides = array<i32>} : memref<640xf32, #tpu.memory_space<vmem>>, vector<16xf32>,
    tpu.vector_store %arg8[%swap3A_166], %add3A_165 {strides = array<i32>} : memref<640xf32, #tpu.memory_space<vmem>>, vector<16xf32>,
    %get3A_168 = arith.constant 0 : i32
    %get3A_169 = arith.index_cast %get3A_168 : i32 to index
    %get3A_170 = arith.constant 32 : index
    %get3A_171 = tpu.vector_load %arg7[%get3A_169, %get3A_170] {strides = array<i32>} : memref<16x640xf32, #tpu.memory_space<vmem>>, vector<16xf32>,
    %get3A_172 = arith.constant 1 : i32
    %get3A_173 = arith.index_cast %get3A_172 : i32 to index
    %get3A_174 = arith.constant 32 : index
    %get3A_175 = tpu.vector_load %arg7[%get3A_173, %get3A_174] {strides = array<i32>} : memref<16x640xf32, #tpu.memory_space<vmem>>, vector<16xf32>,
    %add3A_176 = arith.addf %get3A_171, %get3A_175 : vector<16xf32>
    %get3A_177 = arith.constant 2 : i32
    %get3A_178 = arith.index_cast %get3A_177 : i32 to index
    %get3A_179 = arith.constant 32 : index
    %get3A_180 = tpu.vector_load %arg7[%get3A_178, %get3A_179] {strides = array<i32>} : memref<16x640xf32, #tpu.memory_space<vmem>>, vector<16xf32>,
    %add3A_181 = arith.addf %add3A_176, %get3A_180 : vector<16xf32>
    %get3A_182 = arith.constant 3 : i32
    %get3A_183 = arith.index_cast %get3A_182 : i32 to index
    %get3A_184 = arith.constant 32 : index
    %get3A_185 = tpu.vector_load %arg7[%get3A_183, %get3A_184] {strides = array<i32>} : memref<16x640xf32, #tpu.memory_space<vmem>>, vector<16xf32>,
    %add3A_186 = arith.addf %add3A_181, %get3A_185 : vector<16xf32>
    %get3A_187 = arith.constant 4 : i32
    %get3A_188 = arith.index_cast %get3A_187 : i32 to index
    %get3A_189 = arith.constant 32 : index
    %get3A_190 = tpu.vector_load %arg7[%get3A_188, %get3A_189] {strides = array<i32>} : memref<16x640xf32, #tpu.memory_space<vmem>>, vector<16xf32>,
    %add3A_191 = arith.addf %add3A_186, %get3A_190 : vector<16xf32>
    %get3A_192 = arith.constant 5 : i32
    %get3A_193 = arith.index_cast %get3A_192 : i32 to index
    %get3A_194 = arith.constant 32 : index
    %get3A_195 = tpu.vector_load %arg7[%get3A_193, %get3A_194] {strides = array<i32>} : memref<16x640xf32, #tpu.memory_space<vmem>>, vector<16xf32>,
    %add3A_196 = arith.addf %add3A_191, %get3A_195 : vector<16xf32>
    %get3A_197 = arith.constant 6 : i32
    %get3A_198 = arith.index_cast %get3A_197 : i32 to index
    %get3A_199 = arith.constant 32 : index
    %get3A_200 = tpu.vector_load %arg7[%get3A_198, %get3A_199] {strides = array<i32>} : memref<16x640xf32, #tpu.memory_space<vmem>>, vector<16xf32>,
    %add3A_201 = arith.addf %add3A_196, %get3A_200 : vector<16xf32>
    %get3A_202 = arith.constant 7 : i32
    %get3A_203 = arith.index_cast %get3A_202 : i32 to index
    %get3A_204 = arith.constant 32 : index
    %get3A_205 = tpu.vector_load %arg7[%get3A_203, %get3A_204] {strides = array<i32>} : memref<16x640xf32, #tpu.memory_space<vmem>>, vector<16xf32>,
    %add3A_206 = arith.addf %add3A_201, %get3A_205 : vector<16xf32>
    %get3A_207 = arith.constant 8 : i32
    %get3A_208 = arith.index_cast %get3A_207 : i32 to index
    %get3A_209 = arith.constant 32 : index
    %get3A_210 = tpu.vector_load %arg7[%get3A_208, %get3A_209] {strides = array<i32>} : memref<16x640xf32, #tpu.memory_space<vmem>>, vector<16xf32>,
    %add3A_211 = arith.addf %add3A_206, %get3A_210 : vector<16xf32>
    %get3A_212 = arith.constant 9 : i32
    %get3A_213 = arith.index_cast %get3A_212 : i32 to index
    %get3A_214 = arith.constant 32 : index
    %get3A_215 = tpu.vector_load %arg7[%get3A_213, %get3A_214] {strides = array<i32>} : memref<16x640xf32, #tpu.memory_space<vmem>>, vector<16xf32>,
    %add3A_216 = arith.addf %add3A_211, %get3A_215 : vector<16xf32>
    %get3A_217 = arith.constant 10 : i32
    %get3A_218 = arith.index_cast %get3A_217 : i32 to index
    %get3A_219 = arith.constant 32 : index
    %get3A_220 = tpu.vector_load %arg7[%get3A_218, %get3A_219] {strides = array<i32>} : memref<16x640xf32, #tpu.memory_space<vmem>>, vector<16xf32>,
    %add3A_221 = arith.addf %add3A_216, %get3A_220 : vector<16xf32>
    %get3A_222 = arith.constant 11 : i32
    %get3A_223 = arith.index_cast %get3A_222 : i32 to index
    %get3A_224 = arith.constant 32 : index
    %get3A_225 = tpu.vector_load %arg7[%get3A_223, %get3A_224] {strides = array<i32>} : memref<16x640xf32, #tpu.memory_space<vmem>>, vector<16xf32>,
    %add3A_226 = arith.addf %add3A_221, %get3A_225 : vector<16xf32>
    %get3A_227 = arith.constant 12 : i32
    %get3A_228 = arith.index_cast %get3A_227 : i32 to index
    %get3A_229 = arith.constant 32 : index
    %get3A_230 = tpu.vector_load %arg7[%get3A_228, %get3A_229] {strides = array<i32>} : memref<16x640xf32, #tpu.memory_space<vmem>>, vector<16xf32>,
    %add3A_231 = arith.addf %add3A_226, %get3A_230 : vector<16xf32>
    %get3A_232 = arith.constant 13 : i32
    %get3A_233 = arith.index_cast %get3A_232 : i32 to index
    %get3A_234 = arith.constant 32 : index
    %get3A_235 = tpu.vector_load %arg7[%get3A_233, %get3A_234] {strides = array<i32>} : memref<16x640xf32, #tpu.memory_space<vmem>>, vector<16xf32>,
    %add3A_236 = arith.addf %add3A_231, %get3A_235 : vector<16xf32>
    %get3A_237 = arith.constant 14 : i32
    %get3A_238 = arith.index_cast %get3A_237 : i32 to index
    %get3A_239 = arith.constant 32 : index
    %get3A_240 = tpu.vector_load %arg7[%get3A_238, %get3A_239] {strides = array<i32>} : memref<16x640xf32, #tpu.memory_space<vmem>>, vector<16xf32>,
    %add3A_241 = arith.addf %add3A_236, %get3A_240 : vector<16xf32>
    %get3A_242 = arith.constant 15 : i32
    %get3A_243 = arith.index_cast %get3A_242 : i32 to index
    %get3A_244 = arith.constant 32 : index
    %get3A_245 = tpu.vector_load %arg7[%get3A_243, %get3A_244] {strides = array<i32>} : memref<16x640xf32, #tpu.memory_space<vmem>>, vector<16xf32>,
    %add3A_246 = arith.addf %add3A_241, %get3A_245 : vector<16xf32>
    %swap3A_247 = arith.constant 32 : index
    %swap3A_248 = tpu.vector_load %arg8[%swap3A_247] {strides = array<i32>} : memref<640xf32, #tpu.memory_space<vmem>>, vector<16xf32>,
    tpu.vector_store %arg8[%swap3A_247], %add3A_246 {strides = array<i32>} : memref<640xf32, #tpu.memory_space<vmem>>, vector<16xf32>,
    %get3A_249 = arith.constant 0 : i32
    %get3A_250 = arith.index_cast %get3A_249 : i32 to index
    %get3A_251 = arith.constant 48 : index
    %get3A_252 = tpu.vector_load %arg7[%get3A_250, %get3A_251] {strides = array<i32>} : memref<16x640xf32, #tpu.memory_space<vmem>>, vector<16xf32>,
    %get3A_253 = arith.constant 1 : i32
    %get3A_254 = arith.index_cast %get3A_253 : i32 to index
    %get3A_255 = arith.constant 48 : index
    %get3A_256 = tpu.vector_load %arg7[%get3A_254, %get3A_255] {strides = array<i32>} : memref<16x640xf32, #tpu.memory_space<vmem>>, vector<16xf32>,
    %add3A_257 = arith.addf %get3A_252, %get3A_256 : vector<16xf32>
    %get3A_258 = arith.constant 2 : i32
    %get3A_259 = arith.index_cast %get3A_258 : i32 to index
    %get3A_260 = arith.constant 48 : index
    %get3A_261 = tpu.vector_load %arg7[%get3A_259, %get3A_260] {strides = array<i32>} : memref<16x640xf32, #tpu.memory_space<vmem>>, vector<16xf32>,
    %add3A_262 = arith.addf %add3A_257, %get3A_261 : vector<16xf32>
    %get3A_263 = arith.constant 3 : i32
    %get3A_264 = arith.index_cast %get3A_263 : i32 to index
    %get3A_265 = arith.constant 48 : index
    %get3A_266 = tpu.vector_load %arg7[%get3A_264, %get3A_265] {strides = array<i32>} : memref<16x640xf32, #tpu.memory_space<vmem>>, vector<16xf32>,
    %add3A_267 = arith.addf %add3A_262, %get3A_266 : vector<16xf32>
    %get3A_268 = arith.constant 4 : i32
    %get3A_269 = arith.index_cast %get3A_268 : i32 to index
    %get3A_270 = arith.constant 48 : index
    %get3A_271 = tpu.vector_load %arg7[%get3A_269, %get3A_270] {strides = array<i32>} : memref<16x640xf32, #tpu.memory_space<vmem>>, vector<16xf32>,
    %add3A_272 = arith.addf %add3A_267, %get3A_271 : vector<16xf32>
    %get3A_273 = arith.constant 5 : i32
    %get3A_274 = arith.index_cast %get3A_273 : i32 to index
    %get3A_275 = arith.constant 48 : index
    %get3A_276 = tpu.vector_load %arg7[%get3A_274, %get3A_275] {strides = array<i32>} : memref<16x640xf32, #tpu.memory_space<vmem>>, vector<16xf32>,
    %add3A_277 = arith.addf %add3A_272, %get3A_276 : vector<16xf32>
    %get3A_278 = arith.constant 6 : i32
    %get3A_279 = arith.index_cast %get3A_278 : i32 to index
    %get3A_280 = arith.constant 48 : index
    %get3A_281 = tpu.vector_load %arg7[%get3A_279, %get3A_280] {strides = array<i32>} : memref<16x640xf32, #tpu.memory_space<vmem>>, vector<16xf32>,
    %add3A_282 = arith.addf %add3A_277, %get3A_281 : vector<16xf32>
    %get3A_283 = arith.constant 7 : i32
    %get3A_284 = arith.index_cast %get3A_283 : i32 to index
    %get3A_285 = arith.constant 48 : index
    %get3A_286 = tpu.vector_load %arg7[%get3A_284, %get3A_285] {strides = array<i32>} : memref<16x640xf32, #tpu.memory_space<vmem>>, vector<16xf32>,
    %add3A_287 = arith.addf %add3A_282, %get3A_286 : vector<16xf32>
    %get3A_288 = arith.constant 8 : i32
    %get3A_289 = arith.index_cast %get3A_288 : i32 to index
    %get3A_290 = arith.constant 48 : index
    %get3A_291 = tpu.vector_load %arg7[%get3A_289, %get3A_290] {strides = array<i32>} : memref<16x640xf32, #tpu.memory_space<vmem>>, vector<16xf32>,
    %add3A_292 = arith.addf %add3A_287, %get3A_291 : vector<16xf32>
    %get3A_293 = arith.constant 9 : i32
    %get3A_294 = arith.index_cast %get3A_293 : i32 to index
    %get3A_295 = arith.constant 48 : index
    %get3A_296 = tpu.vector_load %arg7[%get3A_294, %get3A_295] {strides = array<i32>} : memref<16x640xf32, #tpu.memory_space<vmem>>, vector<16xf32>,
    %add3A_297 = arith.addf %add3A_292, %get3A_296 : vector<16xf32>
    %get3A_298 = arith.constant 10 : i32
    %get3A_299 = arith.index_cast %get3A_298 : i32 to index
    %get3A_300 = arith.constant 48 : index
    %get3A_301 = tpu.vector_load %arg7[%get3A_299, %get3A_300] {strides = array<i32>} : memref<16x640xf32, #tpu.memory_space<vmem>>, vector<16xf32>,
    %add3A_302 = arith.addf %add3A_297, %get3A_301 : vector<16xf32>
    %get3A_303 = arith.constant 11 : i32
    %get3A_304 = arith.index_cast %get3A_303 : i32 to index
    %get3A_305 = arith.constant 48 : index
    %get3A_306 = tpu.vector_load %arg7[%get3A_304, %get3A_305] {strides = array<i32>} : memref<16x640xf32, #tpu.memory_space<vmem>>, vector<16xf32>,
    %add3A_307 = arith.addf %add3A_302, %get3A_306 : vector<16xf32>
    %get3A_308 = arith.constant 12 : i32
    %get3A_309 = arith.index_cast %get3A_308 : i32 to index
    %get3A_310 = arith.constant 48 : index
    %get3A_311 = tpu.vector_load %arg7[%get3A_309, %get3A_310] {strides = array<i32>} : memref<16x640xf32, #tpu.memory_space<vmem>>, vector<16xf32>,
    %add3A_312 = arith.addf %add3A_307, %get3A_311 : vector<16xf32>
    %get3A_313 = arith.constant 13 : i32
    %get3A_314 = arith.index_cast %get3A_313 : i32 to index
    %get3A_315 = arith.constant 48 : index
    %get3A_316 = tpu.vector_load %arg7[%get3A_314, %get3A_315] {strides = array<i32>} : memref<16x640xf32, #tpu.memory_space<vmem>>, vector<16xf32>,
    %add3A_317 = arith.addf %add3A_312, %get3A_316 : vector<16xf32>
    %get3A_318 = arith.constant 14 : i32
    %get3A_319 = arith.index_cast %get3A_318 : i32 to index
    %get3A_320 = arith.constant 48 : index
    %get3A_321 = tpu.vector_load %arg7[%get3A_319, %get3A_320] {strides = array<i32>} : memref<16x640xf32, #tpu.memory_space<vmem>>, vector<16xf32>,
    %add3A_322 = arith.addf %add3A_317, %get3A_321 : vector<16xf32>
    %get3A_323 = arith.constant 15 : i32
    %get3A_324 = arith.index_cast %get3A_323 : i32 to index
    %get3A_325 = arith.constant 48 : index
    %get3A_326 = tpu.vector_load %arg7[%get3A_324, %get3A_325] {strides = array<i32>} : memref<16x640xf32, #tpu.memory_space<vmem>>, vector<16xf32>,
    %add3A_327 = arith.addf %add3A_322, %get3A_326 : vector<16xf32>
    %swap3A_328 = arith.constant 48 : index
    %swap3A_329 = tpu.vector_load %arg8[%swap3A_328] {strides = array<i32>} : memref<640xf32, #tpu.memory_space<vmem>>, vector<16xf32>,
    tpu.vector_store %arg8[%swap3A_328], %add3A_327 {strides = array<i32>} : memref<640xf32, #tpu.memory_space<vmem>>, vector<16xf32>,
    %get3A_330 = arith.constant 0 : i32
    %get3A_331 = arith.index_cast %get3A_330 : i32 to index
    %get3A_332 = arith.constant 64 : index
    %get3A_333 = tpu.vector_load %arg7[%get3A_331, %get3A_332] {strides = array<i32>} : memref<16x640xf32, #tpu.memory_space<vmem>>, vector<16xf32>,
    %get3A_334 = arith.constant 1 : i32
    %get3A_335 = arith.index_cast %get3A_334 : i32 to index
    %get3A_336 = arith.constant 64 : index
    %get3A_337 = tpu.vector_load %arg7[%get3A_335, %get3A_336] {strides = array<i32>} : memref<16x640xf32, #tpu.memory_space<vmem>>, vector<16xf32>,
    %add3A_338 = arith.addf %get3A_333, %get3A_337 : vector<16xf32>
    %get3A_339 = arith.constant 2 : i32
    %get3A_340 = arith.index_cast %get3A_339 : i32 to index
    %get3A_341 = arith.constant 64 : index
    %get3A_342 = tpu.vector_load %arg7[%get3A_340, %get3A_341] {strides = array<i32>} : memref<16x640xf32, #tpu.memory_space<vmem>>, vector<16xf32>,
    %add3A_343 = arith.addf %add3A_338, %get3A_342 : vector<16xf32>
    %get3A_344 = arith.constant 3 : i32
    %get3A_345 = arith.index_cast %get3A_344 : i32 to index
    %get3A_346 = arith.constant 64 : index
    %get3A_347 = tpu.vector_load %arg7[%get3A_345, %get3A_346] {strides = array<i32>} : memref<16x640xf32, #tpu.memory_space<vmem>>, vector<16xf32>,
    %add3A_348 = arith.addf %add3A_343, %get3A_347 : vector<16xf32>
    %get3A_349 = arith.constant 4 : i32
    %get3A_350 = arith.index_cast %get3A_349 : i32 to index
    %get3A_351 = arith.constant 64 : index
    %get3A_352 = tpu.vector_load %arg7[%get3A_350, %get3A_351] {strides = array<i32>} : memref<16x640xf32, #tpu.memory_space<vmem>>, vector<16xf32>,
    %add3A_353 = arith.addf %add3A_348, %get3A_352 : vector<16xf32>
    %get3A_354 = arith.constant 5 : i32
    %get3A_355 = arith.index_cast %get3A_354 : i32 to index
    %get3A_356 = arith.constant 64 : index
    %get3A_357 = tpu.vector_load %arg7[%get3A_355, %get3A_356] {strides = array<i32>} : memref<16x640xf32, #tpu.memory_space<vmem>>, vector<16xf32>,
    %add3A_358 = arith.addf %add3A_353, %get3A_357 : vector<16xf32>
    %get3A_359 = arith.constant 6 : i32
    %get3A_360 = arith.index_cast %get3A_359 : i32 to index
    %get3A_361 = arith.constant 64 : index
    %get3A_362 = tpu.vector_load %arg7[%get3A_360, %get3A_361] {strides = array<i32>} : memref<16x640xf32, #tpu.memory_space<vmem>>, vector<16xf32>,
    %add3A_363 = arith.addf %add3A_358, %get3A_362 : vector<16xf32>
    %get3A_364 = arith.constant 7 : i32
    %get3A_365 = arith.index_cast %get3A_364 : i32 to index
    %get3A_366 = arith.constant 64 : index
    %get3A_367 = tpu.vector_load %arg7[%get3A_365, %get3A_366] {strides = array<i32>} : memref<16x640xf32, #tpu.memory_space<vmem>>, vector<16xf32>,
    %add3A_368 = arith.addf %add3A_363, %get3A_367 : vector<16xf32>
    %get3A_369 = arith.constant 8 : i32
    %get3A_370 = arith.index_cast %get3A_369 : i32 to index
    %get3A_371 = arith.constant 64 : index
    %get3A_372 = tpu.vector_load %arg7[%get3A_370, %get3A_371] {strides = array<i32>} : memref<16x640xf32, #tpu.memory_space<vmem>>, vector<16xf32>,
    %add3A_373 = arith.addf %add3A_368, %get3A_372 : vector<16xf32>
    %get3A_374 = arith.constant 9 : i32
    %get3A_375 = arith.index_cast %get3A_374 : i32 to index
    %get3A_376 = arith.constant 64 : index
    %get3A_377 = tpu.vector_load %arg7[%get3A_375, %get3A_376] {strides = array<i32>} : memref<16x640xf32, #tpu.memory_space<vmem>>, vector<16xf32>,
    %add3A_378 = arith.addf %add3A_373, %get3A_377 : vector<16xf32>
    %get3A_379 = arith.constant 10 : i32
    %get3A_380 = arith.index_cast %get3A_379 : i32 to index
    %get3A_381 = arith.constant 64 : index
    %get3A_382 = tpu.vector_load %arg7[%get3A_380, %get3A_381] {strides = array<i32>} : memref<16x640xf32, #tpu.memory_space<vmem>>, vector<16xf32>,
    %add3A_383 = arith.addf %add3A_378, %get3A_382 : vector<16xf32>
    %get3A_384 = arith.constant 11 : i32
    %get3A_385 = arith.index_cast %get3A_384 : i32 to index
    %get3A_386 = arith.constant 64 : index
    %get3A_387 = tpu.vector_load %arg7[%get3A_385, %get3A_386] {strides = array<i32>} : memref<16x640xf32, #tpu.memory_space<vmem>>, vector<16xf32>,
    %add3A_388 = arith.addf %add3A_383, %get3A_387 : vector<16xf32>
    %get3A_389 = arith.constant 12 : i32
    %get3A_390 = arith.index_cast %get3A_389 : i32 to index
    %get3A_391 = arith.constant 64 : index
    %get3A_392 = tpu.vector_load %arg7[%get3A_390, %get3A_391] {strides = array<i32>} : memref<16x640xf32, #tpu.memory_space<vmem>>, vector<16xf32>,
    %add3A_393 = arith.addf %add3A_388, %get3A_392 : vector<16xf32>
    %get3A_394 = arith.constant 13 : i32
    %get3A_395 = arith.index_cast %get3A_394 : i32 to index
    %get3A_396 = arith.constant 64 : index
    %get3A_397 = tpu.vector_load %arg7[%get3A_395, %get3A_396] {strides = array<i32>} : memref<16x640xf32, #tpu.memory_space<vmem>>, vector<16xf32>,
    %add3A_398 = arith.addf %add3A_393, %get3A_397 : vector<16xf32>
    %get3A_399 = arith.constant 14 : i32
    %get3A_400 = arith.index_cast %get3A_399 : i32 to index
    %get3A_401 = arith.constant 64 : index
    %get3A_402 = tpu.vector_load %arg7[%get3A_400, %get3A_401] {strides = array<i32>} : memref<16x640xf32, #tpu.memory_space<vmem>>, vector<16xf32>,
    %add3A_403 = arith.addf %add3A_398, %get3A_402 : vector<16xf32>
    %get3A_404 = arith.constant 15 : i32
    %get3A_405 = arith.index_cast %get3A_404 : i32 to index
    %get3A_406 = arith.constant 64 : index
    %get3A_407 = tpu.vector_load %arg7[%get3A_405, %get3A_406] {strides = array<i32>} : memref<16x640xf32, #tpu.memory_space<vmem>>, vector<16xf32>,
    %add3A_408 = arith.addf %add3A_403, %get3A_407 : vector<16xf32>
    %swap3A_409 = arith.constant 64 : index
    %swap3A_410 = tpu.vector_load %arg8[%swap3A_409] {strides = array<i32>} : memref<640xf32, #tpu.memory_space<vmem>>, vector<16xf32>,
    tpu.vector_store %arg8[%swap3A_409], %add3A_408 {strides = array<i32>} : memref<640xf32, #tpu.memory_space<vmem>>, vector<16xf32>,
    %get3A_411 = arith.constant 0 : i32
    %get3A_412 = arith.index_cast %get3A_411 : i32 to index
    %get3A_413 = arith.constant 80 : index
    %get3A_414 = tpu.vector_load %arg7[%get3A_412, %get3A_413] {strides = array<i32>} : memref<16x640xf32, #tpu.memory_space<vmem>>, vector<16xf32>,
    %get3A_415 = arith.constant 1 : i32
    %get3A_416 = arith.index_cast %get3A_415 : i32 to index
    %get3A_417 = arith.constant 80 : index
    %get3A_418 = tpu.vector_load %arg7[%get3A_416, %get3A_417] {strides = array<i32>} : memref<16x640xf32, #tpu.memory_space<vmem>>, vector<16xf32>,
    %add3A_419 = arith.addf %get3A_414, %get3A_418 : vector<16xf32>
    %get3A_420 = arith.constant 2 : i32
    %get3A_421 = arith.index_cast %get3A_420 : i32 to index
    %get3A_422 = arith.constant 80 : index
    %get3A_423 = tpu.vector_load %arg7[%get3A_421, %get3A_422] {strides = array<i32>} : memref<16x640xf32, #tpu.memory_space<vmem>>, vector<16xf32>,
    %add3A_424 = arith.addf %add3A_419, %get3A_423 : vector<16xf32>
    %get3A_425 = arith.constant 3 : i32
    %get3A_426 = arith.index_cast %get3A_425 : i32 to index
    %get3A_427 = arith.constant 80 : index
    %get3A_428 = tpu.vector_load %arg7[%get3A_426, %get3A_427] {strides = array<i32>} : memref<16x640xf32, #tpu.memory_space<vmem>>, vector<16xf32>,
    %add3A_429 = arith.addf %add3A_424, %get3A_428 : vector<16xf32>
    %get3A_430 = arith.constant 4 : i32
    %get3A_431 = arith.index_cast %get3A_430 : i32 to index
    %get3A_432 = arith.constant 80 : index
    %get3A_433 = tpu.vector_load %arg7[%get3A_431, %get3A_432] {strides = array<i32>} : memref<16x640xf32, #tpu.memory_space<vmem>>, vector<16xf32>,
    %add3A_434 = arith.addf %add3A_429, %get3A_433 : vector<16xf32>
    %get3A_435 = arith.constant 5 : i32
    %get3A_436 = arith.index_cast %get3A_435 : i32 to index
    %get3A_437 = arith.constant 80 : index
    %get3A_438 = tpu.vector_load %arg7[%get3A_436, %get3A_437] {strides = array<i32>} : memref<16x640xf32, #tpu.memory_space<vmem>>, vector<16xf32>,
    %add3A_439 = arith.addf %add3A_434, %get3A_438 : vector<16xf32>
    %get3A_440 = arith.constant 6 : i32
    %get3A_441 = arith.index_cast %get3A_440 : i32 to index
    %get3A_442 = arith.constant 80 : index
    %get3A_443 = tpu.vector_load %arg7[%get3A_441, %get3A_442] {strides = array<i32>} : memref<16x640xf32, #tpu.memory_space<vmem>>, vector<16xf32>,
    %add3A_444 = arith.addf %add3A_439, %get3A_443 : vector<16xf32>
    %get3A_445 = arith.constant 7 : i32
    %get3A_446 = arith.index_cast %get3A_445 : i32 to index
    %get3A_447 = arith.constant 80 : index
    %get3A_448 = tpu.vector_load %arg7[%get3A_446, %get3A_447] {strides = array<i32>} : memref<16x640xf32, #tpu.memory_space<vmem>>, vector<16xf32>,
    %add3A_449 = arith.addf %add3A_444, %get3A_448 : vector<16xf32>
    %get3A_450 = arith.constant 8 : i32
    %get3A_451 = arith.index_cast %get3A_450 : i32 to index
    %get3A_452 = arith.constant 80 : index
    %get3A_453 = tpu.vector_load %arg7[%get3A_451, %get3A_452] {strides = array<i32>} : memref<16x640xf32, #tpu.memory_space<vmem>>, vector<16xf32>,
    %add3A_454 = arith.addf %add3A_449, %get3A_453 : vector<16xf32>
    %get3A_455 = arith.constant 9 : i32
    %get3A_456 = arith.index_cast %get3A_455 : i32 to index
    %get3A_457 = arith.constant 80 : index
    %get3A_458 = tpu.vector_load %arg7[%get3A_456, %get3A_457] {strides = array<i32>} : memref<16x640xf32, #tpu.memory_space<vmem>>, vector<16xf32>,
    %add3A_459 = arith.addf %add3A_454, %get3A_458 : vector<16xf32>
    %get3A_460 = arith.constant 10 : i32
    %get3A_461 = arith.index_cast %get3A_460 : i32 to index
    %get3A_462 = arith.constant 80 : index
    %get3A_463 = tpu.vector_load %arg7[%get3A_461, %get3A_462] {strides = array<i32>} : memref<16x640xf32, #tpu.memory_space<vmem>>, vector<16xf32>,
    %add3A_464 = arith.addf %add3A_459, %get3A_463 : vector<16xf32>
    %get3A_465 = arith.constant 11 : i32
    %get3A_466 = arith.index_cast %get3A_465 : i32 to index
    %get3A_467 = arith.constant 80 : index
    %get3A_468 = tpu.vector_load %arg7[%get3A_466, %get3A_467] {strides = array<i32>} : memref<16x640xf32, #tpu.memory_space<vmem>>, vector<16xf32>,
    %add3A_469 = arith.addf %add3A_464, %get3A_468 : vector<16xf32>
    %get3A_470 = arith.constant 12 : i32
    %get3A_471 = arith.index_cast %get3A_470 : i32 to index
    %get3A_472 = arith.constant 80 : index
    %get3A_473 = tpu.vector_load %arg7[%get3A_471, %get3A_472] {strides = array<i32>} : memref<16x640xf32, #tpu.memory_space<vmem>>, vector<16xf32>,
    %add3A_474 = arith.addf %add3A_469, %get3A_473 : vector<16xf32>
    %get3A_475 = arith.constant 13 : i32
    %get3A_476 = arith.index_cast %get3A_475 : i32 to index
    %get3A_477 = arith.constant 80 : index
    %get3A_478 = tpu.vector_load %arg7[%get3A_476, %get3A_477] {strides = array<i32>} : memref<16x640xf32, #tpu.memory_space<vmem>>, vector<16xf32>,
    %add3A_479 = arith.addf %add3A_474, %get3A_478 : vector<16xf32>
    %get3A_480 = arith.constant 14 : i32
    %get3A_481 = arith.index_cast %get3A_480 : i32 to index
    %get3A_482 = arith.constant 80 : index
    %get3A_483 = tpu.vector_load %arg7[%get3A_481, %get3A_482] {strides = array<i32>} : memref<16x640xf32, #tpu.memory_space<vmem>>, vector<16xf32>,
    %add3A_484 = arith.addf %add3A_479, %get3A_483 : vector<16xf32>
    %get3A_485 = arith.constant 15 : i32
    %get3A_486 = arith.index_cast %get3A_485 : i32 to index
    %get3A_487 = arith.constant 80 : index
    %get3A_488 = tpu.vector_load %arg7[%get3A_486, %get3A_487] {strides = array<i32>} : memref<16x640xf32, #tpu.memory_space<vmem>>, vector<16xf32>,
    %add3A_489 = arith.addf %add3A_484, %get3A_488 : vector<16xf32>
    %swap3A_490 = arith.constant 80 : index
    %swap3A_491 = tpu.vector_load %arg8[%swap3A_490] {strides = array<i32>} : memref<640xf32, #tpu.memory_space<vmem>>, vector<16xf32>,
    tpu.vector_store %arg8[%swap3A_490], %add3A_489 {strides = array<i32>} : memref<640xf32, #tpu.memory_space<vmem>>, vector<16xf32>,
    %get3A_492 = arith.constant 0 : i32
    %get3A_493 = arith.index_cast %get3A_492 : i32 to index
    %get3A_494 = arith.constant 96 : index
    %get3A_495 = tpu.vector_load %arg7[%get3A_493, %get3A_494] {strides = array<i32>} : memref<16x640xf32, #tpu.memory_space<vmem>>, vector<16xf32>,
    %get3A_496 = arith.constant 1 : i32
    %get3A_497 = arith.index_cast %get3A_496 : i32 to index
    %get3A_498 = arith.constant 96 : index
    %get3A_499 = tpu.vector_load %arg7[%get3A_497, %get3A_498] {strides = array<i32>} : memref<16x640xf32, #tpu.memory_space<vmem>>, vector<16xf32>,
    %add3A_500 = arith.addf %get3A_495, %get3A_499 : vector<16xf32>
    %get3A_501 = arith.constant 2 : i32
    %get3A_502 = arith.index_cast %get3A_501 : i32 to index
    %get3A_503 = arith.constant 96 : index
    %get3A_504 = tpu.vector_load %arg7[%get3A_502, %get3A_503] {strides = array<i32>} : memref<16x640xf32, #tpu.memory_space<vmem>>, vector<16xf32>,
    %add3A_505 = arith.addf %add3A_500, %get3A_504 : vector<16xf32>
    %get3A_506 = arith.constant 3 : i32
    %get3A_507 = arith.index_cast %get3A_506 : i32 to index
    %get3A_508 = arith.constant 96 : index
    %get3A_509 = tpu.vector_load %arg7[%get3A_507, %get3A_508] {strides = array<i32>} : memref<16x640xf32, #tpu.memory_space<vmem>>, vector<16xf32>,
    %add3A_510 = arith.addf %add3A_505, %get3A_509 : vector<16xf32>
    %get3A_511 = arith.constant 4 : i32
    %get3A_512 = arith.index_cast %get3A_511 : i32 to index
    %get3A_513 = arith.constant 96 : index
    %get3A_514 = tpu.vector_load %arg7[%get3A_512, %get3A_513] {strides = array<i32>} : memref<16x640xf32, #tpu.memory_space<vmem>>, vector<16xf32>,
    %add3A_515 = arith.addf %add3A_510, %get3A_514 : vector<16xf32>
    %get3A_516 = arith.constant 5 : i32
    %get3A_517 = arith.index_cast %get3A_516 : i32 to index
    %get3A_518 = arith.constant 96 : index
    %get3A_519 = tpu.vector_load %arg7[%get3A_517, %get3A_518] {strides = array<i32>} : memref<16x640xf32, #tpu.memory_space<vmem>>, vector<16xf32>,
    %add3A_520 = arith.addf %add3A_515, %get3A_519 : vector<16xf32>
    %get3A_521 = arith.constant 6 : i32
    %get3A_522 = arith.index_cast %get3A_521 : i32 to index
    %get3A_523 = arith.constant 96 : index
    %get3A_524 = tpu.vector_load %arg7[%get3A_522, %get3A_523] {strides = array<i32>} : memref<16x640xf32, #tpu.memory_space<vmem>>, vector<16xf32>,
    %add3A_525 = arith.addf %add3A_520, %get3A_524 : vector<16xf32>
    %get3A_526 = arith.constant 7 : i32
    %get3A_527 = arith.index_cast %get3A_526 : i32 to index
    %get3A_528 = arith.constant 96 : index
    %get3A_529 = tpu.vector_load %arg7[%get3A_527, %get3A_528] {strides = array<i32>} : memref<16x640xf32, #tpu.memory_space<vmem>>, vector<16xf32>,
    %add3A_530 = arith.addf %add3A_525, %get3A_529 : vector<16xf32>
    %get3A_531 = arith.constant 8 : i32
    %get3A_532 = arith.index_cast %get3A_531 : i32 to index
    %get3A_533 = arith.constant 96 : index
    %get3A_534 = tpu.vector_load %arg7[%get3A_532, %get3A_533] {strides = array<i32>} : memref<16x640xf32, #tpu.memory_space<vmem>>, vector<16xf32>,
    %add3A_535 = arith.addf %add3A_530, %get3A_534 : vector<16xf32>
    %get3A_536 = arith.constant 9 : i32
    %get3A_537 = arith.index_cast %get3A_536 : i32 to index
    %get3A_538 = arith.constant 96 : index
    %get3A_539 = tpu.vector_load %arg7[%get3A_537, %get3A_538] {strides = array<i32>} : memref<16x640xf32, #tpu.memory_space<vmem>>, vector<16xf32>,
    %add3A_540 = arith.addf %add3A_535, %get3A_539 : vector<16xf32>
    %get3A_541 = arith.constant 10 : i32
    %get3A_542 = arith.index_cast %get3A_541 : i32 to index
    %get3A_543 = arith.constant 96 : index
    %get3A_544 = tpu.vector_load %arg7[%get3A_542, %get3A_543] {strides = array<i32>} : memref<16x640xf32, #tpu.memory_space<vmem>>, vector<16xf32>,
    %add3A_545 = arith.addf %add3A_540, %get3A_544 : vector<16xf32>
    %get3A_546 = arith.constant 11 : i32
    %get3A_547 = arith.index_cast %get3A_546 : i32 to index
    %get3A_548 = arith.constant 96 : index
    %get3A_549 = tpu.vector_load %arg7[%get3A_547, %get3A_548] {strides = array<i32>} : memref<16x640xf32, #tpu.memory_space<vmem>>, vector<16xf32>,
    %add3A_550 = arith.addf %add3A_545, %get3A_549 : vector<16xf32>
    %get3A_551 = arith.constant 12 : i32
    %get3A_552 = arith.index_cast %get3A_551 : i32 to index
    %get3A_553 = arith.constant 96 : index
    %get3A_554 = tpu.vector_load %arg7[%get3A_552, %get3A_553] {strides = array<i32>} : memref<16x640xf32, #tpu.memory_space<vmem>>, vector<16xf32>,
    %add3A_555 = arith.addf %add3A_550, %get3A_554 : vector<16xf32>
    %get3A_556 = arith.constant 13 : i32
    %get3A_557 = arith.index_cast %get3A_556 : i32 to index
    %get3A_558 = arith.constant 96 : index
    %get3A_559 = tpu.vector_load %arg7[%get3A_557, %get3A_558] {strides = array<i32>} : memref<16x640xf32, #tpu.memory_space<vmem>>, vector<16xf32>,
    %add3A_560 = arith.addf %add3A_555, %get3A_559 : vector<16xf32>
    %get3A_561 = arith.constant 14 : i32
    %get3A_562 = arith.index_cast %get3A_561 : i32 to index
    %get3A_563 = arith.constant 96 : index
    %get3A_564 = tpu.vector_load %arg7[%get3A_562, %get3A_563] {strides = array<i32>} : memref<16x640xf32, #tpu.memory_space<vmem>>, vector<16xf32>,
    %add3A_565 = arith.addf %add3A_560, %get3A_564 : vector<16xf32>
    %get3A_566 = arith.constant 15 : i32
    %get3A_567 = arith.index_cast %get3A_566 : i32 to index
    %get3A_568 = arith.constant 96 : index
    %get3A_569 = tpu.vector_load %arg7[%get3A_567, %get3A_568] {strides = array<i32>} : memref<16x640xf32, #tpu.memory_space<vmem>>, vector<16xf32>,
    %add3A_570 = arith.addf %add3A_565, %get3A_569 : vector<16xf32>
    %swap3A_571 = arith.constant 96 : index
    %swap3A_572 = tpu.vector_load %arg8[%swap3A_571] {strides = array<i32>} : memref<640xf32, #tpu.memory_space<vmem>>, vector<16xf32>,
    tpu.vector_store %arg8[%swap3A_571], %add3A_570 {strides = array<i32>} : memref<640xf32, #tpu.memory_space<vmem>>, vector<16xf32>,
    %get3A_573 = arith.constant 0 : i32
    %get3A_574 = arith.index_cast %get3A_573 : i32 to index
    %get3A_575 = arith.constant 112 : index
    %get3A_576 = tpu.vector_load %arg7[%get3A_574, %get3A_575] {strides = array<i32>} : memref<16x640xf32, #tpu.memory_space<vmem>>, vector<16xf32>,
    %get3A_577 = arith.constant 1 : i32
    %get3A_578 = arith.index_cast %get3A_577 : i32 to index
    %get3A_579 = arith.constant 112 : index
    %get3A_580 = tpu.vector_load %arg7[%get3A_578, %get3A_579] {strides = array<i32>} : memref<16x640xf32, #tpu.memory_space<vmem>>, vector<16xf32>,
    %add3A_581 = arith.addf %get3A_576, %get3A_580 : vector<16xf32>
    %get3A_582 = arith.constant 2 : i32
    %get3A_583 = arith.index_cast %get3A_582 : i32 to index
    %get3A_584 = arith.constant 112 : index
    %get3A_585 = tpu.vector_load %arg7[%get3A_583, %get3A_584] {strides = array<i32>} : memref<16x640xf32, #tpu.memory_space<vmem>>, vector<16xf32>,
    %add3A_586 = arith.addf %add3A_581, %get3A_585 : vector<16xf32>
    %get3A_587 = arith.constant 3 : i32
    %get3A_588 = arith.index_cast %get3A_587 : i32 to index
    %get3A_589 = arith.constant 112 : index
    %get3A_590 = tpu.vector_load %arg7[%get3A_588, %get3A_589] {strides = array<i32>} : memref<16x640xf32, #tpu.memory_space<vmem>>, vector<16xf32>,
    %add3A_591 = arith.addf %add3A_586, %get3A_590 : vector<16xf32>
    %get3A_592 = arith.constant 4 : i32
    %get3A_593 = arith.index_cast %get3A_592 : i32 to index
    %get3A_594 = arith.constant 112 : index
    %get3A_595 = tpu.vector_load %arg7[%get3A_593, %get3A_594] {strides = array<i32>} : memref<16x640xf32, #tpu.memory_space<vmem>>, vector<16xf32>,
    %add3A_596 = arith.addf %add3A_591, %get3A_595 : vector<16xf32>
    %get3A_597 = arith.constant 5 : i32
    %get3A_598 = arith.index_cast %get3A_597 : i32 to index
    %get3A_599 = arith.constant 112 : index
    %get3A_600 = tpu.vector_load %arg7[%get3A_598, %get3A_599] {strides = array<i32>} : memref<16x640xf32, #tpu.memory_space<vmem>>, vector<16xf32>,
    %add3A_601 = arith.addf %add3A_596, %get3A_600 : vector<16xf32>
    %get3A_602 = arith.constant 6 : i32
    %get3A_603 = arith.index_cast %get3A_602 : i32 to index
    %get3A_604 = arith.constant 112 : index
    %get3A_605 = tpu.vector_load %arg7[%get3A_603, %get3A_604] {strides = array<i32>} : memref<16x640xf32, #tpu.memory_space<vmem>>, vector<16xf32>,
    %add3A_606 = arith.addf %add3A_601, %get3A_605 : vector<16xf32>
    %get3A_607 = arith.constant 7 : i32
    %get3A_608 = arith.index_cast %get3A_607 : i32 to index
    %get3A_609 = arith.constant 112 : index
    %get3A_610 = tpu.vector_load %arg7[%get3A_608, %get3A_609] {strides = array<i32>} : memref<16x640xf32, #tpu.memory_space<vmem>>, vector<16xf32>,
    %add3A_611 = arith.addf %add3A_606, %get3A_610 : vector<16xf32>
    %get3A_612 = arith.constant 8 : i32
    %get3A_613 = arith.index_cast %get3A_612 : i32 to index
    %get3A_614 = arith.constant 112 : index
    %get3A_615 = tpu.vector_load %arg7[%get3A_613, %get3A_614] {strides = array<i32>} : memref<16x640xf32, #tpu.memory_space<vmem>>, vector<16xf32>,
    %add3A_616 = arith.addf %add3A_611, %get3A_615 : vector<16xf32>
    %get3A_617 = arith.constant 9 : i32
    %get3A_618 = arith.index_cast %get3A_617 : i32 to index
    %get3A_619 = arith.constant 112 : index
    %get3A_620 = tpu.vector_load %arg7[%get3A_618, %get3A_619] {strides = array<i32>} : memref<16x640xf32, #tpu.memory_space<vmem>>, vector<16xf32>,
    %add3A_621 = arith.addf %add3A_616, %get3A_620 : vector<16xf32>
    %get3A_622 = arith.constant 10 : i32
    %get3A_623 = arith.index_cast %get3A_622 : i32 to index
    %get3A_624 = arith.constant 112 : index
    %get3A_625 = tpu.vector_load %arg7[%get3A_623, %get3A_624] {strides = array<i32>} : memref<16x640xf32, #tpu.memory_space<vmem>>, vector<16xf32>,
    %add3A_626 = arith.addf %add3A_621, %get3A_625 : vector<16xf32>
    %get3A_627 = arith.constant 11 : i32
    %get3A_628 = arith.index_cast %get3A_627 : i32 to index
    %get3A_629 = arith.constant 112 : index
    %get3A_630 = tpu.vector_load %arg7[%get3A_628, %get3A_629] {strides = array<i32>} : memref<16x640xf32, #tpu.memory_space<vmem>>, vector<16xf32>,
    %add3A_631 = arith.addf %add3A_626, %get3A_630 : vector<16xf32>
    %get3A_632 = arith.constant 12 : i32
    %get3A_633 = arith.index_cast %get3A_632 : i32 to index
    %get3A_634 = arith.constant 112 : index
    %get3A_635 = tpu.vector_load %arg7[%get3A_633, %get3A_634] {strides = array<i32>} : memref<16x640xf32, #tpu.memory_space<vmem>>, vector<16xf32>,
    %add3A_636 = arith.addf %add3A_631, %get3A_635 : vector<16xf32>
    %get3A_637 = arith.constant 13 : i32
    %get3A_638 = arith.index_cast %get3A_637 : i32 to index
    %get3A_639 = arith.constant 112 : index
    %get3A_640 = tpu.vector_load %arg7[%get3A_638, %get3A_639] {strides = array<i32>} : memref<16x640xf32, #tpu.memory_space<vmem>>, vector<16xf32>,
    %add3A_641 = arith.addf %add3A_636, %get3A_640 : vector<16xf32>
    %get3A_642 = arith.constant 14 : i32
    %get3A_643 = arith.index_cast %get3A_642 : i32 to index
    %get3A_644 = arith.constant 112 : index
    %get3A_645 = tpu.vector_load %arg7[%get3A_643, %get3A_644] {strides = array<i32>} : memref<16x640xf32, #tpu.memory_space<vmem>>, vector<16xf32>,
    %add3A_646 = arith.addf %add3A_641, %get3A_645 : vector<16xf32>
    %get3A_647 = arith.constant 15 : i32
    %get3A_648 = arith.index_cast %get3A_647 : i32 to index
    %get3A_649 = arith.constant 112 : index
    %get3A_650 = tpu.vector_load %arg7[%get3A_648, %get3A_649] {strides = array<i32>} : memref<16x640xf32, #tpu.memory_space<vmem>>, vector<16xf32>,
    %add3A_651 = arith.addf %add3A_646, %get3A_650 : vector<16xf32>
    %swap3A_652 = arith.constant 112 : index
    %swap3A_653 = tpu.vector_load %arg8[%swap3A_652] {strides = array<i32>} : memref<640xf32, #tpu.memory_space<vmem>>, vector<16xf32>,
    tpu.vector_store %arg8[%swap3A_652], %add3A_651 {strides = array<i32>} : memref<640xf32, #tpu.memory_space<vmem>>, vector<16xf32>,
    %get3A_654 = arith.constant 0 : i32
    %get3A_655 = arith.index_cast %get3A_654 : i32 to index
    %get3A_656 = arith.constant 128 : index
    %get3A_657 = tpu.vector_load %arg7[%get3A_655, %get3A_656] {strides = array<i32>} : memref<16x640xf32, #tpu.memory_space<vmem>>, vector<16xf32>,
    %get3A_658 = arith.constant 1 : i32
    %get3A_659 = arith.index_cast %get3A_658 : i32 to index
    %get3A_660 = arith.constant 128 : index
    %get3A_661 = tpu.vector_load %arg7[%get3A_659, %get3A_660] {strides = array<i32>} : memref<16x640xf32, #tpu.memory_space<vmem>>, vector<16xf32>,
    %add3A_662 = arith.addf %get3A_657, %get3A_661 : vector<16xf32>
    %get3A_663 = arith.constant 2 : i32
    %get3A_664 = arith.index_cast %get3A_663 : i32 to index
    %get3A_665 = arith.constant 128 : index
    %get3A_666 = tpu.vector_load %arg7[%get3A_664, %get3A_665] {strides = array<i32>} : memref<16x640xf32, #tpu.memory_space<vmem>>, vector<16xf32>,
    %add3A_667 = arith.addf %add3A_662, %get3A_666 : vector<16xf32>
    %get3A_668 = arith.constant 3 : i32
    %get3A_669 = arith.index_cast %get3A_668 : i32 to index
    %get3A_670 = arith.constant 128 : index
    %get3A_671 = tpu.vector_load %arg7[%get3A_669, %get3A_670] {strides = array<i32>} : memref<16x640xf32, #tpu.memory_space<vmem>>, vector<16xf32>,
    %add3A_672 = arith.addf %add3A_667, %get3A_671 : vector<16xf32>
    %get3A_673 = arith.constant 4 : i32
    %get3A_674 = arith.index_cast %get3A_673 : i32 to index
    %get3A_675 = arith.constant 128 : index
    %get3A_676 = tpu.vector_load %arg7[%get3A_674, %get3A_675] {strides = array<i32>} : memref<16x640xf32, #tpu.memory_space<vmem>>, vector<16xf32>,
    %add3A_677 = arith.addf %add3A_672, %get3A_676 : vector<16xf32>
    %get3A_678 = arith.constant 5 : i32
    %get3A_679 = arith.index_cast %get3A_678 : i32 to index
    %get3A_680 = arith.constant 128 : index
    %get3A_681 = tpu.vector_load %arg7[%get3A_679, %get3A_680] {strides = array<i32>} : memref<16x640xf32, #tpu.memory_space<vmem>>, vector<16xf32>,
    %add3A_682 = arith.addf %add3A_677, %get3A_681 : vector<16xf32>
    %get3A_683 = arith.constant 6 : i32
    %get3A_684 = arith.index_cast %get3A_683 : i32 to index
    %get3A_685 = arith.constant 128 : index
    %get3A_686 = tpu.vector_load %arg7[%get3A_684, %get3A_685] {strides = array<i32>} : memref<16x640xf32, #tpu.memory_space<vmem>>, vector<16xf32>,
    %add3A_687 = arith.addf %add3A_682, %get3A_686 : vector<16xf32>
    %get3A_688 = arith.constant 7 : i32
    %get3A_689 = arith.index_cast %get3A_688 : i32 to index
    %get3A_690 = arith.constant 128 : index
    %get3A_691 = tpu.vector_load %arg7[%get3A_689, %get3A_690] {strides = array<i32>} : memref<16x640xf32, #tpu.memory_space<vmem>>, vector<16xf32>,
    %add3A_692 = arith.addf %add3A_687, %get3A_691 : vector<16xf32>
    %get3A_693 = arith.constant 8 : i32
    %get3A_694 = arith.index_cast %get3A_693 : i32 to index
    %get3A_695 = arith.constant 128 : index
    %get3A_696 = tpu.vector_load %arg7[%get3A_694, %get3A_695] {strides = array<i32>} : memref<16x640xf32, #tpu.memory_space<vmem>>, vector<16xf32>,
    %add3A_697 = arith.addf %add3A_692, %get3A_696 : vector<16xf32>
    %get3A_698 = arith.constant 9 : i32
    %get3A_699 = arith.index_cast %get3A_698 : i32 to index
    %get3A_700 = arith.constant 128 : index
    %get3A_701 = tpu.vector_load %arg7[%get3A_699, %get3A_700] {strides = array<i32>} : memref<16x640xf32, #tpu.memory_space<vmem>>, vector<16xf32>,
    %add3A_702 = arith.addf %add3A_697, %get3A_701 : vector<16xf32>
    %get3A_703 = arith.constant 10 : i32
    %get3A_704 = arith.index_cast %get3A_703 : i32 to index
    %get3A_705 = arith.constant 128 : index
    %get3A_706 = tpu.vector_load %arg7[%get3A_704, %get3A_705] {strides = array<i32>} : memref<16x640xf32, #tpu.memory_space<vmem>>, vector<16xf32>,
    %add3A_707 = arith.addf %add3A_702, %get3A_706 : vector<16xf32>
    %get3A_708 = arith.constant 11 : i32
    %get3A_709 = arith.index_cast %get3A_708 : i32 to index
    %get3A_710 = arith.constant 128 : index
    %get3A_711 = tpu.vector_load %arg7[%get3A_709, %get3A_710] {strides = array<i32>} : memref<16x640xf32, #tpu.memory_space<vmem>>, vector<16xf32>,
    %add3A_712 = arith.addf %add3A_707, %get3A_711 : vector<16xf32>
    %get3A_713 = arith.constant 12 : i32
    %get3A_714 = arith.index_cast %get3A_713 : i32 to index
    %get3A_715 = arith.constant 128 : index
    %get3A_716 = tpu.vector_load %arg7[%get3A_714, %get3A_715] {strides = array<i32>} : memref<16x640xf32, #tpu.memory_space<vmem>>, vector<16xf32>,
    %add3A_717 = arith.addf %add3A_712, %get3A_716 : vector<16xf32>
    %get3A_718 = arith.constant 13 : i32
    %get3A_719 = arith.index_cast %get3A_718 : i32 to index
    %get3A_720 = arith.constant 128 : index
    %get3A_721 = tpu.vector_load %arg7[%get3A_719, %get3A_720] {strides = array<i32>} : memref<16x640xf32, #tpu.memory_space<vmem>>, vector<16xf32>,
    %add3A_722 = arith.addf %add3A_717, %get3A_721 : vector<16xf32>
    %get3A_723 = arith.constant 14 : i32
    %get3A_724 = arith.index_cast %get3A_723 : i32 to index
    %get3A_725 = arith.constant 128 : index
    %get3A_726 = tpu.vector_load %arg7[%get3A_724, %get3A_725] {strides = array<i32>} : memref<16x640xf32, #tpu.memory_space<vmem>>, vector<16xf32>,
    %add3A_727 = arith.addf %add3A_722, %get3A_726 : vector<16xf32>
    %get3A_728 = arith.constant 15 : i32
    %get3A_729 = arith.index_cast %get3A_728 : i32 to index
    %get3A_730 = arith.constant 128 : index
    %get3A_731 = tpu.vector_load %arg7[%get3A_729, %get3A_730] {strides = array<i32>} : memref<16x640xf32, #tpu.memory_space<vmem>>, vector<16xf32>,
    %add3A_732 = arith.addf %add3A_727, %get3A_731 : vector<16xf32>
    %swap3A_733 = arith.constant 128 : index
    %swap3A_734 = tpu.vector_load %arg8[%swap3A_733] {strides = array<i32>} : memref<640xf32, #tpu.memory_space<vmem>>, vector<16xf32>,
    tpu.vector_store %arg8[%swap3A_733], %add3A_732 {strides = array<i32>} : memref<640xf32, #tpu.memory_space<vmem>>, vector<16xf32>,
    %get3A_735 = arith.constant 0 : i32
    %get3A_736 = arith.index_cast %get3A_735 : i32 to index
    %get3A_737 = arith.constant 144 : index
    %get3A_738 = tpu.vector_load %arg7[%get3A_736, %get3A_737] {strides = array<i32>} : memref<16x640xf32, #tpu.memory_space<vmem>>, vector<16xf32>,
    %get3A_739 = arith.constant 1 : i32
    %get3A_740 = arith.index_cast %get3A_739 : i32 to index
    %get3A_741 = arith.constant 144 : index
    %get3A_742 = tpu.vector_load %arg7[%get3A_740, %get3A_741] {strides = array<i32>} : memref<16x640xf32, #tpu.memory_space<vmem>>, vector<16xf32>,
    %add3A_743 = arith.addf %get3A_738, %get3A_742 : vector<16xf32>
    %get3A_744 = arith.constant 2 : i32
    %get3A_745 = arith.index_cast %get3A_744 : i32 to index
    %get3A_746 = arith.constant 144 : index
    %get3A_747 = tpu.vector_load %arg7[%get3A_745, %get3A_746] {strides = array<i32>} : memref<16x640xf32, #tpu.memory_space<vmem>>, vector<16xf32>,
    %add3A_748 = arith.addf %add3A_743, %get3A_747 : vector<16xf32>
    %get3A_749 = arith.constant 3 : i32
    %get3A_750 = arith.index_cast %get3A_749 : i32 to index
    %get3A_751 = arith.constant 144 : index
    %get3A_752 = tpu.vector_load %arg7[%get3A_750, %get3A_751] {strides = array<i32>} : memref<16x640xf32, #tpu.memory_space<vmem>>, vector<16xf32>,
    %add3A_753 = arith.addf %add3A_748, %get3A_752 : vector<16xf32>
    %get3A_754 = arith.constant 4 : i32
    %get3A_755 = arith.index_cast %get3A_754 : i32 to index
    %get3A_756 = arith.constant 144 : index
    %get3A_757 = tpu.vector_load %arg7[%get3A_755, %get3A_756] {strides = array<i32>} : memref<16x640xf32, #tpu.memory_space<vmem>>, vector<16xf32>,
    %add3A_758 = arith.addf %add3A_753, %get3A_757 : vector<16xf32>
    %get3A_759 = arith.constant 5 : i32
    %get3A_760 = arith.index_cast %get3A_759 : i32 to index
    %get3A_761 = arith.constant 144 : index
    %get3A_762 = tpu.vector_load %arg7[%get3A_760, %get3A_761] {strides = array<i32>} : memref<16x640xf32, #tpu.memory_space<vmem>>, vector<16xf32>,
    %add3A_763 = arith.addf %add3A_758, %get3A_762 : vector<16xf32>
    %get3A_764 = arith.constant 6 : i32
    %get3A_765 = arith.index_cast %get3A_764 : i32 to index
    %get3A_766 = arith.constant 144 : index
    %get3A_767 = tpu.vector_load %arg7[%get3A_765, %get3A_766] {strides = array<i32>} : memref<16x640xf32, #tpu.memory_space<vmem>>, vector<16xf32>,
    %add3A_768 = arith.addf %add3A_763, %get3A_767 : vector<16xf32>
    %get3A_769 = arith.constant 7 : i32
    %get3A_770 = arith.index_cast %get3A_769 : i32 to index
    %get3A_771 = arith.constant 144 : index
    %get3A_772 = tpu.vector_load %arg7[%get3A_770, %get3A_771] {strides = array<i32>} : memref<16x640xf32, #tpu.memory_space<vmem>>, vector<16xf32>,
    %add3A_773 = arith.addf %add3A_768, %get3A_772 : vector<16xf32>
    %get3A_774 = arith.constant 8 : i32
    %get3A_775 = arith.index_cast %get3A_774 : i32 to index
    %get3A_776 = arith.constant 144 : index
    %get3A_777 = tpu.vector_load %arg7[%get3A_775, %get3A_776] {strides = array<i32>} : memref<16x640xf32, #tpu.memory_space<vmem>>, vector<16xf32>,
    %add3A_778 = arith.addf %add3A_773, %get3A_777 : vector<16xf32>
    %get3A_779 = arith.constant 9 : i32
    %get3A_780 = arith.index_cast %get3A_779 : i32 to index
    %get3A_781 = arith.constant 144 : index
    %get3A_782 = tpu.vector_load %arg7[%get3A_780, %get3A_781] {strides = array<i32>} : memref<16x640xf32, #tpu.memory_space<vmem>>, vector<16xf32>,
    %add3A_783 = arith.addf %add3A_778, %get3A_782 : vector<16xf32>
    %get3A_784 = arith.constant 10 : i32
    %get3A_785 = arith.index_cast %get3A_784 : i32 to index
    %get3A_786 = arith.constant 144 : index
    %get3A_787 = tpu.vector_load %arg7[%get3A_785, %get3A_786] {strides = array<i32>} : memref<16x640xf32, #tpu.memory_space<vmem>>, vector<16xf32>,
    %add3A_788 = arith.addf %add3A_783, %get3A_787 : vector<16xf32>
    %get3A_789 = arith.constant 11 : i32
    %get3A_790 = arith.index_cast %get3A_789 : i32 to index
    %get3A_791 = arith.constant 144 : index
    %get3A_792 = tpu.vector_load %arg7[%get3A_790, %get3A_791] {strides = array<i32>} : memref<16x640xf32, #tpu.memory_space<vmem>>, vector<16xf32>,
    %add3A_793 = arith.addf %add3A_788, %get3A_792 : vector<16xf32>
    %get3A_794 = arith.constant 12 : i32
    %get3A_795 = arith.index_cast %get3A_794 : i32 to index
    %get3A_796 = arith.constant 144 : index
    %get3A_797 = tpu.vector_load %arg7[%get3A_795, %get3A_796] {strides = array<i32>} : memref<16x640xf32, #tpu.memory_space<vmem>>, vector<16xf32>,
    %add3A_798 = arith.addf %add3A_793, %get3A_797 : vector<16xf32>
    %get3A_799 = arith.constant 13 : i32
    %get3A_800 = arith.index_cast %get3A_799 : i32 to index
    %get3A_801 = arith.constant 144 : index
    %get3A_802 = tpu.vector_load %arg7[%get3A_800, %get3A_801] {strides = array<i32>} : memref<16x640xf32, #tpu.memory_space<vmem>>, vector<16xf32>,
    %add3A_803 = arith.addf %add3A_798, %get3A_802 : vector<16xf32>
    %get3A_804 = arith.constant 14 : i32
    %get3A_805 = arith.index_cast %get3A_804 : i32 to index
    %get3A_806 = arith.constant 144 : index
    %get3A_807 = tpu.vector_load %arg7[%get3A_805, %get3A_806] {strides = array<i32>} : memref<16x640xf32, #tpu.memory_space<vmem>>, vector<16xf32>,
    %add3A_808 = arith.addf %add3A_803, %get3A_807 : vector<16xf32>
    %get3A_809 = arith.constant 15 : i32
    %get3A_810 = arith.index_cast %get3A_809 : i32 to index
    %get3A_811 = arith.constant 144 : index
    %get3A_812 = tpu.vector_load %arg7[%get3A_810, %get3A_811] {strides = array<i32>} : memref<16x640xf32, #tpu.memory_space<vmem>>, vector<16xf32>,
    %add3A_813 = arith.addf %add3A_808, %get3A_812 : vector<16xf32>
    %swap3A_814 = arith.constant 144 : index
    %swap3A_815 = tpu.vector_load %arg8[%swap3A_814] {strides = array<i32>} : memref<640xf32, #tpu.memory_space<vmem>>, vector<16xf32>,
    tpu.vector_store %arg8[%swap3A_814], %add3A_813 {strides = array<i32>} : memref<640xf32, #tpu.memory_space<vmem>>, vector<16xf32>,
    %get3A_816 = arith.constant 0 : i32
    %get3A_817 = arith.index_cast %get3A_816 : i32 to index
    %get3A_818 = arith.constant 160 : index
    %get3A_819 = tpu.vector_load %arg7[%get3A_817, %get3A_818] {strides = array<i32>} : memref<16x640xf32, #tpu.memory_space<vmem>>, vector<16xf32>,
    %get3A_820 = arith.constant 1 : i32
    %get3A_821 = arith.index_cast %get3A_820 : i32 to index
    %get3A_822 = arith.constant 160 : index
    %get3A_823 = tpu.vector_load %arg7[%get3A_821, %get3A_822] {strides = array<i32>} : memref<16x640xf32, #tpu.memory_space<vmem>>, vector<16xf32>,
    %add3A_824 = arith.addf %get3A_819, %get3A_823 : vector<16xf32>
    %get3A_825 = arith.constant 2 : i32
    %get3A_826 = arith.index_cast %get3A_825 : i32 to index
    %get3A_827 = arith.constant 160 : index
    %get3A_828 = tpu.vector_load %arg7[%get3A_826, %get3A_827] {strides = array<i32>} : memref<16x640xf32, #tpu.memory_space<vmem>>, vector<16xf32>,
    %add3A_829 = arith.addf %add3A_824, %get3A_828 : vector<16xf32>
    %get3A_830 = arith.constant 3 : i32
    %get3A_831 = arith.index_cast %get3A_830 : i32 to index
    %get3A_832 = arith.constant 160 : index
    %get3A_833 = tpu.vector_load %arg7[%get3A_831, %get3A_832] {strides = array<i32>} : memref<16x640xf32, #tpu.memory_space<vmem>>, vector<16xf32>,
    %add3A_834 = arith.addf %add3A_829, %get3A_833 : vector<16xf32>
    %get3A_835 = arith.constant 4 : i32
    %get3A_836 = arith.index_cast %get3A_835 : i32 to index
    %get3A_837 = arith.constant 160 : index
    %get3A_838 = tpu.vector_load %arg7[%get3A_836, %get3A_837] {strides = array<i32>} : memref<16x640xf32, #tpu.memory_space<vmem>>, vector<16xf32>,
    %add3A_839 = arith.addf %add3A_834, %get3A_838 : vector<16xf32>
    %get3A_840 = arith.constant 5 : i32
    %get3A_841 = arith.index_cast %get3A_840 : i32 to index
    %get3A_842 = arith.constant 160 : index
    %get3A_843 = tpu.vector_load %arg7[%get3A_841, %get3A_842] {strides = array<i32>} : memref<16x640xf32, #tpu.memory_space<vmem>>, vector<16xf32>,
    %add3A_844 = arith.addf %add3A_839, %get3A_843 : vector<16xf32>
    %get3A_845 = arith.constant 6 : i32
    %get3A_846 = arith.index_cast %get3A_845 : i32 to index
    %get3A_847 = arith.constant 160 : index
    %get3A_848 = tpu.vector_load %arg7[%get3A_846, %get3A_847] {strides = array<i32>} : memref<16x640xf32, #tpu.memory_space<vmem>>, vector<16xf32>,
    %add3A_849 = arith.addf %add3A_844, %get3A_848 : vector<16xf32>
    %get3A_850 = arith.constant 7 : i32
    %get3A_851 = arith.index_cast %get3A_850 : i32 to index
    %get3A_852 = arith.constant 160 : index
    %get3A_853 = tpu.vector_load %arg7[%get3A_851, %get3A_852] {strides = array<i32>} : memref<16x640xf32, #tpu.memory_space<vmem>>, vector<16xf32>,
    %add3A_854 = arith.addf %add3A_849, %get3A_853 : vector<16xf32>
    %get3A_855 = arith.constant 8 : i32
    %get3A_856 = arith.index_cast %get3A_855 : i32 to index
    %get3A_857 = arith.constant 160 : index
    %get3A_858 = tpu.vector_load %arg7[%get3A_856, %get3A_857] {strides = array<i32>} : memref<16x640xf32, #tpu.memory_space<vmem>>, vector<16xf32>,
    %add3A_859 = arith.addf %add3A_854, %get3A_858 : vector<16xf32>
    %get3A_860 = arith.constant 9 : i32
    %get3A_861 = arith.index_cast %get3A_860 : i32 to index
    %get3A_862 = arith.constant 160 : index
    %get3A_863 = tpu.vector_load %arg7[%get3A_861, %get3A_862] {strides = array<i32>} : memref<16x640xf32, #tpu.memory_space<vmem>>, vector<16xf32>,
    %add3A_864 = arith.addf %add3A_859, %get3A_863 : vector<16xf32>
    %get3A_865 = arith.constant 10 : i32
    %get3A_866 = arith.index_cast %get3A_865 : i32 to index
    %get3A_867 = arith.constant 160 : index
    %get3A_868 = tpu.vector_load %arg7[%get3A_866, %get3A_867] {strides = array<i32>} : memref<16x640xf32, #tpu.memory_space<vmem>>, vector<16xf32>,
    %add3A_869 = arith.addf %add3A_864, %get3A_868 : vector<16xf32>
    %get3A_870 = arith.constant 11 : i32
    %get3A_871 = arith.index_cast %get3A_870 : i32 to index
    %get3A_872 = arith.constant 160 : index
    %get3A_873 = tpu.vector_load %arg7[%get3A_871, %get3A_872] {strides = array<i32>} : memref<16x640xf32, #tpu.memory_space<vmem>>, vector<16xf32>,
    %add3A_874 = arith.addf %add3A_869, %get3A_873 : vector<16xf32>
    %get3A_875 = arith.constant 12 : i32
    %get3A_876 = arith.index_cast %get3A_875 : i32 to index
    %get3A_877 = arith.constant 160 : index
    %get3A_878 = tpu.vector_load %arg7[%get3A_876, %get3A_877] {strides = array<i32>} : memref<16x640xf32, #tpu.memory_space<vmem>>, vector<16xf32>,
    %add3A_879 = arith.addf %add3A_874, %get3A_878 : vector<16xf32>
    %get3A_880 = arith.constant 13 : i32
    %get3A_881 = arith.index_cast %get3A_880 : i32 to index
    %get3A_882 = arith.constant 160 : index
    %get3A_883 = tpu.vector_load %arg7[%get3A_881, %get3A_882] {strides = array<i32>} : memref<16x640xf32, #tpu.memory_space<vmem>>, vector<16xf32>,
    %add3A_884 = arith.addf %add3A_879, %get3A_883 : vector<16xf32>
    %get3A_885 = arith.constant 14 : i32
    %get3A_886 = arith.index_cast %get3A_885 : i32 to index
    %get3A_887 = arith.constant 160 : index
    %get3A_888 = tpu.vector_load %arg7[%get3A_886, %get3A_887] {strides = array<i32>} : memref<16x640xf32, #tpu.memory_space<vmem>>, vector<16xf32>,
    %add3A_889 = arith.addf %add3A_884, %get3A_888 : vector<16xf32>
    %get3A_890 = arith.constant 15 : i32
    %get3A_891 = arith.index_cast %get3A_890 : i32 to index
    %get3A_892 = arith.constant 160 : index
    %get3A_893 = tpu.vector_load %arg7[%get3A_891, %get3A_892] {strides = array<i32>} : memref<16x640xf32, #tpu.memory_space<vmem>>, vector<16xf32>,
    %add3A_894 = arith.addf %add3A_889, %get3A_893 : vector<16xf32>
    %swap3A_895 = arith.constant 160 : index
    %swap3A_896 = tpu.vector_load %arg8[%swap3A_895] {strides = array<i32>} : memref<640xf32, #tpu.memory_space<vmem>>, vector<16xf32>,
    tpu.vector_store %arg8[%swap3A_895], %add3A_894 {strides = array<i32>} : memref<640xf32, #tpu.memory_space<vmem>>, vector<16xf32>,
    %get3A_897 = arith.constant 0 : i32
    %get3A_898 = arith.index_cast %get3A_897 : i32 to index
    %get3A_899 = arith.constant 176 : index
    %get3A_900 = tpu.vector_load %arg7[%get3A_898, %get3A_899] {strides = array<i32>} : memref<16x640xf32, #tpu.memory_space<vmem>>, vector<16xf32>,
    %get3A_901 = arith.constant 1 : i32
    %get3A_902 = arith.index_cast %get3A_901 : i32 to index
    %get3A_903 = arith.constant 176 : index
    %get3A_904 = tpu.vector_load %arg7[%get3A_902, %get3A_903] {strides = array<i32>} : memref<16x640xf32, #tpu.memory_space<vmem>>, vector<16xf32>,
    %add3A_905 = arith.addf %get3A_900, %get3A_904 : vector<16xf32>
    %get3A_906 = arith.constant 2 : i32
    %get3A_907 = arith.index_cast %get3A_906 : i32 to index
    %get3A_908 = arith.constant 176 : index
    %get3A_909 = tpu.vector_load %arg7[%get3A_907, %get3A_908] {strides = array<i32>} : memref<16x640xf32, #tpu.memory_space<vmem>>, vector<16xf32>,
    %add3A_910 = arith.addf %add3A_905, %get3A_909 : vector<16xf32>
    %get3A_911 = arith.constant 3 : i32
    %get3A_912 = arith.index_cast %get3A_911 : i32 to index
    %get3A_913 = arith.constant 176 : index
    %get3A_914 = tpu.vector_load %arg7[%get3A_912, %get3A_913] {strides = array<i32>} : memref<16x640xf32, #tpu.memory_space<vmem>>, vector<16xf32>,
    %add3A_915 = arith.addf %add3A_910, %get3A_914 : vector<16xf32>
    %get3A_916 = arith.constant 4 : i32
    %get3A_917 = arith.index_cast %get3A_916 : i32 to index
    %get3A_918 = arith.constant 176 : index
    %get3A_919 = tpu.vector_load %arg7[%get3A_917, %get3A_918] {strides = array<i32>} : memref<16x640xf32, #tpu.memory_space<vmem>>, vector<16xf32>,
    %add3A_920 = arith.addf %add3A_915, %get3A_919 : vector<16xf32>
    %get3A_921 = arith.constant 5 : i32
    %get3A_922 = arith.index_cast %get3A_921 : i32 to index
    %get3A_923 = arith.constant 176 : index
    %get3A_924 = tpu.vector_load %arg7[%get3A_922, %get3A_923] {strides = array<i32>} : memref<16x640xf32, #tpu.memory_space<vmem>>, vector<16xf32>,
    %add3A_925 = arith.addf %add3A_920, %get3A_924 : vector<16xf32>
    %get3A_926 = arith.constant 6 : i32
    %get3A_927 = arith.index_cast %get3A_926 : i32 to index
    %get3A_928 = arith.constant 176 : index
    %get3A_929 = tpu.vector_load %arg7[%get3A_927, %get3A_928] {strides = array<i32>} : memref<16x640xf32, #tpu.memory_space<vmem>>, vector<16xf32>,
    %add3A_930 = arith.addf %add3A_925, %get3A_929 : vector<16xf32>
    %get3A_931 = arith.constant 7 : i32
    %get3A_932 = arith.index_cast %get3A_931 : i32 to index
    %get3A_933 = arith.constant 176 : index
    %get3A_934 = tpu.vector_load %arg7[%get3A_932, %get3A_933] {strides = array<i32>} : memref<16x640xf32, #tpu.memory_space<vmem>>, vector<16xf32>,
    %add3A_935 = arith.addf %add3A_930, %get3A_934 : vector<16xf32>
    %get3A_936 = arith.constant 8 : i32
    %get3A_937 = arith.index_cast %get3A_936 : i32 to index
    %get3A_938 = arith.constant 176 : index
    %get3A_939 = tpu.vector_load %arg7[%get3A_937, %get3A_938] {strides = array<i32>} : memref<16x640xf32, #tpu.memory_space<vmem>>, vector<16xf32>,
    %add3A_940 = arith.addf %add3A_935, %get3A_939 : vector<16xf32>
    %get3A_941 = arith.constant 9 : i32
    %get3A_942 = arith.index_cast %get3A_941 : i32 to index
    %get3A_943 = arith.constant 176 : index
    %get3A_944 = tpu.vector_load %arg7[%get3A_942, %get3A_943] {strides = array<i32>} : memref<16x640xf32, #tpu.memory_space<vmem>>, vector<16xf32>,
    %add3A_945 = arith.addf %add3A_940, %get3A_944 : vector<16xf32>
    %get3A_946 = arith.constant 10 : i32
    %get3A_947 = arith.index_cast %get3A_946 : i32 to index
    %get3A_948 = arith.constant 176 : index
    %get3A_949 = tpu.vector_load %arg7[%get3A_947, %get3A_948] {strides = array<i32>} : memref<16x640xf32, #tpu.memory_space<vmem>>, vector<16xf32>,
    %add3A_950 = arith.addf %add3A_945, %get3A_949 : vector<16xf32>
    %get3A_951 = arith.constant 11 : i32
    %get3A_952 = arith.index_cast %get3A_951 : i32 to index
    %get3A_953 = arith.constant 176 : index
    %get3A_954 = tpu.vector_load %arg7[%get3A_952, %get3A_953] {strides = array<i32>} : memref<16x640xf32, #tpu.memory_space<vmem>>, vector<16xf32>,
    %add3A_955 = arith.addf %add3A_950, %get3A_954 : vector<16xf32>
    %get3A_956 = arith.constant 12 : i32
    %get3A_957 = arith.index_cast %get3A_956 : i32 to index
    %get3A_958 = arith.constant 176 : index
    %get3A_959 = tpu.vector_load %arg7[%get3A_957, %get3A_958] {strides = array<i32>} : memref<16x640xf32, #tpu.memory_space<vmem>>, vector<16xf32>,
    %add3A_960 = arith.addf %add3A_955, %get3A_959 : vector<16xf32>
    %get3A_961 = arith.constant 13 : i32
    %get3A_962 = arith.index_cast %get3A_961 : i32 to index
    %get3A_963 = arith.constant 176 : index
    %get3A_964 = tpu.vector_load %arg7[%get3A_962, %get3A_963] {strides = array<i32>} : memref<16x640xf32, #tpu.memory_space<vmem>>, vector<16xf32>,
    %add3A_965 = arith.addf %add3A_960, %get3A_964 : vector<16xf32>
    %get3A_966 = arith.constant 14 : i32
    %get3A_967 = arith.index_cast %get3A_966 : i32 to index
    %get3A_968 = arith.constant 176 : index
    %get3A_969 = tpu.vector_load %arg7[%get3A_967, %get3A_968] {strides = array<i32>} : memref<16x640xf32, #tpu.memory_space<vmem>>, vector<16xf32>,
    %add3A_970 = arith.addf %add3A_965, %get3A_969 : vector<16xf32>
    %get3A_971 = arith.constant 15 : i32
    %get3A_972 = arith.index_cast %get3A_971 : i32 to index
    %get3A_973 = arith.constant 176 : index
    %get3A_974 = tpu.vector_load %arg7[%get3A_972, %get3A_973] {strides = array<i32>} : memref<16x640xf32, #tpu.memory_space<vmem>>, vector<16xf32>,
    %add3A_975 = arith.addf %add3A_970, %get3A_974 : vector<16xf32>
    %swap3A_976 = arith.constant 176 : index
    %swap3A_977 = tpu.vector_load %arg8[%swap3A_976] {strides = array<i32>} : memref<640xf32, #tpu.memory_space<vmem>>, vector<16xf32>,
    tpu.vector_store %arg8[%swap3A_976], %add3A_975 {strides = array<i32>} : memref<640xf32, #tpu.memory_space<vmem>>, vector<16xf32>,
    %get3A_978 = arith.constant 0 : i32
    %get3A_979 = arith.index_cast %get3A_978 : i32 to index
    %get3A_980 = arith.constant 192 : index
    %get3A_981 = tpu.vector_load %arg7[%get3A_979, %get3A_980] {strides = array<i32>} : memref<16x640xf32, #tpu.memory_space<vmem>>, vector<16xf32>,
    %get3A_982 = arith.constant 1 : i32
    %get3A_983 = arith.index_cast %get3A_982 : i32 to index
    %get3A_984 = arith.constant 192 : index
    %get3A_985 = tpu.vector_load %arg7[%get3A_983, %get3A_984] {strides = array<i32>} : memref<16x640xf32, #tpu.memory_space<vmem>>, vector<16xf32>,
    %add3A_986 = arith.addf %get3A_981, %get3A_985 : vector<16xf32>
    %get3A_987 = arith.constant 2 : i32
    %get3A_988 = arith.index_cast %get3A_987 : i32 to index
    %get3A_989 = arith.constant 192 : index
    %get3A_990 = tpu.vector_load %arg7[%get3A_988, %get3A_989] {strides = array<i32>} : memref<16x640xf32, #tpu.memory_space<vmem>>, vector<16xf32>,
    %add3A_991 = arith.addf %add3A_986, %get3A_990 : vector<16xf32>
    %get3A_992 = arith.constant 3 : i32
    %get3A_993 = arith.index_cast %get3A_992 : i32 to index
    %get3A_994 = arith.constant 192 : index
    %get3A_995 = tpu.vector_load %arg7[%get3A_993, %get3A_994] {strides = array<i32>} : memref<16x640xf32, #tpu.memory_space<vmem>>, vector<16xf32>,
    %add3A_996 = arith.addf %add3A_991, %get3A_995 : vector<16xf32>
    %get3A_997 = arith.constant 4 : i32
    %get3A_998 = arith.index_cast %get3A_997 : i32 to index
    %get3A_999 = arith.constant 192 : index
    %get3A_1000 = tpu.vector_load %arg7[%get3A_998, %get3A_999] {strides = array<i32>} : memref<16x640xf32, #tpu.memory_space<vmem>>, vector<16xf32>,
    %add3A_1001 = arith.addf %add3A_996, %get3A_1000 : vector<16xf32>
    %get3A_1002 = arith.constant 5 : i32
    %get3A_1003 = arith.index_cast %get3A_1002 : i32 to index
    %get3A_1004 = arith.constant 192 : index
    %get3A_1005 = tpu.vector_load %arg7[%get3A_1003, %get3A_1004] {strides = array<i32>} : memref<16x640xf32, #tpu.memory_space<vmem>>, vector<16xf32>,
    %add3A_1006 = arith.addf %add3A_1001, %get3A_1005 : vector<16xf32>
    %get3A_1007 = arith.constant 6 : i32
    %get3A_1008 = arith.index_cast %get3A_1007 : i32 to index
    %get3A_1009 = arith.constant 192 : index
    %get3A_1010 = tpu.vector_load %arg7[%get3A_1008, %get3A_1009] {strides = array<i32>} : memref<16x640xf32, #tpu.memory_space<vmem>>, vector<16xf32>,
    %add3A_1011 = arith.addf %add3A_1006, %get3A_1010 : vector<16xf32>
    %get3A_1012 = arith.constant 7 : i32
    %get3A_1013 = arith.index_cast %get3A_1012 : i32 to index
    %get3A_1014 = arith.constant 192 : index
    %get3A_1015 = tpu.vector_load %arg7[%get3A_1013, %get3A_1014] {strides = array<i32>} : memref<16x640xf32, #tpu.memory_space<vmem>>, vector<16xf32>,
    %add3A_1016 = arith.addf %add3A_1011, %get3A_1015 : vector<16xf32>
    %get3A_1017 = arith.constant 8 : i32
    %get3A_1018 = arith.index_cast %get3A_1017 : i32 to index
    %get3A_1019 = arith.constant 192 : index
    %get3A_1020 = tpu.vector_load %arg7[%get3A_1018, %get3A_1019] {strides = array<i32>} : memref<16x640xf32, #tpu.memory_space<vmem>>, vector<16xf32>,
    %add3A_1021 = arith.addf %add3A_1016, %get3A_1020 : vector<16xf32>
    %get3A_1022 = arith.constant 9 : i32
    %get3A_1023 = arith.index_cast %get3A_1022 : i32 to index
    %get3A_1024 = arith.constant 192 : index
    %get3A_1025 = tpu.vector_load %arg7[%get3A_1023, %get3A_1024] {strides = array<i32>} : memref<16x640xf32, #tpu.memory_space<vmem>>, vector<16xf32>,
    %add3A_1026 = arith.addf %add3A_1021, %get3A_1025 : vector<16xf32>
    %get3A_1027 = arith.constant 10 : i32
    %get3A_1028 = arith.index_cast %get3A_1027 : i32 to index
    %get3A_1029 = arith.constant 192 : index
    %get3A_1030 = tpu.vector_load %arg7[%get3A_1028, %get3A_1029] {strides = array<i32>} : memref<16x640xf32, #tpu.memory_space<vmem>>, vector<16xf32>,
    %add3A_1031 = arith.addf %add3A_1026, %get3A_1030 : vector<16xf32>
    %get3A_1032 = arith.constant 11 : i32
    %get3A_1033 = arith.index_cast %get3A_1032 : i32 to index
    %get3A_1034 = arith.constant 192 : index
    %get3A_1035 = tpu.vector_load %arg7[%get3A_1033, %get3A_1034] {strides = array<i32>} : memref<16x640xf32, #tpu.memory_space<vmem>>, vector<16xf32>,
    %add3A_1036 = arith.addf %add3A_1031, %get3A_1035 : vector<16xf32>
    %get3A_1037 = arith.constant 12 : i32
    %get3A_1038 = arith.index_cast %get3A_1037 : i32 to index
    %get3A_1039 = arith.constant 192 : index
    %get3A_1040 = tpu.vector_load %arg7[%get3A_1038, %get3A_1039] {strides = array<i32>} : memref<16x640xf32, #tpu.memory_space<vmem>>, vector<16xf32>,
    %add3A_1041 = arith.addf %add3A_1036, %get3A_1040 : vector<16xf32>
    %get3A_1042 = arith.constant 13 : i32
    %get3A_1043 = arith.index_cast %get3A_1042 : i32 to index
    %get3A_1044 = arith.constant 192 : index
    %get3A_1045 = tpu.vector_load %arg7[%get3A_1043, %get3A_1044] {strides = array<i32>} : memref<16x640xf32, #tpu.memory_space<vmem>>, vector<16xf32>,
    %add3A_1046 = arith.addf %add3A_1041, %get3A_1045 : vector<16xf32>
    %get3A_1047 = arith.constant 14 : i32
    %get3A_1048 = arith.index_cast %get3A_1047 : i32 to index
    %get3A_1049 = arith.constant 192 : index
    %get3A_1050 = tpu.vector_load %arg7[%get3A_1048, %get3A_1049] {strides = array<i32>} : memref<16x640xf32, #tpu.memory_space<vmem>>, vector<16xf32>,
    %add3A_1051 = arith.addf %add3A_1046, %get3A_1050 : vector<16xf32>
    %get3A_1052 = arith.constant 15 : i32
    %get3A_1053 = arith.index_cast %get3A_1052 : i32 to index
    %get3A_1054 = arith.constant 192 : index
    %get3A_1055 = tpu.vector_load %arg7[%get3A_1053, %get3A_1054] {strides = array<i32>} : memref<16x640xf32, #tpu.memory_space<vmem>>, vector<16xf32>,
    %add3A_1056 = arith.addf %add3A_1051, %get3A_1055 : vector<16xf32>
    %swap3A_1057 = arith.constant 192 : index
    %swap3A_1058 = tpu.vector_load %arg8[%swap3A_1057] {strides = array<i32>} : memref<640xf32, #tpu.memory_space<vmem>>, vector<16xf32>,
    tpu.vector_store %arg8[%swap3A_1057], %add3A_1056 {strides = array<i32>} : memref<640xf32, #tpu.memory_space<vmem>>, vector<16xf32>,
    %get3A_1059 = arith.constant 0 : i32
    %get3A_1060 = arith.index_cast %get3A_1059 : i32 to index
    %get3A_1061 = arith.constant 208 : index
    %get3A_1062 = tpu.vector_load %arg7[%get3A_1060, %get3A_1061] {strides = array<i32>} : memref<16x640xf32, #tpu.memory_space<vmem>>, vector<16xf32>,
    %get3A_1063 = arith.constant 1 : i32
    %get3A_1064 = arith.index_cast %get3A_1063 : i32 to index
    %get3A_1065 = arith.constant 208 : index
    %get3A_1066 = tpu.vector_load %arg7[%get3A_1064, %get3A_1065] {strides = array<i32>} : memref<16x640xf32, #tpu.memory_space<vmem>>, vector<16xf32>,
    %add3A_1067 = arith.addf %get3A_1062, %get3A_1066 : vector<16xf32>
    %get3A_1068 = arith.constant 2 : i32
    %get3A_1069 = arith.index_cast %get3A_1068 : i32 to index
    %get3A_1070 = arith.constant 208 : index
    %get3A_1071 = tpu.vector_load %arg7[%get3A_1069, %get3A_1070] {strides = array<i32>} : memref<16x640xf32, #tpu.memory_space<vmem>>, vector<16xf32>,
    %add3A_1072 = arith.addf %add3A_1067, %get3A_1071 : vector<16xf32>
    %get3A_1073 = arith.constant 3 : i32
    %get3A_1074 = arith.index_cast %get3A_1073 : i32 to index
    %get3A_1075 = arith.constant 208 : index
    %get3A_1076 = tpu.vector_load %arg7[%get3A_1074, %get3A_1075] {strides = array<i32>} : memref<16x640xf32, #tpu.memory_space<vmem>>, vector<16xf32>,
    %add3A_1077 = arith.addf %add3A_1072, %get3A_1076 : vector<16xf32>
    %get3A_1078 = arith.constant 4 : i32
    %get3A_1079 = arith.index_cast %get3A_1078 : i32 to index
    %get3A_1080 = arith.constant 208 : index
    %get3A_1081 = tpu.vector_load %arg7[%get3A_1079, %get3A_1080] {strides = array<i32>} : memref<16x640xf32, #tpu.memory_space<vmem>>, vector<16xf32>,
    %add3A_1082 = arith.addf %add3A_1077, %get3A_1081 : vector<16xf32>
    %get3A_1083 = arith.constant 5 : i32
    %get3A_1084 = arith.index_cast %get3A_1083 : i32 to index
    %get3A_1085 = arith.constant 208 : index
    %get3A_1086 = tpu.vector_load %arg7[%get3A_1084, %get3A_1085] {strides = array<i32>} : memref<16x640xf32, #tpu.memory_space<vmem>>, vector<16xf32>,
    %add3A_1087 = arith.addf %add3A_1082, %get3A_1086 : vector<16xf32>
    %get3A_1088 = arith.constant 6 : i32
    %get3A_1089 = arith.index_cast %get3A_1088 : i32 to index
    %get3A_1090 = arith.constant 208 : index
    %get3A_1091 = tpu.vector_load %arg7[%get3A_1089, %get3A_1090] {strides = array<i32>} : memref<16x640xf32, #tpu.memory_space<vmem>>, vector<16xf32>,
    %add3A_1092 = arith.addf %add3A_1087, %get3A_1091 : vector<16xf32>
    %get3A_1093 = arith.constant 7 : i32
    %get3A_1094 = arith.index_cast %get3A_1093 : i32 to index
    %get3A_1095 = arith.constant 208 : index
    %get3A_1096 = tpu.vector_load %arg7[%get3A_1094, %get3A_1095] {strides = array<i32>} : memref<16x640xf32, #tpu.memory_space<vmem>>, vector<16xf32>,
    %add3A_1097 = arith.addf %add3A_1092, %get3A_1096 : vector<16xf32>
    %get3A_1098 = arith.constant 8 : i32
    %get3A_1099 = arith.index_cast %get3A_1098 : i32 to index
    %get3A_1100 = arith.constant 208 : index
    %get3A_1101 = tpu.vector_load %arg7[%get3A_1099, %get3A_1100] {strides = array<i32>} : memref<16x640xf32, #tpu.memory_space<vmem>>, vector<16xf32>,
    %add3A_1102 = arith.addf %add3A_1097, %get3A_1101 : vector<16xf32>
    %get3A_1103 = arith.constant 9 : i32
    %get3A_1104 = arith.index_cast %get3A_1103 : i32 to index
    %get3A_1105 = arith.constant 208 : index
    %get3A_1106 = tpu.vector_load %arg7[%get3A_1104, %get3A_1105] {strides = array<i32>} : memref<16x640xf32, #tpu.memory_space<vmem>>, vector<16xf32>,
    %add3A_1107 = arith.addf %add3A_1102, %get3A_1106 : vector<16xf32>
    %get3A_1108 = arith.constant 10 : i32
    %get3A_1109 = arith.index_cast %get3A_1108 : i32 to index
    %get3A_1110 = arith.constant 208 : index
    %get3A_1111 = tpu.vector_load %arg7[%get3A_1109, %get3A_1110] {strides = array<i32>} : memref<16x640xf32, #tpu.memory_space<vmem>>, vector<16xf32>,
    %add3A_1112 = arith.addf %add3A_1107, %get3A_1111 : vector<16xf32>
    %get3A_1113 = arith.constant 11 : i32
    %get3A_1114 = arith.index_cast %get3A_1113 : i32 to index
    %get3A_1115 = arith.constant 208 : index
    %get3A_1116 = tpu.vector_load %arg7[%get3A_1114, %get3A_1115] {strides = array<i32>} : memref<16x640xf32, #tpu.memory_space<vmem>>, vector<16xf32>,
    %add3A_1117 = arith.addf %add3A_1112, %get3A_1116 : vector<16xf32>
    %get3A_1118 = arith.constant 12 : i32
    %get3A_1119 = arith.index_cast %get3A_1118 : i32 to index
    %get3A_1120 = arith.constant 208 : index
    %get3A_1121 = tpu.vector_load %arg7[%get3A_1119, %get3A_1120] {strides = array<i32>} : memref<16x640xf32, #tpu.memory_space<vmem>>, vector<16xf32>,
    %add3A_1122 = arith.addf %add3A_1117, %get3A_1121 : vector<16xf32>
    %get3A_1123 = arith.constant 13 : i32
    %get3A_1124 = arith.index_cast %get3A_1123 : i32 to index
    %get3A_1125 = arith.constant 208 : index
    %get3A_1126 = tpu.vector_load %arg7[%get3A_1124, %get3A_1125] {strides = array<i32>} : memref<16x640xf32, #tpu.memory_space<vmem>>, vector<16xf32>,
    %add3A_1127 = arith.addf %add3A_1122, %get3A_1126 : vector<16xf32>
    %get3A_1128 = arith.constant 14 : i32
    %get3A_1129 = arith.index_cast %get3A_1128 : i32 to index
    %get3A_1130 = arith.constant 208 : index
    %get3A_1131 = tpu.vector_load %arg7[%get3A_1129, %get3A_1130] {strides = array<i32>} : memref<16x640xf32, #tpu.memory_space<vmem>>, vector<16xf32>,
    %add3A_1132 = arith.addf %add3A_1127, %get3A_1131 : vector<16xf32>
    %get3A_1133 = arith.constant 15 : i32
    %get3A_1134 = arith.index_cast %get3A_1133 : i32 to index
    %get3A_1135 = arith.constant 208 : index
    %get3A_1136 = tpu.vector_load %arg7[%get3A_1134, %get3A_1135] {strides = array<i32>} : memref<16x640xf32, #tpu.memory_space<vmem>>, vector<16xf32>,
    %add3A_1137 = arith.addf %add3A_1132, %get3A_1136 : vector<16xf32>
    %swap3A_1138 = arith.constant 208 : index
    %swap3A_1139 = tpu.vector_load %arg8[%swap3A_1138] {strides = array<i32>} : memref<640xf32, #tpu.memory_space<vmem>>, vector<16xf32>,
    tpu.vector_store %arg8[%swap3A_1138], %add3A_1137 {strides = array<i32>} : memref<640xf32, #tpu.memory_space<vmem>>, vector<16xf32>,
    %get3A_1140 = arith.constant 0 : i32
    %get3A_1141 = arith.index_cast %get3A_1140 : i32 to index
    %get3A_1142 = arith.constant 224 : index
    %get3A_1143 = tpu.vector_load %arg7[%get3A_1141, %get3A_1142] {strides = array<i32>} : memref<16x640xf32, #tpu.memory_space<vmem>>, vector<16xf32>,
    %get3A_1144 = arith.constant 1 : i32
    %get3A_1145 = arith.index_cast %get3A_1144 : i32 to index
    %get3A_1146 = arith.constant 224 : index
    %get3A_1147 = tpu.vector_load %arg7[%get3A_1145, %get3A_1146] {strides = array<i32>} : memref<16x640xf32, #tpu.memory_space<vmem>>, vector<16xf32>,
    %add3A_1148 = arith.addf %get3A_1143, %get3A_1147 : vector<16xf32>
    %get3A_1149 = arith.constant 2 : i32
    %get3A_1150 = arith.index_cast %get3A_1149 : i32 to index
    %get3A_1151 = arith.constant 224 : index
    %get3A_1152 = tpu.vector_load %arg7[%get3A_1150, %get3A_1151] {strides = array<i32>} : memref<16x640xf32, #tpu.memory_space<vmem>>, vector<16xf32>,
    %add3A_1153 = arith.addf %add3A_1148, %get3A_1152 : vector<16xf32>
    %get3A_1154 = arith.constant 3 : i32
    %get3A_1155 = arith.index_cast %get3A_1154 : i32 to index
    %get3A_1156 = arith.constant 224 : index
    %get3A_1157 = tpu.vector_load %arg7[%get3A_1155, %get3A_1156] {strides = array<i32>} : memref<16x640xf32, #tpu.memory_space<vmem>>, vector<16xf32>,
    %add3A_1158 = arith.addf %add3A_1153, %get3A_1157 : vector<16xf32>
    %get3A_1159 = arith.constant 4 : i32
    %get3A_1160 = arith.index_cast %get3A_1159 : i32 to index
    %get3A_1161 = arith.constant 224 : index
    %get3A_1162 = tpu.vector_load %arg7[%get3A_1160, %get3A_1161] {strides = array<i32>} : memref<16x640xf32, #tpu.memory_space<vmem>>, vector<16xf32>,
    %add3A_1163 = arith.addf %add3A_1158, %get3A_1162 : vector<16xf32>
    %get3A_1164 = arith.constant 5 : i32
    %get3A_1165 = arith.index_cast %get3A_1164 : i32 to index
    %get3A_1166 = arith.constant 224 : index
    %get3A_1167 = tpu.vector_load %arg7[%get3A_1165, %get3A_1166] {strides = array<i32>} : memref<16x640xf32, #tpu.memory_space<vmem>>, vector<16xf32>,
    %add3A_1168 = arith.addf %add3A_1163, %get3A_1167 : vector<16xf32>
    %get3A_1169 = arith.constant 6 : i32
    %get3A_1170 = arith.index_cast %get3A_1169 : i32 to index
    %get3A_1171 = arith.constant 224 : index
    %get3A_1172 = tpu.vector_load %arg7[%get3A_1170, %get3A_1171] {strides = array<i32>} : memref<16x640xf32, #tpu.memory_space<vmem>>, vector<16xf32>,
    %add3A_1173 = arith.addf %add3A_1168, %get3A_1172 : vector<16xf32>
    %get3A_1174 = arith.constant 7 : i32
    %get3A_1175 = arith.index_cast %get3A_1174 : i32 to index
    %get3A_1176 = arith.constant 224 : index
    %get3A_1177 = tpu.vector_load %arg7[%get3A_1175, %get3A_1176] {strides = array<i32>} : memref<16x640xf32, #tpu.memory_space<vmem>>, vector<16xf32>,
    %add3A_1178 = arith.addf %add3A_1173, %get3A_1177 : vector<16xf32>
    %get3A_1179 = arith.constant 8 : i32
    %get3A_1180 = arith.index_cast %get3A_1179 : i32 to index
    %get3A_1181 = arith.constant 224 : index
    %get3A_1182 = tpu.vector_load %arg7[%get3A_1180, %get3A_1181] {strides = array<i32>} : memref<16x640xf32, #tpu.memory_space<vmem>>, vector<16xf32>,
    %add3A_1183 = arith.addf %add3A_1178, %get3A_1182 : vector<16xf32>
    %get3A_1184 = arith.constant 9 : i32
    %get3A_1185 = arith.index_cast %get3A_1184 : i32 to index
    %get3A_1186 = arith.constant 224 : index
    %get3A_1187 = tpu.vector_load %arg7[%get3A_1185, %get3A_1186] {strides = array<i32>} : memref<16x640xf32, #tpu.memory_space<vmem>>, vector<16xf32>,
    %add3A_1188 = arith.addf %add3A_1183, %get3A_1187 : vector<16xf32>
    %get3A_1189 = arith.constant 10 : i32
    %get3A_1190 = arith.index_cast %get3A_1189 : i32 to index
    %get3A_1191 = arith.constant 224 : index
    %get3A_1192 = tpu.vector_load %arg7[%get3A_1190, %get3A_1191] {strides = array<i32>} : memref<16x640xf32, #tpu.memory_space<vmem>>, vector<16xf32>,
    %add3A_1193 = arith.addf %add3A_1188, %get3A_1192 : vector<16xf32>
    %get3A_1194 = arith.constant 11 : i32
    %get3A_1195 = arith.index_cast %get3A_1194 : i32 to index
    %get3A_1196 = arith.constant 224 : index
    %get3A_1197 = tpu.vector_load %arg7[%get3A_1195, %get3A_1196] {strides = array<i32>} : memref<16x640xf32, #tpu.memory_space<vmem>>, vector<16xf32>,
    %add3A_1198 = arith.addf %add3A_1193, %get3A_1197 : vector<16xf32>
    %get3A_1199 = arith.constant 12 : i32
    %get3A_1200 = arith.index_cast %get3A_1199 : i32 to index
    %get3A_1201 = arith.constant 224 : index
    %get3A_1202 = tpu.vector_load %arg7[%get3A_1200, %get3A_1201] {strides = array<i32>} : memref<16x640xf32, #tpu.memory_space<vmem>>, vector<16xf32>,
    %add3A_1203 = arith.addf %add3A_1198, %get3A_1202 : vector<16xf32>
    %get3A_1204 = arith.constant 13 : i32
    %get3A_1205 = arith.index_cast %get3A_1204 : i32 to index
    %get3A_1206 = arith.constant 224 : index
    %get3A_1207 = tpu.vector_load %arg7[%get3A_1205, %get3A_1206] {strides = array<i32>} : memref<16x640xf32, #tpu.memory_space<vmem>>, vector<16xf32>,
    %add3A_1208 = arith.addf %add3A_1203, %get3A_1207 : vector<16xf32>
    %get3A_1209 = arith.constant 14 : i32
    %get3A_1210 = arith.index_cast %get3A_1209 : i32 to index
    %get3A_1211 = arith.constant 224 : index
    %get3A_1212 = tpu.vector_load %arg7[%get3A_1210, %get3A_1211] {strides = array<i32>} : memref<16x640xf32, #tpu.memory_space<vmem>>, vector<16xf32>,
    %add3A_1213 = arith.addf %add3A_1208, %get3A_1212 : vector<16xf32>
    %get3A_1214 = arith.constant 15 : i32
    %get3A_1215 = arith.index_cast %get3A_1214 : i32 to index
    %get3A_1216 = arith.constant 224 : index
    %get3A_1217 = tpu.vector_load %arg7[%get3A_1215, %get3A_1216] {strides = array<i32>} : memref<16x640xf32, #tpu.memory_space<vmem>>, vector<16xf32>,
    %add3A_1218 = arith.addf %add3A_1213, %get3A_1217 : vector<16xf32>
    %swap3A_1219 = arith.constant 224 : index
    %swap3A_1220 = tpu.vector_load %arg8[%swap3A_1219] {strides = array<i32>} : memref<640xf32, #tpu.memory_space<vmem>>, vector<16xf32>,
    tpu.vector_store %arg8[%swap3A_1219], %add3A_1218 {strides = array<i32>} : memref<640xf32, #tpu.memory_space<vmem>>, vector<16xf32>,
    %get3A_1221 = arith.constant 0 : i32
    %get3A_1222 = arith.index_cast %get3A_1221 : i32 to index
    %get3A_1223 = arith.constant 240 : index
    %get3A_1224 = tpu.vector_load %arg7[%get3A_1222, %get3A_1223] {strides = array<i32>} : memref<16x640xf32, #tpu.memory_space<vmem>>, vector<16xf32>,
    %get3A_1225 = arith.constant 1 : i32
    %get3A_1226 = arith.index_cast %get3A_1225 : i32 to index
    %get3A_1227 = arith.constant 240 : index
    %get3A_1228 = tpu.vector_load %arg7[%get3A_1226, %get3A_1227] {strides = array<i32>} : memref<16x640xf32, #tpu.memory_space<vmem>>, vector<16xf32>,
    %add3A_1229 = arith.addf %get3A_1224, %get3A_1228 : vector<16xf32>
    %get3A_1230 = arith.constant 2 : i32
    %get3A_1231 = arith.index_cast %get3A_1230 : i32 to index
    %get3A_1232 = arith.constant 240 : index
    %get3A_1233 = tpu.vector_load %arg7[%get3A_1231, %get3A_1232] {strides = array<i32>} : memref<16x640xf32, #tpu.memory_space<vmem>>, vector<16xf32>,
    %add3A_1234 = arith.addf %add3A_1229, %get3A_1233 : vector<16xf32>
    %get3A_1235 = arith.constant 3 : i32
    %get3A_1236 = arith.index_cast %get3A_1235 : i32 to index
    %get3A_1237 = arith.constant 240 : index
    %get3A_1238 = tpu.vector_load %arg7[%get3A_1236, %get3A_1237] {strides = array<i32>} : memref<16x640xf32, #tpu.memory_space<vmem>>, vector<16xf32>,
    %add3A_1239 = arith.addf %add3A_1234, %get3A_1238 : vector<16xf32>
    %get3A_1240 = arith.constant 4 : i32
    %get3A_1241 = arith.index_cast %get3A_1240 : i32 to index
    %get3A_1242 = arith.constant 240 : index
    %get3A_1243 = tpu.vector_load %arg7[%get3A_1241, %get3A_1242] {strides = array<i32>} : memref<16x640xf32, #tpu.memory_space<vmem>>, vector<16xf32>,
    %add3A_1244 = arith.addf %add3A_1239, %get3A_1243 : vector<16xf32>
    %get3A_1245 = arith.constant 5 : i32
    %get3A_1246 = arith.index_cast %get3A_1245 : i32 to index
    %get3A_1247 = arith.constant 240 : index
    %get3A_1248 = tpu.vector_load %arg7[%get3A_1246, %get3A_1247] {strides = array<i32>} : memref<16x640xf32, #tpu.memory_space<vmem>>, vector<16xf32>,
    %add3A_1249 = arith.addf %add3A_1244, %get3A_1248 : vector<16xf32>
    %get3A_1250 = arith.constant 6 : i32
    %get3A_1251 = arith.index_cast %get3A_1250 : i32 to index
    %get3A_1252 = arith.constant 240 : index
    %get3A_1253 = tpu.vector_load %arg7[%get3A_1251, %get3A_1252] {strides = array<i32>} : memref<16x640xf32, #tpu.memory_space<vmem>>, vector<16xf32>,
    %add3A_1254 = arith.addf %add3A_1249, %get3A_1253 : vector<16xf32>
    %get3A_1255 = arith.constant 7 : i32
    %get3A_1256 = arith.index_cast %get3A_1255 : i32 to index
    %get3A_1257 = arith.constant 240 : index
    %get3A_1258 = tpu.vector_load %arg7[%get3A_1256, %get3A_1257] {strides = array<i32>} : memref<16x640xf32, #tpu.memory_space<vmem>>, vector<16xf32>,
    %add3A_1259 = arith.addf %add3A_1254, %get3A_1258 : vector<16xf32>
    %get3A_1260 = arith.constant 8 : i32
    %get3A_1261 = arith.index_cast %get3A_1260 : i32 to index
    %get3A_1262 = arith.constant 240 : index
    %get3A_1263 = tpu.vector_load %arg7[%get3A_1261, %get3A_1262] {strides = array<i32>} : memref<16x640xf32, #tpu.memory_space<vmem>>, vector<16xf32>,
    %add3A_1264 = arith.addf %add3A_1259, %get3A_1263 : vector<16xf32>
    %get3A_1265 = arith.constant 9 : i32
    %get3A_1266 = arith.index_cast %get3A_1265 : i32 to index
    %get3A_1267 = arith.constant 240 : index
    %get3A_1268 = tpu.vector_load %arg7[%get3A_1266, %get3A_1267] {strides = array<i32>} : memref<16x640xf32, #tpu.memory_space<vmem>>, vector<16xf32>,
    %add3A_1269 = arith.addf %add3A_1264, %get3A_1268 : vector<16xf32>
    %get3A_1270 = arith.constant 10 : i32
    %get3A_1271 = arith.index_cast %get3A_1270 : i32 to index
    %get3A_1272 = arith.constant 240 : index
    %get3A_1273 = tpu.vector_load %arg7[%get3A_1271, %get3A_1272] {strides = array<i32>} : memref<16x640xf32, #tpu.memory_space<vmem>>, vector<16xf32>,
    %add3A_1274 = arith.addf %add3A_1269, %get3A_1273 : vector<16xf32>
    %get3A_1275 = arith.constant 11 : i32
    %get3A_1276 = arith.index_cast %get3A_1275 : i32 to index
    %get3A_1277 = arith.constant 240 : index
    %get3A_1278 = tpu.vector_load %arg7[%get3A_1276, %get3A_1277] {strides = array<i32>} : memref<16x640xf32, #tpu.memory_space<vmem>>, vector<16xf32>,
    %add3A_1279 = arith.addf %add3A_1274, %get3A_1278 : vector<16xf32>
    %get3A_1280 = arith.constant 12 : i32
    %get3A_1281 = arith.index_cast %get3A_1280 : i32 to index
    %get3A_1282 = arith.constant 240 : index
    %get3A_1283 = tpu.vector_load %arg7[%get3A_1281, %get3A_1282] {strides = array<i32>} : memref<16x640xf32, #tpu.memory_space<vmem>>, vector<16xf32>,
    %add3A_1284 = arith.addf %add3A_1279, %get3A_1283 : vector<16xf32>
    %get3A_1285 = arith.constant 13 : i32
    %get3A_1286 = arith.index_cast %get3A_1285 : i32 to index
    %get3A_1287 = arith.constant 240 : index
    %get3A_1288 = tpu.vector_load %arg7[%get3A_1286, %get3A_1287] {strides = array<i32>} : memref<16x640xf32, #tpu.memory_space<vmem>>, vector<16xf32>,
    %add3A_1289 = arith.addf %add3A_1284, %get3A_1288 : vector<16xf32>
    %get3A_1290 = arith.constant 14 : i32
    %get3A_1291 = arith.index_cast %get3A_1290 : i32 to index
    %get3A_1292 = arith.constant 240 : index
    %get3A_1293 = tpu.vector_load %arg7[%get3A_1291, %get3A_1292] {strides = array<i32>} : memref<16x640xf32, #tpu.memory_space<vmem>>, vector<16xf32>,
    %add3A_1294 = arith.addf %add3A_1289, %get3A_1293 : vector<16xf32>
    %get3A_1295 = arith.constant 15 : i32
    %get3A_1296 = arith.index_cast %get3A_1295 : i32 to index
    %get3A_1297 = arith.constant 240 : index
    %get3A_1298 = tpu.vector_load %arg7[%get3A_1296, %get3A_1297] {strides = array<i32>} : memref<16x640xf32, #tpu.memory_space<vmem>>, vector<16xf32>,
    %add3A_1299 = arith.addf %add3A_1294, %get3A_1298 : vector<16xf32>
    %swap3A_1300 = arith.constant 240 : index
    %swap3A_1301 = tpu.vector_load %arg8[%swap3A_1300] {strides = array<i32>} : memref<640xf32, #tpu.memory_space<vmem>>, vector<16xf32>,
    tpu.vector_store %arg8[%swap3A_1300], %add3A_1299 {strides = array<i32>} : memref<640xf32, #tpu.memory_space<vmem>>, vector<16xf32>,
    %get3A_1302 = arith.constant 0 : i32
    %get3A_1303 = arith.index_cast %get3A_1302 : i32 to index
    %get3A_1304 = arith.constant 256 : index
    %get3A_1305 = tpu.vector_load %arg7[%get3A_1303, %get3A_1304] {strides = array<i32>} : memref<16x640xf32, #tpu.memory_space<vmem>>, vector<16xf32>,
    %get3A_1306 = arith.constant 1 : i32
    %get3A_1307 = arith.index_cast %get3A_1306 : i32 to index
    %get3A_1308 = arith.constant 256 : index
    %get3A_1309 = tpu.vector_load %arg7[%get3A_1307, %get3A_1308] {strides = array<i32>} : memref<16x640xf32, #tpu.memory_space<vmem>>, vector<16xf32>,
    %add3A_1310 = arith.addf %get3A_1305, %get3A_1309 : vector<16xf32>
    %get3A_1311 = arith.constant 2 : i32
    %get3A_1312 = arith.index_cast %get3A_1311 : i32 to index
    %get3A_1313 = arith.constant 256 : index
    %get3A_1314 = tpu.vector_load %arg7[%get3A_1312, %get3A_1313] {strides = array<i32>} : memref<16x640xf32, #tpu.memory_space<vmem>>, vector<16xf32>,
    %add3A_1315 = arith.addf %add3A_1310, %get3A_1314 : vector<16xf32>
    %get3A_1316 = arith.constant 3 : i32
    %get3A_1317 = arith.index_cast %get3A_1316 : i32 to index
    %get3A_1318 = arith.constant 256 : index
    %get3A_1319 = tpu.vector_load %arg7[%get3A_1317, %get3A_1318] {strides = array<i32>} : memref<16x640xf32, #tpu.memory_space<vmem>>, vector<16xf32>,
    %add3A_1320 = arith.addf %add3A_1315, %get3A_1319 : vector<16xf32>
    %get3A_1321 = arith.constant 4 : i32
    %get3A_1322 = arith.index_cast %get3A_1321 : i32 to index
    %get3A_1323 = arith.constant 256 : index
    %get3A_1324 = tpu.vector_load %arg7[%get3A_1322, %get3A_1323] {strides = array<i32>} : memref<16x640xf32, #tpu.memory_space<vmem>>, vector<16xf32>,
    %add3A_1325 = arith.addf %add3A_1320, %get3A_1324 : vector<16xf32>
    %get3A_1326 = arith.constant 5 : i32
    %get3A_1327 = arith.index_cast %get3A_1326 : i32 to index
    %get3A_1328 = arith.constant 256 : index
    %get3A_1329 = tpu.vector_load %arg7[%get3A_1327, %get3A_1328] {strides = array<i32>} : memref<16x640xf32, #tpu.memory_space<vmem>>, vector<16xf32>,
    %add3A_1330 = arith.addf %add3A_1325, %get3A_1329 : vector<16xf32>
    %get3A_1331 = arith.constant 6 : i32
    %get3A_1332 = arith.index_cast %get3A_1331 : i32 to index
    %get3A_1333 = arith.constant 256 : index
    %get3A_1334 = tpu.vector_load %arg7[%get3A_1332, %get3A_1333] {strides = array<i32>} : memref<16x640xf32, #tpu.memory_space<vmem>>, vector<16xf32>,
    %add3A_1335 = arith.addf %add3A_1330, %get3A_1334 : vector<16xf32>
    %get3A_1336 = arith.constant 7 : i32
    %get3A_1337 = arith.index_cast %get3A_1336 : i32 to index
    %get3A_1338 = arith.constant 256 : index
    %get3A_1339 = tpu.vector_load %arg7[%get3A_1337, %get3A_1338] {strides = array<i32>} : memref<16x640xf32, #tpu.memory_space<vmem>>, vector<16xf32>,
    %add3A_1340 = arith.addf %add3A_1335, %get3A_1339 : vector<16xf32>
    %get3A_1341 = arith.constant 8 : i32
    %get3A_1342 = arith.index_cast %get3A_1341 : i32 to index
    %get3A_1343 = arith.constant 256 : index
    %get3A_1344 = tpu.vector_load %arg7[%get3A_1342, %get3A_1343] {strides = array<i32>} : memref<16x640xf32, #tpu.memory_space<vmem>>, vector<16xf32>,
    %add3A_1345 = arith.addf %add3A_1340, %get3A_1344 : vector<16xf32>
    %get3A_1346 = arith.constant 9 : i32
    %get3A_1347 = arith.index_cast %get3A_1346 : i32 to index
    %get3A_1348 = arith.constant 256 : index
    %get3A_1349 = tpu.vector_load %arg7[%get3A_1347, %get3A_1348] {strides = array<i32>} : memref<16x640xf32, #tpu.memory_space<vmem>>, vector<16xf32>,
    %add3A_1350 = arith.addf %add3A_1345, %get3A_1349 : vector<16xf32>
    %get3A_1351 = arith.constant 10 : i32
    %get3A_1352 = arith.index_cast %get3A_1351 : i32 to index
    %get3A_1353 = arith.constant 256 : index
    %get3A_1354 = tpu.vector_load %arg7[%get3A_1352, %get3A_1353] {strides = array<i32>} : memref<16x640xf32, #tpu.memory_space<vmem>>, vector<16xf32>,
    %add3A_1355 = arith.addf %add3A_1350, %get3A_1354 : vector<16xf32>
    %get3A_1356 = arith.constant 11 : i32
    %get3A_1357 = arith.index_cast %get3A_1356 : i32 to index
    %get3A_1358 = arith.constant 256 : index
    %get3A_1359 = tpu.vector_load %arg7[%get3A_1357, %get3A_1358] {strides = array<i32>} : memref<16x640xf32, #tpu.memory_space<vmem>>, vector<16xf32>,
    %add3A_1360 = arith.addf %add3A_1355, %get3A_1359 : vector<16xf32>
    %get3A_1361 = arith.constant 12 : i32
    %get3A_1362 = arith.index_cast %get3A_1361 : i32 to index
    %get3A_1363 = arith.constant 256 : index
    %get3A_1364 = tpu.vector_load %arg7[%get3A_1362, %get3A_1363] {strides = array<i32>} : memref<16x640xf32, #tpu.memory_space<vmem>>, vector<16xf32>,
    %add3A_1365 = arith.addf %add3A_1360, %get3A_1364 : vector<16xf32>
    %get3A_1366 = arith.constant 13 : i32
    %get3A_1367 = arith.index_cast %get3A_1366 : i32 to index
    %get3A_1368 = arith.constant 256 : index
    %get3A_1369 = tpu.vector_load %arg7[%get3A_1367, %get3A_1368] {strides = array<i32>} : memref<16x640xf32, #tpu.memory_space<vmem>>, vector<16xf32>,
    %add3A_1370 = arith.addf %add3A_1365, %get3A_1369 : vector<16xf32>
    %get3A_1371 = arith.constant 14 : i32
    %get3A_1372 = arith.index_cast %get3A_1371 : i32 to index
    %get3A_1373 = arith.constant 256 : index
    %get3A_1374 = tpu.vector_load %arg7[%get3A_1372, %get3A_1373] {strides = array<i32>} : memref<16x640xf32, #tpu.memory_space<vmem>>, vector<16xf32>,
    %add3A_1375 = arith.addf %add3A_1370, %get3A_1374 : vector<16xf32>
    %get3A_1376 = arith.constant 15 : i32
    %get3A_1377 = arith.index_cast %get3A_1376 : i32 to index
    %get3A_1378 = arith.constant 256 : index
    %get3A_1379 = tpu.vector_load %arg7[%get3A_1377, %get3A_1378] {strides = array<i32>} : memref<16x640xf32, #tpu.memory_space<vmem>>, vector<16xf32>,
    %add3A_1380 = arith.addf %add3A_1375, %get3A_1379 : vector<16xf32>
    %swap3A_1381 = arith.constant 256 : index
    %swap3A_1382 = tpu.vector_load %arg8[%swap3A_1381] {strides = array<i32>} : memref<640xf32, #tpu.memory_space<vmem>>, vector<16xf32>,
    tpu.vector_store %arg8[%swap3A_1381], %add3A_1380 {strides = array<i32>} : memref<640xf32, #tpu.memory_space<vmem>>, vector<16xf32>,
    %get3A_1383 = arith.constant 0 : i32
    %get3A_1384 = arith.index_cast %get3A_1383 : i32 to index
    %get3A_1385 = arith.constant 272 : index
    %get3A_1386 = tpu.vector_load %arg7[%get3A_1384, %get3A_1385] {strides = array<i32>} : memref<16x640xf32, #tpu.memory_space<vmem>>, vector<16xf32>,
    %get3A_1387 = arith.constant 1 : i32
    %get3A_1388 = arith.index_cast %get3A_1387 : i32 to index
    %get3A_1389 = arith.constant 272 : index
    %get3A_1390 = tpu.vector_load %arg7[%get3A_1388, %get3A_1389] {strides = array<i32>} : memref<16x640xf32, #tpu.memory_space<vmem>>, vector<16xf32>,
    %add3A_1391 = arith.addf %get3A_1386, %get3A_1390 : vector<16xf32>
    %get3A_1392 = arith.constant 2 : i32
    %get3A_1393 = arith.index_cast %get3A_1392 : i32 to index
    %get3A_1394 = arith.constant 272 : index
    %get3A_1395 = tpu.vector_load %arg7[%get3A_1393, %get3A_1394] {strides = array<i32>} : memref<16x640xf32, #tpu.memory_space<vmem>>, vector<16xf32>,
    %add3A_1396 = arith.addf %add3A_1391, %get3A_1395 : vector<16xf32>
    %get3A_1397 = arith.constant 3 : i32
    %get3A_1398 = arith.index_cast %get3A_1397 : i32 to index
    %get3A_1399 = arith.constant 272 : index
    %get3A_1400 = tpu.vector_load %arg7[%get3A_1398, %get3A_1399] {strides = array<i32>} : memref<16x640xf32, #tpu.memory_space<vmem>>, vector<16xf32>,
    %add3A_1401 = arith.addf %add3A_1396, %get3A_1400 : vector<16xf32>
    %get3A_1402 = arith.constant 4 : i32
    %get3A_1403 = arith.index_cast %get3A_1402 : i32 to index
    %get3A_1404 = arith.constant 272 : index
    %get3A_1405 = tpu.vector_load %arg7[%get3A_1403, %get3A_1404] {strides = array<i32>} : memref<16x640xf32, #tpu.memory_space<vmem>>, vector<16xf32>,
    %add3A_1406 = arith.addf %add3A_1401, %get3A_1405 : vector<16xf32>
    %get3A_1407 = arith.constant 5 : i32
    %get3A_1408 = arith.index_cast %get3A_1407 : i32 to index
    %get3A_1409 = arith.constant 272 : index
    %get3A_1410 = tpu.vector_load %arg7[%get3A_1408, %get3A_1409] {strides = array<i32>} : memref<16x640xf32, #tpu.memory_space<vmem>>, vector<16xf32>,
    %add3A_1411 = arith.addf %add3A_1406, %get3A_1410 : vector<16xf32>
    %get3A_1412 = arith.constant 6 : i32
    %get3A_1413 = arith.index_cast %get3A_1412 : i32 to index
    %get3A_1414 = arith.constant 272 : index
    %get3A_1415 = tpu.vector_load %arg7[%get3A_1413, %get3A_1414] {strides = array<i32>} : memref<16x640xf32, #tpu.memory_space<vmem>>, vector<16xf32>,
    %add3A_1416 = arith.addf %add3A_1411, %get3A_1415 : vector<16xf32>
    %get3A_1417 = arith.constant 7 : i32
    %get3A_1418 = arith.index_cast %get3A_1417 : i32 to index
    %get3A_1419 = arith.constant 272 : index
    %get3A_1420 = tpu.vector_load %arg7[%get3A_1418, %get3A_1419] {strides = array<i32>} : memref<16x640xf32, #tpu.memory_space<vmem>>, vector<16xf32>,
    %add3A_1421 = arith.addf %add3A_1416, %get3A_1420 : vector<16xf32>
    %get3A_1422 = arith.constant 8 : i32
    %get3A_1423 = arith.index_cast %get3A_1422 : i32 to index
    %get3A_1424 = arith.constant 272 : index
    %get3A_1425 = tpu.vector_load %arg7[%get3A_1423, %get3A_1424] {strides = array<i32>} : memref<16x640xf32, #tpu.memory_space<vmem>>, vector<16xf32>,
    %add3A_1426 = arith.addf %add3A_1421, %get3A_1425 : vector<16xf32>
    %get3A_1427 = arith.constant 9 : i32
    %get3A_1428 = arith.index_cast %get3A_1427 : i32 to index
    %get3A_1429 = arith.constant 272 : index
    %get3A_1430 = tpu.vector_load %arg7[%get3A_1428, %get3A_1429] {strides = array<i32>} : memref<16x640xf32, #tpu.memory_space<vmem>>, vector<16xf32>,
    %add3A_1431 = arith.addf %add3A_1426, %get3A_1430 : vector<16xf32>
    %get3A_1432 = arith.constant 10 : i32
    %get3A_1433 = arith.index_cast %get3A_1432 : i32 to index
    %get3A_1434 = arith.constant 272 : index
    %get3A_1435 = tpu.vector_load %arg7[%get3A_1433, %get3A_1434] {strides = array<i32>} : memref<16x640xf32, #tpu.memory_space<vmem>>, vector<16xf32>,
    %add3A_1436 = arith.addf %add3A_1431, %get3A_1435 : vector<16xf32>
    %get3A_1437 = arith.constant 11 : i32
    %get3A_1438 = arith.index_cast %get3A_1437 : i32 to index
    %get3A_1439 = arith.constant 272 : index
    %get3A_1440 = tpu.vector_load %arg7[%get3A_1438, %get3A_1439] {strides = array<i32>} : memref<16x640xf32, #tpu.memory_space<vmem>>, vector<16xf32>,
    %add3A_1441 = arith.addf %add3A_1436, %get3A_1440 : vector<16xf32>
    %get3A_1442 = arith.constant 12 : i32
    %get3A_1443 = arith.index_cast %get3A_1442 : i32 to index
    %get3A_1444 = arith.constant 272 : index
    %get3A_1445 = tpu.vector_load %arg7[%get3A_1443, %get3A_1444] {strides = array<i32>} : memref<16x640xf32, #tpu.memory_space<vmem>>, vector<16xf32>,
    %add3A_1446 = arith.addf %add3A_1441, %get3A_1445 : vector<16xf32>
    %get3A_1447 = arith.constant 13 : i32
    %get3A_1448 = arith.index_cast %get3A_1447 : i32 to index
    %get3A_1449 = arith.constant 272 : index
    %get3A_1450 = tpu.vector_load %arg7[%get3A_1448, %get3A_1449] {strides = array<i32>} : memref<16x640xf32, #tpu.memory_space<vmem>>, vector<16xf32>,
    %add3A_1451 = arith.addf %add3A_1446, %get3A_1450 : vector<16xf32>
    %get3A_1452 = arith.constant 14 : i32
    %get3A_1453 = arith.index_cast %get3A_1452 : i32 to index
    %get3A_1454 = arith.constant 272 : index
    %get3A_1455 = tpu.vector_load %arg7[%get3A_1453, %get3A_1454] {strides = array<i32>} : memref<16x640xf32, #tpu.memory_space<vmem>>, vector<16xf32>,
    %add3A_1456 = arith.addf %add3A_1451, %get3A_1455 : vector<16xf32>
    %get3A_1457 = arith.constant 15 : i32
    %get3A_1458 = arith.index_cast %get3A_1457 : i32 to index
    %get3A_1459 = arith.constant 272 : index
    %get3A_1460 = tpu.vector_load %arg7[%get3A_1458, %get3A_1459] {strides = array<i32>} : memref<16x640xf32, #tpu.memory_space<vmem>>, vector<16xf32>,
    %add3A_1461 = arith.addf %add3A_1456, %get3A_1460 : vector<16xf32>
    %swap3A_1462 = arith.constant 272 : index
    %swap3A_1463 = tpu.vector_load %arg8[%swap3A_1462] {strides = array<i32>} : memref<640xf32, #tpu.memory_space<vmem>>, vector<16xf32>,
    tpu.vector_store %arg8[%swap3A_1462], %add3A_1461 {strides = array<i32>} : memref<640xf32, #tpu.memory_space<vmem>>, vector<16xf32>,
    %get3A_1464 = arith.constant 0 : i32
    %get3A_1465 = arith.index_cast %get3A_1464 : i32 to index
    %get3A_1466 = arith.constant 288 : index
    %get3A_1467 = tpu.vector_load %arg7[%get3A_1465, %get3A_1466] {strides = array<i32>} : memref<16x640xf32, #tpu.memory_space<vmem>>, vector<16xf32>,
    %get3A_1468 = arith.constant 1 : i32
    %get3A_1469 = arith.index_cast %get3A_1468 : i32 to index
    %get3A_1470 = arith.constant 288 : index
    %get3A_1471 = tpu.vector_load %arg7[%get3A_1469, %get3A_1470] {strides = array<i32>} : memref<16x640xf32, #tpu.memory_space<vmem>>, vector<16xf32>,
    %add3A_1472 = arith.addf %get3A_1467, %get3A_1471 : vector<16xf32>
    %get3A_1473 = arith.constant 2 : i32
    %get3A_1474 = arith.index_cast %get3A_1473 : i32 to index
    %get3A_1475 = arith.constant 288 : index
    %get3A_1476 = tpu.vector_load %arg7[%get3A_1474, %get3A_1475] {strides = array<i32>} : memref<16x640xf32, #tpu.memory_space<vmem>>, vector<16xf32>,
    %add3A_1477 = arith.addf %add3A_1472, %get3A_1476 : vector<16xf32>
    %get3A_1478 = arith.constant 3 : i32
    %get3A_1479 = arith.index_cast %get3A_1478 : i32 to index
    %get3A_1480 = arith.constant 288 : index
    %get3A_1481 = tpu.vector_load %arg7[%get3A_1479, %get3A_1480] {strides = array<i32>} : memref<16x640xf32, #tpu.memory_space<vmem>>, vector<16xf32>,
    %add3A_1482 = arith.addf %add3A_1477, %get3A_1481 : vector<16xf32>
    %get3A_1483 = arith.constant 4 : i32
    %get3A_1484 = arith.index_cast %get3A_1483 : i32 to index
    %get3A_1485 = arith.constant 288 : index
    %get3A_1486 = tpu.vector_load %arg7[%get3A_1484, %get3A_1485] {strides = array<i32>} : memref<16x640xf32, #tpu.memory_space<vmem>>, vector<16xf32>,
    %add3A_1487 = arith.addf %add3A_1482, %get3A_1486 : vector<16xf32>
    %get3A_1488 = arith.constant 5 : i32
    %get3A_1489 = arith.index_cast %get3A_1488 : i32 to index
    %get3A_1490 = arith.constant 288 : index
    %get3A_1491 = tpu.vector_load %arg7[%get3A_1489, %get3A_1490] {strides = array<i32>} : memref<16x640xf32, #tpu.memory_space<vmem>>, vector<16xf32>,
    %add3A_1492 = arith.addf %add3A_1487, %get3A_1491 : vector<16xf32>
    %get3A_1493 = arith.constant 6 : i32
    %get3A_1494 = arith.index_cast %get3A_1493 : i32 to index
    %get3A_1495 = arith.constant 288 : index
    %get3A_1496 = tpu.vector_load %arg7[%get3A_1494, %get3A_1495] {strides = array<i32>} : memref<16x640xf32, #tpu.memory_space<vmem>>, vector<16xf32>,
    %add3A_1497 = arith.addf %add3A_1492, %get3A_1496 : vector<16xf32>
    %get3A_1498 = arith.constant 7 : i32
    %get3A_1499 = arith.index_cast %get3A_1498 : i32 to index
    %get3A_1500 = arith.constant 288 : index
    %get3A_1501 = tpu.vector_load %arg7[%get3A_1499, %get3A_1500] {strides = array<i32>} : memref<16x640xf32, #tpu.memory_space<vmem>>, vector<16xf32>,
    %add3A_1502 = arith.addf %add3A_1497, %get3A_1501 : vector<16xf32>
    %get3A_1503 = arith.constant 8 : i32
    %get3A_1504 = arith.index_cast %get3A_1503 : i32 to index
    %get3A_1505 = arith.constant 288 : index
    %get3A_1506 = tpu.vector_load %arg7[%get3A_1504, %get3A_1505] {strides = array<i32>} : memref<16x640xf32, #tpu.memory_space<vmem>>, vector<16xf32>,
    %add3A_1507 = arith.addf %add3A_1502, %get3A_1506 : vector<16xf32>
    %get3A_1508 = arith.constant 9 : i32
    %get3A_1509 = arith.index_cast %get3A_1508 : i32 to index
    %get3A_1510 = arith.constant 288 : index
    %get3A_1511 = tpu.vector_load %arg7[%get3A_1509, %get3A_1510] {strides = array<i32>} : memref<16x640xf32, #tpu.memory_space<vmem>>, vector<16xf32>,
    %add3A_1512 = arith.addf %add3A_1507, %get3A_1511 : vector<16xf32>
    %get3A_1513 = arith.constant 10 : i32
    %get3A_1514 = arith.index_cast %get3A_1513 : i32 to index
    %get3A_1515 = arith.constant 288 : index
    %get3A_1516 = tpu.vector_load %arg7[%get3A_1514, %get3A_1515] {strides = array<i32>} : memref<16x640xf32, #tpu.memory_space<vmem>>, vector<16xf32>,
    %add3A_1517 = arith.addf %add3A_1512, %get3A_1516 : vector<16xf32>
    %get3A_1518 = arith.constant 11 : i32
    %get3A_1519 = arith.index_cast %get3A_1518 : i32 to index
    %get3A_1520 = arith.constant 288 : index
    %get3A_1521 = tpu.vector_load %arg7[%get3A_1519, %get3A_1520] {strides = array<i32>} : memref<16x640xf32, #tpu.memory_space<vmem>>, vector<16xf32>,
    %add3A_1522 = arith.addf %add3A_1517, %get3A_1521 : vector<16xf32>
    %get3A_1523 = arith.constant 12 : i32
    %get3A_1524 = arith.index_cast %get3A_1523 : i32 to index
    %get3A_1525 = arith.constant 288 : index
    %get3A_1526 = tpu.vector_load %arg7[%get3A_1524, %get3A_1525] {strides = array<i32>} : memref<16x640xf32, #tpu.memory_space<vmem>>, vector<16xf32>,
    %add3A_1527 = arith.addf %add3A_1522, %get3A_1526 : vector<16xf32>
    %get3A_1528 = arith.constant 13 : i32
    %get3A_1529 = arith.index_cast %get3A_1528 : i32 to index
    %get3A_1530 = arith.constant 288 : index
    %get3A_1531 = tpu.vector_load %arg7[%get3A_1529, %get3A_1530] {strides = array<i32>} : memref<16x640xf32, #tpu.memory_space<vmem>>, vector<16xf32>,
    %add3A_1532 = arith.addf %add3A_1527, %get3A_1531 : vector<16xf32>
    %get3A_1533 = arith.constant 14 : i32
    %get3A_1534 = arith.index_cast %get3A_1533 : i32 to index
    %get3A_1535 = arith.constant 288 : index
    %get3A_1536 = tpu.vector_load %arg7[%get3A_1534, %get3A_1535] {strides = array<i32>} : memref<16x640xf32, #tpu.memory_space<vmem>>, vector<16xf32>,
    %add3A_1537 = arith.addf %add3A_1532, %get3A_1536 : vector<16xf32>
    %get3A_1538 = arith.constant 15 : i32
    %get3A_1539 = arith.index_cast %get3A_1538 : i32 to index
    %get3A_1540 = arith.constant 288 : index
    %get3A_1541 = tpu.vector_load %arg7[%get3A_1539, %get3A_1540] {strides = array<i32>} : memref<16x640xf32, #tpu.memory_space<vmem>>, vector<16xf32>,
    %add3A_1542 = arith.addf %add3A_1537, %get3A_1541 : vector<16xf32>
    %swap3A_1543 = arith.constant 288 : index
    %swap3A_1544 = tpu.vector_load %arg8[%swap3A_1543] {strides = array<i32>} : memref<640xf32, #tpu.memory_space<vmem>>, vector<16xf32>,
    tpu.vector_store %arg8[%swap3A_1543], %add3A_1542 {strides = array<i32>} : memref<640xf32, #tpu.memory_space<vmem>>, vector<16xf32>,
    %get3A_1545 = arith.constant 0 : i32
    %get3A_1546 = arith.index_cast %get3A_1545 : i32 to index
    %get3A_1547 = arith.constant 304 : index
    %get3A_1548 = tpu.vector_load %arg7[%get3A_1546, %get3A_1547] {strides = array<i32>} : memref<16x640xf32, #tpu.memory_space<vmem>>, vector<16xf32>,
    %get3A_1549 = arith.constant 1 : i32
    %get3A_1550 = arith.index_cast %get3A_1549 : i32 to index
    %get3A_1551 = arith.constant 304 : index
    %get3A_1552 = tpu.vector_load %arg7[%get3A_1550, %get3A_1551] {strides = array<i32>} : memref<16x640xf32, #tpu.memory_space<vmem>>, vector<16xf32>,
    %add3A_1553 = arith.addf %get3A_1548, %get3A_1552 : vector<16xf32>
    %get3A_1554 = arith.constant 2 : i32
    %get3A_1555 = arith.index_cast %get3A_1554 : i32 to index
    %get3A_1556 = arith.constant 304 : index
    %get3A_1557 = tpu.vector_load %arg7[%get3A_1555, %get3A_1556] {strides = array<i32>} : memref<16x640xf32, #tpu.memory_space<vmem>>, vector<16xf32>,
    %add3A_1558 = arith.addf %add3A_1553, %get3A_1557 : vector<16xf32>
    %get3A_1559 = arith.constant 3 : i32
    %get3A_1560 = arith.index_cast %get3A_1559 : i32 to index
    %get3A_1561 = arith.constant 304 : index
    %get3A_1562 = tpu.vector_load %arg7[%get3A_1560, %get3A_1561] {strides = array<i32>} : memref<16x640xf32, #tpu.memory_space<vmem>>, vector<16xf32>,
    %add3A_1563 = arith.addf %add3A_1558, %get3A_1562 : vector<16xf32>
    %get3A_1564 = arith.constant 4 : i32
    %get3A_1565 = arith.index_cast %get3A_1564 : i32 to index
    %get3A_1566 = arith.constant 304 : index
    %get3A_1567 = tpu.vector_load %arg7[%get3A_1565, %get3A_1566] {strides = array<i32>} : memref<16x640xf32, #tpu.memory_space<vmem>>, vector<16xf32>,
    %add3A_1568 = arith.addf %add3A_1563, %get3A_1567 : vector<16xf32>
    %get3A_1569 = arith.constant 5 : i32
    %get3A_1570 = arith.index_cast %get3A_1569 : i32 to index
    %get3A_1571 = arith.constant 304 : index
    %get3A_1572 = tpu.vector_load %arg7[%get3A_1570, %get3A_1571] {strides = array<i32>} : memref<16x640xf32, #tpu.memory_space<vmem>>, vector<16xf32>,
    %add3A_1573 = arith.addf %add3A_1568, %get3A_1572 : vector<16xf32>
    %get3A_1574 = arith.constant 6 : i32
    %get3A_1575 = arith.index_cast %get3A_1574 : i32 to index
    %get3A_1576 = arith.constant 304 : index
    %get3A_1577 = tpu.vector_load %arg7[%get3A_1575, %get3A_1576] {strides = array<i32>} : memref<16x640xf32, #tpu.memory_space<vmem>>, vector<16xf32>,
    %add3A_1578 = arith.addf %add3A_1573, %get3A_1577 : vector<16xf32>
    %get3A_1579 = arith.constant 7 : i32
    %get3A_1580 = arith.index_cast %get3A_1579 : i32 to index
    %get3A_1581 = arith.constant 304 : index
    %get3A_1582 = tpu.vector_load %arg7[%get3A_1580, %get3A_1581] {strides = array<i32>} : memref<16x640xf32, #tpu.memory_space<vmem>>, vector<16xf32>,
    %add3A_1583 = arith.addf %add3A_1578, %get3A_1582 : vector<16xf32>
    %get3A_1584 = arith.constant 8 : i32
    %get3A_1585 = arith.index_cast %get3A_1584 : i32 to index
    %get3A_1586 = arith.constant 304 : index
    %get3A_1587 = tpu.vector_load %arg7[%get3A_1585, %get3A_1586] {strides = array<i32>} : memref<16x640xf32, #tpu.memory_space<vmem>>, vector<16xf32>,
    %add3A_1588 = arith.addf %add3A_1583, %get3A_1587 : vector<16xf32>
    %get3A_1589 = arith.constant 9 : i32
    %get3A_1590 = arith.index_cast %get3A_1589 : i32 to index
    %get3A_1591 = arith.constant 304 : index
    %get3A_1592 = tpu.vector_load %arg7[%get3A_1590, %get3A_1591] {strides = array<i32>} : memref<16x640xf32, #tpu.memory_space<vmem>>, vector<16xf32>,
    %add3A_1593 = arith.addf %add3A_1588, %get3A_1592 : vector<16xf32>
    %get3A_1594 = arith.constant 10 : i32
    %get3A_1595 = arith.index_cast %get3A_1594 : i32 to index
    %get3A_1596 = arith.constant 304 : index
    %get3A_1597 = tpu.vector_load %arg7[%get3A_1595, %get3A_1596] {strides = array<i32>} : memref<16x640xf32, #tpu.memory_space<vmem>>, vector<16xf32>,
    %add3A_1598 = arith.addf %add3A_1593, %get3A_1597 : vector<16xf32>
    %get3A_1599 = arith.constant 11 : i32
    %get3A_1600 = arith.index_cast %get3A_1599 : i32 to index
    %get3A_1601 = arith.constant 304 : index
    %get3A_1602 = tpu.vector_load %arg7[%get3A_1600, %get3A_1601] {strides = array<i32>} : memref<16x640xf32, #tpu.memory_space<vmem>>, vector<16xf32>,
    %add3A_1603 = arith.addf %add3A_1598, %get3A_1602 : vector<16xf32>
    %get3A_1604 = arith.constant 12 : i32
    %get3A_1605 = arith.index_cast %get3A_1604 : i32 to index
    %get3A_1606 = arith.constant 304 : index
    %get3A_1607 = tpu.vector_load %arg7[%get3A_1605, %get3A_1606] {strides = array<i32>} : memref<16x640xf32, #tpu.memory_space<vmem>>, vector<16xf32>,
    %add3A_1608 = arith.addf %add3A_1603, %get3A_1607 : vector<16xf32>
    %get3A_1609 = arith.constant 13 : i32
    %get3A_1610 = arith.index_cast %get3A_1609 : i32 to index
    %get3A_1611 = arith.constant 304 : index
    %get3A_1612 = tpu.vector_load %arg7[%get3A_1610, %get3A_1611] {strides = array<i32>} : memref<16x640xf32, #tpu.memory_space<vmem>>, vector<16xf32>,
    %add3A_1613 = arith.addf %add3A_1608, %get3A_1612 : vector<16xf32>
    %get3A_1614 = arith.constant 14 : i32
    %get3A_1615 = arith.index_cast %get3A_1614 : i32 to index
    %get3A_1616 = arith.constant 304 : index
    %get3A_1617 = tpu.vector_load %arg7[%get3A_1615, %get3A_1616] {strides = array<i32>} : memref<16x640xf32, #tpu.memory_space<vmem>>, vector<16xf32>,
    %add3A_1618 = arith.addf %add3A_1613, %get3A_1617 : vector<16xf32>
    %get3A_1619 = arith.constant 15 : i32
    %get3A_1620 = arith.index_cast %get3A_1619 : i32 to index
    %get3A_1621 = arith.constant 304 : index
    %get3A_1622 = tpu.vector_load %arg7[%get3A_1620, %get3A_1621] {strides = array<i32>} : memref<16x640xf32, #tpu.memory_space<vmem>>, vector<16xf32>,
    %add3A_1623 = arith.addf %add3A_1618, %get3A_1622 : vector<16xf32>
    %swap3A_1624 = arith.constant 304 : index
    %swap3A_1625 = tpu.vector_load %arg8[%swap3A_1624] {strides = array<i32>} : memref<640xf32, #tpu.memory_space<vmem>>, vector<16xf32>,
    tpu.vector_store %arg8[%swap3A_1624], %add3A_1623 {strides = array<i32>} : memref<640xf32, #tpu.memory_space<vmem>>, vector<16xf32>,
    %get3A_1626 = arith.constant 0 : i32
    %get3A_1627 = arith.index_cast %get3A_1626 : i32 to index
    %get3A_1628 = arith.constant 320 : index
    %get3A_1629 = tpu.vector_load %arg7[%get3A_1627, %get3A_1628] {strides = array<i32>} : memref<16x640xf32, #tpu.memory_space<vmem>>, vector<16xf32>,
    %get3A_1630 = arith.constant 1 : i32
    %get3A_1631 = arith.index_cast %get3A_1630 : i32 to index
    %get3A_1632 = arith.constant 320 : index
    %get3A_1633 = tpu.vector_load %arg7[%get3A_1631, %get3A_1632] {strides = array<i32>} : memref<16x640xf32, #tpu.memory_space<vmem>>, vector<16xf32>,
    %add3A_1634 = arith.addf %get3A_1629, %get3A_1633 : vector<16xf32>
    %get3A_1635 = arith.constant 2 : i32
    %get3A_1636 = arith.index_cast %get3A_1635 : i32 to index
    %get3A_1637 = arith.constant 320 : index
    %get3A_1638 = tpu.vector_load %arg7[%get3A_1636, %get3A_1637] {strides = array<i32>} : memref<16x640xf32, #tpu.memory_space<vmem>>, vector<16xf32>,
    %add3A_1639 = arith.addf %add3A_1634, %get3A_1638 : vector<16xf32>
    %get3A_1640 = arith.constant 3 : i32
    %get3A_1641 = arith.index_cast %get3A_1640 : i32 to index
    %get3A_1642 = arith.constant 320 : index
    %get3A_1643 = tpu.vector_load %arg7[%get3A_1641, %get3A_1642] {strides = array<i32>} : memref<16x640xf32, #tpu.memory_space<vmem>>, vector<16xf32>,
    %add3A_1644 = arith.addf %add3A_1639, %get3A_1643 : vector<16xf32>
    %get3A_1645 = arith.constant 4 : i32
    %get3A_1646 = arith.index_cast %get3A_1645 : i32 to index
    %get3A_1647 = arith.constant 320 : index
    %get3A_1648 = tpu.vector_load %arg7[%get3A_1646, %get3A_1647] {strides = array<i32>} : memref<16x640xf32, #tpu.memory_space<vmem>>, vector<16xf32>,
    %add3A_1649 = arith.addf %add3A_1644, %get3A_1648 : vector<16xf32>
    %get3A_1650 = arith.constant 5 : i32
    %get3A_1651 = arith.index_cast %get3A_1650 : i32 to index
    %get3A_1652 = arith.constant 320 : index
    %get3A_1653 = tpu.vector_load %arg7[%get3A_1651, %get3A_1652] {strides = array<i32>} : memref<16x640xf32, #tpu.memory_space<vmem>>, vector<16xf32>,
    %add3A_1654 = arith.addf %add3A_1649, %get3A_1653 : vector<16xf32>
    %get3A_1655 = arith.constant 6 : i32
    %get3A_1656 = arith.index_cast %get3A_1655 : i32 to index
    %get3A_1657 = arith.constant 320 : index
    %get3A_1658 = tpu.vector_load %arg7[%get3A_1656, %get3A_1657] {strides = array<i32>} : memref<16x640xf32, #tpu.memory_space<vmem>>, vector<16xf32>,
    %add3A_1659 = arith.addf %add3A_1654, %get3A_1658 : vector<16xf32>
    %get3A_1660 = arith.constant 7 : i32
    %get3A_1661 = arith.index_cast %get3A_1660 : i32 to index
    %get3A_1662 = arith.constant 320 : index
    %get3A_1663 = tpu.vector_load %arg7[%get3A_1661, %get3A_1662] {strides = array<i32>} : memref<16x640xf32, #tpu.memory_space<vmem>>, vector<16xf32>,
    %add3A_1664 = arith.addf %add3A_1659, %get3A_1663 : vector<16xf32>
    %get3A_1665 = arith.constant 8 : i32
    %get3A_1666 = arith.index_cast %get3A_1665 : i32 to index
    %get3A_1667 = arith.constant 320 : index
    %get3A_1668 = tpu.vector_load %arg7[%get3A_1666, %get3A_1667] {strides = array<i32>} : memref<16x640xf32, #tpu.memory_space<vmem>>, vector<16xf32>,
    %add3A_1669 = arith.addf %add3A_1664, %get3A_1668 : vector<16xf32>
    %get3A_1670 = arith.constant 9 : i32
    %get3A_1671 = arith.index_cast %get3A_1670 : i32 to index
    %get3A_1672 = arith.constant 320 : index
    %get3A_1673 = tpu.vector_load %arg7[%get3A_1671, %get3A_1672] {strides = array<i32>} : memref<16x640xf32, #tpu.memory_space<vmem>>, vector<16xf32>,
    %add3A_1674 = arith.addf %add3A_1669, %get3A_1673 : vector<16xf32>
    %get3A_1675 = arith.constant 10 : i32
    %get3A_1676 = arith.index_cast %get3A_1675 : i32 to index
    %get3A_1677 = arith.constant 320 : index
    %get3A_1678 = tpu.vector_load %arg7[%get3A_1676, %get3A_1677] {strides = array<i32>} : memref<16x640xf32, #tpu.memory_space<vmem>>, vector<16xf32>,
    %add3A_1679 = arith.addf %add3A_1674, %get3A_1678 : vector<16xf32>
    %get3A_1680 = arith.constant 11 : i32
    %get3A_1681 = arith.index_cast %get3A_1680 : i32 to index
    %get3A_1682 = arith.constant 320 : index
    %get3A_1683 = tpu.vector_load %arg7[%get3A_1681, %get3A_1682] {strides = array<i32>} : memref<16x640xf32, #tpu.memory_space<vmem>>, vector<16xf32>,
    %add3A_1684 = arith.addf %add3A_1679, %get3A_1683 : vector<16xf32>
    %get3A_1685 = arith.constant 12 : i32
    %get3A_1686 = arith.index_cast %get3A_1685 : i32 to index
    %get3A_1687 = arith.constant 320 : index
    %get3A_1688 = tpu.vector_load %arg7[%get3A_1686, %get3A_1687] {strides = array<i32>} : memref<16x640xf32, #tpu.memory_space<vmem>>, vector<16xf32>,
    %add3A_1689 = arith.addf %add3A_1684, %get3A_1688 : vector<16xf32>
    %get3A_1690 = arith.constant 13 : i32
    %get3A_1691 = arith.index_cast %get3A_1690 : i32 to index
    %get3A_1692 = arith.constant 320 : index
    %get3A_1693 = tpu.vector_load %arg7[%get3A_1691, %get3A_1692] {strides = array<i32>} : memref<16x640xf32, #tpu.memory_space<vmem>>, vector<16xf32>,
    %add3A_1694 = arith.addf %add3A_1689, %get3A_1693 : vector<16xf32>
    %get3A_1695 = arith.constant 14 : i32
    %get3A_1696 = arith.index_cast %get3A_1695 : i32 to index
    %get3A_1697 = arith.constant 320 : index
    %get3A_1698 = tpu.vector_load %arg7[%get3A_1696, %get3A_1697] {strides = array<i32>} : memref<16x640xf32, #tpu.memory_space<vmem>>, vector<16xf32>,
    %add3A_1699 = arith.addf %add3A_1694, %get3A_1698 : vector<16xf32>
    %get3A_1700 = arith.constant 15 : i32
    %get3A_1701 = arith.index_cast %get3A_1700 : i32 to index
    %get3A_1702 = arith.constant 320 : index
    %get3A_1703 = tpu.vector_load %arg7[%get3A_1701, %get3A_1702] {strides = array<i32>} : memref<16x640xf32, #tpu.memory_space<vmem>>, vector<16xf32>,
    %add3A_1704 = arith.addf %add3A_1699, %get3A_1703 : vector<16xf32>
    %swap3A_1705 = arith.constant 320 : index
    %swap3A_1706 = tpu.vector_load %arg8[%swap3A_1705] {strides = array<i32>} : memref<640xf32, #tpu.memory_space<vmem>>, vector<16xf32>,
    tpu.vector_store %arg8[%swap3A_1705], %add3A_1704 {strides = array<i32>} : memref<640xf32, #tpu.memory_space<vmem>>, vector<16xf32>,
    %get3A_1707 = arith.constant 0 : i32
    %get3A_1708 = arith.index_cast %get3A_1707 : i32 to index
    %get3A_1709 = arith.constant 336 : index
    %get3A_1710 = tpu.vector_load %arg7[%get3A_1708, %get3A_1709] {strides = array<i32>} : memref<16x640xf32, #tpu.memory_space<vmem>>, vector<16xf32>,
    %get3A_1711 = arith.constant 1 : i32
    %get3A_1712 = arith.index_cast %get3A_1711 : i32 to index
    %get3A_1713 = arith.constant 336 : index
    %get3A_1714 = tpu.vector_load %arg7[%get3A_1712, %get3A_1713] {strides = array<i32>} : memref<16x640xf32, #tpu.memory_space<vmem>>, vector<16xf32>,
    %add3A_1715 = arith.addf %get3A_1710, %get3A_1714 : vector<16xf32>
    %get3A_1716 = arith.constant 2 : i32
    %get3A_1717 = arith.index_cast %get3A_1716 : i32 to index
    %get3A_1718 = arith.constant 336 : index
    %get3A_1719 = tpu.vector_load %arg7[%get3A_1717, %get3A_1718] {strides = array<i32>} : memref<16x640xf32, #tpu.memory_space<vmem>>, vector<16xf32>,
    %add3A_1720 = arith.addf %add3A_1715, %get3A_1719 : vector<16xf32>
    %get3A_1721 = arith.constant 3 : i32
    %get3A_1722 = arith.index_cast %get3A_1721 : i32 to index
    %get3A_1723 = arith.constant 336 : index
    %get3A_1724 = tpu.vector_load %arg7[%get3A_1722, %get3A_1723] {strides = array<i32>} : memref<16x640xf32, #tpu.memory_space<vmem>>, vector<16xf32>,
    %add3A_1725 = arith.addf %add3A_1720, %get3A_1724 : vector<16xf32>
    %get3A_1726 = arith.constant 4 : i32
    %get3A_1727 = arith.index_cast %get3A_1726 : i32 to index
    %get3A_1728 = arith.constant 336 : index
    %get3A_1729 = tpu.vector_load %arg7[%get3A_1727, %get3A_1728] {strides = array<i32>} : memref<16x640xf32, #tpu.memory_space<vmem>>, vector<16xf32>,
    %add3A_1730 = arith.addf %add3A_1725, %get3A_1729 : vector<16xf32>
    %get3A_1731 = arith.constant 5 : i32
    %get3A_1732 = arith.index_cast %get3A_1731 : i32 to index
    %get3A_1733 = arith.constant 336 : index
    %get3A_1734 = tpu.vector_load %arg7[%get3A_1732, %get3A_1733] {strides = array<i32>} : memref<16x640xf32, #tpu.memory_space<vmem>>, vector<16xf32>,
    %add3A_1735 = arith.addf %add3A_1730, %get3A_1734 : vector<16xf32>
    %get3A_1736 = arith.constant 6 : i32
    %get3A_1737 = arith.index_cast %get3A_1736 : i32 to index
    %get3A_1738 = arith.constant 336 : index
    %get3A_1739 = tpu.vector_load %arg7[%get3A_1737, %get3A_1738] {strides = array<i32>} : memref<16x640xf32, #tpu.memory_space<vmem>>, vector<16xf32>,
    %add3A_1740 = arith.addf %add3A_1735, %get3A_1739 : vector<16xf32>
    %get3A_1741 = arith.constant 7 : i32
    %get3A_1742 = arith.index_cast %get3A_1741 : i32 to index
    %get3A_1743 = arith.constant 336 : index
    %get3A_1744 = tpu.vector_load %arg7[%get3A_1742, %get3A_1743] {strides = array<i32>} : memref<16x640xf32, #tpu.memory_space<vmem>>, vector<16xf32>,
    %add3A_1745 = arith.addf %add3A_1740, %get3A_1744 : vector<16xf32>
    %get3A_1746 = arith.constant 8 : i32
    %get3A_1747 = arith.index_cast %get3A_1746 : i32 to index
    %get3A_1748 = arith.constant 336 : index
    %get3A_1749 = tpu.vector_load %arg7[%get3A_1747, %get3A_1748] {strides = array<i32>} : memref<16x640xf32, #tpu.memory_space<vmem>>, vector<16xf32>,
    %add3A_1750 = arith.addf %add3A_1745, %get3A_1749 : vector<16xf32>
    %get3A_1751 = arith.constant 9 : i32
    %get3A_1752 = arith.index_cast %get3A_1751 : i32 to index
    %get3A_1753 = arith.constant 336 : index
    %get3A_1754 = tpu.vector_load %arg7[%get3A_1752, %get3A_1753] {strides = array<i32>} : memref<16x640xf32, #tpu.memory_space<vmem>>, vector<16xf32>,
    %add3A_1755 = arith.addf %add3A_1750, %get3A_1754 : vector<16xf32>
    %get3A_1756 = arith.constant 10 : i32
    %get3A_1757 = arith.index_cast %get3A_1756 : i32 to index
    %get3A_1758 = arith.constant 336 : index
    %get3A_1759 = tpu.vector_load %arg7[%get3A_1757, %get3A_1758] {strides = array<i32>} : memref<16x640xf32, #tpu.memory_space<vmem>>, vector<16xf32>,
    %add3A_1760 = arith.addf %add3A_1755, %get3A_1759 : vector<16xf32>
    %get3A_1761 = arith.constant 11 : i32
    %get3A_1762 = arith.index_cast %get3A_1761 : i32 to index
    %get3A_1763 = arith.constant 336 : index
    %get3A_1764 = tpu.vector_load %arg7[%get3A_1762, %get3A_1763] {strides = array<i32>} : memref<16x640xf32, #tpu.memory_space<vmem>>, vector<16xf32>,
    %add3A_1765 = arith.addf %add3A_1760, %get3A_1764 : vector<16xf32>
    %get3A_1766 = arith.constant 12 : i32
    %get3A_1767 = arith.index_cast %get3A_1766 : i32 to index
    %get3A_1768 = arith.constant 336 : index
    %get3A_1769 = tpu.vector_load %arg7[%get3A_1767, %get3A_1768] {strides = array<i32>} : memref<16x640xf32, #tpu.memory_space<vmem>>, vector<16xf32>,
    %add3A_1770 = arith.addf %add3A_1765, %get3A_1769 : vector<16xf32>
    %get3A_1771 = arith.constant 13 : i32
    %get3A_1772 = arith.index_cast %get3A_1771 : i32 to index
    %get3A_1773 = arith.constant 336 : index
    %get3A_1774 = tpu.vector_load %arg7[%get3A_1772, %get3A_1773] {strides = array<i32>} : memref<16x640xf32, #tpu.memory_space<vmem>>, vector<16xf32>,
    %add3A_1775 = arith.addf %add3A_1770, %get3A_1774 : vector<16xf32>
    %get3A_1776 = arith.constant 14 : i32
    %get3A_1777 = arith.index_cast %get3A_1776 : i32 to index
    %get3A_1778 = arith.constant 336 : index
    %get3A_1779 = tpu.vector_load %arg7[%get3A_1777, %get3A_1778] {strides = array<i32>} : memref<16x640xf32, #tpu.memory_space<vmem>>, vector<16xf32>,
    %add3A_1780 = arith.addf %add3A_1775, %get3A_1779 : vector<16xf32>
    %get3A_1781 = arith.constant 15 : i32
    %get3A_1782 = arith.index_cast %get3A_1781 : i32 to index
    %get3A_1783 = arith.constant 336 : index
    %get3A_1784 = tpu.vector_load %arg7[%get3A_1782, %get3A_1783] {strides = array<i32>} : memref<16x640xf32, #tpu.memory_space<vmem>>, vector<16xf32>,
    %add3A_1785 = arith.addf %add3A_1780, %get3A_1784 : vector<16xf32>
    %swap3A_1786 = arith.constant 336 : index
    %swap3A_1787 = tpu.vector_load %arg8[%swap3A_1786] {strides = array<i32>} : memref<640xf32, #tpu.memory_space<vmem>>, vector<16xf32>,
    tpu.vector_store %arg8[%swap3A_1786], %add3A_1785 {strides = array<i32>} : memref<640xf32, #tpu.memory_space<vmem>>, vector<16xf32>,
    %get3A_1788 = arith.constant 0 : i32
    %get3A_1789 = arith.index_cast %get3A_1788 : i32 to index
    %get3A_1790 = arith.constant 352 : index
    %get3A_1791 = tpu.vector_load %arg7[%get3A_1789, %get3A_1790] {strides = array<i32>} : memref<16x640xf32, #tpu.memory_space<vmem>>, vector<16xf32>,
    %get3A_1792 = arith.constant 1 : i32
    %get3A_1793 = arith.index_cast %get3A_1792 : i32 to index
    %get3A_1794 = arith.constant 352 : index
    %get3A_1795 = tpu.vector_load %arg7[%get3A_1793, %get3A_1794] {strides = array<i32>} : memref<16x640xf32, #tpu.memory_space<vmem>>, vector<16xf32>,
    %add3A_1796 = arith.addf %get3A_1791, %get3A_1795 : vector<16xf32>
    %get3A_1797 = arith.constant 2 : i32
    %get3A_1798 = arith.index_cast %get3A_1797 : i32 to index
    %get3A_1799 = arith.constant 352 : index
    %get3A_1800 = tpu.vector_load %arg7[%get3A_1798, %get3A_1799] {strides = array<i32>} : memref<16x640xf32, #tpu.memory_space<vmem>>, vector<16xf32>,
    %add3A_1801 = arith.addf %add3A_1796, %get3A_1800 : vector<16xf32>
    %get3A_1802 = arith.constant 3 : i32
    %get3A_1803 = arith.index_cast %get3A_1802 : i32 to index
    %get3A_1804 = arith.constant 352 : index
    %get3A_1805 = tpu.vector_load %arg7[%get3A_1803, %get3A_1804] {strides = array<i32>} : memref<16x640xf32, #tpu.memory_space<vmem>>, vector<16xf32>,
    %add3A_1806 = arith.addf %add3A_1801, %get3A_1805 : vector<16xf32>
    %get3A_1807 = arith.constant 4 : i32
    %get3A_1808 = arith.index_cast %get3A_1807 : i32 to index
    %get3A_1809 = arith.constant 352 : index
    %get3A_1810 = tpu.vector_load %arg7[%get3A_1808, %get3A_1809] {strides = array<i32>} : memref<16x640xf32, #tpu.memory_space<vmem>>, vector<16xf32>,
    %add3A_1811 = arith.addf %add3A_1806, %get3A_1810 : vector<16xf32>
    %get3A_1812 = arith.constant 5 : i32
    %get3A_1813 = arith.index_cast %get3A_1812 : i32 to index
    %get3A_1814 = arith.constant 352 : index
    %get3A_1815 = tpu.vector_load %arg7[%get3A_1813, %get3A_1814] {strides = array<i32>} : memref<16x640xf32, #tpu.memory_space<vmem>>, vector<16xf32>,
    %add3A_1816 = arith.addf %add3A_1811, %get3A_1815 : vector<16xf32>
    %get3A_1817 = arith.constant 6 : i32
    %get3A_1818 = arith.index_cast %get3A_1817 : i32 to index
    %get3A_1819 = arith.constant 352 : index
    %get3A_1820 = tpu.vector_load %arg7[%get3A_1818, %get3A_1819] {strides = array<i32>} : memref<16x640xf32, #tpu.memory_space<vmem>>, vector<16xf32>,
    %add3A_1821 = arith.addf %add3A_1816, %get3A_1820 : vector<16xf32>
    %get3A_1822 = arith.constant 7 : i32
    %get3A_1823 = arith.index_cast %get3A_1822 : i32 to index
    %get3A_1824 = arith.constant 352 : index
    %get3A_1825 = tpu.vector_load %arg7[%get3A_1823, %get3A_1824] {strides = array<i32>} : memref<16x640xf32, #tpu.memory_space<vmem>>, vector<16xf32>,
    %add3A_1826 = arith.addf %add3A_1821, %get3A_1825 : vector<16xf32>
    %get3A_1827 = arith.constant 8 : i32
    %get3A_1828 = arith.index_cast %get3A_1827 : i32 to index
    %get3A_1829 = arith.constant 352 : index
    %get3A_1830 = tpu.vector_load %arg7[%get3A_1828, %get3A_1829] {strides = array<i32>} : memref<16x640xf32, #tpu.memory_space<vmem>>, vector<16xf32>,
    %add3A_1831 = arith.addf %add3A_1826, %get3A_1830 : vector<16xf32>
    %get3A_1832 = arith.constant 9 : i32
    %get3A_1833 = arith.index_cast %get3A_1832 : i32 to index
    %get3A_1834 = arith.constant 352 : index
    %get3A_1835 = tpu.vector_load %arg7[%get3A_1833, %get3A_1834] {strides = array<i32>} : memref<16x640xf32, #tpu.memory_space<vmem>>, vector<16xf32>,
    %add3A_1836 = arith.addf %add3A_1831, %get3A_1835 : vector<16xf32>
    %get3A_1837 = arith.constant 10 : i32
    %get3A_1838 = arith.index_cast %get3A_1837 : i32 to index
    %get3A_1839 = arith.constant 352 : index
    %get3A_1840 = tpu.vector_load %arg7[%get3A_1838, %get3A_1839] {strides = array<i32>} : memref<16x640xf32, #tpu.memory_space<vmem>>, vector<16xf32>,
    %add3A_1841 = arith.addf %add3A_1836, %get3A_1840 : vector<16xf32>
    %get3A_1842 = arith.constant 11 : i32
    %get3A_1843 = arith.index_cast %get3A_1842 : i32 to index
    %get3A_1844 = arith.constant 352 : index
    %get3A_1845 = tpu.vector_load %arg7[%get3A_1843, %get3A_1844] {strides = array<i32>} : memref<16x640xf32, #tpu.memory_space<vmem>>, vector<16xf32>,
    %add3A_1846 = arith.addf %add3A_1841, %get3A_1845 : vector<16xf32>
    %get3A_1847 = arith.constant 12 : i32
    %get3A_1848 = arith.index_cast %get3A_1847 : i32 to index
    %get3A_1849 = arith.constant 352 : index
    %get3A_1850 = tpu.vector_load %arg7[%get3A_1848, %get3A_1849] {strides = array<i32>} : memref<16x640xf32, #tpu.memory_space<vmem>>, vector<16xf32>,
    %add3A_1851 = arith.addf %add3A_1846, %get3A_1850 : vector<16xf32>
    %get3A_1852 = arith.constant 13 : i32
    %get3A_1853 = arith.index_cast %get3A_1852 : i32 to index
    %get3A_1854 = arith.constant 352 : index
    %get3A_1855 = tpu.vector_load %arg7[%get3A_1853, %get3A_1854] {strides = array<i32>} : memref<16x640xf32, #tpu.memory_space<vmem>>, vector<16xf32>,
    %add3A_1856 = arith.addf %add3A_1851, %get3A_1855 : vector<16xf32>
    %get3A_1857 = arith.constant 14 : i32
    %get3A_1858 = arith.index_cast %get3A_1857 : i32 to index
    %get3A_1859 = arith.constant 352 : index
    %get3A_1860 = tpu.vector_load %arg7[%get3A_1858, %get3A_1859] {strides = array<i32>} : memref<16x640xf32, #tpu.memory_space<vmem>>, vector<16xf32>,
    %add3A_1861 = arith.addf %add3A_1856, %get3A_1860 : vector<16xf32>
    %get3A_1862 = arith.constant 15 : i32
    %get3A_1863 = arith.index_cast %get3A_1862 : i32 to index
    %get3A_1864 = arith.constant 352 : index
    %get3A_1865 = tpu.vector_load %arg7[%get3A_1863, %get3A_1864] {strides = array<i32>} : memref<16x640xf32, #tpu.memory_space<vmem>>, vector<16xf32>,
    %add3A_1866 = arith.addf %add3A_1861, %get3A_1865 : vector<16xf32>
    %swap3A_1867 = arith.constant 352 : index
    %swap3A_1868 = tpu.vector_load %arg8[%swap3A_1867] {strides = array<i32>} : memref<640xf32, #tpu.memory_space<vmem>>, vector<16xf32>,
    tpu.vector_store %arg8[%swap3A_1867], %add3A_1866 {strides = array<i32>} : memref<640xf32, #tpu.memory_space<vmem>>, vector<16xf32>,
    %get3A_1869 = arith.constant 0 : i32
    %get3A_1870 = arith.index_cast %get3A_1869 : i32 to index
    %get3A_1871 = arith.constant 368 : index
    %get3A_1872 = tpu.vector_load %arg7[%get3A_1870, %get3A_1871] {strides = array<i32>} : memref<16x640xf32, #tpu.memory_space<vmem>>, vector<16xf32>,
    %get3A_1873 = arith.constant 1 : i32
    %get3A_1874 = arith.index_cast %get3A_1873 : i32 to index
    %get3A_1875 = arith.constant 368 : index
    %get3A_1876 = tpu.vector_load %arg7[%get3A_1874, %get3A_1875] {strides = array<i32>} : memref<16x640xf32, #tpu.memory_space<vmem>>, vector<16xf32>,
    %add3A_1877 = arith.addf %get3A_1872, %get3A_1876 : vector<16xf32>
    %get3A_1878 = arith.constant 2 : i32
    %get3A_1879 = arith.index_cast %get3A_1878 : i32 to index
    %get3A_1880 = arith.constant 368 : index
    %get3A_1881 = tpu.vector_load %arg7[%get3A_1879, %get3A_1880] {strides = array<i32>} : memref<16x640xf32, #tpu.memory_space<vmem>>, vector<16xf32>,
    %add3A_1882 = arith.addf %add3A_1877, %get3A_1881 : vector<16xf32>
    %get3A_1883 = arith.constant 3 : i32
    %get3A_1884 = arith.index_cast %get3A_1883 : i32 to index
    %get3A_1885 = arith.constant 368 : index
    %get3A_1886 = tpu.vector_load %arg7[%get3A_1884, %get3A_1885] {strides = array<i32>} : memref<16x640xf32, #tpu.memory_space<vmem>>, vector<16xf32>,
    %add3A_1887 = arith.addf %add3A_1882, %get3A_1886 : vector<16xf32>
    %get3A_1888 = arith.constant 4 : i32
    %get3A_1889 = arith.index_cast %get3A_1888 : i32 to index
    %get3A_1890 = arith.constant 368 : index
    %get3A_1891 = tpu.vector_load %arg7[%get3A_1889, %get3A_1890] {strides = array<i32>} : memref<16x640xf32, #tpu.memory_space<vmem>>, vector<16xf32>,
    %add3A_1892 = arith.addf %add3A_1887, %get3A_1891 : vector<16xf32>
    %get3A_1893 = arith.constant 5 : i32
    %get3A_1894 = arith.index_cast %get3A_1893 : i32 to index
    %get3A_1895 = arith.constant 368 : index
    %get3A_1896 = tpu.vector_load %arg7[%get3A_1894, %get3A_1895] {strides = array<i32>} : memref<16x640xf32, #tpu.memory_space<vmem>>, vector<16xf32>,
    %add3A_1897 = arith.addf %add3A_1892, %get3A_1896 : vector<16xf32>
    %get3A_1898 = arith.constant 6 : i32
    %get3A_1899 = arith.index_cast %get3A_1898 : i32 to index
    %get3A_1900 = arith.constant 368 : index
    %get3A_1901 = tpu.vector_load %arg7[%get3A_1899, %get3A_1900] {strides = array<i32>} : memref<16x640xf32, #tpu.memory_space<vmem>>, vector<16xf32>,
    %add3A_1902 = arith.addf %add3A_1897, %get3A_1901 : vector<16xf32>
    %get3A_1903 = arith.constant 7 : i32
    %get3A_1904 = arith.index_cast %get3A_1903 : i32 to index
    %get3A_1905 = arith.constant 368 : index
    %get3A_1906 = tpu.vector_load %arg7[%get3A_1904, %get3A_1905] {strides = array<i32>} : memref<16x640xf32, #tpu.memory_space<vmem>>, vector<16xf32>,
    %add3A_1907 = arith.addf %add3A_1902, %get3A_1906 : vector<16xf32>
    %get3A_1908 = arith.constant 8 : i32
    %get3A_1909 = arith.index_cast %get3A_1908 : i32 to index
    %get3A_1910 = arith.constant 368 : index
    %get3A_1911 = tpu.vector_load %arg7[%get3A_1909, %get3A_1910] {strides = array<i32>} : memref<16x640xf32, #tpu.memory_space<vmem>>, vector<16xf32>,
    %add3A_1912 = arith.addf %add3A_1907, %get3A_1911 : vector<16xf32>
    %get3A_1913 = arith.constant 9 : i32
    %get3A_1914 = arith.index_cast %get3A_1913 : i32 to index
    %get3A_1915 = arith.constant 368 : index
    %get3A_1916 = tpu.vector_load %arg7[%get3A_1914, %get3A_1915] {strides = array<i32>} : memref<16x640xf32, #tpu.memory_space<vmem>>, vector<16xf32>,
    %add3A_1917 = arith.addf %add3A_1912, %get3A_1916 : vector<16xf32>
    %get3A_1918 = arith.constant 10 : i32
    %get3A_1919 = arith.index_cast %get3A_1918 : i32 to index
    %get3A_1920 = arith.constant 368 : index
    %get3A_1921 = tpu.vector_load %arg7[%get3A_1919, %get3A_1920] {strides = array<i32>} : memref<16x640xf32, #tpu.memory_space<vmem>>, vector<16xf32>,
    %add3A_1922 = arith.addf %add3A_1917, %get3A_1921 : vector<16xf32>
    %get3A_1923 = arith.constant 11 : i32
    %get3A_1924 = arith.index_cast %get3A_1923 : i32 to index
    %get3A_1925 = arith.constant 368 : index
    %get3A_1926 = tpu.vector_load %arg7[%get3A_1924, %get3A_1925] {strides = array<i32>} : memref<16x640xf32, #tpu.memory_space<vmem>>, vector<16xf32>,
    %add3A_1927 = arith.addf %add3A_1922, %get3A_1926 : vector<16xf32>
    %get3A_1928 = arith.constant 12 : i32
    %get3A_1929 = arith.index_cast %get3A_1928 : i32 to index
    %get3A_1930 = arith.constant 368 : index
    %get3A_1931 = tpu.vector_load %arg7[%get3A_1929, %get3A_1930] {strides = array<i32>} : memref<16x640xf32, #tpu.memory_space<vmem>>, vector<16xf32>,
    %add3A_1932 = arith.addf %add3A_1927, %get3A_1931 : vector<16xf32>
    %get3A_1933 = arith.constant 13 : i32
    %get3A_1934 = arith.index_cast %get3A_1933 : i32 to index
    %get3A_1935 = arith.constant 368 : index
    %get3A_1936 = tpu.vector_load %arg7[%get3A_1934, %get3A_1935] {strides = array<i32>} : memref<16x640xf32, #tpu.memory_space<vmem>>, vector<16xf32>,
    %add3A_1937 = arith.addf %add3A_1932, %get3A_1936 : vector<16xf32>
    %get3A_1938 = arith.constant 14 : i32
    %get3A_1939 = arith.index_cast %get3A_1938 : i32 to index
    %get3A_1940 = arith.constant 368 : index
    %get3A_1941 = tpu.vector_load %arg7[%get3A_1939, %get3A_1940] {strides = array<i32>} : memref<16x640xf32, #tpu.memory_space<vmem>>, vector<16xf32>,
    %add3A_1942 = arith.addf %add3A_1937, %get3A_1941 : vector<16xf32>
    %get3A_1943 = arith.constant 15 : i32
    %get3A_1944 = arith.index_cast %get3A_1943 : i32 to index
    %get3A_1945 = arith.constant 368 : index
    %get3A_1946 = tpu.vector_load %arg7[%get3A_1944, %get3A_1945] {strides = array<i32>} : memref<16x640xf32, #tpu.memory_space<vmem>>, vector<16xf32>,
    %add3A_1947 = arith.addf %add3A_1942, %get3A_1946 : vector<16xf32>
    %swap3A_1948 = arith.constant 368 : index
    %swap3A_1949 = tpu.vector_load %arg8[%swap3A_1948] {strides = array<i32>} : memref<640xf32, #tpu.memory_space<vmem>>, vector<16xf32>,
    tpu.vector_store %arg8[%swap3A_1948], %add3A_1947 {strides = array<i32>} : memref<640xf32, #tpu.memory_space<vmem>>, vector<16xf32>,
    %get3A_1950 = arith.constant 0 : i32
    %get3A_1951 = arith.index_cast %get3A_1950 : i32 to index
    %get3A_1952 = arith.constant 384 : index
    %get3A_1953 = tpu.vector_load %arg7[%get3A_1951, %get3A_1952] {strides = array<i32>} : memref<16x640xf32, #tpu.memory_space<vmem>>, vector<16xf32>,
    %get3A_1954 = arith.constant 1 : i32
    %get3A_1955 = arith.index_cast %get3A_1954 : i32 to index
    %get3A_1956 = arith.constant 384 : index
    %get3A_1957 = tpu.vector_load %arg7[%get3A_1955, %get3A_1956] {strides = array<i32>} : memref<16x640xf32, #tpu.memory_space<vmem>>, vector<16xf32>,
    %add3A_1958 = arith.addf %get3A_1953, %get3A_1957 : vector<16xf32>
    %get3A_1959 = arith.constant 2 : i32
    %get3A_1960 = arith.index_cast %get3A_1959 : i32 to index
    %get3A_1961 = arith.constant 384 : index
    %get3A_1962 = tpu.vector_load %arg7[%get3A_1960, %get3A_1961] {strides = array<i32>} : memref<16x640xf32, #tpu.memory_space<vmem>>, vector<16xf32>,
    %add3A_1963 = arith.addf %add3A_1958, %get3A_1962 : vector<16xf32>
    %get3A_1964 = arith.constant 3 : i32
    %get3A_1965 = arith.index_cast %get3A_1964 : i32 to index
    %get3A_1966 = arith.constant 384 : index
    %get3A_1967 = tpu.vector_load %arg7[%get3A_1965, %get3A_1966] {strides = array<i32>} : memref<16x640xf32, #tpu.memory_space<vmem>>, vector<16xf32>,
    %add3A_1968 = arith.addf %add3A_1963, %get3A_1967 : vector<16xf32>
    %get3A_1969 = arith.constant 4 : i32
    %get3A_1970 = arith.index_cast %get3A_1969 : i32 to index
    %get3A_1971 = arith.constant 384 : index
    %get3A_1972 = tpu.vector_load %arg7[%get3A_1970, %get3A_1971] {strides = array<i32>} : memref<16x640xf32, #tpu.memory_space<vmem>>, vector<16xf32>,
    %add3A_1973 = arith.addf %add3A_1968, %get3A_1972 : vector<16xf32>
    %get3A_1974 = arith.constant 5 : i32
    %get3A_1975 = arith.index_cast %get3A_1974 : i32 to index
    %get3A_1976 = arith.constant 384 : index
    %get3A_1977 = tpu.vector_load %arg7[%get3A_1975, %get3A_1976] {strides = array<i32>} : memref<16x640xf32, #tpu.memory_space<vmem>>, vector<16xf32>,
    %add3A_1978 = arith.addf %add3A_1973, %get3A_1977 : vector<16xf32>
    %get3A_1979 = arith.constant 6 : i32
    %get3A_1980 = arith.index_cast %get3A_1979 : i32 to index
    %get3A_1981 = arith.constant 384 : index
    %get3A_1982 = tpu.vector_load %arg7[%get3A_1980, %get3A_1981] {strides = array<i32>} : memref<16x640xf32, #tpu.memory_space<vmem>>, vector<16xf32>,
    %add3A_1983 = arith.addf %add3A_1978, %get3A_1982 : vector<16xf32>
    %get3A_1984 = arith.constant 7 : i32
    %get3A_1985 = arith.index_cast %get3A_1984 : i32 to index
    %get3A_1986 = arith.constant 384 : index
    %get3A_1987 = tpu.vector_load %arg7[%get3A_1985, %get3A_1986] {strides = array<i32>} : memref<16x640xf32, #tpu.memory_space<vmem>>, vector<16xf32>,
    %add3A_1988 = arith.addf %add3A_1983, %get3A_1987 : vector<16xf32>
    %get3A_1989 = arith.constant 8 : i32
    %get3A_1990 = arith.index_cast %get3A_1989 : i32 to index
    %get3A_1991 = arith.constant 384 : index
    %get3A_1992 = tpu.vector_load %arg7[%get3A_1990, %get3A_1991] {strides = array<i32>} : memref<16x640xf32, #tpu.memory_space<vmem>>, vector<16xf32>,
    %add3A_1993 = arith.addf %add3A_1988, %get3A_1992 : vector<16xf32>
    %get3A_1994 = arith.constant 9 : i32
    %get3A_1995 = arith.index_cast %get3A_1994 : i32 to index
    %get3A_1996 = arith.constant 384 : index
    %get3A_1997 = tpu.vector_load %arg7[%get3A_1995, %get3A_1996] {strides = array<i32>} : memref<16x640xf32, #tpu.memory_space<vmem>>, vector<16xf32>,
    %add3A_1998 = arith.addf %add3A_1993, %get3A_1997 : vector<16xf32>
    %get3A_1999 = arith.constant 10 : i32
    %get3A_2000 = arith.index_cast %get3A_1999 : i32 to index
    %get3A_2001 = arith.constant 384 : index
    %get3A_2002 = tpu.vector_load %arg7[%get3A_2000, %get3A_2001] {strides = array<i32>} : memref<16x640xf32, #tpu.memory_space<vmem>>, vector<16xf32>,
    %add3A_2003 = arith.addf %add3A_1998, %get3A_2002 : vector<16xf32>
    %get3A_2004 = arith.constant 11 : i32
    %get3A_2005 = arith.index_cast %get3A_2004 : i32 to index
    %get3A_2006 = arith.constant 384 : index
    %get3A_2007 = tpu.vector_load %arg7[%get3A_2005, %get3A_2006] {strides = array<i32>} : memref<16x640xf32, #tpu.memory_space<vmem>>, vector<16xf32>,
    %add3A_2008 = arith.addf %add3A_2003, %get3A_2007 : vector<16xf32>
    %get3A_2009 = arith.constant 12 : i32
    %get3A_2010 = arith.index_cast %get3A_2009 : i32 to index
    %get3A_2011 = arith.constant 384 : index
    %get3A_2012 = tpu.vector_load %arg7[%get3A_2010, %get3A_2011] {strides = array<i32>} : memref<16x640xf32, #tpu.memory_space<vmem>>, vector<16xf32>,
    %add3A_2013 = arith.addf %add3A_2008, %get3A_2012 : vector<16xf32>
    %get3A_2014 = arith.constant 13 : i32
    %get3A_2015 = arith.index_cast %get3A_2014 : i32 to index
    %get3A_2016 = arith.constant 384 : index
    %get3A_2017 = tpu.vector_load %arg7[%get3A_2015, %get3A_2016] {strides = array<i32>} : memref<16x640xf32, #tpu.memory_space<vmem>>, vector<16xf32>,
    %add3A_2018 = arith.addf %add3A_2013, %get3A_2017 : vector<16xf32>
    %get3A_2019 = arith.constant 14 : i32
    %get3A_2020 = arith.index_cast %get3A_2019 : i32 to index
    %get3A_2021 = arith.constant 384 : index
    %get3A_2022 = tpu.vector_load %arg7[%get3A_2020, %get3A_2021] {strides = array<i32>} : memref<16x640xf32, #tpu.memory_space<vmem>>, vector<16xf32>,
    %add3A_2023 = arith.addf %add3A_2018, %get3A_2022 : vector<16xf32>
    %get3A_2024 = arith.constant 15 : i32
    %get3A_2025 = arith.index_cast %get3A_2024 : i32 to index
    %get3A_2026 = arith.constant 384 : index
    %get3A_2027 = tpu.vector_load %arg7[%get3A_2025, %get3A_2026] {strides = array<i32>} : memref<16x640xf32, #tpu.memory_space<vmem>>, vector<16xf32>,
    %add3A_2028 = arith.addf %add3A_2023, %get3A_2027 : vector<16xf32>
    %swap3A_2029 = arith.constant 384 : index
    %swap3A_2030 = tpu.vector_load %arg8[%swap3A_2029] {strides = array<i32>} : memref<640xf32, #tpu.memory_space<vmem>>, vector<16xf32>,
    tpu.vector_store %arg8[%swap3A_2029], %add3A_2028 {strides = array<i32>} : memref<640xf32, #tpu.memory_space<vmem>>, vector<16xf32>,
    %get3A_2031 = arith.constant 0 : i32
    %get3A_2032 = arith.index_cast %get3A_2031 : i32 to index
    %get3A_2033 = arith.constant 400 : index
    %get3A_2034 = tpu.vector_load %arg7[%get3A_2032, %get3A_2033] {strides = array<i32>} : memref<16x640xf32, #tpu.memory_space<vmem>>, vector<16xf32>,
    %get3A_2035 = arith.constant 1 : i32
    %get3A_2036 = arith.index_cast %get3A_2035 : i32 to index
    %get3A_2037 = arith.constant 400 : index
    %get3A_2038 = tpu.vector_load %arg7[%get3A_2036, %get3A_2037] {strides = array<i32>} : memref<16x640xf32, #tpu.memory_space<vmem>>, vector<16xf32>,
    %add3A_2039 = arith.addf %get3A_2034, %get3A_2038 : vector<16xf32>
    %get3A_2040 = arith.constant 2 : i32
    %get3A_2041 = arith.index_cast %get3A_2040 : i32 to index
    %get3A_2042 = arith.constant 400 : index
    %get3A_2043 = tpu.vector_load %arg7[%get3A_2041, %get3A_2042] {strides = array<i32>} : memref<16x640xf32, #tpu.memory_space<vmem>>, vector<16xf32>,
    %add3A_2044 = arith.addf %add3A_2039, %get3A_2043 : vector<16xf32>
    %get3A_2045 = arith.constant 3 : i32
    %get3A_2046 = arith.index_cast %get3A_2045 : i32 to index
    %get3A_2047 = arith.constant 400 : index
    %get3A_2048 = tpu.vector_load %arg7[%get3A_2046, %get3A_2047] {strides = array<i32>} : memref<16x640xf32, #tpu.memory_space<vmem>>, vector<16xf32>,
    %add3A_2049 = arith.addf %add3A_2044, %get3A_2048 : vector<16xf32>
    %get3A_2050 = arith.constant 4 : i32
    %get3A_2051 = arith.index_cast %get3A_2050 : i32 to index
    %get3A_2052 = arith.constant 400 : index
    %get3A_2053 = tpu.vector_load %arg7[%get3A_2051, %get3A_2052] {strides = array<i32>} : memref<16x640xf32, #tpu.memory_space<vmem>>, vector<16xf32>,
    %add3A_2054 = arith.addf %add3A_2049, %get3A_2053 : vector<16xf32>
    %get3A_2055 = arith.constant 5 : i32
    %get3A_2056 = arith.index_cast %get3A_2055 : i32 to index
    %get3A_2057 = arith.constant 400 : index
    %get3A_2058 = tpu.vector_load %arg7[%get3A_2056, %get3A_2057] {strides = array<i32>} : memref<16x640xf32, #tpu.memory_space<vmem>>, vector<16xf32>,
    %add3A_2059 = arith.addf %add3A_2054, %get3A_2058 : vector<16xf32>
    %get3A_2060 = arith.constant 6 : i32
    %get3A_2061 = arith.index_cast %get3A_2060 : i32 to index
    %get3A_2062 = arith.constant 400 : index
    %get3A_2063 = tpu.vector_load %arg7[%get3A_2061, %get3A_2062] {strides = array<i32>} : memref<16x640xf32, #tpu.memory_space<vmem>>, vector<16xf32>,
    %add3A_2064 = arith.addf %add3A_2059, %get3A_2063 : vector<16xf32>
    %get3A_2065 = arith.constant 7 : i32
    %get3A_2066 = arith.index_cast %get3A_2065 : i32 to index
    %get3A_2067 = arith.constant 400 : index
    %get3A_2068 = tpu.vector_load %arg7[%get3A_2066, %get3A_2067] {strides = array<i32>} : memref<16x640xf32, #tpu.memory_space<vmem>>, vector<16xf32>,
    %add3A_2069 = arith.addf %add3A_2064, %get3A_2068 : vector<16xf32>
    %get3A_2070 = arith.constant 8 : i32
    %get3A_2071 = arith.index_cast %get3A_2070 : i32 to index
    %get3A_2072 = arith.constant 400 : index
    %get3A_2073 = tpu.vector_load %arg7[%get3A_2071, %get3A_2072] {strides = array<i32>} : memref<16x640xf32, #tpu.memory_space<vmem>>, vector<16xf32>,
    %add3A_2074 = arith.addf %add3A_2069, %get3A_2073 : vector<16xf32>
    %get3A_2075 = arith.constant 9 : i32
    %get3A_2076 = arith.index_cast %get3A_2075 : i32 to index
    %get3A_2077 = arith.constant 400 : index
    %get3A_2078 = tpu.vector_load %arg7[%get3A_2076, %get3A_2077] {strides = array<i32>} : memref<16x640xf32, #tpu.memory_space<vmem>>, vector<16xf32>,
    %add3A_2079 = arith.addf %add3A_2074, %get3A_2078 : vector<16xf32>
    %get3A_2080 = arith.constant 10 : i32
    %get3A_2081 = arith.index_cast %get3A_2080 : i32 to index
    %get3A_2082 = arith.constant 400 : index
    %get3A_2083 = tpu.vector_load %arg7[%get3A_2081, %get3A_2082] {strides = array<i32>} : memref<16x640xf32, #tpu.memory_space<vmem>>, vector<16xf32>,
    %add3A_2084 = arith.addf %add3A_2079, %get3A_2083 : vector<16xf32>
    %get3A_2085 = arith.constant 11 : i32
    %get3A_2086 = arith.index_cast %get3A_2085 : i32 to index
    %get3A_2087 = arith.constant 400 : index
    %get3A_2088 = tpu.vector_load %arg7[%get3A_2086, %get3A_2087] {strides = array<i32>} : memref<16x640xf32, #tpu.memory_space<vmem>>, vector<16xf32>,
    %add3A_2089 = arith.addf %add3A_2084, %get3A_2088 : vector<16xf32>
    %get3A_2090 = arith.constant 12 : i32
    %get3A_2091 = arith.index_cast %get3A_2090 : i32 to index
    %get3A_2092 = arith.constant 400 : index
    %get3A_2093 = tpu.vector_load %arg7[%get3A_2091, %get3A_2092] {strides = array<i32>} : memref<16x640xf32, #tpu.memory_space<vmem>>, vector<16xf32>,
    %add3A_2094 = arith.addf %add3A_2089, %get3A_2093 : vector<16xf32>
    %get3A_2095 = arith.constant 13 : i32
    %get3A_2096 = arith.index_cast %get3A_2095 : i32 to index
    %get3A_2097 = arith.constant 400 : index
    %get3A_2098 = tpu.vector_load %arg7[%get3A_2096, %get3A_2097] {strides = array<i32>} : memref<16x640xf32, #tpu.memory_space<vmem>>, vector<16xf32>,
    %add3A_2099 = arith.addf %add3A_2094, %get3A_2098 : vector<16xf32>
    %get3A_2100 = arith.constant 14 : i32
    %get3A_2101 = arith.index_cast %get3A_2100 : i32 to index
    %get3A_2102 = arith.constant 400 : index
    %get3A_2103 = tpu.vector_load %arg7[%get3A_2101, %get3A_2102] {strides = array<i32>} : memref<16x640xf32, #tpu.memory_space<vmem>>, vector<16xf32>,
    %add3A_2104 = arith.addf %add3A_2099, %get3A_2103 : vector<16xf32>
    %get3A_2105 = arith.constant 15 : i32
    %get3A_2106 = arith.index_cast %get3A_2105 : i32 to index
    %get3A_2107 = arith.constant 400 : index
    %get3A_2108 = tpu.vector_load %arg7[%get3A_2106, %get3A_2107] {strides = array<i32>} : memref<16x640xf32, #tpu.memory_space<vmem>>, vector<16xf32>,
    %add3A_2109 = arith.addf %add3A_2104, %get3A_2108 : vector<16xf32>
    %swap3A_2110 = arith.constant 400 : index
    %swap3A_2111 = tpu.vector_load %arg8[%swap3A_2110] {strides = array<i32>} : memref<640xf32, #tpu.memory_space<vmem>>, vector<16xf32>,
    tpu.vector_store %arg8[%swap3A_2110], %add3A_2109 {strides = array<i32>} : memref<640xf32, #tpu.memory_space<vmem>>, vector<16xf32>,
    %get3A_2112 = arith.constant 0 : i32
    %get3A_2113 = arith.index_cast %get3A_2112 : i32 to index
    %get3A_2114 = arith.constant 416 : index
    %get3A_2115 = tpu.vector_load %arg7[%get3A_2113, %get3A_2114] {strides = array<i32>} : memref<16x640xf32, #tpu.memory_space<vmem>>, vector<16xf32>,
    %get3A_2116 = arith.constant 1 : i32
    %get3A_2117 = arith.index_cast %get3A_2116 : i32 to index
    %get3A_2118 = arith.constant 416 : index
    %get3A_2119 = tpu.vector_load %arg7[%get3A_2117, %get3A_2118] {strides = array<i32>} : memref<16x640xf32, #tpu.memory_space<vmem>>, vector<16xf32>,
    %add3A_2120 = arith.addf %get3A_2115, %get3A_2119 : vector<16xf32>
    %get3A_2121 = arith.constant 2 : i32
    %get3A_2122 = arith.index_cast %get3A_2121 : i32 to index
    %get3A_2123 = arith.constant 416 : index
    %get3A_2124 = tpu.vector_load %arg7[%get3A_2122, %get3A_2123] {strides = array<i32>} : memref<16x640xf32, #tpu.memory_space<vmem>>, vector<16xf32>,
    %add3A_2125 = arith.addf %add3A_2120, %get3A_2124 : vector<16xf32>
    %get3A_2126 = arith.constant 3 : i32
    %get3A_2127 = arith.index_cast %get3A_2126 : i32 to index
    %get3A_2128 = arith.constant 416 : index
    %get3A_2129 = tpu.vector_load %arg7[%get3A_2127, %get3A_2128] {strides = array<i32>} : memref<16x640xf32, #tpu.memory_space<vmem>>, vector<16xf32>,
    %add3A_2130 = arith.addf %add3A_2125, %get3A_2129 : vector<16xf32>
    %get3A_2131 = arith.constant 4 : i32
    %get3A_2132 = arith.index_cast %get3A_2131 : i32 to index
    %get3A_2133 = arith.constant 416 : index
    %get3A_2134 = tpu.vector_load %arg7[%get3A_2132, %get3A_2133] {strides = array<i32>} : memref<16x640xf32, #tpu.memory_space<vmem>>, vector<16xf32>,
    %add3A_2135 = arith.addf %add3A_2130, %get3A_2134 : vector<16xf32>
    %get3A_2136 = arith.constant 5 : i32
    %get3A_2137 = arith.index_cast %get3A_2136 : i32 to index
    %get3A_2138 = arith.constant 416 : index
    %get3A_2139 = tpu.vector_load %arg7[%get3A_2137, %get3A_2138] {strides = array<i32>} : memref<16x640xf32, #tpu.memory_space<vmem>>, vector<16xf32>,
    %add3A_2140 = arith.addf %add3A_2135, %get3A_2139 : vector<16xf32>
    %get3A_2141 = arith.constant 6 : i32
    %get3A_2142 = arith.index_cast %get3A_2141 : i32 to index
    %get3A_2143 = arith.constant 416 : index
    %get3A_2144 = tpu.vector_load %arg7[%get3A_2142, %get3A_2143] {strides = array<i32>} : memref<16x640xf32, #tpu.memory_space<vmem>>, vector<16xf32>,
    %add3A_2145 = arith.addf %add3A_2140, %get3A_2144 : vector<16xf32>
    %get3A_2146 = arith.constant 7 : i32
    %get3A_2147 = arith.index_cast %get3A_2146 : i32 to index
    %get3A_2148 = arith.constant 416 : index
    %get3A_2149 = tpu.vector_load %arg7[%get3A_2147, %get3A_2148] {strides = array<i32>} : memref<16x640xf32, #tpu.memory_space<vmem>>, vector<16xf32>,
    %add3A_2150 = arith.addf %add3A_2145, %get3A_2149 : vector<16xf32>
    %get3A_2151 = arith.constant 8 : i32
    %get3A_2152 = arith.index_cast %get3A_2151 : i32 to index
    %get3A_2153 = arith.constant 416 : index
    %get3A_2154 = tpu.vector_load %arg7[%get3A_2152, %get3A_2153] {strides = array<i32>} : memref<16x640xf32, #tpu.memory_space<vmem>>, vector<16xf32>,
    %add3A_2155 = arith.addf %add3A_2150, %get3A_2154 : vector<16xf32>
    %get3A_2156 = arith.constant 9 : i32
    %get3A_2157 = arith.index_cast %get3A_2156 : i32 to index
    %get3A_2158 = arith.constant 416 : index
    %get3A_2159 = tpu.vector_load %arg7[%get3A_2157, %get3A_2158] {strides = array<i32>} : memref<16x640xf32, #tpu.memory_space<vmem>>, vector<16xf32>,
    %add3A_2160 = arith.addf %add3A_2155, %get3A_2159 : vector<16xf32>
    %get3A_2161 = arith.constant 10 : i32
    %get3A_2162 = arith.index_cast %get3A_2161 : i32 to index
    %get3A_2163 = arith.constant 416 : index
    %get3A_2164 = tpu.vector_load %arg7[%get3A_2162, %get3A_2163] {strides = array<i32>} : memref<16x640xf32, #tpu.memory_space<vmem>>, vector<16xf32>,
    %add3A_2165 = arith.addf %add3A_2160, %get3A_2164 : vector<16xf32>
    %get3A_2166 = arith.constant 11 : i32
    %get3A_2167 = arith.index_cast %get3A_2166 : i32 to index
    %get3A_2168 = arith.constant 416 : index
    %get3A_2169 = tpu.vector_load %arg7[%get3A_2167, %get3A_2168] {strides = array<i32>} : memref<16x640xf32, #tpu.memory_space<vmem>>, vector<16xf32>,
    %add3A_2170 = arith.addf %add3A_2165, %get3A_2169 : vector<16xf32>
    %get3A_2171 = arith.constant 12 : i32
    %get3A_2172 = arith.index_cast %get3A_2171 : i32 to index
    %get3A_2173 = arith.constant 416 : index
    %get3A_2174 = tpu.vector_load %arg7[%get3A_2172, %get3A_2173] {strides = array<i32>} : memref<16x640xf32, #tpu.memory_space<vmem>>, vector<16xf32>,
    %add3A_2175 = arith.addf %add3A_2170, %get3A_2174 : vector<16xf32>
    %get3A_2176 = arith.constant 13 : i32
    %get3A_2177 = arith.index_cast %get3A_2176 : i32 to index
    %get3A_2178 = arith.constant 416 : index
    %get3A_2179 = tpu.vector_load %arg7[%get3A_2177, %get3A_2178] {strides = array<i32>} : memref<16x640xf32, #tpu.memory_space<vmem>>, vector<16xf32>,
    %add3A_2180 = arith.addf %add3A_2175, %get3A_2179 : vector<16xf32>
    %get3A_2181 = arith.constant 14 : i32
    %get3A_2182 = arith.index_cast %get3A_2181 : i32 to index
    %get3A_2183 = arith.constant 416 : index
    %get3A_2184 = tpu.vector_load %arg7[%get3A_2182, %get3A_2183] {strides = array<i32>} : memref<16x640xf32, #tpu.memory_space<vmem>>, vector<16xf32>,
    %add3A_2185 = arith.addf %add3A_2180, %get3A_2184 : vector<16xf32>
    %get3A_2186 = arith.constant 15 : i32
    %get3A_2187 = arith.index_cast %get3A_2186 : i32 to index
    %get3A_2188 = arith.constant 416 : index
    %get3A_2189 = tpu.vector_load %arg7[%get3A_2187, %get3A_2188] {strides = array<i32>} : memref<16x640xf32, #tpu.memory_space<vmem>>, vector<16xf32>,
    %add3A_2190 = arith.addf %add3A_2185, %get3A_2189 : vector<16xf32>
    %swap3A_2191 = arith.constant 416 : index
    %swap3A_2192 = tpu.vector_load %arg8[%swap3A_2191] {strides = array<i32>} : memref<640xf32, #tpu.memory_space<vmem>>, vector<16xf32>,
    tpu.vector_store %arg8[%swap3A_2191], %add3A_2190 {strides = array<i32>} : memref<640xf32, #tpu.memory_space<vmem>>, vector<16xf32>,
    %get3A_2193 = arith.constant 0 : i32
    %get3A_2194 = arith.index_cast %get3A_2193 : i32 to index
    %get3A_2195 = arith.constant 432 : index
    %get3A_2196 = tpu.vector_load %arg7[%get3A_2194, %get3A_2195] {strides = array<i32>} : memref<16x640xf32, #tpu.memory_space<vmem>>, vector<16xf32>,
    %get3A_2197 = arith.constant 1 : i32
    %get3A_2198 = arith.index_cast %get3A_2197 : i32 to index
    %get3A_2199 = arith.constant 432 : index
    %get3A_2200 = tpu.vector_load %arg7[%get3A_2198, %get3A_2199] {strides = array<i32>} : memref<16x640xf32, #tpu.memory_space<vmem>>, vector<16xf32>,
    %add3A_2201 = arith.addf %get3A_2196, %get3A_2200 : vector<16xf32>
    %get3A_2202 = arith.constant 2 : i32
    %get3A_2203 = arith.index_cast %get3A_2202 : i32 to index
    %get3A_2204 = arith.constant 432 : index
    %get3A_2205 = tpu.vector_load %arg7[%get3A_2203, %get3A_2204] {strides = array<i32>} : memref<16x640xf32, #tpu.memory_space<vmem>>, vector<16xf32>,
    %add3A_2206 = arith.addf %add3A_2201, %get3A_2205 : vector<16xf32>
    %get3A_2207 = arith.constant 3 : i32
    %get3A_2208 = arith.index_cast %get3A_2207 : i32 to index
    %get3A_2209 = arith.constant 432 : index
    %get3A_2210 = tpu.vector_load %arg7[%get3A_2208, %get3A_2209] {strides = array<i32>} : memref<16x640xf32, #tpu.memory_space<vmem>>, vector<16xf32>,
    %add3A_2211 = arith.addf %add3A_2206, %get3A_2210 : vector<16xf32>
    %get3A_2212 = arith.constant 4 : i32
    %get3A_2213 = arith.index_cast %get3A_2212 : i32 to index
    %get3A_2214 = arith.constant 432 : index
    %get3A_2215 = tpu.vector_load %arg7[%get3A_2213, %get3A_2214] {strides = array<i32>} : memref<16x640xf32, #tpu.memory_space<vmem>>, vector<16xf32>,
    %add3A_2216 = arith.addf %add3A_2211, %get3A_2215 : vector<16xf32>
    %get3A_2217 = arith.constant 5 : i32
    %get3A_2218 = arith.index_cast %get3A_2217 : i32 to index
    %get3A_2219 = arith.constant 432 : index
    %get3A_2220 = tpu.vector_load %arg7[%get3A_2218, %get3A_2219] {strides = array<i32>} : memref<16x640xf32, #tpu.memory_space<vmem>>, vector<16xf32>,
    %add3A_2221 = arith.addf %add3A_2216, %get3A_2220 : vector<16xf32>
    %get3A_2222 = arith.constant 6 : i32
    %get3A_2223 = arith.index_cast %get3A_2222 : i32 to index
    %get3A_2224 = arith.constant 432 : index
    %get3A_2225 = tpu.vector_load %arg7[%get3A_2223, %get3A_2224] {strides = array<i32>} : memref<16x640xf32, #tpu.memory_space<vmem>>, vector<16xf32>,
    %add3A_2226 = arith.addf %add3A_2221, %get3A_2225 : vector<16xf32>
    %get3A_2227 = arith.constant 7 : i32
    %get3A_2228 = arith.index_cast %get3A_2227 : i32 to index
    %get3A_2229 = arith.constant 432 : index
    %get3A_2230 = tpu.vector_load %arg7[%get3A_2228, %get3A_2229] {strides = array<i32>} : memref<16x640xf32, #tpu.memory_space<vmem>>, vector<16xf32>,
    %add3A_2231 = arith.addf %add3A_2226, %get3A_2230 : vector<16xf32>
    %get3A_2232 = arith.constant 8 : i32
    %get3A_2233 = arith.index_cast %get3A_2232 : i32 to index
    %get3A_2234 = arith.constant 432 : index
    %get3A_2235 = tpu.vector_load %arg7[%get3A_2233, %get3A_2234] {strides = array<i32>} : memref<16x640xf32, #tpu.memory_space<vmem>>, vector<16xf32>,
    %add3A_2236 = arith.addf %add3A_2231, %get3A_2235 : vector<16xf32>
    %get3A_2237 = arith.constant 9 : i32
    %get3A_2238 = arith.index_cast %get3A_2237 : i32 to index
    %get3A_2239 = arith.constant 432 : index
    %get3A_2240 = tpu.vector_load %arg7[%get3A_2238, %get3A_2239] {strides = array<i32>} : memref<16x640xf32, #tpu.memory_space<vmem>>, vector<16xf32>,
    %add3A_2241 = arith.addf %add3A_2236, %get3A_2240 : vector<16xf32>
    %get3A_2242 = arith.constant 10 : i32
    %get3A_2243 = arith.index_cast %get3A_2242 : i32 to index
    %get3A_2244 = arith.constant 432 : index
    %get3A_2245 = tpu.vector_load %arg7[%get3A_2243, %get3A_2244] {strides = array<i32>} : memref<16x640xf32, #tpu.memory_space<vmem>>, vector<16xf32>,
    %add3A_2246 = arith.addf %add3A_2241, %get3A_2245 : vector<16xf32>
    %get3A_2247 = arith.constant 11 : i32
    %get3A_2248 = arith.index_cast %get3A_2247 : i32 to index
    %get3A_2249 = arith.constant 432 : index
    %get3A_2250 = tpu.vector_load %arg7[%get3A_2248, %get3A_2249] {strides = array<i32>} : memref<16x640xf32, #tpu.memory_space<vmem>>, vector<16xf32>,
    %add3A_2251 = arith.addf %add3A_2246, %get3A_2250 : vector<16xf32>
    %get3A_2252 = arith.constant 12 : i32
    %get3A_2253 = arith.index_cast %get3A_2252 : i32 to index
    %get3A_2254 = arith.constant 432 : index
    %get3A_2255 = tpu.vector_load %arg7[%get3A_2253, %get3A_2254] {strides = array<i32>} : memref<16x640xf32, #tpu.memory_space<vmem>>, vector<16xf32>,
    %add3A_2256 = arith.addf %add3A_2251, %get3A_2255 : vector<16xf32>
    %get3A_2257 = arith.constant 13 : i32
    %get3A_2258 = arith.index_cast %get3A_2257 : i32 to index
    %get3A_2259 = arith.constant 432 : index
    %get3A_2260 = tpu.vector_load %arg7[%get3A_2258, %get3A_2259] {strides = array<i32>} : memref<16x640xf32, #tpu.memory_space<vmem>>, vector<16xf32>,
    %add3A_2261 = arith.addf %add3A_2256, %get3A_2260 : vector<16xf32>
    %get3A_2262 = arith.constant 14 : i32
    %get3A_2263 = arith.index_cast %get3A_2262 : i32 to index
    %get3A_2264 = arith.constant 432 : index
    %get3A_2265 = tpu.vector_load %arg7[%get3A_2263, %get3A_2264] {strides = array<i32>} : memref<16x640xf32, #tpu.memory_space<vmem>>, vector<16xf32>,
    %add3A_2266 = arith.addf %add3A_2261, %get3A_2265 : vector<16xf32>
    %get3A_2267 = arith.constant 15 : i32
    %get3A_2268 = arith.index_cast %get3A_2267 : i32 to index
    %get3A_2269 = arith.constant 432 : index
    %get3A_2270 = tpu.vector_load %arg7[%get3A_2268, %get3A_2269] {strides = array<i32>} : memref<16x640xf32, #tpu.memory_space<vmem>>, vector<16xf32>,
    %add3A_2271 = arith.addf %add3A_2266, %get3A_2270 : vector<16xf32>
    %swap3A_2272 = arith.constant 432 : index
    %swap3A_2273 = tpu.vector_load %arg8[%swap3A_2272] {strides = array<i32>} : memref<640xf32, #tpu.memory_space<vmem>>, vector<16xf32>,
    tpu.vector_store %arg8[%swap3A_2272], %add3A_2271 {strides = array<i32>} : memref<640xf32, #tpu.memory_space<vmem>>, vector<16xf32>,
    %get3A_2274 = arith.constant 0 : i32
    %get3A_2275 = arith.index_cast %get3A_2274 : i32 to index
    %get3A_2276 = arith.constant 448 : index
    %get3A_2277 = tpu.vector_load %arg7[%get3A_2275, %get3A_2276] {strides = array<i32>} : memref<16x640xf32, #tpu.memory_space<vmem>>, vector<16xf32>,
    %get3A_2278 = arith.constant 1 : i32
    %get3A_2279 = arith.index_cast %get3A_2278 : i32 to index
    %get3A_2280 = arith.constant 448 : index
    %get3A_2281 = tpu.vector_load %arg7[%get3A_2279, %get3A_2280] {strides = array<i32>} : memref<16x640xf32, #tpu.memory_space<vmem>>, vector<16xf32>,
    %add3A_2282 = arith.addf %get3A_2277, %get3A_2281 : vector<16xf32>
    %get3A_2283 = arith.constant 2 : i32
    %get3A_2284 = arith.index_cast %get3A_2283 : i32 to index
    %get3A_2285 = arith.constant 448 : index
    %get3A_2286 = tpu.vector_load %arg7[%get3A_2284, %get3A_2285] {strides = array<i32>} : memref<16x640xf32, #tpu.memory_space<vmem>>, vector<16xf32>,
    %add3A_2287 = arith.addf %add3A_2282, %get3A_2286 : vector<16xf32>
    %get3A_2288 = arith.constant 3 : i32
    %get3A_2289 = arith.index_cast %get3A_2288 : i32 to index
    %get3A_2290 = arith.constant 448 : index
    %get3A_2291 = tpu.vector_load %arg7[%get3A_2289, %get3A_2290] {strides = array<i32>} : memref<16x640xf32, #tpu.memory_space<vmem>>, vector<16xf32>,
    %add3A_2292 = arith.addf %add3A_2287, %get3A_2291 : vector<16xf32>
    %get3A_2293 = arith.constant 4 : i32
    %get3A_2294 = arith.index_cast %get3A_2293 : i32 to index
    %get3A_2295 = arith.constant 448 : index
    %get3A_2296 = tpu.vector_load %arg7[%get3A_2294, %get3A_2295] {strides = array<i32>} : memref<16x640xf32, #tpu.memory_space<vmem>>, vector<16xf32>,
    %add3A_2297 = arith.addf %add3A_2292, %get3A_2296 : vector<16xf32>
    %get3A_2298 = arith.constant 5 : i32
    %get3A_2299 = arith.index_cast %get3A_2298 : i32 to index
    %get3A_2300 = arith.constant 448 : index
    %get3A_2301 = tpu.vector_load %arg7[%get3A_2299, %get3A_2300] {strides = array<i32>} : memref<16x640xf32, #tpu.memory_space<vmem>>, vector<16xf32>,
    %add3A_2302 = arith.addf %add3A_2297, %get3A_2301 : vector<16xf32>
    %get3A_2303 = arith.constant 6 : i32
    %get3A_2304 = arith.index_cast %get3A_2303 : i32 to index
    %get3A_2305 = arith.constant 448 : index
    %get3A_2306 = tpu.vector_load %arg7[%get3A_2304, %get3A_2305] {strides = array<i32>} : memref<16x640xf32, #tpu.memory_space<vmem>>, vector<16xf32>,
    %add3A_2307 = arith.addf %add3A_2302, %get3A_2306 : vector<16xf32>
    %get3A_2308 = arith.constant 7 : i32
    %get3A_2309 = arith.index_cast %get3A_2308 : i32 to index
    %get3A_2310 = arith.constant 448 : index
    %get3A_2311 = tpu.vector_load %arg7[%get3A_2309, %get3A_2310] {strides = array<i32>} : memref<16x640xf32, #tpu.memory_space<vmem>>, vector<16xf32>,
    %add3A_2312 = arith.addf %add3A_2307, %get3A_2311 : vector<16xf32>
    %get3A_2313 = arith.constant 8 : i32
    %get3A_2314 = arith.index_cast %get3A_2313 : i32 to index
    %get3A_2315 = arith.constant 448 : index
    %get3A_2316 = tpu.vector_load %arg7[%get3A_2314, %get3A_2315] {strides = array<i32>} : memref<16x640xf32, #tpu.memory_space<vmem>>, vector<16xf32>,
    %add3A_2317 = arith.addf %add3A_2312, %get3A_2316 : vector<16xf32>
    %get3A_2318 = arith.constant 9 : i32
    %get3A_2319 = arith.index_cast %get3A_2318 : i32 to index
    %get3A_2320 = arith.constant 448 : index
    %get3A_2321 = tpu.vector_load %arg7[%get3A_2319, %get3A_2320] {strides = array<i32>} : memref<16x640xf32, #tpu.memory_space<vmem>>, vector<16xf32>,
    %add3A_2322 = arith.addf %add3A_2317, %get3A_2321 : vector<16xf32>
    %get3A_2323 = arith.constant 10 : i32
    %get3A_2324 = arith.index_cast %get3A_2323 : i32 to index
    %get3A_2325 = arith.constant 448 : index
    %get3A_2326 = tpu.vector_load %arg7[%get3A_2324, %get3A_2325] {strides = array<i32>} : memref<16x640xf32, #tpu.memory_space<vmem>>, vector<16xf32>,
    %add3A_2327 = arith.addf %add3A_2322, %get3A_2326 : vector<16xf32>
    %get3A_2328 = arith.constant 11 : i32
    %get3A_2329 = arith.index_cast %get3A_2328 : i32 to index
    %get3A_2330 = arith.constant 448 : index
    %get3A_2331 = tpu.vector_load %arg7[%get3A_2329, %get3A_2330] {strides = array<i32>} : memref<16x640xf32, #tpu.memory_space<vmem>>, vector<16xf32>,
    %add3A_2332 = arith.addf %add3A_2327, %get3A_2331 : vector<16xf32>
    %get3A_2333 = arith.constant 12 : i32
    %get3A_2334 = arith.index_cast %get3A_2333 : i32 to index
    %get3A_2335 = arith.constant 448 : index
    %get3A_2336 = tpu.vector_load %arg7[%get3A_2334, %get3A_2335] {strides = array<i32>} : memref<16x640xf32, #tpu.memory_space<vmem>>, vector<16xf32>,
    %add3A_2337 = arith.addf %add3A_2332, %get3A_2336 : vector<16xf32>
    %get3A_2338 = arith.constant 13 : i32
    %get3A_2339 = arith.index_cast %get3A_2338 : i32 to index
    %get3A_2340 = arith.constant 448 : index
    %get3A_2341 = tpu.vector_load %arg7[%get3A_2339, %get3A_2340] {strides = array<i32>} : memref<16x640xf32, #tpu.memory_space<vmem>>, vector<16xf32>,
    %add3A_2342 = arith.addf %add3A_2337, %get3A_2341 : vector<16xf32>
    %get3A_2343 = arith.constant 14 : i32
    %get3A_2344 = arith.index_cast %get3A_2343 : i32 to index
    %get3A_2345 = arith.constant 448 : index
    %get3A_2346 = tpu.vector_load %arg7[%get3A_2344, %get3A_2345] {strides = array<i32>} : memref<16x640xf32, #tpu.memory_space<vmem>>, vector<16xf32>,
    %add3A_2347 = arith.addf %add3A_2342, %get3A_2346 : vector<16xf32>
    %get3A_2348 = arith.constant 15 : i32
    %get3A_2349 = arith.index_cast %get3A_2348 : i32 to index
    %get3A_2350 = arith.constant 448 : index
    %get3A_2351 = tpu.vector_load %arg7[%get3A_2349, %get3A_2350] {strides = array<i32>} : memref<16x640xf32, #tpu.memory_space<vmem>>, vector<16xf32>,
    %add3A_2352 = arith.addf %add3A_2347, %get3A_2351 : vector<16xf32>
    %swap3A_2353 = arith.constant 448 : index
    %swap3A_2354 = tpu.vector_load %arg8[%swap3A_2353] {strides = array<i32>} : memref<640xf32, #tpu.memory_space<vmem>>, vector<16xf32>,
    tpu.vector_store %arg8[%swap3A_2353], %add3A_2352 {strides = array<i32>} : memref<640xf32, #tpu.memory_space<vmem>>, vector<16xf32>,
    %get3A_2355 = arith.constant 0 : i32
    %get3A_2356 = arith.index_cast %get3A_2355 : i32 to index
    %get3A_2357 = arith.constant 464 : index
    %get3A_2358 = tpu.vector_load %arg7[%get3A_2356, %get3A_2357] {strides = array<i32>} : memref<16x640xf32, #tpu.memory_space<vmem>>, vector<16xf32>,
    %get3A_2359 = arith.constant 1 : i32
    %get3A_2360 = arith.index_cast %get3A_2359 : i32 to index
    %get3A_2361 = arith.constant 464 : index
    %get3A_2362 = tpu.vector_load %arg7[%get3A_2360, %get3A_2361] {strides = array<i32>} : memref<16x640xf32, #tpu.memory_space<vmem>>, vector<16xf32>,
    %add3A_2363 = arith.addf %get3A_2358, %get3A_2362 : vector<16xf32>
    %get3A_2364 = arith.constant 2 : i32
    %get3A_2365 = arith.index_cast %get3A_2364 : i32 to index
    %get3A_2366 = arith.constant 464 : index
    %get3A_2367 = tpu.vector_load %arg7[%get3A_2365, %get3A_2366] {strides = array<i32>} : memref<16x640xf32, #tpu.memory_space<vmem>>, vector<16xf32>,
    %add3A_2368 = arith.addf %add3A_2363, %get3A_2367 : vector<16xf32>
    %get3A_2369 = arith.constant 3 : i32
    %get3A_2370 = arith.index_cast %get3A_2369 : i32 to index
    %get3A_2371 = arith.constant 464 : index
    %get3A_2372 = tpu.vector_load %arg7[%get3A_2370, %get3A_2371] {strides = array<i32>} : memref<16x640xf32, #tpu.memory_space<vmem>>, vector<16xf32>,
    %add3A_2373 = arith.addf %add3A_2368, %get3A_2372 : vector<16xf32>
    %get3A_2374 = arith.constant 4 : i32
    %get3A_2375 = arith.index_cast %get3A_2374 : i32 to index
    %get3A_2376 = arith.constant 464 : index
    %get3A_2377 = tpu.vector_load %arg7[%get3A_2375, %get3A_2376] {strides = array<i32>} : memref<16x640xf32, #tpu.memory_space<vmem>>, vector<16xf32>,
    %add3A_2378 = arith.addf %add3A_2373, %get3A_2377 : vector<16xf32>
    %get3A_2379 = arith.constant 5 : i32
    %get3A_2380 = arith.index_cast %get3A_2379 : i32 to index
    %get3A_2381 = arith.constant 464 : index
    %get3A_2382 = tpu.vector_load %arg7[%get3A_2380, %get3A_2381] {strides = array<i32>} : memref<16x640xf32, #tpu.memory_space<vmem>>, vector<16xf32>,
    %add3A_2383 = arith.addf %add3A_2378, %get3A_2382 : vector<16xf32>
    %get3A_2384 = arith.constant 6 : i32
    %get3A_2385 = arith.index_cast %get3A_2384 : i32 to index
    %get3A_2386 = arith.constant 464 : index
    %get3A_2387 = tpu.vector_load %arg7[%get3A_2385, %get3A_2386] {strides = array<i32>} : memref<16x640xf32, #tpu.memory_space<vmem>>, vector<16xf32>,
    %add3A_2388 = arith.addf %add3A_2383, %get3A_2387 : vector<16xf32>
    %get3A_2389 = arith.constant 7 : i32
    %get3A_2390 = arith.index_cast %get3A_2389 : i32 to index
    %get3A_2391 = arith.constant 464 : index
    %get3A_2392 = tpu.vector_load %arg7[%get3A_2390, %get3A_2391] {strides = array<i32>} : memref<16x640xf32, #tpu.memory_space<vmem>>, vector<16xf32>,
    %add3A_2393 = arith.addf %add3A_2388, %get3A_2392 : vector<16xf32>
    %get3A_2394 = arith.constant 8 : i32
    %get3A_2395 = arith.index_cast %get3A_2394 : i32 to index
    %get3A_2396 = arith.constant 464 : index
    %get3A_2397 = tpu.vector_load %arg7[%get3A_2395, %get3A_2396] {strides = array<i32>} : memref<16x640xf32, #tpu.memory_space<vmem>>, vector<16xf32>,
    %add3A_2398 = arith.addf %add3A_2393, %get3A_2397 : vector<16xf32>
    %get3A_2399 = arith.constant 9 : i32
    %get3A_2400 = arith.index_cast %get3A_2399 : i32 to index
    %get3A_2401 = arith.constant 464 : index
    %get3A_2402 = tpu.vector_load %arg7[%get3A_2400, %get3A_2401] {strides = array<i32>} : memref<16x640xf32, #tpu.memory_space<vmem>>, vector<16xf32>,
    %add3A_2403 = arith.addf %add3A_2398, %get3A_2402 : vector<16xf32>
    %get3A_2404 = arith.constant 10 : i32
    %get3A_2405 = arith.index_cast %get3A_2404 : i32 to index
    %get3A_2406 = arith.constant 464 : index
    %get3A_2407 = tpu.vector_load %arg7[%get3A_2405, %get3A_2406] {strides = array<i32>} : memref<16x640xf32, #tpu.memory_space<vmem>>, vector<16xf32>,
    %add3A_2408 = arith.addf %add3A_2403, %get3A_2407 : vector<16xf32>
    %get3A_2409 = arith.constant 11 : i32
    %get3A_2410 = arith.index_cast %get3A_2409 : i32 to index
    %get3A_2411 = arith.constant 464 : index
    %get3A_2412 = tpu.vector_load %arg7[%get3A_2410, %get3A_2411] {strides = array<i32>} : memref<16x640xf32, #tpu.memory_space<vmem>>, vector<16xf32>,
    %add3A_2413 = arith.addf %add3A_2408, %get3A_2412 : vector<16xf32>
    %get3A_2414 = arith.constant 12 : i32
    %get3A_2415 = arith.index_cast %get3A_2414 : i32 to index
    %get3A_2416 = arith.constant 464 : index
    %get3A_2417 = tpu.vector_load %arg7[%get3A_2415, %get3A_2416] {strides = array<i32>} : memref<16x640xf32, #tpu.memory_space<vmem>>, vector<16xf32>,
    %add3A_2418 = arith.addf %add3A_2413, %get3A_2417 : vector<16xf32>
    %get3A_2419 = arith.constant 13 : i32
    %get3A_2420 = arith.index_cast %get3A_2419 : i32 to index
    %get3A_2421 = arith.constant 464 : index
    %get3A_2422 = tpu.vector_load %arg7[%get3A_2420, %get3A_2421] {strides = array<i32>} : memref<16x640xf32, #tpu.memory_space<vmem>>, vector<16xf32>,
    %add3A_2423 = arith.addf %add3A_2418, %get3A_2422 : vector<16xf32>
    %get3A_2424 = arith.constant 14 : i32
    %get3A_2425 = arith.index_cast %get3A_2424 : i32 to index
    %get3A_2426 = arith.constant 464 : index
    %get3A_2427 = tpu.vector_load %arg7[%get3A_2425, %get3A_2426] {strides = array<i32>} : memref<16x640xf32, #tpu.memory_space<vmem>>, vector<16xf32>,
    %add3A_2428 = arith.addf %add3A_2423, %get3A_2427 : vector<16xf32>
    %get3A_2429 = arith.constant 15 : i32
    %get3A_2430 = arith.index_cast %get3A_2429 : i32 to index
    %get3A_2431 = arith.constant 464 : index
    %get3A_2432 = tpu.vector_load %arg7[%get3A_2430, %get3A_2431] {strides = array<i32>} : memref<16x640xf32, #tpu.memory_space<vmem>>, vector<16xf32>,
    %add3A_2433 = arith.addf %add3A_2428, %get3A_2432 : vector<16xf32>
    %swap3A_2434 = arith.constant 464 : index
    %swap3A_2435 = tpu.vector_load %arg8[%swap3A_2434] {strides = array<i32>} : memref<640xf32, #tpu.memory_space<vmem>>, vector<16xf32>,
    tpu.vector_store %arg8[%swap3A_2434], %add3A_2433 {strides = array<i32>} : memref<640xf32, #tpu.memory_space<vmem>>, vector<16xf32>,
    %get3A_2436 = arith.constant 0 : i32
    %get3A_2437 = arith.index_cast %get3A_2436 : i32 to index
    %get3A_2438 = arith.constant 480 : index
    %get3A_2439 = tpu.vector_load %arg7[%get3A_2437, %get3A_2438] {strides = array<i32>} : memref<16x640xf32, #tpu.memory_space<vmem>>, vector<16xf32>,
    %get3A_2440 = arith.constant 1 : i32
    %get3A_2441 = arith.index_cast %get3A_2440 : i32 to index
    %get3A_2442 = arith.constant 480 : index
    %get3A_2443 = tpu.vector_load %arg7[%get3A_2441, %get3A_2442] {strides = array<i32>} : memref<16x640xf32, #tpu.memory_space<vmem>>, vector<16xf32>,
    %add3A_2444 = arith.addf %get3A_2439, %get3A_2443 : vector<16xf32>
    %get3A_2445 = arith.constant 2 : i32
    %get3A_2446 = arith.index_cast %get3A_2445 : i32 to index
    %get3A_2447 = arith.constant 480 : index
    %get3A_2448 = tpu.vector_load %arg7[%get3A_2446, %get3A_2447] {strides = array<i32>} : memref<16x640xf32, #tpu.memory_space<vmem>>, vector<16xf32>,
    %add3A_2449 = arith.addf %add3A_2444, %get3A_2448 : vector<16xf32>
    %get3A_2450 = arith.constant 3 : i32
    %get3A_2451 = arith.index_cast %get3A_2450 : i32 to index
    %get3A_2452 = arith.constant 480 : index
    %get3A_2453 = tpu.vector_load %arg7[%get3A_2451, %get3A_2452] {strides = array<i32>} : memref<16x640xf32, #tpu.memory_space<vmem>>, vector<16xf32>,
    %add3A_2454 = arith.addf %add3A_2449, %get3A_2453 : vector<16xf32>
    %get3A_2455 = arith.constant 4 : i32
    %get3A_2456 = arith.index_cast %get3A_2455 : i32 to index
    %get3A_2457 = arith.constant 480 : index
    %get3A_2458 = tpu.vector_load %arg7[%get3A_2456, %get3A_2457] {strides = array<i32>} : memref<16x640xf32, #tpu.memory_space<vmem>>, vector<16xf32>,
    %add3A_2459 = arith.addf %add3A_2454, %get3A_2458 : vector<16xf32>
    %get3A_2460 = arith.constant 5 : i32
    %get3A_2461 = arith.index_cast %get3A_2460 : i32 to index
    %get3A_2462 = arith.constant 480 : index
    %get3A_2463 = tpu.vector_load %arg7[%get3A_2461, %get3A_2462] {strides = array<i32>} : memref<16x640xf32, #tpu.memory_space<vmem>>, vector<16xf32>,
    %add3A_2464 = arith.addf %add3A_2459, %get3A_2463 : vector<16xf32>
    %get3A_2465 = arith.constant 6 : i32
    %get3A_2466 = arith.index_cast %get3A_2465 : i32 to index
    %get3A_2467 = arith.constant 480 : index
    %get3A_2468 = tpu.vector_load %arg7[%get3A_2466, %get3A_2467] {strides = array<i32>} : memref<16x640xf32, #tpu.memory_space<vmem>>, vector<16xf32>,
    %add3A_2469 = arith.addf %add3A_2464, %get3A_2468 : vector<16xf32>
    %get3A_2470 = arith.constant 7 : i32
    %get3A_2471 = arith.index_cast %get3A_2470 : i32 to index
    %get3A_2472 = arith.constant 480 : index
    %get3A_2473 = tpu.vector_load %arg7[%get3A_2471, %get3A_2472] {strides = array<i32>} : memref<16x640xf32, #tpu.memory_space<vmem>>, vector<16xf32>,
    %add3A_2474 = arith.addf %add3A_2469, %get3A_2473 : vector<16xf32>
    %get3A_2475 = arith.constant 8 : i32
    %get3A_2476 = arith.index_cast %get3A_2475 : i32 to index
    %get3A_2477 = arith.constant 480 : index
    %get3A_2478 = tpu.vector_load %arg7[%get3A_2476, %get3A_2477] {strides = array<i32>} : memref<16x640xf32, #tpu.memory_space<vmem>>, vector<16xf32>,
    %add3A_2479 = arith.addf %add3A_2474, %get3A_2478 : vector<16xf32>
    %get3A_2480 = arith.constant 9 : i32
    %get3A_2481 = arith.index_cast %get3A_2480 : i32 to index
    %get3A_2482 = arith.constant 480 : index
    %get3A_2483 = tpu.vector_load %arg7[%get3A_2481, %get3A_2482] {strides = array<i32>} : memref<16x640xf32, #tpu.memory_space<vmem>>, vector<16xf32>,
    %add3A_2484 = arith.addf %add3A_2479, %get3A_2483 : vector<16xf32>
    %get3A_2485 = arith.constant 10 : i32
    %get3A_2486 = arith.index_cast %get3A_2485 : i32 to index
    %get3A_2487 = arith.constant 480 : index
    %get3A_2488 = tpu.vector_load %arg7[%get3A_2486, %get3A_2487] {strides = array<i32>} : memref<16x640xf32, #tpu.memory_space<vmem>>, vector<16xf32>,
    %add3A_2489 = arith.addf %add3A_2484, %get3A_2488 : vector<16xf32>
    %get3A_2490 = arith.constant 11 : i32
    %get3A_2491 = arith.index_cast %get3A_2490 : i32 to index
    %get3A_2492 = arith.constant 480 : index
    %get3A_2493 = tpu.vector_load %arg7[%get3A_2491, %get3A_2492] {strides = array<i32>} : memref<16x640xf32, #tpu.memory_space<vmem>>, vector<16xf32>,
    %add3A_2494 = arith.addf %add3A_2489, %get3A_2493 : vector<16xf32>
    %get3A_2495 = arith.constant 12 : i32
    %get3A_2496 = arith.index_cast %get3A_2495 : i32 to index
    %get3A_2497 = arith.constant 480 : index
    %get3A_2498 = tpu.vector_load %arg7[%get3A_2496, %get3A_2497] {strides = array<i32>} : memref<16x640xf32, #tpu.memory_space<vmem>>, vector<16xf32>,
    %add3A_2499 = arith.addf %add3A_2494, %get3A_2498 : vector<16xf32>
    %get3A_2500 = arith.constant 13 : i32
    %get3A_2501 = arith.index_cast %get3A_2500 : i32 to index
    %get3A_2502 = arith.constant 480 : index
    %get3A_2503 = tpu.vector_load %arg7[%get3A_2501, %get3A_2502] {strides = array<i32>} : memref<16x640xf32, #tpu.memory_space<vmem>>, vector<16xf32>,
    %add3A_2504 = arith.addf %add3A_2499, %get3A_2503 : vector<16xf32>
    %get3A_2505 = arith.constant 14 : i32
    %get3A_2506 = arith.index_cast %get3A_2505 : i32 to index
    %get3A_2507 = arith.constant 480 : index
    %get3A_2508 = tpu.vector_load %arg7[%get3A_2506, %get3A_2507] {strides = array<i32>} : memref<16x640xf32, #tpu.memory_space<vmem>>, vector<16xf32>,
    %add3A_2509 = arith.addf %add3A_2504, %get3A_2508 : vector<16xf32>
    %get3A_2510 = arith.constant 15 : i32
    %get3A_2511 = arith.index_cast %get3A_2510 : i32 to index
    %get3A_2512 = arith.constant 480 : index
    %get3A_2513 = tpu.vector_load %arg7[%get3A_2511, %get3A_2512] {strides = array<i32>} : memref<16x640xf32, #tpu.memory_space<vmem>>, vector<16xf32>,
    %add3A_2514 = arith.addf %add3A_2509, %get3A_2513 : vector<16xf32>
    %swap3A_2515 = arith.constant 480 : index
    %swap3A_2516 = tpu.vector_load %arg8[%swap3A_2515] {strides = array<i32>} : memref<640xf32, #tpu.memory_space<vmem>>, vector<16xf32>,
    tpu.vector_store %arg8[%swap3A_2515], %add3A_2514 {strides = array<i32>} : memref<640xf32, #tpu.memory_space<vmem>>, vector<16xf32>,
    %get3A_2517 = arith.constant 0 : i32
    %get3A_2518 = arith.index_cast %get3A_2517 : i32 to index
    %get3A_2519 = arith.constant 496 : index
    %get3A_2520 = tpu.vector_load %arg7[%get3A_2518, %get3A_2519] {strides = array<i32>} : memref<16x640xf32, #tpu.memory_space<vmem>>, vector<16xf32>,
    %get3A_2521 = arith.constant 1 : i32
    %get3A_2522 = arith.index_cast %get3A_2521 : i32 to index
    %get3A_2523 = arith.constant 496 : index
    %get3A_2524 = tpu.vector_load %arg7[%get3A_2522, %get3A_2523] {strides = array<i32>} : memref<16x640xf32, #tpu.memory_space<vmem>>, vector<16xf32>,
    %add3A_2525 = arith.addf %get3A_2520, %get3A_2524 : vector<16xf32>
    %get3A_2526 = arith.constant 2 : i32
    %get3A_2527 = arith.index_cast %get3A_2526 : i32 to index
    %get3A_2528 = arith.constant 496 : index
    %get3A_2529 = tpu.vector_load %arg7[%get3A_2527, %get3A_2528] {strides = array<i32>} : memref<16x640xf32, #tpu.memory_space<vmem>>, vector<16xf32>,
    %add3A_2530 = arith.addf %add3A_2525, %get3A_2529 : vector<16xf32>
    %get3A_2531 = arith.constant 3 : i32
    %get3A_2532 = arith.index_cast %get3A_2531 : i32 to index
    %get3A_2533 = arith.constant 496 : index
    %get3A_2534 = tpu.vector_load %arg7[%get3A_2532, %get3A_2533] {strides = array<i32>} : memref<16x640xf32, #tpu.memory_space<vmem>>, vector<16xf32>,
    %add3A_2535 = arith.addf %add3A_2530, %get3A_2534 : vector<16xf32>
    %get3A_2536 = arith.constant 4 : i32
    %get3A_2537 = arith.index_cast %get3A_2536 : i32 to index
    %get3A_2538 = arith.constant 496 : index
    %get3A_2539 = tpu.vector_load %arg7[%get3A_2537, %get3A_2538] {strides = array<i32>} : memref<16x640xf32, #tpu.memory_space<vmem>>, vector<16xf32>,
    %add3A_2540 = arith.addf %add3A_2535, %get3A_2539 : vector<16xf32>
    %get3A_2541 = arith.constant 5 : i32
    %get3A_2542 = arith.index_cast %get3A_2541 : i32 to index
    %get3A_2543 = arith.constant 496 : index
    %get3A_2544 = tpu.vector_load %arg7[%get3A_2542, %get3A_2543] {strides = array<i32>} : memref<16x640xf32, #tpu.memory_space<vmem>>, vector<16xf32>,
    %add3A_2545 = arith.addf %add3A_2540, %get3A_2544 : vector<16xf32>
    %get3A_2546 = arith.constant 6 : i32
    %get3A_2547 = arith.index_cast %get3A_2546 : i32 to index
    %get3A_2548 = arith.constant 496 : index
    %get3A_2549 = tpu.vector_load %arg7[%get3A_2547, %get3A_2548] {strides = array<i32>} : memref<16x640xf32, #tpu.memory_space<vmem>>, vector<16xf32>,
    %add3A_2550 = arith.addf %add3A_2545, %get3A_2549 : vector<16xf32>
    %get3A_2551 = arith.constant 7 : i32
    %get3A_2552 = arith.index_cast %get3A_2551 : i32 to index
    %get3A_2553 = arith.constant 496 : index
    %get3A_2554 = tpu.vector_load %arg7[%get3A_2552, %get3A_2553] {strides = array<i32>} : memref<16x640xf32, #tpu.memory_space<vmem>>, vector<16xf32>,
    %add3A_2555 = arith.addf %add3A_2550, %get3A_2554 : vector<16xf32>
    %get3A_2556 = arith.constant 8 : i32
    %get3A_2557 = arith.index_cast %get3A_2556 : i32 to index
    %get3A_2558 = arith.constant 496 : index
    %get3A_2559 = tpu.vector_load %arg7[%get3A_2557, %get3A_2558] {strides = array<i32>} : memref<16x640xf32, #tpu.memory_space<vmem>>, vector<16xf32>,
    %add3A_2560 = arith.addf %add3A_2555, %get3A_2559 : vector<16xf32>
    %get3A_2561 = arith.constant 9 : i32
    %get3A_2562 = arith.index_cast %get3A_2561 : i32 to index
    %get3A_2563 = arith.constant 496 : index
    %get3A_2564 = tpu.vector_load %arg7[%get3A_2562, %get3A_2563] {strides = array<i32>} : memref<16x640xf32, #tpu.memory_space<vmem>>, vector<16xf32>,
    %add3A_2565 = arith.addf %add3A_2560, %get3A_2564 : vector<16xf32>
    %get3A_2566 = arith.constant 10 : i32
    %get3A_2567 = arith.index_cast %get3A_2566 : i32 to index
    %get3A_2568 = arith.constant 496 : index
    %get3A_2569 = tpu.vector_load %arg7[%get3A_2567, %get3A_2568] {strides = array<i32>} : memref<16x640xf32, #tpu.memory_space<vmem>>, vector<16xf32>,
    %add3A_2570 = arith.addf %add3A_2565, %get3A_2569 : vector<16xf32>
    %get3A_2571 = arith.constant 11 : i32
    %get3A_2572 = arith.index_cast %get3A_2571 : i32 to index
    %get3A_2573 = arith.constant 496 : index
    %get3A_2574 = tpu.vector_load %arg7[%get3A_2572, %get3A_2573] {strides = array<i32>} : memref<16x640xf32, #tpu.memory_space<vmem>>, vector<16xf32>,
    %add3A_2575 = arith.addf %add3A_2570, %get3A_2574 : vector<16xf32>
    %get3A_2576 = arith.constant 12 : i32
    %get3A_2577 = arith.index_cast %get3A_2576 : i32 to index
    %get3A_2578 = arith.constant 496 : index
    %get3A_2579 = tpu.vector_load %arg7[%get3A_2577, %get3A_2578] {strides = array<i32>} : memref<16x640xf32, #tpu.memory_space<vmem>>, vector<16xf32>,
    %add3A_2580 = arith.addf %add3A_2575, %get3A_2579 : vector<16xf32>
    %get3A_2581 = arith.constant 13 : i32
    %get3A_2582 = arith.index_cast %get3A_2581 : i32 to index
    %get3A_2583 = arith.constant 496 : index
    %get3A_2584 = tpu.vector_load %arg7[%get3A_2582, %get3A_2583] {strides = array<i32>} : memref<16x640xf32, #tpu.memory_space<vmem>>, vector<16xf32>,
    %add3A_2585 = arith.addf %add3A_2580, %get3A_2584 : vector<16xf32>
    %get3A_2586 = arith.constant 14 : i32
    %get3A_2587 = arith.index_cast %get3A_2586 : i32 to index
    %get3A_2588 = arith.constant 496 : index
    %get3A_2589 = tpu.vector_load %arg7[%get3A_2587, %get3A_2588] {strides = array<i32>} : memref<16x640xf32, #tpu.memory_space<vmem>>, vector<16xf32>,
    %add3A_2590 = arith.addf %add3A_2585, %get3A_2589 : vector<16xf32>
    %get3A_2591 = arith.constant 15 : i32
    %get3A_2592 = arith.index_cast %get3A_2591 : i32 to index
    %get3A_2593 = arith.constant 496 : index
    %get3A_2594 = tpu.vector_load %arg7[%get3A_2592, %get3A_2593] {strides = array<i32>} : memref<16x640xf32, #tpu.memory_space<vmem>>, vector<16xf32>,
    %add3A_2595 = arith.addf %add3A_2590, %get3A_2594 : vector<16xf32>
    %swap3A_2596 = arith.constant 496 : index
    %swap3A_2597 = tpu.vector_load %arg8[%swap3A_2596] {strides = array<i32>} : memref<640xf32, #tpu.memory_space<vmem>>, vector<16xf32>,
    tpu.vector_store %arg8[%swap3A_2596], %add3A_2595 {strides = array<i32>} : memref<640xf32, #tpu.memory_space<vmem>>, vector<16xf32>,
    %get3A_2598 = arith.constant 0 : i32
    %get3A_2599 = arith.index_cast %get3A_2598 : i32 to index
    %get3A_2600 = arith.constant 512 : index
    %get3A_2601 = tpu.vector_load %arg7[%get3A_2599, %get3A_2600] {strides = array<i32>} : memref<16x640xf32, #tpu.memory_space<vmem>>, vector<16xf32>,
    %get3A_2602 = arith.constant 1 : i32
    %get3A_2603 = arith.index_cast %get3A_2602 : i32 to index
    %get3A_2604 = arith.constant 512 : index
    %get3A_2605 = tpu.vector_load %arg7[%get3A_2603, %get3A_2604] {strides = array<i32>} : memref<16x640xf32, #tpu.memory_space<vmem>>, vector<16xf32>,
    %add3A_2606 = arith.addf %get3A_2601, %get3A_2605 : vector<16xf32>
    %get3A_2607 = arith.constant 2 : i32
    %get3A_2608 = arith.index_cast %get3A_2607 : i32 to index
    %get3A_2609 = arith.constant 512 : index
    %get3A_2610 = tpu.vector_load %arg7[%get3A_2608, %get3A_2609] {strides = array<i32>} : memref<16x640xf32, #tpu.memory_space<vmem>>, vector<16xf32>,
    %add3A_2611 = arith.addf %add3A_2606, %get3A_2610 : vector<16xf32>
    %get3A_2612 = arith.constant 3 : i32
    %get3A_2613 = arith.index_cast %get3A_2612 : i32 to index
    %get3A_2614 = arith.constant 512 : index
    %get3A_2615 = tpu.vector_load %arg7[%get3A_2613, %get3A_2614] {strides = array<i32>} : memref<16x640xf32, #tpu.memory_space<vmem>>, vector<16xf32>,
    %add3A_2616 = arith.addf %add3A_2611, %get3A_2615 : vector<16xf32>
    %get3A_2617 = arith.constant 4 : i32
    %get3A_2618 = arith.index_cast %get3A_2617 : i32 to index
    %get3A_2619 = arith.constant 512 : index
    %get3A_2620 = tpu.vector_load %arg7[%get3A_2618, %get3A_2619] {strides = array<i32>} : memref<16x640xf32, #tpu.memory_space<vmem>>, vector<16xf32>,
    %add3A_2621 = arith.addf %add3A_2616, %get3A_2620 : vector<16xf32>
    %get3A_2622 = arith.constant 5 : i32
    %get3A_2623 = arith.index_cast %get3A_2622 : i32 to index
    %get3A_2624 = arith.constant 512 : index
    %get3A_2625 = tpu.vector_load %arg7[%get3A_2623, %get3A_2624] {strides = array<i32>} : memref<16x640xf32, #tpu.memory_space<vmem>>, vector<16xf32>,
    %add3A_2626 = arith.addf %add3A_2621, %get3A_2625 : vector<16xf32>
    %get3A_2627 = arith.constant 6 : i32
    %get3A_2628 = arith.index_cast %get3A_2627 : i32 to index
    %get3A_2629 = arith.constant 512 : index
    %get3A_2630 = tpu.vector_load %arg7[%get3A_2628, %get3A_2629] {strides = array<i32>} : memref<16x640xf32, #tpu.memory_space<vmem>>, vector<16xf32>,
    %add3A_2631 = arith.addf %add3A_2626, %get3A_2630 : vector<16xf32>
    %get3A_2632 = arith.constant 7 : i32
    %get3A_2633 = arith.index_cast %get3A_2632 : i32 to index
    %get3A_2634 = arith.constant 512 : index
    %get3A_2635 = tpu.vector_load %arg7[%get3A_2633, %get3A_2634] {strides = array<i32>} : memref<16x640xf32, #tpu.memory_space<vmem>>, vector<16xf32>,
    %add3A_2636 = arith.addf %add3A_2631, %get3A_2635 : vector<16xf32>
    %get3A_2637 = arith.constant 8 : i32
    %get3A_2638 = arith.index_cast %get3A_2637 : i32 to index
    %get3A_2639 = arith.constant 512 : index
    %get3A_2640 = tpu.vector_load %arg7[%get3A_2638, %get3A_2639] {strides = array<i32>} : memref<16x640xf32, #tpu.memory_space<vmem>>, vector<16xf32>,
    %add3A_2641 = arith.addf %add3A_2636, %get3A_2640 : vector<16xf32>
    %get3A_2642 = arith.constant 9 : i32
    %get3A_2643 = arith.index_cast %get3A_2642 : i32 to index
    %get3A_2644 = arith.constant 512 : index
    %get3A_2645 = tpu.vector_load %arg7[%get3A_2643, %get3A_2644] {strides = array<i32>} : memref<16x640xf32, #tpu.memory_space<vmem>>, vector<16xf32>,
    %add3A_2646 = arith.addf %add3A_2641, %get3A_2645 : vector<16xf32>
    %get3A_2647 = arith.constant 10 : i32
    %get3A_2648 = arith.index_cast %get3A_2647 : i32 to index
    %get3A_2649 = arith.constant 512 : index
    %get3A_2650 = tpu.vector_load %arg7[%get3A_2648, %get3A_2649] {strides = array<i32>} : memref<16x640xf32, #tpu.memory_space<vmem>>, vector<16xf32>,
    %add3A_2651 = arith.addf %add3A_2646, %get3A_2650 : vector<16xf32>
    %get3A_2652 = arith.constant 11 : i32
    %get3A_2653 = arith.index_cast %get3A_2652 : i32 to index
    %get3A_2654 = arith.constant 512 : index
    %get3A_2655 = tpu.vector_load %arg7[%get3A_2653, %get3A_2654] {strides = array<i32>} : memref<16x640xf32, #tpu.memory_space<vmem>>, vector<16xf32>,
    %add3A_2656 = arith.addf %add3A_2651, %get3A_2655 : vector<16xf32>
    %get3A_2657 = arith.constant 12 : i32
    %get3A_2658 = arith.index_cast %get3A_2657 : i32 to index
    %get3A_2659 = arith.constant 512 : index
    %get3A_2660 = tpu.vector_load %arg7[%get3A_2658, %get3A_2659] {strides = array<i32>} : memref<16x640xf32, #tpu.memory_space<vmem>>, vector<16xf32>,
    %add3A_2661 = arith.addf %add3A_2656, %get3A_2660 : vector<16xf32>
    %get3A_2662 = arith.constant 13 : i32
    %get3A_2663 = arith.index_cast %get3A_2662 : i32 to index
    %get3A_2664 = arith.constant 512 : index
    %get3A_2665 = tpu.vector_load %arg7[%get3A_2663, %get3A_2664] {strides = array<i32>} : memref<16x640xf32, #tpu.memory_space<vmem>>, vector<16xf32>,
    %add3A_2666 = arith.addf %add3A_2661, %get3A_2665 : vector<16xf32>
    %get3A_2667 = arith.constant 14 : i32
    %get3A_2668 = arith.index_cast %get3A_2667 : i32 to index
    %get3A_2669 = arith.constant 512 : index
    %get3A_2670 = tpu.vector_load %arg7[%get3A_2668, %get3A_2669] {strides = array<i32>} : memref<16x640xf32, #tpu.memory_space<vmem>>, vector<16xf32>,
    %add3A_2671 = arith.addf %add3A_2666, %get3A_2670 : vector<16xf32>
    %get3A_2672 = arith.constant 15 : i32
    %get3A_2673 = arith.index_cast %get3A_2672 : i32 to index
    %get3A_2674 = arith.constant 512 : index
    %get3A_2675 = tpu.vector_load %arg7[%get3A_2673, %get3A_2674] {strides = array<i32>} : memref<16x640xf32, #tpu.memory_space<vmem>>, vector<16xf32>,
    %add3A_2676 = arith.addf %add3A_2671, %get3A_2675 : vector<16xf32>
    %swap3A_2677 = arith.constant 512 : index
    %swap3A_2678 = tpu.vector_load %arg8[%swap3A_2677] {strides = array<i32>} : memref<640xf32, #tpu.memory_space<vmem>>, vector<16xf32>,
    tpu.vector_store %arg8[%swap3A_2677], %add3A_2676 {strides = array<i32>} : memref<640xf32, #tpu.memory_space<vmem>>, vector<16xf32>,
    %get3A_2679 = arith.constant 0 : i32
    %get3A_2680 = arith.index_cast %get3A_2679 : i32 to index
    %get3A_2681 = arith.constant 528 : index
    %get3A_2682 = tpu.vector_load %arg7[%get3A_2680, %get3A_2681] {strides = array<i32>} : memref<16x640xf32, #tpu.memory_space<vmem>>, vector<16xf32>,
    %get3A_2683 = arith.constant 1 : i32
    %get3A_2684 = arith.index_cast %get3A_2683 : i32 to index
    %get3A_2685 = arith.constant 528 : index
    %get3A_2686 = tpu.vector_load %arg7[%get3A_2684, %get3A_2685] {strides = array<i32>} : memref<16x640xf32, #tpu.memory_space<vmem>>, vector<16xf32>,
    %add3A_2687 = arith.addf %get3A_2682, %get3A_2686 : vector<16xf32>
    %get3A_2688 = arith.constant 2 : i32
    %get3A_2689 = arith.index_cast %get3A_2688 : i32 to index
    %get3A_2690 = arith.constant 528 : index
    %get3A_2691 = tpu.vector_load %arg7[%get3A_2689, %get3A_2690] {strides = array<i32>} : memref<16x640xf32, #tpu.memory_space<vmem>>, vector<16xf32>,
    %add3A_2692 = arith.addf %add3A_2687, %get3A_2691 : vector<16xf32>
    %get3A_2693 = arith.constant 3 : i32
    %get3A_2694 = arith.index_cast %get3A_2693 : i32 to index
    %get3A_2695 = arith.constant 528 : index
    %get3A_2696 = tpu.vector_load %arg7[%get3A_2694, %get3A_2695] {strides = array<i32>} : memref<16x640xf32, #tpu.memory_space<vmem>>, vector<16xf32>,
    %add3A_2697 = arith.addf %add3A_2692, %get3A_2696 : vector<16xf32>
    %get3A_2698 = arith.constant 4 : i32
    %get3A_2699 = arith.index_cast %get3A_2698 : i32 to index
    %get3A_2700 = arith.constant 528 : index
    %get3A_2701 = tpu.vector_load %arg7[%get3A_2699, %get3A_2700] {strides = array<i32>} : memref<16x640xf32, #tpu.memory_space<vmem>>, vector<16xf32>,
    %add3A_2702 = arith.addf %add3A_2697, %get3A_2701 : vector<16xf32>
    %get3A_2703 = arith.constant 5 : i32
    %get3A_2704 = arith.index_cast %get3A_2703 : i32 to index
    %get3A_2705 = arith.constant 528 : index
    %get3A_2706 = tpu.vector_load %arg7[%get3A_2704, %get3A_2705] {strides = array<i32>} : memref<16x640xf32, #tpu.memory_space<vmem>>, vector<16xf32>,
    %add3A_2707 = arith.addf %add3A_2702, %get3A_2706 : vector<16xf32>
    %get3A_2708 = arith.constant 6 : i32
    %get3A_2709 = arith.index_cast %get3A_2708 : i32 to index
    %get3A_2710 = arith.constant 528 : index
    %get3A_2711 = tpu.vector_load %arg7[%get3A_2709, %get3A_2710] {strides = array<i32>} : memref<16x640xf32, #tpu.memory_space<vmem>>, vector<16xf32>,
    %add3A_2712 = arith.addf %add3A_2707, %get3A_2711 : vector<16xf32>
    %get3A_2713 = arith.constant 7 : i32
    %get3A_2714 = arith.index_cast %get3A_2713 : i32 to index
    %get3A_2715 = arith.constant 528 : index
    %get3A_2716 = tpu.vector_load %arg7[%get3A_2714, %get3A_2715] {strides = array<i32>} : memref<16x640xf32, #tpu.memory_space<vmem>>, vector<16xf32>,
    %add3A_2717 = arith.addf %add3A_2712, %get3A_2716 : vector<16xf32>
    %get3A_2718 = arith.constant 8 : i32
    %get3A_2719 = arith.index_cast %get3A_2718 : i32 to index
    %get3A_2720 = arith.constant 528 : index
    %get3A_2721 = tpu.vector_load %arg7[%get3A_2719, %get3A_2720] {strides = array<i32>} : memref<16x640xf32, #tpu.memory_space<vmem>>, vector<16xf32>,
    %add3A_2722 = arith.addf %add3A_2717, %get3A_2721 : vector<16xf32>
    %get3A_2723 = arith.constant 9 : i32
    %get3A_2724 = arith.index_cast %get3A_2723 : i32 to index
    %get3A_2725 = arith.constant 528 : index
    %get3A_2726 = tpu.vector_load %arg7[%get3A_2724, %get3A_2725] {strides = array<i32>} : memref<16x640xf32, #tpu.memory_space<vmem>>, vector<16xf32>,
    %add3A_2727 = arith.addf %add3A_2722, %get3A_2726 : vector<16xf32>
    %get3A_2728 = arith.constant 10 : i32
    %get3A_2729 = arith.index_cast %get3A_2728 : i32 to index
    %get3A_2730 = arith.constant 528 : index
    %get3A_2731 = tpu.vector_load %arg7[%get3A_2729, %get3A_2730] {strides = array<i32>} : memref<16x640xf32, #tpu.memory_space<vmem>>, vector<16xf32>,
    %add3A_2732 = arith.addf %add3A_2727, %get3A_2731 : vector<16xf32>
    %get3A_2733 = arith.constant 11 : i32
    %get3A_2734 = arith.index_cast %get3A_2733 : i32 to index
    %get3A_2735 = arith.constant 528 : index
    %get3A_2736 = tpu.vector_load %arg7[%get3A_2734, %get3A_2735] {strides = array<i32>} : memref<16x640xf32, #tpu.memory_space<vmem>>, vector<16xf32>,
    %add3A_2737 = arith.addf %add3A_2732, %get3A_2736 : vector<16xf32>
    %get3A_2738 = arith.constant 12 : i32
    %get3A_2739 = arith.index_cast %get3A_2738 : i32 to index
    %get3A_2740 = arith.constant 528 : index
    %get3A_2741 = tpu.vector_load %arg7[%get3A_2739, %get3A_2740] {strides = array<i32>} : memref<16x640xf32, #tpu.memory_space<vmem>>, vector<16xf32>,
    %add3A_2742 = arith.addf %add3A_2737, %get3A_2741 : vector<16xf32>
    %get3A_2743 = arith.constant 13 : i32
    %get3A_2744 = arith.index_cast %get3A_2743 : i32 to index
    %get3A_2745 = arith.constant 528 : index
    %get3A_2746 = tpu.vector_load %arg7[%get3A_2744, %get3A_2745] {strides = array<i32>} : memref<16x640xf32, #tpu.memory_space<vmem>>, vector<16xf32>,
    %add3A_2747 = arith.addf %add3A_2742, %get3A_2746 : vector<16xf32>
    %get3A_2748 = arith.constant 14 : i32
    %get3A_2749 = arith.index_cast %get3A_2748 : i32 to index
    %get3A_2750 = arith.constant 528 : index
    %get3A_2751 = tpu.vector_load %arg7[%get3A_2749, %get3A_2750] {strides = array<i32>} : memref<16x640xf32, #tpu.memory_space<vmem>>, vector<16xf32>,
    %add3A_2752 = arith.addf %add3A_2747, %get3A_2751 : vector<16xf32>
    %get3A_2753 = arith.constant 15 : i32
    %get3A_2754 = arith.index_cast %get3A_2753 : i32 to index
    %get3A_2755 = arith.constant 528 : index
    %get3A_2756 = tpu.vector_load %arg7[%get3A_2754, %get3A_2755] {strides = array<i32>} : memref<16x640xf32, #tpu.memory_space<vmem>>, vector<16xf32>,
    %add3A_2757 = arith.addf %add3A_2752, %get3A_2756 : vector<16xf32>
    %swap3A_2758 = arith.constant 528 : index
    %swap3A_2759 = tpu.vector_load %arg8[%swap3A_2758] {strides = array<i32>} : memref<640xf32, #tpu.memory_space<vmem>>, vector<16xf32>,
    tpu.vector_store %arg8[%swap3A_2758], %add3A_2757 {strides = array<i32>} : memref<640xf32, #tpu.memory_space<vmem>>, vector<16xf32>,
    %get3A_2760 = arith.constant 0 : i32
    %get3A_2761 = arith.index_cast %get3A_2760 : i32 to index
    %get3A_2762 = arith.constant 544 : index
    %get3A_2763 = tpu.vector_load %arg7[%get3A_2761, %get3A_2762] {strides = array<i32>} : memref<16x640xf32, #tpu.memory_space<vmem>>, vector<16xf32>,
    %get3A_2764 = arith.constant 1 : i32
    %get3A_2765 = arith.index_cast %get3A_2764 : i32 to index
    %get3A_2766 = arith.constant 544 : index
    %get3A_2767 = tpu.vector_load %arg7[%get3A_2765, %get3A_2766] {strides = array<i32>} : memref<16x640xf32, #tpu.memory_space<vmem>>, vector<16xf32>,
    %add3A_2768 = arith.addf %get3A_2763, %get3A_2767 : vector<16xf32>
    %get3A_2769 = arith.constant 2 : i32
    %get3A_2770 = arith.index_cast %get3A_2769 : i32 to index
    %get3A_2771 = arith.constant 544 : index
    %get3A_2772 = tpu.vector_load %arg7[%get3A_2770, %get3A_2771] {strides = array<i32>} : memref<16x640xf32, #tpu.memory_space<vmem>>, vector<16xf32>,
    %add3A_2773 = arith.addf %add3A_2768, %get3A_2772 : vector<16xf32>
    %get3A_2774 = arith.constant 3 : i32
    %get3A_2775 = arith.index_cast %get3A_2774 : i32 to index
    %get3A_2776 = arith.constant 544 : index
    %get3A_2777 = tpu.vector_load %arg7[%get3A_2775, %get3A_2776] {strides = array<i32>} : memref<16x640xf32, #tpu.memory_space<vmem>>, vector<16xf32>,
    %add3A_2778 = arith.addf %add3A_2773, %get3A_2777 : vector<16xf32>
    %get3A_2779 = arith.constant 4 : i32
    %get3A_2780 = arith.index_cast %get3A_2779 : i32 to index
    %get3A_2781 = arith.constant 544 : index
    %get3A_2782 = tpu.vector_load %arg7[%get3A_2780, %get3A_2781] {strides = array<i32>} : memref<16x640xf32, #tpu.memory_space<vmem>>, vector<16xf32>,
    %add3A_2783 = arith.addf %add3A_2778, %get3A_2782 : vector<16xf32>
    %get3A_2784 = arith.constant 5 : i32
    %get3A_2785 = arith.index_cast %get3A_2784 : i32 to index
    %get3A_2786 = arith.constant 544 : index
    %get3A_2787 = tpu.vector_load %arg7[%get3A_2785, %get3A_2786] {strides = array<i32>} : memref<16x640xf32, #tpu.memory_space<vmem>>, vector<16xf32>,
    %add3A_2788 = arith.addf %add3A_2783, %get3A_2787 : vector<16xf32>
    %get3A_2789 = arith.constant 6 : i32
    %get3A_2790 = arith.index_cast %get3A_2789 : i32 to index
    %get3A_2791 = arith.constant 544 : index
    %get3A_2792 = tpu.vector_load %arg7[%get3A_2790, %get3A_2791] {strides = array<i32>} : memref<16x640xf32, #tpu.memory_space<vmem>>, vector<16xf32>,
    %add3A_2793 = arith.addf %add3A_2788, %get3A_2792 : vector<16xf32>
    %get3A_2794 = arith.constant 7 : i32
    %get3A_2795 = arith.index_cast %get3A_2794 : i32 to index
    %get3A_2796 = arith.constant 544 : index
    %get3A_2797 = tpu.vector_load %arg7[%get3A_2795, %get3A_2796] {strides = array<i32>} : memref<16x640xf32, #tpu.memory_space<vmem>>, vector<16xf32>,
    %add3A_2798 = arith.addf %add3A_2793, %get3A_2797 : vector<16xf32>
    %get3A_2799 = arith.constant 8 : i32
    %get3A_2800 = arith.index_cast %get3A_2799 : i32 to index
    %get3A_2801 = arith.constant 544 : index
    %get3A_2802 = tpu.vector_load %arg7[%get3A_2800, %get3A_2801] {strides = array<i32>} : memref<16x640xf32, #tpu.memory_space<vmem>>, vector<16xf32>,
    %add3A_2803 = arith.addf %add3A_2798, %get3A_2802 : vector<16xf32>
    %get3A_2804 = arith.constant 9 : i32
    %get3A_2805 = arith.index_cast %get3A_2804 : i32 to index
    %get3A_2806 = arith.constant 544 : index
    %get3A_2807 = tpu.vector_load %arg7[%get3A_2805, %get3A_2806] {strides = array<i32>} : memref<16x640xf32, #tpu.memory_space<vmem>>, vector<16xf32>,
    %add3A_2808 = arith.addf %add3A_2803, %get3A_2807 : vector<16xf32>
    %get3A_2809 = arith.constant 10 : i32
    %get3A_2810 = arith.index_cast %get3A_2809 : i32 to index
    %get3A_2811 = arith.constant 544 : index
    %get3A_2812 = tpu.vector_load %arg7[%get3A_2810, %get3A_2811] {strides = array<i32>} : memref<16x640xf32, #tpu.memory_space<vmem>>, vector<16xf32>,
    %add3A_2813 = arith.addf %add3A_2808, %get3A_2812 : vector<16xf32>
    %get3A_2814 = arith.constant 11 : i32
    %get3A_2815 = arith.index_cast %get3A_2814 : i32 to index
    %get3A_2816 = arith.constant 544 : index
    %get3A_2817 = tpu.vector_load %arg7[%get3A_2815, %get3A_2816] {strides = array<i32>} : memref<16x640xf32, #tpu.memory_space<vmem>>, vector<16xf32>,
    %add3A_2818 = arith.addf %add3A_2813, %get3A_2817 : vector<16xf32>
    %get3A_2819 = arith.constant 12 : i32
    %get3A_2820 = arith.index_cast %get3A_2819 : i32 to index
    %get3A_2821 = arith.constant 544 : index
    %get3A_2822 = tpu.vector_load %arg7[%get3A_2820, %get3A_2821] {strides = array<i32>} : memref<16x640xf32, #tpu.memory_space<vmem>>, vector<16xf32>,
    %add3A_2823 = arith.addf %add3A_2818, %get3A_2822 : vector<16xf32>
    %get3A_2824 = arith.constant 13 : i32
    %get3A_2825 = arith.index_cast %get3A_2824 : i32 to index
    %get3A_2826 = arith.constant 544 : index
    %get3A_2827 = tpu.vector_load %arg7[%get3A_2825, %get3A_2826] {strides = array<i32>} : memref<16x640xf32, #tpu.memory_space<vmem>>, vector<16xf32>,
    %add3A_2828 = arith.addf %add3A_2823, %get3A_2827 : vector<16xf32>
    %get3A_2829 = arith.constant 14 : i32
    %get3A_2830 = arith.index_cast %get3A_2829 : i32 to index
    %get3A_2831 = arith.constant 544 : index
    %get3A_2832 = tpu.vector_load %arg7[%get3A_2830, %get3A_2831] {strides = array<i32>} : memref<16x640xf32, #tpu.memory_space<vmem>>, vector<16xf32>,
    %add3A_2833 = arith.addf %add3A_2828, %get3A_2832 : vector<16xf32>
    %get3A_2834 = arith.constant 15 : i32
    %get3A_2835 = arith.index_cast %get3A_2834 : i32 to index
    %get3A_2836 = arith.constant 544 : index
    %get3A_2837 = tpu.vector_load %arg7[%get3A_2835, %get3A_2836] {strides = array<i32>} : memref<16x640xf32, #tpu.memory_space<vmem>>, vector<16xf32>,
    %add3A_2838 = arith.addf %add3A_2833, %get3A_2837 : vector<16xf32>
    %swap3A_2839 = arith.constant 544 : index
    %swap3A_2840 = tpu.vector_load %arg8[%swap3A_2839] {strides = array<i32>} : memref<640xf32, #tpu.memory_space<vmem>>, vector<16xf32>,
    tpu.vector_store %arg8[%swap3A_2839], %add3A_2838 {strides = array<i32>} : memref<640xf32, #tpu.memory_space<vmem>>, vector<16xf32>,
    %get3A_2841 = arith.constant 0 : i32
    %get3A_2842 = arith.index_cast %get3A_2841 : i32 to index
    %get3A_2843 = arith.constant 560 : index
    %get3A_2844 = tpu.vector_load %arg7[%get3A_2842, %get3A_2843] {strides = array<i32>} : memref<16x640xf32, #tpu.memory_space<vmem>>, vector<16xf32>,
    %get3A_2845 = arith.constant 1 : i32
    %get3A_2846 = arith.index_cast %get3A_2845 : i32 to index
    %get3A_2847 = arith.constant 560 : index
    %get3A_2848 = tpu.vector_load %arg7[%get3A_2846, %get3A_2847] {strides = array<i32>} : memref<16x640xf32, #tpu.memory_space<vmem>>, vector<16xf32>,
    %add3A_2849 = arith.addf %get3A_2844, %get3A_2848 : vector<16xf32>
    %get3A_2850 = arith.constant 2 : i32
    %get3A_2851 = arith.index_cast %get3A_2850 : i32 to index
    %get3A_2852 = arith.constant 560 : index
    %get3A_2853 = tpu.vector_load %arg7[%get3A_2851, %get3A_2852] {strides = array<i32>} : memref<16x640xf32, #tpu.memory_space<vmem>>, vector<16xf32>,
    %add3A_2854 = arith.addf %add3A_2849, %get3A_2853 : vector<16xf32>
    %get3A_2855 = arith.constant 3 : i32
    %get3A_2856 = arith.index_cast %get3A_2855 : i32 to index
    %get3A_2857 = arith.constant 560 : index
    %get3A_2858 = tpu.vector_load %arg7[%get3A_2856, %get3A_2857] {strides = array<i32>} : memref<16x640xf32, #tpu.memory_space<vmem>>, vector<16xf32>,
    %add3A_2859 = arith.addf %add3A_2854, %get3A_2858 : vector<16xf32>
    %get3A_2860 = arith.constant 4 : i32
    %get3A_2861 = arith.index_cast %get3A_2860 : i32 to index
    %get3A_2862 = arith.constant 560 : index
    %get3A_2863 = tpu.vector_load %arg7[%get3A_2861, %get3A_2862] {strides = array<i32>} : memref<16x640xf32, #tpu.memory_space<vmem>>, vector<16xf32>,
    %add3A_2864 = arith.addf %add3A_2859, %get3A_2863 : vector<16xf32>
    %get3A_2865 = arith.constant 5 : i32
    %get3A_2866 = arith.index_cast %get3A_2865 : i32 to index
    %get3A_2867 = arith.constant 560 : index
    %get3A_2868 = tpu.vector_load %arg7[%get3A_2866, %get3A_2867] {strides = array<i32>} : memref<16x640xf32, #tpu.memory_space<vmem>>, vector<16xf32>,
    %add3A_2869 = arith.addf %add3A_2864, %get3A_2868 : vector<16xf32>
    %get3A_2870 = arith.constant 6 : i32
    %get3A_2871 = arith.index_cast %get3A_2870 : i32 to index
    %get3A_2872 = arith.constant 560 : index
    %get3A_2873 = tpu.vector_load %arg7[%get3A_2871, %get3A_2872] {strides = array<i32>} : memref<16x640xf32, #tpu.memory_space<vmem>>, vector<16xf32>,
    %add3A_2874 = arith.addf %add3A_2869, %get3A_2873 : vector<16xf32>
    %get3A_2875 = arith.constant 7 : i32
    %get3A_2876 = arith.index_cast %get3A_2875 : i32 to index
    %get3A_2877 = arith.constant 560 : index
    %get3A_2878 = tpu.vector_load %arg7[%get3A_2876, %get3A_2877] {strides = array<i32>} : memref<16x640xf32, #tpu.memory_space<vmem>>, vector<16xf32>,
    %add3A_2879 = arith.addf %add3A_2874, %get3A_2878 : vector<16xf32>
    %get3A_2880 = arith.constant 8 : i32
    %get3A_2881 = arith.index_cast %get3A_2880 : i32 to index
    %get3A_2882 = arith.constant 560 : index
    %get3A_2883 = tpu.vector_load %arg7[%get3A_2881, %get3A_2882] {strides = array<i32>} : memref<16x640xf32, #tpu.memory_space<vmem>>, vector<16xf32>,
    %add3A_2884 = arith.addf %add3A_2879, %get3A_2883 : vector<16xf32>
    %get3A_2885 = arith.constant 9 : i32
    %get3A_2886 = arith.index_cast %get3A_2885 : i32 to index
    %get3A_2887 = arith.constant 560 : index
    %get3A_2888 = tpu.vector_load %arg7[%get3A_2886, %get3A_2887] {strides = array<i32>} : memref<16x640xf32, #tpu.memory_space<vmem>>, vector<16xf32>,
    %add3A_2889 = arith.addf %add3A_2884, %get3A_2888 : vector<16xf32>
    %get3A_2890 = arith.constant 10 : i32
    %get3A_2891 = arith.index_cast %get3A_2890 : i32 to index
    %get3A_2892 = arith.constant 560 : index
    %get3A_2893 = tpu.vector_load %arg7[%get3A_2891, %get3A_2892] {strides = array<i32>} : memref<16x640xf32, #tpu.memory_space<vmem>>, vector<16xf32>,
    %add3A_2894 = arith.addf %add3A_2889, %get3A_2893 : vector<16xf32>
    %get3A_2895 = arith.constant 11 : i32
    %get3A_2896 = arith.index_cast %get3A_2895 : i32 to index
    %get3A_2897 = arith.constant 560 : index
    %get3A_2898 = tpu.vector_load %arg7[%get3A_2896, %get3A_2897] {strides = array<i32>} : memref<16x640xf32, #tpu.memory_space<vmem>>, vector<16xf32>,
    %add3A_2899 = arith.addf %add3A_2894, %get3A_2898 : vector<16xf32>
    %get3A_2900 = arith.constant 12 : i32
    %get3A_2901 = arith.index_cast %get3A_2900 : i32 to index
    %get3A_2902 = arith.constant 560 : index
    %get3A_2903 = tpu.vector_load %arg7[%get3A_2901, %get3A_2902] {strides = array<i32>} : memref<16x640xf32, #tpu.memory_space<vmem>>, vector<16xf32>,
    %add3A_2904 = arith.addf %add3A_2899, %get3A_2903 : vector<16xf32>
    %get3A_2905 = arith.constant 13 : i32
    %get3A_2906 = arith.index_cast %get3A_2905 : i32 to index
    %get3A_2907 = arith.constant 560 : index
    %get3A_2908 = tpu.vector_load %arg7[%get3A_2906, %get3A_2907] {strides = array<i32>} : memref<16x640xf32, #tpu.memory_space<vmem>>, vector<16xf32>,
    %add3A_2909 = arith.addf %add3A_2904, %get3A_2908 : vector<16xf32>
    %get3A_2910 = arith.constant 14 : i32
    %get3A_2911 = arith.index_cast %get3A_2910 : i32 to index
    %get3A_2912 = arith.constant 560 : index
    %get3A_2913 = tpu.vector_load %arg7[%get3A_2911, %get3A_2912] {strides = array<i32>} : memref<16x640xf32, #tpu.memory_space<vmem>>, vector<16xf32>,
    %add3A_2914 = arith.addf %add3A_2909, %get3A_2913 : vector<16xf32>
    %get3A_2915 = arith.constant 15 : i32
    %get3A_2916 = arith.index_cast %get3A_2915 : i32 to index
    %get3A_2917 = arith.constant 560 : index
    %get3A_2918 = tpu.vector_load %arg7[%get3A_2916, %get3A_2917] {strides = array<i32>} : memref<16x640xf32, #tpu.memory_space<vmem>>, vector<16xf32>,
    %add3A_2919 = arith.addf %add3A_2914, %get3A_2918 : vector<16xf32>
    %swap3A_2920 = arith.constant 560 : index
    %swap3A_2921 = tpu.vector_load %arg8[%swap3A_2920] {strides = array<i32>} : memref<640xf32, #tpu.memory_space<vmem>>, vector<16xf32>,
    tpu.vector_store %arg8[%swap3A_2920], %add3A_2919 {strides = array<i32>} : memref<640xf32, #tpu.memory_space<vmem>>, vector<16xf32>,
    %get3A_2922 = arith.constant 0 : i32
    %get3A_2923 = arith.index_cast %get3A_2922 : i32 to index
    %get3A_2924 = arith.constant 576 : index
    %get3A_2925 = tpu.vector_load %arg7[%get3A_2923, %get3A_2924] {strides = array<i32>} : memref<16x640xf32, #tpu.memory_space<vmem>>, vector<16xf32>,
    %get3A_2926 = arith.constant 1 : i32
    %get3A_2927 = arith.index_cast %get3A_2926 : i32 to index
    %get3A_2928 = arith.constant 576 : index
    %get3A_2929 = tpu.vector_load %arg7[%get3A_2927, %get3A_2928] {strides = array<i32>} : memref<16x640xf32, #tpu.memory_space<vmem>>, vector<16xf32>,
    %add3A_2930 = arith.addf %get3A_2925, %get3A_2929 : vector<16xf32>
    %get3A_2931 = arith.constant 2 : i32
    %get3A_2932 = arith.index_cast %get3A_2931 : i32 to index
    %get3A_2933 = arith.constant 576 : index
    %get3A_2934 = tpu.vector_load %arg7[%get3A_2932, %get3A_2933] {strides = array<i32>} : memref<16x640xf32, #tpu.memory_space<vmem>>, vector<16xf32>,
    %add3A_2935 = arith.addf %add3A_2930, %get3A_2934 : vector<16xf32>
    %get3A_2936 = arith.constant 3 : i32
    %get3A_2937 = arith.index_cast %get3A_2936 : i32 to index
    %get3A_2938 = arith.constant 576 : index
    %get3A_2939 = tpu.vector_load %arg7[%get3A_2937, %get3A_2938] {strides = array<i32>} : memref<16x640xf32, #tpu.memory_space<vmem>>, vector<16xf32>,
    %add3A_2940 = arith.addf %add3A_2935, %get3A_2939 : vector<16xf32>
    %get3A_2941 = arith.constant 4 : i32
    %get3A_2942 = arith.index_cast %get3A_2941 : i32 to index
    %get3A_2943 = arith.constant 576 : index
    %get3A_2944 = tpu.vector_load %arg7[%get3A_2942, %get3A_2943] {strides = array<i32>} : memref<16x640xf32, #tpu.memory_space<vmem>>, vector<16xf32>,
    %add3A_2945 = arith.addf %add3A_2940, %get3A_2944 : vector<16xf32>
    %get3A_2946 = arith.constant 5 : i32
    %get3A_2947 = arith.index_cast %get3A_2946 : i32 to index
    %get3A_2948 = arith.constant 576 : index
    %get3A_2949 = tpu.vector_load %arg7[%get3A_2947, %get3A_2948] {strides = array<i32>} : memref<16x640xf32, #tpu.memory_space<vmem>>, vector<16xf32>,
    %add3A_2950 = arith.addf %add3A_2945, %get3A_2949 : vector<16xf32>
    %get3A_2951 = arith.constant 6 : i32
    %get3A_2952 = arith.index_cast %get3A_2951 : i32 to index
    %get3A_2953 = arith.constant 576 : index
    %get3A_2954 = tpu.vector_load %arg7[%get3A_2952, %get3A_2953] {strides = array<i32>} : memref<16x640xf32, #tpu.memory_space<vmem>>, vector<16xf32>,
    %add3A_2955 = arith.addf %add3A_2950, %get3A_2954 : vector<16xf32>
    %get3A_2956 = arith.constant 7 : i32
    %get3A_2957 = arith.index_cast %get3A_2956 : i32 to index
    %get3A_2958 = arith.constant 576 : index
    %get3A_2959 = tpu.vector_load %arg7[%get3A_2957, %get3A_2958] {strides = array<i32>} : memref<16x640xf32, #tpu.memory_space<vmem>>, vector<16xf32>,
    %add3A_2960 = arith.addf %add3A_2955, %get3A_2959 : vector<16xf32>
    %get3A_2961 = arith.constant 8 : i32
    %get3A_2962 = arith.index_cast %get3A_2961 : i32 to index
    %get3A_2963 = arith.constant 576 : index
    %get3A_2964 = tpu.vector_load %arg7[%get3A_2962, %get3A_2963] {strides = array<i32>} : memref<16x640xf32, #tpu.memory_space<vmem>>, vector<16xf32>,
    %add3A_2965 = arith.addf %add3A_2960, %get3A_2964 : vector<16xf32>
    %get3A_2966 = arith.constant 9 : i32
    %get3A_2967 = arith.index_cast %get3A_2966 : i32 to index
    %get3A_2968 = arith.constant 576 : index
    %get3A_2969 = tpu.vector_load %arg7[%get3A_2967, %get3A_2968] {strides = array<i32>} : memref<16x640xf32, #tpu.memory_space<vmem>>, vector<16xf32>,
    %add3A_2970 = arith.addf %add3A_2965, %get3A_2969 : vector<16xf32>
    %get3A_2971 = arith.constant 10 : i32
    %get3A_2972 = arith.index_cast %get3A_2971 : i32 to index
    %get3A_2973 = arith.constant 576 : index
    %get3A_2974 = tpu.vector_load %arg7[%get3A_2972, %get3A_2973] {strides = array<i32>} : memref<16x640xf32, #tpu.memory_space<vmem>>, vector<16xf32>,
    %add3A_2975 = arith.addf %add3A_2970, %get3A_2974 : vector<16xf32>
    %get3A_2976 = arith.constant 11 : i32
    %get3A_2977 = arith.index_cast %get3A_2976 : i32 to index
    %get3A_2978 = arith.constant 576 : index
    %get3A_2979 = tpu.vector_load %arg7[%get3A_2977, %get3A_2978] {strides = array<i32>} : memref<16x640xf32, #tpu.memory_space<vmem>>, vector<16xf32>,
    %add3A_2980 = arith.addf %add3A_2975, %get3A_2979 : vector<16xf32>
    %get3A_2981 = arith.constant 12 : i32
    %get3A_2982 = arith.index_cast %get3A_2981 : i32 to index
    %get3A_2983 = arith.constant 576 : index
    %get3A_2984 = tpu.vector_load %arg7[%get3A_2982, %get3A_2983] {strides = array<i32>} : memref<16x640xf32, #tpu.memory_space<vmem>>, vector<16xf32>,
    %add3A_2985 = arith.addf %add3A_2980, %get3A_2984 : vector<16xf32>
    %get3A_2986 = arith.constant 13 : i32
    %get3A_2987 = arith.index_cast %get3A_2986 : i32 to index
    %get3A_2988 = arith.constant 576 : index
    %get3A_2989 = tpu.vector_load %arg7[%get3A_2987, %get3A_2988] {strides = array<i32>} : memref<16x640xf32, #tpu.memory_space<vmem>>, vector<16xf32>,
    %add3A_2990 = arith.addf %add3A_2985, %get3A_2989 : vector<16xf32>
    %get3A_2991 = arith.constant 14 : i32
    %get3A_2992 = arith.index_cast %get3A_2991 : i32 to index
    %get3A_2993 = arith.constant 576 : index
    %get3A_2994 = tpu.vector_load %arg7[%get3A_2992, %get3A_2993] {strides = array<i32>} : memref<16x640xf32, #tpu.memory_space<vmem>>, vector<16xf32>,
    %add3A_2995 = arith.addf %add3A_2990, %get3A_2994 : vector<16xf32>
    %get3A_2996 = arith.constant 15 : i32
    %get3A_2997 = arith.index_cast %get3A_2996 : i32 to index
    %get3A_2998 = arith.constant 576 : index
    %get3A_2999 = tpu.vector_load %arg7[%get3A_2997, %get3A_2998] {strides = array<i32>} : memref<16x640xf32, #tpu.memory_space<vmem>>, vector<16xf32>,
    %add3A_3000 = arith.addf %add3A_2995, %get3A_2999 : vector<16xf32>
    %swap3A_3001 = arith.constant 576 : index
    %swap3A_3002 = tpu.vector_load %arg8[%swap3A_3001] {strides = array<i32>} : memref<640xf32, #tpu.memory_space<vmem>>, vector<16xf32>,
    tpu.vector_store %arg8[%swap3A_3001], %add3A_3000 {strides = array<i32>} : memref<640xf32, #tpu.memory_space<vmem>>, vector<16xf32>,
    %get3A_3003 = arith.constant 0 : i32
    %get3A_3004 = arith.index_cast %get3A_3003 : i32 to index
    %get3A_3005 = arith.constant 592 : index
    %get3A_3006 = tpu.vector_load %arg7[%get3A_3004, %get3A_3005] {strides = array<i32>} : memref<16x640xf32, #tpu.memory_space<vmem>>, vector<16xf32>,
    %get3A_3007 = arith.constant 1 : i32
    %get3A_3008 = arith.index_cast %get3A_3007 : i32 to index
    %get3A_3009 = arith.constant 592 : index
    %get3A_3010 = tpu.vector_load %arg7[%get3A_3008, %get3A_3009] {strides = array<i32>} : memref<16x640xf32, #tpu.memory_space<vmem>>, vector<16xf32>,
    %add3A_3011 = arith.addf %get3A_3006, %get3A_3010 : vector<16xf32>
    %get3A_3012 = arith.constant 2 : i32
    %get3A_3013 = arith.index_cast %get3A_3012 : i32 to index
    %get3A_3014 = arith.constant 592 : index
    %get3A_3015 = tpu.vector_load %arg7[%get3A_3013, %get3A_3014] {strides = array<i32>} : memref<16x640xf32, #tpu.memory_space<vmem>>, vector<16xf32>,
    %add3A_3016 = arith.addf %add3A_3011, %get3A_3015 : vector<16xf32>
    %get3A_3017 = arith.constant 3 : i32
    %get3A_3018 = arith.index_cast %get3A_3017 : i32 to index
    %get3A_3019 = arith.constant 592 : index
    %get3A_3020 = tpu.vector_load %arg7[%get3A_3018, %get3A_3019] {strides = array<i32>} : memref<16x640xf32, #tpu.memory_space<vmem>>, vector<16xf32>,
    %add3A_3021 = arith.addf %add3A_3016, %get3A_3020 : vector<16xf32>
    %get3A_3022 = arith.constant 4 : i32
    %get3A_3023 = arith.index_cast %get3A_3022 : i32 to index
    %get3A_3024 = arith.constant 592 : index
    %get3A_3025 = tpu.vector_load %arg7[%get3A_3023, %get3A_3024] {strides = array<i32>} : memref<16x640xf32, #tpu.memory_space<vmem>>, vector<16xf32>,
    %add3A_3026 = arith.addf %add3A_3021, %get3A_3025 : vector<16xf32>
    %get3A_3027 = arith.constant 5 : i32
    %get3A_3028 = arith.index_cast %get3A_3027 : i32 to index
    %get3A_3029 = arith.constant 592 : index
    %get3A_3030 = tpu.vector_load %arg7[%get3A_3028, %get3A_3029] {strides = array<i32>} : memref<16x640xf32, #tpu.memory_space<vmem>>, vector<16xf32>,
    %add3A_3031 = arith.addf %add3A_3026, %get3A_3030 : vector<16xf32>
    %get3A_3032 = arith.constant 6 : i32
    %get3A_3033 = arith.index_cast %get3A_3032 : i32 to index
    %get3A_3034 = arith.constant 592 : index
    %get3A_3035 = tpu.vector_load %arg7[%get3A_3033, %get3A_3034] {strides = array<i32>} : memref<16x640xf32, #tpu.memory_space<vmem>>, vector<16xf32>,
    %add3A_3036 = arith.addf %add3A_3031, %get3A_3035 : vector<16xf32>
    %get3A_3037 = arith.constant 7 : i32
    %get3A_3038 = arith.index_cast %get3A_3037 : i32 to index
    %get3A_3039 = arith.constant 592 : index
    %get3A_3040 = tpu.vector_load %arg7[%get3A_3038, %get3A_3039] {strides = array<i32>} : memref<16x640xf32, #tpu.memory_space<vmem>>, vector<16xf32>,
    %add3A_3041 = arith.addf %add3A_3036, %get3A_3040 : vector<16xf32>
    %get3A_3042 = arith.constant 8 : i32
    %get3A_3043 = arith.index_cast %get3A_3042 : i32 to index
    %get3A_3044 = arith.constant 592 : index
    %get3A_3045 = tpu.vector_load %arg7[%get3A_3043, %get3A_3044] {strides = array<i32>} : memref<16x640xf32, #tpu.memory_space<vmem>>, vector<16xf32>,
    %add3A_3046 = arith.addf %add3A_3041, %get3A_3045 : vector<16xf32>
    %get3A_3047 = arith.constant 9 : i32
    %get3A_3048 = arith.index_cast %get3A_3047 : i32 to index
    %get3A_3049 = arith.constant 592 : index
    %get3A_3050 = tpu.vector_load %arg7[%get3A_3048, %get3A_3049] {strides = array<i32>} : memref<16x640xf32, #tpu.memory_space<vmem>>, vector<16xf32>,
    %add3A_3051 = arith.addf %add3A_3046, %get3A_3050 : vector<16xf32>
    %get3A_3052 = arith.constant 10 : i32
    %get3A_3053 = arith.index_cast %get3A_3052 : i32 to index
    %get3A_3054 = arith.constant 592 : index
    %get3A_3055 = tpu.vector_load %arg7[%get3A_3053, %get3A_3054] {strides = array<i32>} : memref<16x640xf32, #tpu.memory_space<vmem>>, vector<16xf32>,
    %add3A_3056 = arith.addf %add3A_3051, %get3A_3055 : vector<16xf32>
    %get3A_3057 = arith.constant 11 : i32
    %get3A_3058 = arith.index_cast %get3A_3057 : i32 to index
    %get3A_3059 = arith.constant 592 : index
    %get3A_3060 = tpu.vector_load %arg7[%get3A_3058, %get3A_3059] {strides = array<i32>} : memref<16x640xf32, #tpu.memory_space<vmem>>, vector<16xf32>,
    %add3A_3061 = arith.addf %add3A_3056, %get3A_3060 : vector<16xf32>
    %get3A_3062 = arith.constant 12 : i32
    %get3A_3063 = arith.index_cast %get3A_3062 : i32 to index
    %get3A_3064 = arith.constant 592 : index
    %get3A_3065 = tpu.vector_load %arg7[%get3A_3063, %get3A_3064] {strides = array<i32>} : memref<16x640xf32, #tpu.memory_space<vmem>>, vector<16xf32>,
    %add3A_3066 = arith.addf %add3A_3061, %get3A_3065 : vector<16xf32>
    %get3A_3067 = arith.constant 13 : i32
    %get3A_3068 = arith.index_cast %get3A_3067 : i32 to index
    %get3A_3069 = arith.constant 592 : index
    %get3A_3070 = tpu.vector_load %arg7[%get3A_3068, %get3A_3069] {strides = array<i32>} : memref<16x640xf32, #tpu.memory_space<vmem>>, vector<16xf32>,
    %add3A_3071 = arith.addf %add3A_3066, %get3A_3070 : vector<16xf32>
    %get3A_3072 = arith.constant 14 : i32
    %get3A_3073 = arith.index_cast %get3A_3072 : i32 to index
    %get3A_3074 = arith.constant 592 : index
    %get3A_3075 = tpu.vector_load %arg7[%get3A_3073, %get3A_3074] {strides = array<i32>} : memref<16x640xf32, #tpu.memory_space<vmem>>, vector<16xf32>,
    %add3A_3076 = arith.addf %add3A_3071, %get3A_3075 : vector<16xf32>
    %get3A_3077 = arith.constant 15 : i32
    %get3A_3078 = arith.index_cast %get3A_3077 : i32 to index
    %get3A_3079 = arith.constant 592 : index
    %get3A_3080 = tpu.vector_load %arg7[%get3A_3078, %get3A_3079] {strides = array<i32>} : memref<16x640xf32, #tpu.memory_space<vmem>>, vector<16xf32>,
    %add3A_3081 = arith.addf %add3A_3076, %get3A_3080 : vector<16xf32>
    %swap3A_3082 = arith.constant 592 : index
    %swap3A_3083 = tpu.vector_load %arg8[%swap3A_3082] {strides = array<i32>} : memref<640xf32, #tpu.memory_space<vmem>>, vector<16xf32>,
    tpu.vector_store %arg8[%swap3A_3082], %add3A_3081 {strides = array<i32>} : memref<640xf32, #tpu.memory_space<vmem>>, vector<16xf32>,
    %get3A_3084 = arith.constant 0 : i32
    %get3A_3085 = arith.index_cast %get3A_3084 : i32 to index
    %get3A_3086 = arith.constant 608 : index
    %get3A_3087 = tpu.vector_load %arg7[%get3A_3085, %get3A_3086] {strides = array<i32>} : memref<16x640xf32, #tpu.memory_space<vmem>>, vector<16xf32>,
    %get3A_3088 = arith.constant 1 : i32
    %get3A_3089 = arith.index_cast %get3A_3088 : i32 to index
    %get3A_3090 = arith.constant 608 : index
    %get3A_3091 = tpu.vector_load %arg7[%get3A_3089, %get3A_3090] {strides = array<i32>} : memref<16x640xf32, #tpu.memory_space<vmem>>, vector<16xf32>,
    %add3A_3092 = arith.addf %get3A_3087, %get3A_3091 : vector<16xf32>
    %get3A_3093 = arith.constant 2 : i32
    %get3A_3094 = arith.index_cast %get3A_3093 : i32 to index
    %get3A_3095 = arith.constant 608 : index
    %get3A_3096 = tpu.vector_load %arg7[%get3A_3094, %get3A_3095] {strides = array<i32>} : memref<16x640xf32, #tpu.memory_space<vmem>>, vector<16xf32>,
    %add3A_3097 = arith.addf %add3A_3092, %get3A_3096 : vector<16xf32>
    %get3A_3098 = arith.constant 3 : i32
    %get3A_3099 = arith.index_cast %get3A_3098 : i32 to index
    %get3A_3100 = arith.constant 608 : index
    %get3A_3101 = tpu.vector_load %arg7[%get3A_3099, %get3A_3100] {strides = array<i32>} : memref<16x640xf32, #tpu.memory_space<vmem>>, vector<16xf32>,
    %add3A_3102 = arith.addf %add3A_3097, %get3A_3101 : vector<16xf32>
    %get3A_3103 = arith.constant 4 : i32
    %get3A_3104 = arith.index_cast %get3A_3103 : i32 to index
    %get3A_3105 = arith.constant 608 : index
    %get3A_3106 = tpu.vector_load %arg7[%get3A_3104, %get3A_3105] {strides = array<i32>} : memref<16x640xf32, #tpu.memory_space<vmem>>, vector<16xf32>,
    %add3A_3107 = arith.addf %add3A_3102, %get3A_3106 : vector<16xf32>
    %get3A_3108 = arith.constant 5 : i32
    %get3A_3109 = arith.index_cast %get3A_3108 : i32 to index
    %get3A_3110 = arith.constant 608 : index
    %get3A_3111 = tpu.vector_load %arg7[%get3A_3109, %get3A_3110] {strides = array<i32>} : memref<16x640xf32, #tpu.memory_space<vmem>>, vector<16xf32>,
    %add3A_3112 = arith.addf %add3A_3107, %get3A_3111 : vector<16xf32>
    %get3A_3113 = arith.constant 6 : i32
    %get3A_3114 = arith.index_cast %get3A_3113 : i32 to index
    %get3A_3115 = arith.constant 608 : index
    %get3A_3116 = tpu.vector_load %arg7[%get3A_3114, %get3A_3115] {strides = array<i32>} : memref<16x640xf32, #tpu.memory_space<vmem>>, vector<16xf32>,
    %add3A_3117 = arith.addf %add3A_3112, %get3A_3116 : vector<16xf32>
    %get3A_3118 = arith.constant 7 : i32
    %get3A_3119 = arith.index_cast %get3A_3118 : i32 to index
    %get3A_3120 = arith.constant 608 : index
    %get3A_3121 = tpu.vector_load %arg7[%get3A_3119, %get3A_3120] {strides = array<i32>} : memref<16x640xf32, #tpu.memory_space<vmem>>, vector<16xf32>,
    %add3A_3122 = arith.addf %add3A_3117, %get3A_3121 : vector<16xf32>
    %get3A_3123 = arith.constant 8 : i32
    %get3A_3124 = arith.index_cast %get3A_3123 : i32 to index
    %get3A_3125 = arith.constant 608 : index
    %get3A_3126 = tpu.vector_load %arg7[%get3A_3124, %get3A_3125] {strides = array<i32>} : memref<16x640xf32, #tpu.memory_space<vmem>>, vector<16xf32>,
    %add3A_3127 = arith.addf %add3A_3122, %get3A_3126 : vector<16xf32>
    %get3A_3128 = arith.constant 9 : i32
    %get3A_3129 = arith.index_cast %get3A_3128 : i32 to index
    %get3A_3130 = arith.constant 608 : index
    %get3A_3131 = tpu.vector_load %arg7[%get3A_3129, %get3A_3130] {strides = array<i32>} : memref<16x640xf32, #tpu.memory_space<vmem>>, vector<16xf32>,
    %add3A_3132 = arith.addf %add3A_3127, %get3A_3131 : vector<16xf32>
    %get3A_3133 = arith.constant 10 : i32
    %get3A_3134 = arith.index_cast %get3A_3133 : i32 to index
    %get3A_3135 = arith.constant 608 : index
    %get3A_3136 = tpu.vector_load %arg7[%get3A_3134, %get3A_3135] {strides = array<i32>} : memref<16x640xf32, #tpu.memory_space<vmem>>, vector<16xf32>,
    %add3A_3137 = arith.addf %add3A_3132, %get3A_3136 : vector<16xf32>
    %get3A_3138 = arith.constant 11 : i32
    %get3A_3139 = arith.index_cast %get3A_3138 : i32 to index
    %get3A_3140 = arith.constant 608 : index
    %get3A_3141 = tpu.vector_load %arg7[%get3A_3139, %get3A_3140] {strides = array<i32>} : memref<16x640xf32, #tpu.memory_space<vmem>>, vector<16xf32>,
    %add3A_3142 = arith.addf %add3A_3137, %get3A_3141 : vector<16xf32>
    %get3A_3143 = arith.constant 12 : i32
    %get3A_3144 = arith.index_cast %get3A_3143 : i32 to index
    %get3A_3145 = arith.constant 608 : index
    %get3A_3146 = tpu.vector_load %arg7[%get3A_3144, %get3A_3145] {strides = array<i32>} : memref<16x640xf32, #tpu.memory_space<vmem>>, vector<16xf32>,
    %add3A_3147 = arith.addf %add3A_3142, %get3A_3146 : vector<16xf32>
    %get3A_3148 = arith.constant 13 : i32
    %get3A_3149 = arith.index_cast %get3A_3148 : i32 to index
    %get3A_3150 = arith.constant 608 : index
    %get3A_3151 = tpu.vector_load %arg7[%get3A_3149, %get3A_3150] {strides = array<i32>} : memref<16x640xf32, #tpu.memory_space<vmem>>, vector<16xf32>,
    %add3A_3152 = arith.addf %add3A_3147, %get3A_3151 : vector<16xf32>
    %get3A_3153 = arith.constant 14 : i32
    %get3A_3154 = arith.index_cast %get3A_3153 : i32 to index
    %get3A_3155 = arith.constant 608 : index
    %get3A_3156 = tpu.vector_load %arg7[%get3A_3154, %get3A_3155] {strides = array<i32>} : memref<16x640xf32, #tpu.memory_space<vmem>>, vector<16xf32>,
    %add3A_3157 = arith.addf %add3A_3152, %get3A_3156 : vector<16xf32>
    %get3A_3158 = arith.constant 15 : i32
    %get3A_3159 = arith.index_cast %get3A_3158 : i32 to index
    %get3A_3160 = arith.constant 608 : index
    %get3A_3161 = tpu.vector_load %arg7[%get3A_3159, %get3A_3160] {strides = array<i32>} : memref<16x640xf32, #tpu.memory_space<vmem>>, vector<16xf32>,
    %add3A_3162 = arith.addf %add3A_3157, %get3A_3161 : vector<16xf32>
    %swap3A_3163 = arith.constant 608 : index
    %swap3A_3164 = tpu.vector_load %arg8[%swap3A_3163] {strides = array<i32>} : memref<640xf32, #tpu.memory_space<vmem>>, vector<16xf32>,
    tpu.vector_store %arg8[%swap3A_3163], %add3A_3162 {strides = array<i32>} : memref<640xf32, #tpu.memory_space<vmem>>, vector<16xf32>,
    %get3A_3165 = arith.constant 0 : i32
    %get3A_3166 = arith.index_cast %get3A_3165 : i32 to index
    %get3A_3167 = arith.constant 624 : index
    %get3A_3168 = tpu.vector_load %arg7[%get3A_3166, %get3A_3167] {strides = array<i32>} : memref<16x640xf32, #tpu.memory_space<vmem>>, vector<16xf32>,
    %get3A_3169 = arith.constant 1 : i32
    %get3A_3170 = arith.index_cast %get3A_3169 : i32 to index
    %get3A_3171 = arith.constant 624 : index
    %get3A_3172 = tpu.vector_load %arg7[%get3A_3170, %get3A_3171] {strides = array<i32>} : memref<16x640xf32, #tpu.memory_space<vmem>>, vector<16xf32>,
    %add3A_3173 = arith.addf %get3A_3168, %get3A_3172 : vector<16xf32>
    %get3A_3174 = arith.constant 2 : i32
    %get3A_3175 = arith.index_cast %get3A_3174 : i32 to index
    %get3A_3176 = arith.constant 624 : index
    %get3A_3177 = tpu.vector_load %arg7[%get3A_3175, %get3A_3176] {strides = array<i32>} : memref<16x640xf32, #tpu.memory_space<vmem>>, vector<16xf32>,
    %add3A_3178 = arith.addf %add3A_3173, %get3A_3177 : vector<16xf32>
    %get3A_3179 = arith.constant 3 : i32
    %get3A_3180 = arith.index_cast %get3A_3179 : i32 to index
    %get3A_3181 = arith.constant 624 : index
    %get3A_3182 = tpu.vector_load %arg7[%get3A_3180, %get3A_3181] {strides = array<i32>} : memref<16x640xf32, #tpu.memory_space<vmem>>, vector<16xf32>,
    %add3A_3183 = arith.addf %add3A_3178, %get3A_3182 : vector<16xf32>
    %get3A_3184 = arith.constant 4 : i32
    %get3A_3185 = arith.index_cast %get3A_3184 : i32 to index
    %get3A_3186 = arith.constant 624 : index
    %get3A_3187 = tpu.vector_load %arg7[%get3A_3185, %get3A_3186] {strides = array<i32>} : memref<16x640xf32, #tpu.memory_space<vmem>>, vector<16xf32>,
    %add3A_3188 = arith.addf %add3A_3183, %get3A_3187 : vector<16xf32>
    %get3A_3189 = arith.constant 5 : i32
    %get3A_3190 = arith.index_cast %get3A_3189 : i32 to index
    %get3A_3191 = arith.constant 624 : index
    %get3A_3192 = tpu.vector_load %arg7[%get3A_3190, %get3A_3191] {strides = array<i32>} : memref<16x640xf32, #tpu.memory_space<vmem>>, vector<16xf32>,
    %add3A_3193 = arith.addf %add3A_3188, %get3A_3192 : vector<16xf32>
    %get3A_3194 = arith.constant 6 : i32
    %get3A_3195 = arith.index_cast %get3A_3194 : i32 to index
    %get3A_3196 = arith.constant 624 : index
    %get3A_3197 = tpu.vector_load %arg7[%get3A_3195, %get3A_3196] {strides = array<i32>} : memref<16x640xf32, #tpu.memory_space<vmem>>, vector<16xf32>,
    %add3A_3198 = arith.addf %add3A_3193, %get3A_3197 : vector<16xf32>
    %get3A_3199 = arith.constant 7 : i32
    %get3A_3200 = arith.index_cast %get3A_3199 : i32 to index
    %get3A_3201 = arith.constant 624 : index
    %get3A_3202 = tpu.vector_load %arg7[%get3A_3200, %get3A_3201] {strides = array<i32>} : memref<16x640xf32, #tpu.memory_space<vmem>>, vector<16xf32>,
    %add3A_3203 = arith.addf %add3A_3198, %get3A_3202 : vector<16xf32>
    %get3A_3204 = arith.constant 8 : i32
    %get3A_3205 = arith.index_cast %get3A_3204 : i32 to index
    %get3A_3206 = arith.constant 624 : index
    %get3A_3207 = tpu.vector_load %arg7[%get3A_3205, %get3A_3206] {strides = array<i32>} : memref<16x640xf32, #tpu.memory_space<vmem>>, vector<16xf32>,
    %add3A_3208 = arith.addf %add3A_3203, %get3A_3207 : vector<16xf32>
    %get3A_3209 = arith.constant 9 : i32
    %get3A_3210 = arith.index_cast %get3A_3209 : i32 to index
    %get3A_3211 = arith.constant 624 : index
    %get3A_3212 = tpu.vector_load %arg7[%get3A_3210, %get3A_3211] {strides = array<i32>} : memref<16x640xf32, #tpu.memory_space<vmem>>, vector<16xf32>,
    %add3A_3213 = arith.addf %add3A_3208, %get3A_3212 : vector<16xf32>
    %get3A_3214 = arith.constant 10 : i32
    %get3A_3215 = arith.index_cast %get3A_3214 : i32 to index
    %get3A_3216 = arith.constant 624 : index
    %get3A_3217 = tpu.vector_load %arg7[%get3A_3215, %get3A_3216] {strides = array<i32>} : memref<16x640xf32, #tpu.memory_space<vmem>>, vector<16xf32>,
    %add3A_3218 = arith.addf %add3A_3213, %get3A_3217 : vector<16xf32>
    %get3A_3219 = arith.constant 11 : i32
    %get3A_3220 = arith.index_cast %get3A_3219 : i32 to index
    %get3A_3221 = arith.constant 624 : index
    %get3A_3222 = tpu.vector_load %arg7[%get3A_3220, %get3A_3221] {strides = array<i32>} : memref<16x640xf32, #tpu.memory_space<vmem>>, vector<16xf32>,
    %add3A_3223 = arith.addf %add3A_3218, %get3A_3222 : vector<16xf32>
    %get3A_3224 = arith.constant 12 : i32
    %get3A_3225 = arith.index_cast %get3A_3224 : i32 to index
    %get3A_3226 = arith.constant 624 : index
    %get3A_3227 = tpu.vector_load %arg7[%get3A_3225, %get3A_3226] {strides = array<i32>} : memref<16x640xf32, #tpu.memory_space<vmem>>, vector<16xf32>,
    %add3A_3228 = arith.addf %add3A_3223, %get3A_3227 : vector<16xf32>
    %get3A_3229 = arith.constant 13 : i32
    %get3A_3230 = arith.index_cast %get3A_3229 : i32 to index
    %get3A_3231 = arith.constant 624 : index
    %get3A_3232 = tpu.vector_load %arg7[%get3A_3230, %get3A_3231] {strides = array<i32>} : memref<16x640xf32, #tpu.memory_space<vmem>>, vector<16xf32>,
    %add3A_3233 = arith.addf %add3A_3228, %get3A_3232 : vector<16xf32>
    %get3A_3234 = arith.constant 14 : i32
    %get3A_3235 = arith.index_cast %get3A_3234 : i32 to index
    %get3A_3236 = arith.constant 624 : index
    %get3A_3237 = tpu.vector_load %arg7[%get3A_3235, %get3A_3236] {strides = array<i32>} : memref<16x640xf32, #tpu.memory_space<vmem>>, vector<16xf32>,
    %add3A_3238 = arith.addf %add3A_3233, %get3A_3237 : vector<16xf32>
    %get3A_3239 = arith.constant 15 : i32
    %get3A_3240 = arith.index_cast %get3A_3239 : i32 to index
    %get3A_3241 = arith.constant 624 : index
    %get3A_3242 = tpu.vector_load %arg7[%get3A_3240, %get3A_3241] {strides = array<i32>} : memref<16x640xf32, #tpu.memory_space<vmem>>, vector<16xf32>,
    %add3A_3243 = arith.addf %add3A_3238, %get3A_3242 : vector<16xf32>
    %swap3A_3244 = arith.constant 624 : index
    %swap3A_3245 = tpu.vector_load %arg8[%swap3A_3244] {strides = array<i32>} : memref<640xf32, #tpu.memory_space<vmem>>, vector<16xf32>,
    tpu.vector_store %arg8[%swap3A_3244], %add3A_3243 {strides = array<i32>} : memref<640xf32, #tpu.memory_space<vmem>>, vector<16xf32>,
    %mul3A_3246 = arith.constant 640 : i32
    %mul3A_3247 = arith.muli %arg1, %mul3A_3246 : i32
    "tpu.region"() ({
      %run_scoped3A = tpu.sem_alloc : memref<!tpu.dma_semaphore, #tpu.memory_space<semaphore_mem>>
      %dma_start3A = tpu.memref_slice %arg4[%arg0, %mul3A_3247] : memref<2x10240xf32, #tpu.memory_space<hbm>> -> memref<1x640xf32, #tpu.memory_space<hbm>>
      %dma_start3A_3248 = tpu.memref_squeeze %dma_start3A : memref<1x640xf32, #tpu.memory_space<hbm>> -> memref<640xf32, #tpu.memory_space<hbm>>
      %dma_start3A_3249 = tpu.memref_slice %arg4[%arg0, %mul3A_3247] : memref<2x10240xf32, #tpu.memory_space<hbm>> -> memref<1x640xf32, #tpu.memory_space<hbm>>
      %dma_start3A_3250 = tpu.memref_squeeze %dma_start3A_3249 : memref<1x640xf32, #tpu.memory_space<hbm>> -> memref<640xf32, #tpu.memory_space<hbm>>
      tpu.enqueue_dma source(%arg8 : memref<640xf32, #tpu.memory_space<vmem>>) target(%dma_start3A_3250 : memref<640xf32, #tpu.memory_space<hbm>>) target_semaphore(%run_scoped3A : memref<!tpu.dma_semaphore, #tpu.memory_space<semaphore_mem>>)
      %dma_wait3A = tpu.memref_slice %arg4[%arg0, %mul3A_3247] : memref<2x10240xf32, #tpu.memory_space<hbm>> -> memref<1x640xf32, #tpu.memory_space<hbm>>
      %dma_wait3A_3251 = tpu.memref_squeeze %dma_wait3A : memref<1x640xf32, #tpu.memory_space<hbm>> -> memref<640xf32, #tpu.memory_space<hbm>>
      %dma_wait3A_3252 = tpu.memref_slice %arg4[%arg0, %mul3A_3247] : memref<2x10240xf32, #tpu.memory_space<hbm>> -> memref<1x640xf32, #tpu.memory_space<hbm>>
      %dma_wait3A_3253 = tpu.memref_squeeze %dma_wait3A_3252 : memref<1x640xf32, #tpu.memory_space<hbm>> -> memref<640xf32, #tpu.memory_space<hbm>>
      tpu.wait_dma2 semaphore(%run_scoped3A : memref<!tpu.dma_semaphore, #tpu.memory_space<semaphore_mem>>) src(%arg8 : memref<640xf32, #tpu.memory_space<vmem>>) dst(%dma_wait3A_3253 : memref<640xf32, #tpu.memory_space<hbm>>)
      tpu.yield
    }) : () -> ()
    return
  }
}

#map = affine_map<(d0, d1) -> (0, 0)>
#map1 = affine_map<(d0, d1) -> (0, 0, 0)>
module attributes {stable_mosaic.version = 14 : i64} {
  func.func @_prop_kernel(%arg0: i32, %arg1: i32, %arg2: memref<20480x128xbf16, #tpu.memory_space<hbm>>, %arg3: memref<2x2560x128xi32, #tpu.memory_space<hbm>>, %arg4: memref<2x2560x128xi32, #tpu.memory_space<hbm>>, %arg5: memref<2x10240x128xbf16, #tpu.memory_space<hbm>>, %arg6: memref<160x128xi32, #tpu.memory_space<vmem>>, %arg7: memref<160x128xi32, #tpu.memory_space<vmem>>, %arg8: memref<2x128x128xbf16, #tpu.memory_space<vmem>>, %arg9: memref<10240x128xbf16, #tpu.memory_space<vmem_shared>>, %arg10: memref<!tpu.dma_semaphore, #tpu.memory_space<semaphore_mem>>, %arg11: memref<!tpu.dma_semaphore, #tpu.memory_space<semaphore_mem>>) attributes {dimension_semantics = [#tpu.dimension_semantics<core_parallel>, #tpu.dimension_semantics<subcore_parallel>], iteration_bounds = array<i64: 2, 16>, scalar_prefetch = 0 : i64, scratch_operands = 6 : i64, tpu.core_type = #tpu.core_type<sc_vector_subcore>, window_params = [{transform_indices = #map}, {transform_indices = #map1}, {transform_indices = #map1}, {transform_indices = #map1}]} {
    %mul3A = arith.constant 10240 : i32
    %mul3A_0 = arith.muli %arg0, %mul3A : i32
    %mul3A_1 = arith.constant 640 : i32
    %mul3A_2 = arith.muli %arg1, %mul3A_1 : i32
    %add3A = arith.addi %mul3A_0, %mul3A_2 : i32
    %mul3A_3 = arith.constant 640 : i32
    %mul3A_4 = arith.muli %arg1, %mul3A_3 : i32
    "tpu.region"() ({
      %run_scoped3A_72 = tpu.sem_alloc : memref<!tpu.dma_semaphore, #tpu.memory_space<semaphore_mem>>
      %dma_start3A_73 = arith.constant 0 : i32
      %dma_start3A_74 = tpu.memref_slice %arg9[%mul3A_4, %dma_start3A_73] : memref<10240x128xbf16, #tpu.memory_space<vmem_shared>> -> memref<640x128xbf16, #tpu.memory_space<vmem_shared>>
      %dma_start3A_75 = arith.constant 0 : i32
      %dma_start3A_76 = tpu.memref_slice %arg2[%add3A, %dma_start3A_75] : memref<20480x128xbf16, #tpu.memory_space<hbm>> -> memref<640x128xbf16, #tpu.memory_space<hbm>>
      tpu.enqueue_dma source(%dma_start3A_76 : memref<640x128xbf16, #tpu.memory_space<hbm>>) target(%dma_start3A_74 : memref<640x128xbf16, #tpu.memory_space<vmem_shared>>) target_semaphore(%run_scoped3A_72 : memref<!tpu.dma_semaphore, #tpu.memory_space<semaphore_mem>>)
      %dma_wait3A_77 = arith.constant 0 : i32
      %dma_wait3A_78 = tpu.memref_slice %arg9[%mul3A_4, %dma_wait3A_77] : memref<10240x128xbf16, #tpu.memory_space<vmem_shared>> -> memref<640x128xbf16, #tpu.memory_space<vmem_shared>>
      %dma_wait3A_79 = arith.constant 0 : i32
      %dma_wait3A_80 = tpu.memref_slice %arg2[%add3A, %dma_wait3A_79] : memref<20480x128xbf16, #tpu.memory_space<hbm>> -> memref<640x128xbf16, #tpu.memory_space<hbm>>
      tpu.wait_dma2 semaphore(%run_scoped3A_72 : memref<!tpu.dma_semaphore, #tpu.memory_space<semaphore_mem>>) src(%dma_wait3A_80 : memref<640x128xbf16, #tpu.memory_space<hbm>>) dst(%dma_wait3A_78 : memref<640x128xbf16, #tpu.memory_space<vmem_shared>>)
      tpu.yield
    }) : () -> ()
    %barrier3A = arith.constant 0 : index
    tpu.barrier barrier_id(%barrier3A)
    %scan3A = arith.constant 0 : i32
    %scan3A_5 = arith.constant 0 : i32
    %mul3A_6 = arith.constant 160 : i32
    %mul3A_7 = arith.muli %arg1, %mul3A_6 : i32
    %mul3A_8 = arith.constant 160 : i32
    %mul3A_9 = arith.muli %scan3A_5, %mul3A_8 : i32
    %add3A_10 = arith.addi %mul3A_7, %mul3A_9 : i32
    "tpu.region"() ({
      %run_scoped3A_72 = tpu.sem_alloc : memref<!tpu.dma_semaphore, #tpu.memory_space<semaphore_mem>>
      %dma_start3A_73 = arith.constant 0 : i32
      %dma_start3A_74 = tpu.memref_slice %arg3[%arg0, %add3A_10, %dma_start3A_73] : memref<2x2560x128xi32, #tpu.memory_space<hbm>> -> memref<1x160x128xi32, #tpu.memory_space<hbm>>
      %dma_start3A_75 = tpu.memref_squeeze %dma_start3A_74 : memref<1x160x128xi32, #tpu.memory_space<hbm>> -> memref<160x128xi32, #tpu.memory_space<hbm>>
      %dma_start3A_76 = arith.constant 0 : i32
      %dma_start3A_77 = tpu.memref_slice %arg3[%arg0, %add3A_10, %dma_start3A_76] : memref<2x2560x128xi32, #tpu.memory_space<hbm>> -> memref<1x160x128xi32, #tpu.memory_space<hbm>>
      %dma_start3A_78 = tpu.memref_squeeze %dma_start3A_77 : memref<1x160x128xi32, #tpu.memory_space<hbm>> -> memref<160x128xi32, #tpu.memory_space<hbm>>
      tpu.enqueue_dma source(%dma_start3A_78 : memref<160x128xi32, #tpu.memory_space<hbm>>) target(%arg6 : memref<160x128xi32, #tpu.memory_space<vmem>>) target_semaphore(%run_scoped3A_72 : memref<!tpu.dma_semaphore, #tpu.memory_space<semaphore_mem>>)
      %dma_wait3A_79 = arith.constant 0 : i32
      %dma_wait3A_80 = tpu.memref_slice %arg3[%arg0, %add3A_10, %dma_wait3A_79] : memref<2x2560x128xi32, #tpu.memory_space<hbm>> -> memref<1x160x128xi32, #tpu.memory_space<hbm>>
      %dma_wait3A_81 = tpu.memref_squeeze %dma_wait3A_80 : memref<1x160x128xi32, #tpu.memory_space<hbm>> -> memref<160x128xi32, #tpu.memory_space<hbm>>
      %dma_wait3A_82 = arith.constant 0 : i32
      %dma_wait3A_83 = tpu.memref_slice %arg3[%arg0, %add3A_10, %dma_wait3A_82] : memref<2x2560x128xi32, #tpu.memory_space<hbm>> -> memref<1x160x128xi32, #tpu.memory_space<hbm>>
      %dma_wait3A_84 = tpu.memref_squeeze %dma_wait3A_83 : memref<1x160x128xi32, #tpu.memory_space<hbm>> -> memref<160x128xi32, #tpu.memory_space<hbm>>
      tpu.wait_dma2 semaphore(%run_scoped3A_72 : memref<!tpu.dma_semaphore, #tpu.memory_space<semaphore_mem>>) src(%dma_wait3A_84 : memref<160x128xi32, #tpu.memory_space<hbm>>) dst(%arg6 : memref<160x128xi32, #tpu.memory_space<vmem>>)
      tpu.yield
    }) : () -> ()
    "tpu.region"() ({
      %run_scoped3A_72 = tpu.sem_alloc : memref<!tpu.dma_semaphore, #tpu.memory_space<semaphore_mem>>
      %dma_start3A_73 = arith.constant 0 : i32
      %dma_start3A_74 = tpu.memref_slice %arg4[%arg0, %add3A_10, %dma_start3A_73] : memref<2x2560x128xi32, #tpu.memory_space<hbm>> -> memref<1x160x128xi32, #tpu.memory_space<hbm>>
      %dma_start3A_75 = tpu.memref_squeeze %dma_start3A_74 : memref<1x160x128xi32, #tpu.memory_space<hbm>> -> memref<160x128xi32, #tpu.memory_space<hbm>>
      %dma_start3A_76 = arith.constant 0 : i32
      %dma_start3A_77 = tpu.memref_slice %arg4[%arg0, %add3A_10, %dma_start3A_76] : memref<2x2560x128xi32, #tpu.memory_space<hbm>> -> memref<1x160x128xi32, #tpu.memory_space<hbm>>
      %dma_start3A_78 = tpu.memref_squeeze %dma_start3A_77 : memref<1x160x128xi32, #tpu.memory_space<hbm>> -> memref<160x128xi32, #tpu.memory_space<hbm>>
      tpu.enqueue_dma source(%dma_start3A_78 : memref<160x128xi32, #tpu.memory_space<hbm>>) target(%arg7 : memref<160x128xi32, #tpu.memory_space<vmem>>) target_semaphore(%run_scoped3A_72 : memref<!tpu.dma_semaphore, #tpu.memory_space<semaphore_mem>>)
      %dma_wait3A_79 = arith.constant 0 : i32
      %dma_wait3A_80 = tpu.memref_slice %arg4[%arg0, %add3A_10, %dma_wait3A_79] : memref<2x2560x128xi32, #tpu.memory_space<hbm>> -> memref<1x160x128xi32, #tpu.memory_space<hbm>>
      %dma_wait3A_81 = tpu.memref_squeeze %dma_wait3A_80 : memref<1x160x128xi32, #tpu.memory_space<hbm>> -> memref<160x128xi32, #tpu.memory_space<hbm>>
      %dma_wait3A_82 = arith.constant 0 : i32
      %dma_wait3A_83 = tpu.memref_slice %arg4[%arg0, %add3A_10, %dma_wait3A_82] : memref<2x2560x128xi32, #tpu.memory_space<hbm>> -> memref<1x160x128xi32, #tpu.memory_space<hbm>>
      %dma_wait3A_84 = tpu.memref_squeeze %dma_wait3A_83 : memref<1x160x128xi32, #tpu.memory_space<hbm>> -> memref<160x128xi32, #tpu.memory_space<hbm>>
      tpu.wait_dma2 semaphore(%run_scoped3A_72 : memref<!tpu.dma_semaphore, #tpu.memory_space<semaphore_mem>>) src(%dma_wait3A_84 : memref<160x128xi32, #tpu.memory_space<hbm>>) dst(%arg7 : memref<160x128xi32, #tpu.memory_space<vmem>>)
      tpu.yield
    }) : () -> ()
    %dma_start3A = arith.constant 0 : i32
    %dma_start3A_11 = arith.constant 0 : i32
    %dma_start3A_12 = arith.constant 0 : i32
    %dma_start3A_13 = arith.constant 0 : i32
    %dma_start3A_14 = tpu.memref_slice %arg8[%dma_start3A_11, %dma_start3A_12, %dma_start3A_13] : memref<2x128x128xbf16, #tpu.memory_space<vmem>> -> memref<1x128x128xbf16, #tpu.memory_space<vmem>>
    %dma_start3A_15 = tpu.memref_squeeze %dma_start3A_14 : memref<1x128x128xbf16, #tpu.memory_space<vmem>> -> memref<128x128xbf16, #tpu.memory_space<vmem>>
    %dma_start3A_16 = arith.constant 0 : i32
    %dma_start3A_17 = tpu.memref_slice %arg6[%dma_start3A, %dma_start3A_16] : memref<160x128xi32, #tpu.memory_space<vmem>> -> memref<1x128xi32, #tpu.memory_space<vmem>>
    %dma_start3A_18 = tpu.memref_squeeze %dma_start3A_17 : memref<1x128xi32, #tpu.memory_space<vmem>> -> memref<128xi32, #tpu.memory_space<vmem>>
    %dma_start3A_19 = arith.constant 0 : i32
    %dma_start3A_20 = arith.constant 0 : i32
    %dma_start3A_21 = tpu.memref_slice %arg2[%dma_start3A_19, %dma_start3A_20] : memref<20480x128xbf16, #tpu.memory_space<hbm>> -> memref<20480x128xbf16, #tpu.memory_space<hbm>>
    tpu.enqueue_indirect_dma source(%dma_start3A_21 : memref<20480x128xbf16, #tpu.memory_space<hbm>>) target(%dma_start3A_15 : memref<128x128xbf16, #tpu.memory_space<vmem>>) offsets(%dma_start3A_18 : memref<128xi32, #tpu.memory_space<vmem>>) semaphore(%arg10 : memref<!tpu.dma_semaphore, #tpu.memory_space<semaphore_mem>>)
    %scan3A_22 = arith.constant 0 : i32
    %scan3A_23 = arith.constant 0 : i32
    %scan3A_24 = arith.constant 79 : i32
    %scan3A_25 = arith.addi %scan3A_23, %scan3A_24 : i32
    %scan3A_26 = arith.constant 1 : i32
    scf.for %scan3A_72 = %scan3A_23 to %scan3A_25 step %scan3A_26  : i32 {
      %mul3A_73 = arith.constant 2 : i32
      %mul3A_74 = arith.muli %mul3A_73, %scan3A_72 : i32
      %add3A_75 = arith.constant 1 : i32
      %add3A_76 = arith.addi %mul3A_74, %add3A_75 : i32
      %dma_start3A_77 = arith.constant 1 : i32
      %dma_start3A_78 = arith.constant 0 : i32
      %dma_start3A_79 = arith.constant 0 : i32
      %dma_start3A_80 = tpu.memref_slice %arg8[%dma_start3A_77, %dma_start3A_78, %dma_start3A_79] : memref<2x128x128xbf16, #tpu.memory_space<vmem>> -> memref<1x128x128xbf16, #tpu.memory_space<vmem>>
      %dma_start3A_81 = tpu.memref_squeeze %dma_start3A_80 : memref<1x128x128xbf16, #tpu.memory_space<vmem>> -> memref<128x128xbf16, #tpu.memory_space<vmem>>
      %dma_start3A_82 = arith.constant 0 : i32
      %dma_start3A_83 = tpu.memref_slice %arg6[%add3A_76, %dma_start3A_82] : memref<160x128xi32, #tpu.memory_space<vmem>> -> memref<1x128xi32, #tpu.memory_space<vmem>>
      %dma_start3A_84 = tpu.memref_squeeze %dma_start3A_83 : memref<1x128xi32, #tpu.memory_space<vmem>> -> memref<128xi32, #tpu.memory_space<vmem>>
      %dma_start3A_85 = arith.constant 0 : i32
      %dma_start3A_86 = arith.constant 0 : i32
      %dma_start3A_87 = tpu.memref_slice %arg2[%dma_start3A_85, %dma_start3A_86] : memref<20480x128xbf16, #tpu.memory_space<hbm>> -> memref<20480x128xbf16, #tpu.memory_space<hbm>>
      tpu.enqueue_indirect_dma source(%dma_start3A_87 : memref<20480x128xbf16, #tpu.memory_space<hbm>>) target(%dma_start3A_81 : memref<128x128xbf16, #tpu.memory_space<vmem>>) offsets(%dma_start3A_84 : memref<128xi32, #tpu.memory_space<vmem>>) semaphore(%arg11 : memref<!tpu.dma_semaphore, #tpu.memory_space<semaphore_mem>>)
      %dma_wait3A_88 = arith.constant 0 : i32
      %dma_wait3A_89 = arith.constant 0 : i32
      %dma_wait3A_90 = arith.constant 0 : i32
      %dma_wait3A_91 = tpu.memref_slice %arg8[%dma_wait3A_88, %dma_wait3A_89, %dma_wait3A_90] : memref<2x128x128xbf16, #tpu.memory_space<vmem>> -> memref<1x128x128xbf16, #tpu.memory_space<vmem>>
      %dma_wait3A_92 = tpu.memref_squeeze %dma_wait3A_91 : memref<1x128x128xbf16, #tpu.memory_space<vmem>> -> memref<128x128xbf16, #tpu.memory_space<vmem>>
      %dma_wait3A_93 = arith.constant 0 : i32
      %dma_wait3A_94 = tpu.memref_slice %arg6[%mul3A_74, %dma_wait3A_93] : memref<160x128xi32, #tpu.memory_space<vmem>> -> memref<1x128xi32, #tpu.memory_space<vmem>>
      %dma_wait3A_95 = tpu.memref_squeeze %dma_wait3A_94 : memref<1x128xi32, #tpu.memory_space<vmem>> -> memref<128xi32, #tpu.memory_space<vmem>>
      %dma_wait3A_96 = arith.constant 0 : i32
      %dma_wait3A_97 = arith.constant 0 : i32
      %dma_wait3A_98 = tpu.memref_slice %arg2[%dma_wait3A_96, %dma_wait3A_97] : memref<20480x128xbf16, #tpu.memory_space<hbm>> -> memref<20480x128xbf16, #tpu.memory_space<hbm>>
      tpu.wait_indirect_dma semaphore(%arg10 : memref<!tpu.dma_semaphore, #tpu.memory_space<semaphore_mem>>) src(%dma_wait3A_98 : memref<20480x128xbf16, #tpu.memory_space<hbm>>) dst(%dma_wait3A_92 : memref<128x128xbf16, #tpu.memory_space<vmem>>)
      %run_scoped3A_99 = arith.constant 0 : i32
      "tpu.region"() ({
        %run_scoped3A_129 = tpu.sem_alloc : memref<!tpu.dma_semaphore, #tpu.memory_space<semaphore_mem>>
        %dma_start3A_130 = arith.constant 0 : i32
        %dma_start3A_131 = arith.constant 0 : i32
        %dma_start3A_132 = tpu.memref_slice %arg8[%run_scoped3A_99, %dma_start3A_130, %dma_start3A_131] : memref<2x128x128xbf16, #tpu.memory_space<vmem>> -> memref<1x128x128xbf16, #tpu.memory_space<vmem>>
        %dma_start3A_133 = tpu.memref_squeeze %dma_start3A_132 : memref<1x128x128xbf16, #tpu.memory_space<vmem>> -> memref<128x128xbf16, #tpu.memory_space<vmem>>
        %dma_start3A_134 = arith.constant 0 : i32
        %dma_start3A_135 = tpu.memref_slice %arg7[%mul3A_74, %dma_start3A_134] : memref<160x128xi32, #tpu.memory_space<vmem>> -> memref<1x128xi32, #tpu.memory_space<vmem>>
        %dma_start3A_136 = tpu.memref_squeeze %dma_start3A_135 : memref<1x128xi32, #tpu.memory_space<vmem>> -> memref<128xi32, #tpu.memory_space<vmem>>
        %dma_start3A_137 = arith.constant 0 : i32
        %dma_start3A_138 = arith.constant 0 : i32
        %dma_start3A_139 = tpu.memref_slice %arg9[%dma_start3A_137, %dma_start3A_138] : memref<10240x128xbf16, #tpu.memory_space<vmem_shared>> -> memref<10240x128xbf16, #tpu.memory_space<vmem_shared>>
        tpu.enqueue_indirect_dma source(%dma_start3A_133 : memref<128x128xbf16, #tpu.memory_space<vmem>>) target(%dma_start3A_139 : memref<10240x128xbf16, #tpu.memory_space<vmem_shared>>) offsets(%dma_start3A_136 : memref<128xi32, #tpu.memory_space<vmem>>) semaphore(%run_scoped3A_129 : memref<!tpu.dma_semaphore, #tpu.memory_space<semaphore_mem>>) {add = true}
        %dma_wait3A_140 = arith.constant 0 : i32
        %dma_wait3A_141 = arith.constant 0 : i32
        %dma_wait3A_142 = tpu.memref_slice %arg8[%run_scoped3A_99, %dma_wait3A_140, %dma_wait3A_141] : memref<2x128x128xbf16, #tpu.memory_space<vmem>> -> memref<1x128x128xbf16, #tpu.memory_space<vmem>>
        %dma_wait3A_143 = tpu.memref_squeeze %dma_wait3A_142 : memref<1x128x128xbf16, #tpu.memory_space<vmem>> -> memref<128x128xbf16, #tpu.memory_space<vmem>>
        %dma_wait3A_144 = arith.constant 0 : i32
        %dma_wait3A_145 = tpu.memref_slice %arg7[%mul3A_74, %dma_wait3A_144] : memref<160x128xi32, #tpu.memory_space<vmem>> -> memref<1x128xi32, #tpu.memory_space<vmem>>
        %dma_wait3A_146 = tpu.memref_squeeze %dma_wait3A_145 : memref<1x128xi32, #tpu.memory_space<vmem>> -> memref<128xi32, #tpu.memory_space<vmem>>
        %dma_wait3A_147 = arith.constant 0 : i32
        %dma_wait3A_148 = arith.constant 0 : i32
        %dma_wait3A_149 = tpu.memref_slice %arg9[%dma_wait3A_147, %dma_wait3A_148] : memref<10240x128xbf16, #tpu.memory_space<vmem_shared>> -> memref<10240x128xbf16, #tpu.memory_space<vmem_shared>>
        tpu.wait_indirect_dma semaphore(%run_scoped3A_129 : memref<!tpu.dma_semaphore, #tpu.memory_space<semaphore_mem>>) src(%dma_wait3A_143 : memref<128x128xbf16, #tpu.memory_space<vmem>>) dst(%dma_wait3A_149 : memref<10240x128xbf16, #tpu.memory_space<vmem_shared>>)
        tpu.yield
      }) : () -> ()
      %add3A_100 = arith.constant 2 : i32
      %add3A_101 = arith.addi %mul3A_74, %add3A_100 : i32
      %dma_start3A_102 = arith.constant 0 : i32
      %dma_start3A_103 = arith.constant 0 : i32
      %dma_start3A_104 = arith.constant 0 : i32
      %dma_start3A_105 = tpu.memref_slice %arg8[%dma_start3A_102, %dma_start3A_103, %dma_start3A_104] : memref<2x128x128xbf16, #tpu.memory_space<vmem>> -> memref<1x128x128xbf16, #tpu.memory_space<vmem>>
      %dma_start3A_106 = tpu.memref_squeeze %dma_start3A_105 : memref<1x128x128xbf16, #tpu.memory_space<vmem>> -> memref<128x128xbf16, #tpu.memory_space<vmem>>
      %dma_start3A_107 = arith.constant 0 : i32
      %dma_start3A_108 = tpu.memref_slice %arg6[%add3A_101, %dma_start3A_107] : memref<160x128xi32, #tpu.memory_space<vmem>> -> memref<1x128xi32, #tpu.memory_space<vmem>>
      %dma_start3A_109 = tpu.memref_squeeze %dma_start3A_108 : memref<1x128xi32, #tpu.memory_space<vmem>> -> memref<128xi32, #tpu.memory_space<vmem>>
      %dma_start3A_110 = arith.constant 0 : i32
      %dma_start3A_111 = arith.constant 0 : i32
      %dma_start3A_112 = tpu.memref_slice %arg2[%dma_start3A_110, %dma_start3A_111] : memref<20480x128xbf16, #tpu.memory_space<hbm>> -> memref<20480x128xbf16, #tpu.memory_space<hbm>>
      tpu.enqueue_indirect_dma source(%dma_start3A_112 : memref<20480x128xbf16, #tpu.memory_space<hbm>>) target(%dma_start3A_106 : memref<128x128xbf16, #tpu.memory_space<vmem>>) offsets(%dma_start3A_109 : memref<128xi32, #tpu.memory_space<vmem>>) semaphore(%arg10 : memref<!tpu.dma_semaphore, #tpu.memory_space<semaphore_mem>>)
      %add3A_113 = arith.constant 1 : i32
      %add3A_114 = arith.addi %mul3A_74, %add3A_113 : i32
      %dma_wait3A_115 = arith.constant 1 : i32
      %dma_wait3A_116 = arith.constant 0 : i32
      %dma_wait3A_117 = arith.constant 0 : i32
      %dma_wait3A_118 = tpu.memref_slice %arg8[%dma_wait3A_115, %dma_wait3A_116, %dma_wait3A_117] : memref<2x128x128xbf16, #tpu.memory_space<vmem>> -> memref<1x128x128xbf16, #tpu.memory_space<vmem>>
      %dma_wait3A_119 = tpu.memref_squeeze %dma_wait3A_118 : memref<1x128x128xbf16, #tpu.memory_space<vmem>> -> memref<128x128xbf16, #tpu.memory_space<vmem>>
      %dma_wait3A_120 = arith.constant 0 : i32
      %dma_wait3A_121 = tpu.memref_slice %arg6[%add3A_114, %dma_wait3A_120] : memref<160x128xi32, #tpu.memory_space<vmem>> -> memref<1x128xi32, #tpu.memory_space<vmem>>
      %dma_wait3A_122 = tpu.memref_squeeze %dma_wait3A_121 : memref<1x128xi32, #tpu.memory_space<vmem>> -> memref<128xi32, #tpu.memory_space<vmem>>
      %dma_wait3A_123 = arith.constant 0 : i32
      %dma_wait3A_124 = arith.constant 0 : i32
      %dma_wait3A_125 = tpu.memref_slice %arg2[%dma_wait3A_123, %dma_wait3A_124] : memref<20480x128xbf16, #tpu.memory_space<hbm>> -> memref<20480x128xbf16, #tpu.memory_space<hbm>>
      tpu.wait_indirect_dma semaphore(%arg11 : memref<!tpu.dma_semaphore, #tpu.memory_space<semaphore_mem>>) src(%dma_wait3A_125 : memref<20480x128xbf16, #tpu.memory_space<hbm>>) dst(%dma_wait3A_119 : memref<128x128xbf16, #tpu.memory_space<vmem>>)
      %add3A_126 = arith.constant 1 : i32
      %add3A_127 = arith.addi %mul3A_74, %add3A_126 : i32
      %run_scoped3A_128 = arith.constant 1 : i32
      "tpu.region"() ({
        %run_scoped3A_129 = tpu.sem_alloc : memref<!tpu.dma_semaphore, #tpu.memory_space<semaphore_mem>>
        %dma_start3A_130 = arith.constant 0 : i32
        %dma_start3A_131 = arith.constant 0 : i32
        %dma_start3A_132 = tpu.memref_slice %arg8[%run_scoped3A_128, %dma_start3A_130, %dma_start3A_131] : memref<2x128x128xbf16, #tpu.memory_space<vmem>> -> memref<1x128x128xbf16, #tpu.memory_space<vmem>>
        %dma_start3A_133 = tpu.memref_squeeze %dma_start3A_132 : memref<1x128x128xbf16, #tpu.memory_space<vmem>> -> memref<128x128xbf16, #tpu.memory_space<vmem>>
        %dma_start3A_134 = arith.constant 0 : i32
        %dma_start3A_135 = tpu.memref_slice %arg7[%add3A_127, %dma_start3A_134] : memref<160x128xi32, #tpu.memory_space<vmem>> -> memref<1x128xi32, #tpu.memory_space<vmem>>
        %dma_start3A_136 = tpu.memref_squeeze %dma_start3A_135 : memref<1x128xi32, #tpu.memory_space<vmem>> -> memref<128xi32, #tpu.memory_space<vmem>>
        %dma_start3A_137 = arith.constant 0 : i32
        %dma_start3A_138 = arith.constant 0 : i32
        %dma_start3A_139 = tpu.memref_slice %arg9[%dma_start3A_137, %dma_start3A_138] : memref<10240x128xbf16, #tpu.memory_space<vmem_shared>> -> memref<10240x128xbf16, #tpu.memory_space<vmem_shared>>
        tpu.enqueue_indirect_dma source(%dma_start3A_133 : memref<128x128xbf16, #tpu.memory_space<vmem>>) target(%dma_start3A_139 : memref<10240x128xbf16, #tpu.memory_space<vmem_shared>>) offsets(%dma_start3A_136 : memref<128xi32, #tpu.memory_space<vmem>>) semaphore(%run_scoped3A_129 : memref<!tpu.dma_semaphore, #tpu.memory_space<semaphore_mem>>) {add = true}
        %dma_wait3A_140 = arith.constant 0 : i32
        %dma_wait3A_141 = arith.constant 0 : i32
        %dma_wait3A_142 = tpu.memref_slice %arg8[%run_scoped3A_128, %dma_wait3A_140, %dma_wait3A_141] : memref<2x128x128xbf16, #tpu.memory_space<vmem>> -> memref<1x128x128xbf16, #tpu.memory_space<vmem>>
        %dma_wait3A_143 = tpu.memref_squeeze %dma_wait3A_142 : memref<1x128x128xbf16, #tpu.memory_space<vmem>> -> memref<128x128xbf16, #tpu.memory_space<vmem>>
        %dma_wait3A_144 = arith.constant 0 : i32
        %dma_wait3A_145 = tpu.memref_slice %arg7[%add3A_127, %dma_wait3A_144] : memref<160x128xi32, #tpu.memory_space<vmem>> -> memref<1x128xi32, #tpu.memory_space<vmem>>
        %dma_wait3A_146 = tpu.memref_squeeze %dma_wait3A_145 : memref<1x128xi32, #tpu.memory_space<vmem>> -> memref<128xi32, #tpu.memory_space<vmem>>
        %dma_wait3A_147 = arith.constant 0 : i32
        %dma_wait3A_148 = arith.constant 0 : i32
        %dma_wait3A_149 = tpu.memref_slice %arg9[%dma_wait3A_147, %dma_wait3A_148] : memref<10240x128xbf16, #tpu.memory_space<vmem_shared>> -> memref<10240x128xbf16, #tpu.memory_space<vmem_shared>>
        tpu.wait_indirect_dma semaphore(%run_scoped3A_129 : memref<!tpu.dma_semaphore, #tpu.memory_space<semaphore_mem>>) src(%dma_wait3A_143 : memref<128x128xbf16, #tpu.memory_space<vmem>>) dst(%dma_wait3A_149 : memref<10240x128xbf16, #tpu.memory_space<vmem_shared>>)
        tpu.yield
      }) : () -> ()
    }
    %scan3A_27 = arith.constant 79 : i32
    %dma_start3A_28 = arith.constant 159 : i32
    %dma_start3A_29 = arith.constant 1 : i32
    %dma_start3A_30 = arith.constant 0 : i32
    %dma_start3A_31 = arith.constant 0 : i32
    %dma_start3A_32 = tpu.memref_slice %arg8[%dma_start3A_29, %dma_start3A_30, %dma_start3A_31] : memref<2x128x128xbf16, #tpu.memory_space<vmem>> -> memref<1x128x128xbf16, #tpu.memory_space<vmem>>
    %dma_start3A_33 = tpu.memref_squeeze %dma_start3A_32 : memref<1x128x128xbf16, #tpu.memory_space<vmem>> -> memref<128x128xbf16, #tpu.memory_space<vmem>>
    %dma_start3A_34 = arith.constant 0 : i32
    %dma_start3A_35 = tpu.memref_slice %arg6[%dma_start3A_28, %dma_start3A_34] : memref<160x128xi32, #tpu.memory_space<vmem>> -> memref<1x128xi32, #tpu.memory_space<vmem>>
    %dma_start3A_36 = tpu.memref_squeeze %dma_start3A_35 : memref<1x128xi32, #tpu.memory_space<vmem>> -> memref<128xi32, #tpu.memory_space<vmem>>
    %dma_start3A_37 = arith.constant 0 : i32
    %dma_start3A_38 = arith.constant 0 : i32
    %dma_start3A_39 = tpu.memref_slice %arg2[%dma_start3A_37, %dma_start3A_38] : memref<20480x128xbf16, #tpu.memory_space<hbm>> -> memref<20480x128xbf16, #tpu.memory_space<hbm>>
    tpu.enqueue_indirect_dma source(%dma_start3A_39 : memref<20480x128xbf16, #tpu.memory_space<hbm>>) target(%dma_start3A_33 : memref<128x128xbf16, #tpu.memory_space<vmem>>) offsets(%dma_start3A_36 : memref<128xi32, #tpu.memory_space<vmem>>) semaphore(%arg11 : memref<!tpu.dma_semaphore, #tpu.memory_space<semaphore_mem>>)
    %dma_wait3A = arith.constant 158 : i32
    %dma_wait3A_40 = arith.constant 0 : i32
    %dma_wait3A_41 = arith.constant 0 : i32
    %dma_wait3A_42 = arith.constant 0 : i32
    %dma_wait3A_43 = tpu.memref_slice %arg8[%dma_wait3A_40, %dma_wait3A_41, %dma_wait3A_42] : memref<2x128x128xbf16, #tpu.memory_space<vmem>> -> memref<1x128x128xbf16, #tpu.memory_space<vmem>>
    %dma_wait3A_44 = tpu.memref_squeeze %dma_wait3A_43 : memref<1x128x128xbf16, #tpu.memory_space<vmem>> -> memref<128x128xbf16, #tpu.memory_space<vmem>>
    %dma_wait3A_45 = arith.constant 0 : i32
    %dma_wait3A_46 = tpu.memref_slice %arg6[%dma_wait3A, %dma_wait3A_45] : memref<160x128xi32, #tpu.memory_space<vmem>> -> memref<1x128xi32, #tpu.memory_space<vmem>>
    %dma_wait3A_47 = tpu.memref_squeeze %dma_wait3A_46 : memref<1x128xi32, #tpu.memory_space<vmem>> -> memref<128xi32, #tpu.memory_space<vmem>>
    %dma_wait3A_48 = arith.constant 0 : i32
    %dma_wait3A_49 = arith.constant 0 : i32
    %dma_wait3A_50 = tpu.memref_slice %arg2[%dma_wait3A_48, %dma_wait3A_49] : memref<20480x128xbf16, #tpu.memory_space<hbm>> -> memref<20480x128xbf16, #tpu.memory_space<hbm>>
    tpu.wait_indirect_dma semaphore(%arg10 : memref<!tpu.dma_semaphore, #tpu.memory_space<semaphore_mem>>) src(%dma_wait3A_50 : memref<20480x128xbf16, #tpu.memory_space<hbm>>) dst(%dma_wait3A_44 : memref<128x128xbf16, #tpu.memory_space<vmem>>)
    %run_scoped3A = arith.constant 0 : i32
    %run_scoped3A_51 = arith.constant 158 : i32
    "tpu.region"() ({
      %run_scoped3A_72 = tpu.sem_alloc : memref<!tpu.dma_semaphore, #tpu.memory_space<semaphore_mem>>
      %dma_start3A_73 = arith.constant 0 : i32
      %dma_start3A_74 = arith.constant 0 : i32
      %dma_start3A_75 = tpu.memref_slice %arg8[%run_scoped3A, %dma_start3A_73, %dma_start3A_74] : memref<2x128x128xbf16, #tpu.memory_space<vmem>> -> memref<1x128x128xbf16, #tpu.memory_space<vmem>>
      %dma_start3A_76 = tpu.memref_squeeze %dma_start3A_75 : memref<1x128x128xbf16, #tpu.memory_space<vmem>> -> memref<128x128xbf16, #tpu.memory_space<vmem>>
      %dma_start3A_77 = arith.constant 0 : i32
      %dma_start3A_78 = tpu.memref_slice %arg7[%run_scoped3A_51, %dma_start3A_77] : memref<160x128xi32, #tpu.memory_space<vmem>> -> memref<1x128xi32, #tpu.memory_space<vmem>>
      %dma_start3A_79 = tpu.memref_squeeze %dma_start3A_78 : memref<1x128xi32, #tpu.memory_space<vmem>> -> memref<128xi32, #tpu.memory_space<vmem>>
      %dma_start3A_80 = arith.constant 0 : i32
      %dma_start3A_81 = arith.constant 0 : i32
      %dma_start3A_82 = tpu.memref_slice %arg9[%dma_start3A_80, %dma_start3A_81] : memref<10240x128xbf16, #tpu.memory_space<vmem_shared>> -> memref<10240x128xbf16, #tpu.memory_space<vmem_shared>>
      tpu.enqueue_indirect_dma source(%dma_start3A_76 : memref<128x128xbf16, #tpu.memory_space<vmem>>) target(%dma_start3A_82 : memref<10240x128xbf16, #tpu.memory_space<vmem_shared>>) offsets(%dma_start3A_79 : memref<128xi32, #tpu.memory_space<vmem>>) semaphore(%run_scoped3A_72 : memref<!tpu.dma_semaphore, #tpu.memory_space<semaphore_mem>>) {add = true}
      %dma_wait3A_83 = arith.constant 0 : i32
      %dma_wait3A_84 = arith.constant 0 : i32
      %dma_wait3A_85 = tpu.memref_slice %arg8[%run_scoped3A, %dma_wait3A_83, %dma_wait3A_84] : memref<2x128x128xbf16, #tpu.memory_space<vmem>> -> memref<1x128x128xbf16, #tpu.memory_space<vmem>>
      %dma_wait3A_86 = tpu.memref_squeeze %dma_wait3A_85 : memref<1x128x128xbf16, #tpu.memory_space<vmem>> -> memref<128x128xbf16, #tpu.memory_space<vmem>>
      %dma_wait3A_87 = arith.constant 0 : i32
      %dma_wait3A_88 = tpu.memref_slice %arg7[%run_scoped3A_51, %dma_wait3A_87] : memref<160x128xi32, #tpu.memory_space<vmem>> -> memref<1x128xi32, #tpu.memory_space<vmem>>
      %dma_wait3A_89 = tpu.memref_squeeze %dma_wait3A_88 : memref<1x128xi32, #tpu.memory_space<vmem>> -> memref<128xi32, #tpu.memory_space<vmem>>
      %dma_wait3A_90 = arith.constant 0 : i32
      %dma_wait3A_91 = arith.constant 0 : i32
      %dma_wait3A_92 = tpu.memref_slice %arg9[%dma_wait3A_90, %dma_wait3A_91] : memref<10240x128xbf16, #tpu.memory_space<vmem_shared>> -> memref<10240x128xbf16, #tpu.memory_space<vmem_shared>>
      tpu.wait_indirect_dma semaphore(%run_scoped3A_72 : memref<!tpu.dma_semaphore, #tpu.memory_space<semaphore_mem>>) src(%dma_wait3A_86 : memref<128x128xbf16, #tpu.memory_space<vmem>>) dst(%dma_wait3A_92 : memref<10240x128xbf16, #tpu.memory_space<vmem_shared>>)
      tpu.yield
    }) : () -> ()
    %dma_wait3A_52 = arith.constant 159 : i32
    %dma_wait3A_53 = arith.constant 1 : i32
    %dma_wait3A_54 = arith.constant 0 : i32
    %dma_wait3A_55 = arith.constant 0 : i32
    %dma_wait3A_56 = tpu.memref_slice %arg8[%dma_wait3A_53, %dma_wait3A_54, %dma_wait3A_55] : memref<2x128x128xbf16, #tpu.memory_space<vmem>> -> memref<1x128x128xbf16, #tpu.memory_space<vmem>>
    %dma_wait3A_57 = tpu.memref_squeeze %dma_wait3A_56 : memref<1x128x128xbf16, #tpu.memory_space<vmem>> -> memref<128x128xbf16, #tpu.memory_space<vmem>>
    %dma_wait3A_58 = arith.constant 0 : i32
    %dma_wait3A_59 = tpu.memref_slice %arg6[%dma_wait3A_52, %dma_wait3A_58] : memref<160x128xi32, #tpu.memory_space<vmem>> -> memref<1x128xi32, #tpu.memory_space<vmem>>
    %dma_wait3A_60 = tpu.memref_squeeze %dma_wait3A_59 : memref<1x128xi32, #tpu.memory_space<vmem>> -> memref<128xi32, #tpu.memory_space<vmem>>
    %dma_wait3A_61 = arith.constant 0 : i32
    %dma_wait3A_62 = arith.constant 0 : i32
    %dma_wait3A_63 = tpu.memref_slice %arg2[%dma_wait3A_61, %dma_wait3A_62] : memref<20480x128xbf16, #tpu.memory_space<hbm>> -> memref<20480x128xbf16, #tpu.memory_space<hbm>>
    tpu.wait_indirect_dma semaphore(%arg11 : memref<!tpu.dma_semaphore, #tpu.memory_space<semaphore_mem>>) src(%dma_wait3A_63 : memref<20480x128xbf16, #tpu.memory_space<hbm>>) dst(%dma_wait3A_57 : memref<128x128xbf16, #tpu.memory_space<vmem>>)
    %run_scoped3A_64 = arith.constant 1 : i32
    %run_scoped3A_65 = arith.constant 159 : i32
    "tpu.region"() ({
      %run_scoped3A_72 = tpu.sem_alloc : memref<!tpu.dma_semaphore, #tpu.memory_space<semaphore_mem>>
      %dma_start3A_73 = arith.constant 0 : i32
      %dma_start3A_74 = arith.constant 0 : i32
      %dma_start3A_75 = tpu.memref_slice %arg8[%run_scoped3A_64, %dma_start3A_73, %dma_start3A_74] : memref<2x128x128xbf16, #tpu.memory_space<vmem>> -> memref<1x128x128xbf16, #tpu.memory_space<vmem>>
      %dma_start3A_76 = tpu.memref_squeeze %dma_start3A_75 : memref<1x128x128xbf16, #tpu.memory_space<vmem>> -> memref<128x128xbf16, #tpu.memory_space<vmem>>
      %dma_start3A_77 = arith.constant 0 : i32
      %dma_start3A_78 = tpu.memref_slice %arg7[%run_scoped3A_65, %dma_start3A_77] : memref<160x128xi32, #tpu.memory_space<vmem>> -> memref<1x128xi32, #tpu.memory_space<vmem>>
      %dma_start3A_79 = tpu.memref_squeeze %dma_start3A_78 : memref<1x128xi32, #tpu.memory_space<vmem>> -> memref<128xi32, #tpu.memory_space<vmem>>
      %dma_start3A_80 = arith.constant 0 : i32
      %dma_start3A_81 = arith.constant 0 : i32
      %dma_start3A_82 = tpu.memref_slice %arg9[%dma_start3A_80, %dma_start3A_81] : memref<10240x128xbf16, #tpu.memory_space<vmem_shared>> -> memref<10240x128xbf16, #tpu.memory_space<vmem_shared>>
      tpu.enqueue_indirect_dma source(%dma_start3A_76 : memref<128x128xbf16, #tpu.memory_space<vmem>>) target(%dma_start3A_82 : memref<10240x128xbf16, #tpu.memory_space<vmem_shared>>) offsets(%dma_start3A_79 : memref<128xi32, #tpu.memory_space<vmem>>) semaphore(%run_scoped3A_72 : memref<!tpu.dma_semaphore, #tpu.memory_space<semaphore_mem>>) {add = true}
      %dma_wait3A_83 = arith.constant 0 : i32
      %dma_wait3A_84 = arith.constant 0 : i32
      %dma_wait3A_85 = tpu.memref_slice %arg8[%run_scoped3A_64, %dma_wait3A_83, %dma_wait3A_84] : memref<2x128x128xbf16, #tpu.memory_space<vmem>> -> memref<1x128x128xbf16, #tpu.memory_space<vmem>>
      %dma_wait3A_86 = tpu.memref_squeeze %dma_wait3A_85 : memref<1x128x128xbf16, #tpu.memory_space<vmem>> -> memref<128x128xbf16, #tpu.memory_space<vmem>>
      %dma_wait3A_87 = arith.constant 0 : i32
      %dma_wait3A_88 = tpu.memref_slice %arg7[%run_scoped3A_65, %dma_wait3A_87] : memref<160x128xi32, #tpu.memory_space<vmem>> -> memref<1x128xi32, #tpu.memory_space<vmem>>
      %dma_wait3A_89 = tpu.memref_squeeze %dma_wait3A_88 : memref<1x128xi32, #tpu.memory_space<vmem>> -> memref<128xi32, #tpu.memory_space<vmem>>
      %dma_wait3A_90 = arith.constant 0 : i32
      %dma_wait3A_91 = arith.constant 0 : i32
      %dma_wait3A_92 = tpu.memref_slice %arg9[%dma_wait3A_90, %dma_wait3A_91] : memref<10240x128xbf16, #tpu.memory_space<vmem_shared>> -> memref<10240x128xbf16, #tpu.memory_space<vmem_shared>>
      tpu.wait_indirect_dma semaphore(%run_scoped3A_72 : memref<!tpu.dma_semaphore, #tpu.memory_space<semaphore_mem>>) src(%dma_wait3A_86 : memref<128x128xbf16, #tpu.memory_space<vmem>>) dst(%dma_wait3A_92 : memref<10240x128xbf16, #tpu.memory_space<vmem_shared>>)
      tpu.yield
    }) : () -> ()
    %scan3A_66 = arith.constant 1 : i32
    %barrier3A_67 = arith.constant 0 : index
    tpu.barrier barrier_id(%barrier3A_67)
    %mul3A_68 = arith.constant 640 : i32
    %mul3A_69 = arith.muli %arg1, %mul3A_68 : i32
    %mul3A_70 = arith.constant 640 : i32
    %mul3A_71 = arith.muli %arg1, %mul3A_70 : i32
    "tpu.region"() ({
      %run_scoped3A_72 = tpu.sem_alloc : memref<!tpu.dma_semaphore, #tpu.memory_space<semaphore_mem>>
      %dma_start3A_73 = arith.constant 0 : i32
      %dma_start3A_74 = tpu.memref_slice %arg5[%arg0, %mul3A_71, %dma_start3A_73] : memref<2x10240x128xbf16, #tpu.memory_space<hbm>> -> memref<1x640x128xbf16, #tpu.memory_space<hbm>>
      %dma_start3A_75 = tpu.memref_squeeze %dma_start3A_74 : memref<1x640x128xbf16, #tpu.memory_space<hbm>> -> memref<640x128xbf16, #tpu.memory_space<hbm>>
      %dma_start3A_76 = arith.constant 0 : i32
      %dma_start3A_77 = tpu.memref_slice %arg9[%mul3A_69, %dma_start3A_76] : memref<10240x128xbf16, #tpu.memory_space<vmem_shared>> -> memref<640x128xbf16, #tpu.memory_space<vmem_shared>>
      tpu.enqueue_dma source(%dma_start3A_77 : memref<640x128xbf16, #tpu.memory_space<vmem_shared>>) target(%dma_start3A_75 : memref<640x128xbf16, #tpu.memory_space<hbm>>) target_semaphore(%run_scoped3A_72 : memref<!tpu.dma_semaphore, #tpu.memory_space<semaphore_mem>>)
      %dma_wait3A_78 = arith.constant 0 : i32
      %dma_wait3A_79 = tpu.memref_slice %arg5[%arg0, %mul3A_71, %dma_wait3A_78] : memref<2x10240x128xbf16, #tpu.memory_space<hbm>> -> memref<1x640x128xbf16, #tpu.memory_space<hbm>>
      %dma_wait3A_80 = tpu.memref_squeeze %dma_wait3A_79 : memref<1x640x128xbf16, #tpu.memory_space<hbm>> -> memref<640x128xbf16, #tpu.memory_space<hbm>>
      %dma_wait3A_81 = arith.constant 0 : i32
      %dma_wait3A_82 = tpu.memref_slice %arg9[%mul3A_69, %dma_wait3A_81] : memref<10240x128xbf16, #tpu.memory_space<vmem_shared>> -> memref<640x128xbf16, #tpu.memory_space<vmem_shared>>
      tpu.wait_dma2 semaphore(%run_scoped3A_72 : memref<!tpu.dma_semaphore, #tpu.memory_space<semaphore_mem>>) src(%dma_wait3A_82 : memref<640x128xbf16, #tpu.memory_space<vmem_shared>>) dst(%dma_wait3A_80 : memref<640x128xbf16, #tpu.memory_space<hbm>>)
      tpu.yield
    }) : () -> ()
    return
  }
}

module attributes {stable_mosaic.version = 14 : i64} {
  func.func @_g_body(%arg0: i32, %arg1: i32, %arg2: memref<2048x128xf32, #tpu.memory_space<vmem>>, %arg3: memref<1x128x128xf32, #tpu.memory_space<vmem>>, %arg4: memref<2048x2xf32, #tpu.memory_space<vmem>>, %arg5: memref<2048x128xbf16, #tpu.memory_space<vmem>>) attributes {dimension_semantics = [#tpu.dimension_semantics<arbitrary>, #tpu.dimension_semantics<arbitrary>], iteration_bounds = array<i64: 2, 5>, scalar_prefetch = 0 : i64, scratch_operands = 0 : i64, tpu.core_type = #tpu.core_type<tc>, window_params = [{transform_indices = @transform_0, window_bounds = array<i64: 2048, 128>}, {transform_indices = @transform_1, window_bounds = array<i64: 1, 128, 128>}, {transform_indices = @transform_2, window_bounds = array<i64: 2048, 2>}, {transform_indices = @transform_3, window_bounds = array<i64: 2048, 128>}]} {
    %get3A = arith.constant 0 : index
    %get3A_0 = arith.constant 0 : index
    %get3A_1 = vector.load %arg4[%get3A, %get3A_0] : memref<2048x2xf32, #tpu.memory_space<vmem>>, vector<2048x2xf32>
    %add3A = arith.constant 1.000000e+00 : f32
    %add3A_2 = vector.broadcast %add3A : f32 to vector<2048x2xf32>
    %add3A_3 = arith.addf %get3A_1, %add3A_2 : vector<2048x2xf32>
    %rsqrt3A = math.rsqrt %add3A_3 : vector<2048x2xf32>
    %eq3A = arith.constant 0 : i32
    %eq3A_4 = arith.cmpi eq, %arg0, %eq3A : i32
    %slice3A = vector.extract_strided_slice %rsqrt3A {offsets = [0, 0], sizes = [2048, 1], strides = [1, 1]} : vector<2048x2xf32> to vector<2048x1xf32>
    %slice3A_5 = vector.extract_strided_slice %rsqrt3A {offsets = [0, 1], sizes = [2048, 1], strides = [1, 1]} : vector<2048x2xf32> to vector<2048x1xf32>
    %select_n3A = arith.select %eq3A_4, %slice3A, %slice3A_5 : vector<2048x1xf32>
    %get3A_6 = arith.constant 0 : index
    %get3A_7 = arith.constant 0 : index
    %get3A_8 = vector.load %arg2[%get3A_6, %get3A_7] : memref<2048x128xf32, #tpu.memory_space<vmem>>, vector<2048x128xf32>
    %get3A_9 = arith.constant 0 : index
    %get3A_10 = arith.constant 0 : index
    %get3A_11 = arith.constant 0 : index
    %get3A_12 = vector.load %arg3[%get3A_9, %get3A_10, %get3A_11] : memref<1x128x128xf32, #tpu.memory_space<vmem>>, vector<1x128x128xf32>
    %get3A_13 = vector.shape_cast %get3A_12 : vector<1x128x128xf32> to vector<128x128xf32>
    %dot_general3A = arith.constant dense<0.000000e+00> : vector<2048x128xf32>
    %dot_general3A_14 = tpu.matmul %get3A_8, %get3A_13, %dot_general3A {dimension_numbers = #tpu.dot_dimension_numbers<[1], [0], [0], [1], [0, 0, 1, 1], [], []>, transpose_lhs_hint = false} : vector<2048x128xf32>, vector<128x128xf32>, vector<2048x128xf32> -> vector<2048x128xf32>
    %mul3A = vector.broadcast %select_n3A : vector<2048x1xf32> to vector<2048x128xf32>
    %mul3A_15 = arith.mulf %dot_general3A_14, %mul3A : vector<2048x128xf32>
    %convert_element_type3A = arith.truncf %mul3A_15 : vector<2048x128xf32> to vector<2048x128xbf16>
    %swap3A = arith.constant 0 : index
    %swap3A_16 = arith.constant 0 : index
    %swap3A_17 = vector.load %arg5[%swap3A, %swap3A_16] : memref<2048x128xbf16, #tpu.memory_space<vmem>>, vector<2048x128xbf16>
    tpu.vector_store %arg5[%swap3A, %swap3A_16], %convert_element_type3A {strides = array<i32>} : memref<2048x128xbf16, #tpu.memory_space<vmem>>, vector<2048x128xbf16>,
    return
  }
  func.func @transform_0(%arg0: i32, %arg1: i32) -> (i32, i32) {
    %c0_i32 = arith.constant 0 : i32
    %c0_i32_0 = arith.constant 0 : i32
    return %arg1, %c0_i32 : i32, i32
  }
  func.func @transform_1(%arg0: i32, %arg1: i32) -> (i32, i32, i32) {
    %c0_i32 = arith.constant 0 : i32
    %c0_i32_0 = arith.constant 0 : i32
    %c0_i32_1 = arith.constant 0 : i32
    return %arg0, %c0_i32, %c0_i32_0 : i32, i32, i32
  }
  func.func @transform_2(%arg0: i32, %arg1: i32) -> (i32, i32) {
    %c0_i32 = arith.constant 0 : i32
    %c0_i32_0 = arith.constant 0 : i32
    return %arg1, %c0_i32 : i32, i32
  }
  func.func @transform_3(%arg0: i32, %arg1: i32) -> (i32, i32) {
    %mul3A = arith.constant 5 : i32
    %mul3A_0 = arith.muli %arg0, %mul3A : i32
    %add3A = arith.addi %mul3A_0, %arg1 : i32
    %c0_i32 = arith.constant 0 : i32
    %c0_i32_1 = arith.constant 0 : i32
    return %add3A, %c0_i32 : i32, i32
  }
}

module attributes {stable_mosaic.version = 14 : i64} {
  func.func @_ep_body(%arg0: i32, %arg1: memref<2x2048x128xbf16, #tpu.memory_space<vmem>>, %arg2: memref<2048x2xf32, #tpu.memory_space<vmem>>, %arg3: memref<2x128xf32, #tpu.memory_space<vmem>>, %arg4: memref<2048x128xf32, #tpu.memory_space<vmem>>) attributes {dimension_semantics = [#tpu.dimension_semantics<arbitrary>], iteration_bounds = array<i64: 5>, scalar_prefetch = 0 : i64, scratch_operands = 0 : i64, tpu.core_type = #tpu.core_type<tc>, window_params = [{transform_indices = @transform_0, window_bounds = array<i64: 2, 2048, 128>}, {transform_indices = @transform_1, window_bounds = array<i64: 2048, 2>}, {pipeline_mode = #tpu.pipeline_mode<synchronous>, transform_indices = @transform_2, window_bounds = array<i64: 2, 128>}, {transform_indices = @transform_3, window_bounds = array<i64: 2048, 128>}]} {
    %get3A = arith.constant 0 : index
    %get3A_0 = arith.constant 0 : index
    %get3A_1 = vector.load %arg2[%get3A, %get3A_0] : memref<2048x2xf32, #tpu.memory_space<vmem>>, vector<2048x2xf32>
    %add3A = arith.constant 1.000000e+00 : f32
    %add3A_2 = vector.broadcast %add3A : f32 to vector<2048x2xf32>
    %add3A_3 = arith.addf %get3A_1, %add3A_2 : vector<2048x2xf32>
    %rsqrt3A = math.rsqrt %add3A_3 : vector<2048x2xf32>
    %get3A_4 = arith.constant 0 : index
    %get3A_5 = arith.constant 0 : index
    %get3A_6 = arith.constant 0 : index
    %get3A_7 = vector.load %arg1[%get3A_4, %get3A_5, %get3A_6] : memref<2x2048x128xbf16, #tpu.memory_space<vmem>>, vector<1x2048x128xbf16>
    %get3A_8 = vector.shape_cast %get3A_7 : vector<1x2048x128xbf16> to vector<2048x128xbf16>
    %convert_element_type3A = arith.extf %get3A_8 : vector<2048x128xbf16> to vector<2048x128xf32>
    %get3A_9 = arith.constant 1 : index
    %get3A_10 = arith.constant 0 : index
    %get3A_11 = arith.constant 0 : index
    %get3A_12 = vector.load %arg1[%get3A_9, %get3A_10, %get3A_11] : memref<2x2048x128xbf16, #tpu.memory_space<vmem>>, vector<1x2048x128xbf16>
    %get3A_13 = vector.shape_cast %get3A_12 : vector<1x2048x128xbf16> to vector<2048x128xbf16>
    %convert_element_type3A_14 = arith.extf %get3A_13 : vector<2048x128xbf16> to vector<2048x128xf32>
    %slice3A = vector.extract_strided_slice %rsqrt3A {offsets = [0, 0], sizes = [2048, 1], strides = [1, 1]} : vector<2048x2xf32> to vector<2048x1xf32>
    %mul3A = vector.broadcast %slice3A : vector<2048x1xf32> to vector<2048x128xf32>
    %mul3A_15 = arith.mulf %convert_element_type3A, %mul3A : vector<2048x128xf32>
    %get3A_16 = arith.constant 0 : index
    %get3A_17 = arith.constant 0 : index
    %get3A_18 = vector.load %arg3[%get3A_16, %get3A_17] : memref<2x128xf32, #tpu.memory_space<vmem>>, vector<1x128xf32>
    %get3A_19 = vector.shape_cast %get3A_18 : vector<1x128xf32> to vector<128xf32>
    %broadcast_in_dim3A = vector.shape_cast %get3A_19 : vector<128xf32> to vector<1x128xf32>
    %add3A_20 = vector.broadcast %broadcast_in_dim3A : vector<1x128xf32> to vector<2048x128xf32>
    %add3A_21 = arith.addf %mul3A_15, %add3A_20 : vector<2048x128xf32>
    %max3A = arith.constant 0.000000e+00 : f32
    %max3A_22 = vector.broadcast %max3A : f32 to vector<2048x128xf32>
    %max3A_23 = arith.maximumf %add3A_21, %max3A_22 : vector<2048x128xf32>
    %slice3A_24 = vector.extract_strided_slice %rsqrt3A {offsets = [0, 1], sizes = [2048, 1], strides = [1, 1]} : vector<2048x2xf32> to vector<2048x1xf32>
    %mul3A_25 = vector.broadcast %slice3A_24 : vector<2048x1xf32> to vector<2048x128xf32>
    %mul3A_26 = arith.mulf %convert_element_type3A_14, %mul3A_25 : vector<2048x128xf32>
    %get3A_27 = arith.constant 1 : index
    %get3A_28 = arith.constant 0 : index
    %get3A_29 = vector.load %arg3[%get3A_27, %get3A_28] : memref<2x128xf32, #tpu.memory_space<vmem>>, vector<1x128xf32>
    %get3A_30 = vector.shape_cast %get3A_29 : vector<1x128xf32> to vector<128xf32>
    %broadcast_in_dim3A_31 = vector.shape_cast %get3A_30 : vector<128xf32> to vector<1x128xf32>
    %add3A_32 = vector.broadcast %broadcast_in_dim3A_31 : vector<1x128xf32> to vector<2048x128xf32>
    %add3A_33 = arith.addf %mul3A_26, %add3A_32 : vector<2048x128xf32>
    %max3A_34 = arith.constant 0.000000e+00 : f32
    %max3A_35 = vector.broadcast %max3A_34 : f32 to vector<2048x128xf32>
    %max3A_36 = arith.maximumf %add3A_33, %max3A_35 : vector<2048x128xf32>
    %add3A_37 = arith.addf %max3A_23, %max3A_36 : vector<2048x128xf32>
    %mul3A_38 = arith.constant 5.000000e-01 : f32
    %mul3A_39 = vector.broadcast %mul3A_38 : f32 to vector<2048x128xf32>
    %mul3A_40 = arith.mulf %mul3A_39, %add3A_37 : vector<2048x128xf32>
    %swap3A = arith.constant 0 : index
    %swap3A_41 = arith.constant 0 : index
    %swap3A_42 = vector.load %arg4[%swap3A, %swap3A_41] : memref<2048x128xf32, #tpu.memory_space<vmem>>, vector<2048x128xf32>
    tpu.vector_store %arg4[%swap3A, %swap3A_41], %mul3A_40 {strides = array<i32>} : memref<2048x128xf32, #tpu.memory_space<vmem>>, vector<2048x128xf32>,
    return
  }
  func.func @transform_0(%arg0: i32) -> (i32, i32, i32) {
    %c0_i32 = arith.constant 0 : i32
    %c0_i32_0 = arith.constant 0 : i32
    %c0_i32_1 = arith.constant 0 : i32
    return %c0_i32, %arg0, %c0_i32_0 : i32, i32, i32
  }
  func.func @transform_1(%arg0: i32) -> (i32, i32) {
    %c0_i32 = arith.constant 0 : i32
    %c0_i32_0 = arith.constant 0 : i32
    return %arg0, %c0_i32 : i32, i32
  }
  func.func @transform_2(%arg0: i32) -> (i32, i32) {
    %c0_i32 = arith.constant 0 : i32
    %c0_i32_0 = arith.constant 0 : i32
    %c0_i32_1 = arith.constant 0 : i32
    return %c0_i32, %c0_i32_0 : i32, i32
  }
  func.func @transform_3(%arg0: i32) -> (i32, i32) {
    %c0_i32 = arith.constant 0 : i32
    %c0_i32_0 = arith.constant 0 : i32
    return %arg0, %c0_i32 : i32, i32
  }
}

</mosaic_0001>

<sc_bundles>
// kernel: kernel.6.cloned.1.call-start
scs
__scs_entry_jumppad:
0x0: {  	(pc) =	sbr.rel $0x88, $3  }
0x1: {  	(tag) =	ssettag $0x0;
	lr =	simm.s32 $0x1  }
0x2: {  	[smem:$0x3F9B] =	sst lr;
	_ =	strace $0xD0000000  }
0x3: {  	_ = 	snop  }
0x4: {  	_ = 	snop  }
0x5: {  	_ = 	snop  }
0x6: {  	_ = 	snop  }
0x7: {  	_ = 	snop  }
__scs_overlays_trampoline_lowered:
0x8: {  	[smem:$0x3FAA] =	sst s0  }
0x9: {  	[smem:$0x3FAB] =	sst s1  }
0xa: {  	[smem:$0x3FAC] =	sst s2  }
0xb: {  	[smem:$0x3FAD] =	sst s3  }
0xc: {  	[smem:$0x3FAE] =	sst s4  }
0xd: {  	[smem:$0x3FAF] =	sst s5  }
0xe: {  	[smem:$0x3FB0] =	sst s6  }
0xf: {  	[smem:$0x3FB1] =	sst s7  }
0x10: {  	[smem:$0x3FB2] =	sst s8  }
0x11: {  	[smem:$0x3FB3] =	sst s9;
	s0 =	simm.s32 @!p0 $0x0  }
0x12: {  	s1 =	sld [smem:$0x3F99];
	s0 =	simm.s32 @p0 $0x1  }
0x13: {  	[smem:$0x3FB4] =	sst s0;
	s0 =	simm.s32 @!p1 $0x0  }
0x14: {  	s2 =	sld [smem:$0x3F98];
	s0 =	simm.s32 @p1 $0x1  }
0x15: {  	[smem:$0x3FB5] =	sst s0;
	s0 =	simm.s32 @!p2 $0x0  }
0x16: {  	s3 =	sld [smem:$0x3FDB];
	s0 =	simm.s32 @p2 $0x1  }
0x17: {  	s4 =	simm.s32 $0x1BF5;
	[smem:$0x3FB7] =	sst s0  }
0x18: {  	s0 =	sld [smem:$0x3F9A];
	_ =	swait.ge [sflag:s4], $0x0  }
0x19: {  	s7 =	sld [smem:$0x3F9B]  }
0x1a: {  	s8 =	sadd.s32 $0xFFFFE003, lr  }
0x1b: {  	s9 =	sadd.s32 $0xFFFFFEF7, lr;
	s5 =	simm.s32 $0xFFFFFFFF;
	p2 =	slt.u32 s8, $0xFFFFF086  }
0x1c: {  	p1 =	slt.u32 s9, $0xF7A;
	s5 =	simm.s32 @!p2 $0x0  }
0x1d: {  	s5 =	simm.s32 @p1 $0x1;
	p0 =	seq.s32 s7, s2  }
0x1e: {  	s7 =	smul.u32 @!p0 $0xF7A, s2;
	p2 =	seq.s32 @!p0 s5, $0x0  }
0x1f: {  	s9 =	smul.u32 $0xF7A, s1;
	s8 =	simm.s32 @!p0 $0x1BF5;
	p2 =	por !p2, p0  }
0x20: {  	[sflag:s8] =	ssyncset.s32 @!p0 $0xFFFFF086;
	s6 =	sadd.s32 @!p0 s3, s7;
	s7 =	simm.s32 @!p0 $0x108  }
0x21: {  	s3 =	sadd.s32 s3, s9;
	s6 =	sadd.s32 @!p0 $0x88, s6;
	s7 =	simm.s32 @p2 $0x1082  }
0x22: {  	[simem:s7], [sflag:s8] =	dma.local @!p0 [hbm:s6], $0xF7A  }
0x23: {  	s9 =	sor.u32 $0xD0000000, s2;
	s6 =	simm.s32 $0x108;
	_ =	swait.ge @!p0 [sflag:s8], $0x0  }
0x24: {  	s3 =	sadd.s32 $0x88, s3;
	s6 =	simm.s32 @!p1 $0x1082;
	[sflag:s4] =	ssyncset.s32 $0xFFFFF086  }
0x25: {  	[simem:s6], [sflag:s4] =	dma.local [hbm:s3], $0xF7A  }
0x26: {  	[smem:$0x3F9B] =	sst s1;
	(tag) =	ssettag s2;
	_ =	strace s9  }
0x27: {  	s1 =	sld [smem:$0x3FAB]  }
0x28: {  	s2 =	sld [smem:$0x3FAC]  }
0x29: {  	s4 =	sld [smem:$0x3FAE]  }
0x2a: {  	p0 =	seq.s32 s5, $0x0;
	s5 =	sld [smem:$0x3FAF]  }
0x2b: {  	s6 =	sld [smem:$0x3FB0]  }
0x2c: {  	s7 =	sld [smem:$0x3FB1]  }
0x2d: {  	s3 =	simm.s32 $0x108;
	s8 =	sld [smem:$0x3FB2]  }
0x2e: {  	s3 =	simm.s32 @!p0 $0x1082;
	s9 =	sld [smem:$0x3FB3]  }
0x2f: {  	lr =	sadd.s32 s0, s3;
	s0 =	sld [smem:$0x3FAA]  }
0x30: {  	s3 =	sld [smem:$0x3FAD]  }
0x31: {  	[smem:$0x3FB6] =	sst s10  }
0x32: {  	s10 =	sld [smem:$0x3FB4];
	_ =	sdelay $0x3  }
0x33: {  	p0 =	seq.s32 s10, $0x1;
	s10 =	sld [smem:$0x3FB6];
	_ =	sdelay $0x3  }
0x34: {  	[smem:$0x3FB6] =	sst s10  }
0x35: {  	s10 =	sld [smem:$0x3FB5];
	_ =	sdelay $0x3  }
0x36: {  	p1 =	seq.s32 s10, $0x1;
	s10 =	sld [smem:$0x3FB6];
	_ =	sdelay $0x3  }
0x37: {  	[smem:$0x3FB6] =	sst s10  }
0x38: {  	s10 =	sld [smem:$0x3FB7]  }
0x39: {  	_ = 	snop;
	(pc) =	sbr.ind lr, $3  }
0x3a: {  	_ = 	snop  }
0x3b: {  	_ = 	snop  }
0x3c: {  	p2 =	seq.s32 s10, $0x1;
	s10 =	sld [smem:$0x3FB6]  }
0x3d: {  	_ =	shalt  }
0x3e: {  	_ =	shalt  }
0x3f: {  	_ =	shalt  }
0x40: {  	_ =	shalt  }
0x41: {  	_ =	shalt  }
0x42: {  	_ =	shalt  }
0x43: {  	_ =	shalt  }
0x44: {  	_ =	shalt  }
0x45: {  	_ =	shalt  }
0x46: {  	_ =	shalt  }
0x47: {  	_ =	shalt  }
0x48: {  	_ =	shalt  }
0x49: {  	_ =	shalt  }
0x4a: {  	_ =	shalt  }
0x4b: {  	_ =	shalt  }
0x4c: {  	_ =	shalt  }
0x4d: {  	_ =	shalt  }
0x4e: {  	_ =	shalt  }
0x4f: {  	_ =	shalt  }
0x50: {  	_ =	shalt  }
0x51: {  	_ =	shalt  }
0x52: {  	_ =	shalt  }
0x53: {  	_ =	shalt  }
0x54: {  	_ =	shalt  }
0x55: {  	_ =	shalt  }
0x56: {  	_ =	shalt  }
0x57: {  	_ =	shalt  }
0x58: {  	_ =	shalt  }
0x59: {  	_ =	shalt  }
0x5a: {  	_ =	shalt  }
0x5b: {  	_ =	shalt  }
0x5c: {  	_ =	shalt  }
0x5d: {  	_ =	shalt  }
0x5e: {  	_ =	shalt  }
0x5f: {  	_ =	shalt  }
0x60: {  	_ =	shalt  }
0x61: {  	_ =	shalt  }
0x62: {  	_ =	shalt  }
0x63: {  	_ =	shalt  }
0x64: {  	_ =	shalt  }
0x65: {  	_ =	shalt  }
0x66: {  	_ =	shalt  }
0x67: {  	_ =	shalt  }
0x68: {  	_ =	shalt  }
0x69: {  	_ =	shalt  }
0x6a: {  	_ =	shalt  }
0x6b: {  	_ =	shalt  }
0x6c: {  	_ =	shalt  }
0x6d: {  	_ =	shalt  }
0x6e: {  	_ =	shalt  }
0x6f: {  	_ =	shalt  }
0x70: {  	_ =	shalt  }
0x71: {  	_ =	shalt  }
0x72: {  	_ =	shalt  }
0x73: {  	_ =	shalt  }
0x74: {  	_ =	shalt  }
0x75: {  	_ =	shalt  }
0x76: {  	_ =	shalt  }
0x77: {  	_ =	shalt  }
0x78: {  	_ =	shalt  }
0x79: {  	_ =	shalt  }
0x7a: {  	_ =	shalt  }
0x7b: {  	_ =	shalt  }
0x7c: {  	_ =	shalt  }
0x7d: {  	_ =	shalt  }
0x7e: {  	_ =	shalt  }
0x7f: {  	_ =	shalt  }
0x80: {  	_ =	shalt  }
0x81: {  	_ =	shalt  }
0x82: {  	_ =	shalt  }
0x83: {  	_ =	shalt  }
0x84: {  	_ =	shalt  }
0x85: {  	_ =	shalt  }
0x86: {  	_ =	shalt  }
0x87: {  	_ =	shalt  }
.Lfunc_end0:
.L_simem_size_0:
called_computation_lowered:
.L_overlay_start_0:
0x88: {  	s2 =	sld [smem:$0x3FD9]  }
0x89: {  	s3 =	sld [smem:$0x3FFE];
	_ =	sdelay $0x1  }
0x8a: {  	s1 =	srdreg.scid  }
0x8b: {  	s0 =	sand.u32 $0x1, s1  }
0x8c: {  	s17 =	sshll.u32 s0, $0xA;
	s2 =	sadd.s32 s3, s2  }
0x8d: {  	s2 =	sadd.s32 s2, s17  }
0x8e: {  	[smem:$0x3FC2] =	sst s2  }
0x8f: {  	_ = 	snop  }
0x90: {  	s2 =	sld [smem:$0x3FD0];
	(tm) =	ssettm $0x1  }
0x91: {  	s18 =	sld [smem:$0x3FFB];
	_ =	sdelay $0x3  }
0x92: {  	_ =	strace s18  }
0x93: {  	s3 =	sld [smem:$0x3FFC];
	_ =	sdelay $0x3  }
0x94: {  	_ =	strace s3  }
0x95: {  	s3 =	sld [smem:$0x3FFD];
	_ =	sdelay $0x3  }
0x96: {  	_ =	strace s3  }
0x97: {  	_ =	strace $0x8FFFFFFF  }
0x98: {  	s19 =	sld [smem:$0x3FDB];
	_ =	sdelay $0x1  }
0x99: {  	s4 =	simm.s32 $_scs_section_size  }
0x9a: {  	s5 =	simm.s32 $_size__tile_overlayer_lowered;
	s6 =	simm.s32 $_tile_overlayer_lowered  }
0x9b: {  	s22 =	simm.s32 $0x1BFF;
	s21 =	sshll.u32 s6, $0x1;
	s3 =	sadd.s32 s4, s19  }
0x9c: {  	s7 =	simm.s32 $0x0;
	s20 =	sshll.u32 s5, $0x1;
	s5 =	sadd.s32 s21, s3  }
0x9d: {  	[timem:s7], [sflag:s22] =	dma.local [hbm:s5], s20  }
0x9e: {  	_ =	swait.ge [sflag:s22], s20  }
0x9f: {  	s4 =	ssub.s32 $0x0, s20;
	[sflag:s22] =	ssyncset.done $0x0  }
0xa0: {  	[sflag:s22] =	ssyncadd.s32 s4;
	_ =	sdelay $0x1  }
0xa1: {  	s23 =	simm.s32 $0x1B8B  }
0xa2: {  	_ =	swait.ge [sflag:s23], $0x1  }
0xa3: {  	[sflag:s23] =	ssyncset.done $0x0  }
0xa4: {  	s25 =	simm.s32 $0x1B8E;
	s24 =	sld [smem:$0x3FFE];
	[sflag:s23] =	ssyncadd.s32 $0xFFFFFFFF  }
0xa5: {  	s26 =	simm.s32 $execute0_lowered;
	[smem:$0x3FD2] =	sst s25  }
0xa6: {  	s5 =	sshll.u32 s26, $0x1;
	_ =	strace $0x80000046;
	[dreg:$0x1] =	wrdreg $0xFFFFFFFF  }
0xa7: {  	s28 =	simm.s32 $_size_execute0_lowered;
	s3 =	sadd.s32 s3, s5;
	[dreg:$0x0] =	wrdreg $0x0  }
0xa8: {  	s5 =	sshll.u32 s28, $0x1;
	[dreg:$0x2] =	wrdreg s3  }
0xa9: {  	[dreg:$0x3] =	wrdreg s5  }
0xaa: {  	[dreg:$0x4] =	wrdreg $0xC0  }
0xab: {  	_ =	task [dreg:s7], $0x5FFFF  }
0xac: {  	[dreg:$0x1] =	wrdreg $0xFFFFFFFF  }
0xad: {  	[dreg:$0x0] =	wrdreg $0x60  }
0xae: {  	[dreg:$0x2] =	wrdreg s2  }
0xaf: {  	[dreg:$0x3] =	wrdreg s24  }
0xb0: {  	[dreg:$0x4] =	wrdreg $0xA2800  }
0xb1: {  	[dreg:$0x5] =	wrdreg $0x9  }
0xb2: {  	_ =	task.clear_ibuf [dreg:s7], $0x6FFFF;
	_ =	strace $0x90000046  }
0xb3: {  	s29 =	simm.s32 $0x9;
	_ =	strace $0x80000048  }
0xb4: {  	_ =	swait.ge [sflag:s29], $0x1  }
0xb5: {  	[sflag:s29] =	ssyncadd.s32 $0xFFFFFFFF  }
0xb6: {  	_ =	strace $0x90000048  }
0xb7: {  	_ =	sfence  }
0xb8: {  	s30 =	sld [smem:$0x0];
	_ =	sdelay $0x2  }
0xb9: {  	s31 =	sshll.u32 s1, $0xD;
	s1 =	sshrl.u32 s1, $0x2  }
0xba: {  	s3 =	sand.u32 $0x4000, s31;
	s1 =	sadd.s32 s1, s30  }
0xbb: {  	s0 =	sor.u32 s3, s0;
	s1 =	sshll.u32 s1, $0x11  }
0xbc: {  	s0 =	sor.u32 s1, s0  }
0xbd: {  	s0 =	sadd.s32 $0x8F2B, s0  }
0xbe: {  	[sflag:s0] =	ssyncadd.remote.s32 $0x1  }
0xbf: {  	_ =	sfence.sel $0xFFFF  }
0xc0: {  	[dreg:$0x0] =	wrdreg $0xFFFFFFFF;
	(pc) =	sbr.abs _section_cstart, $3  }
0xc1: {  	[dreg:$0x1] =	wrdreg $0xFFFFFFFF  }
0xc2: {  	_ =	task.clear_ibuf [dreg:s7], $0x2FFFF;
	_ =	strace $0x9FFFFFFF  }
0xc3: {  	(tm) =	ssettm $0x7FFFFFFF  }
tec
execute0_lowered:
.L_overlay_start_1:
0x0: {  	(tag) =	ssettag $0x1  }
0x1: {  	s4 =	rddreg [dreg:$0x0]  }
0x2: {  	s5 =	rddreg [dreg:$0x1]  }
0x3: {  	s6 =	rddreg [dreg:$0x2]  }
0x4: {  	s0 =	rddreg [dreg:$0x3];
	s2 =	simm.s32 $0x0;
	s3 =	srdreg.scid  }
0x5: {  	s1 =	stileid.u32;
	s13 =	simm.s32 $0x1400;
	s14 =	simm.s32 $0x14000  }
0x6: {  	s15 =	simm.s32 $0x7800;
	s16 =	simm.s32 $0x100;
	s17 =	simm.s32 $0xA000  }
0x7: {  	s18 =	simm.s32 $0x0;
	[smem:$0x7FF] =	sst s2;
	s8 =	smul.u32 $0x500, s1  }
0x8: {  	s7 =	sand.u32 $0x1, s3;
	s3 =	sadd.s32 $0x1E00, s5;
	s10 =	smul.u32 $0x5000, s1  }
0x9: {  	s11 =	sshrl.u32 s1, $0x3;
	s30 =	sshll.u32 s1, $0x7;
	_ =	strace $0x80000047  }
0xa: {  	s9 =	sshll.u32 s7, $0x7;
	s28 =	smul.u32 $0x50000, s7;
	s7 =	ssub.s32 $0x2, s7  }
0xb: {  	s11 =	smul.u32 $0x50000, s11;
	s8 =	sor.u32 s9, s8;
	s12 =	sshrl.u32 s7, $0x1  }
0xc: {  	s8 =	sshrl.u32 s8, $0x3;
	s12 =	ssub.s32 s7, s12;
	s29 =	sadd.s32 s10, s28  }
0xd: {  	s31 =	sshrl.u32 s11, $0x2;
	s7 =	sand.u32 $0x380, s30;
	s10 =	sshrl.u32 s10, $0x2  }
0xe: {  	s11 =	simm.s32 $0x80;
	s8 =	sadd.s32 s8, s5;
	s5 =	sshrl.u32 s29, $0x3  }
0xf: {  	s9 =	sadd.s32 s31, s6;
	s6 =	sadd.s32 s10, s6;
	s10 =	simm.s32 $0x5000  }
0x10: {  	s4 =	sadd.s32 s4, s5;
	s5 =	sadd.s32 s7, s9;
	s7 =	sadd.s32 $0x2400, s8  }
0x11: {  	v0 =	vimm.f32 $1.000000000e+00;
	s8 =	smax.u32 s12, $0x1;
	s9 =	simm.s32 $0x1;
	s12 =	simm.s32 $0x400  }
.LBB2_1:
0x12: {  	[tilespmem:s2], [sflag:$0x1] =	stream.linear.gather [hbm4b:s4+s2], $0x5000, $0x38;
	[tilespmem:$0xCA80] =	vst v63  }
0x13: {  	_ =	swait.ge [sflag:s9], $0x5000  }
0x14: {  	[sflag:s9] =	ssyncset.done $0x0  }
0x15: {  	[sflag:s9] =	ssyncadd.s32 $0xFFFFB000  }
0x16: {  	[tilespmem:s10], [sflag:$0x1] =	stream.linear.gather [hbm4b:s3+s2], $0x2800, $0x38;
	[tilespmem:$0xCA80] =	vst v63  }
0x17: {  	_ =	swait.ge [sflag:s9], $0x2800  }
0x18: {  	[sflag:s9] =	ssyncset.done $0x0  }
0x19: {  	s19 =	simm.s32 $0x0;
	[sflag:s9] =	ssyncadd.s32 $0xFFFFD800  }
.LBB2_2:
0x1a: {  	s20 =	sshra.s32 s19, $0x2  }
0x1b: {  	v1 =	vld [tilespmem:s20+$0x0];
	_ =	sdelay $0x7  }
0x1c: {  	[tilespmem:v1+s10+$0x0] =	vst.idx.add.f32.msk $0xffff, v0  }
0x1d: {  	v1 =	vld [tilespmem:s20+$0x10];
	_ =	sdelay $0x7  }
0x1e: {  	[tilespmem:v1+s10+$0x0] =	vst.idx.add.f32.msk $0xffff, v0  }
0x1f: {  	v1 =	vld [tilespmem:s20+$0x20];
	_ =	sdelay $0x7  }
0x20: {  	[tilespmem:v1+s10+$0x0] =	vst.idx.add.f32.msk $0xffff, v0  }
0x21: {  	v1 =	vld [tilespmem:s20+$0x30];
	_ =	sdelay $0x7  }
0x22: {  	[tilespmem:v1+s10+$0x0] =	vst.idx.add.f32.msk $0xffff, v0  }
0x23: {  	v1 =	vld [tilespmem:s20+$0x40];
	_ =	sdelay $0x7  }
0x24: {  	[tilespmem:v1+s10+$0x0] =	vst.idx.add.f32.msk $0xffff, v0  }
0x25: {  	v1 =	vld [tilespmem:s20+$0x50];
	_ =	sdelay $0x7  }
0x26: {  	[tilespmem:v1+s10+$0x0] =	vst.idx.add.f32.msk $0xffff, v0  }
0x27: {  	v1 =	vld [tilespmem:s20+$0x60];
	_ =	sdelay $0x7  }
0x28: {  	[tilespmem:v1+s10+$0x0] =	vst.idx.add.f32.msk $0xffff, v0  }
0x29: {  	v1 =	vld [tilespmem:s20+$0x70];
	_ =	sdelay $0x7  }
0x2a: {  	[tilespmem:v1+s10+$0x0] =	vst.idx.add.f32.msk $0xffff, v0  }
0x2b: {  	v1 =	vld [tilespmem:s20+$0x80];
	_ =	sdelay $0x7  }
0x2c: {  	[tilespmem:v1+s10+$0x0] =	vst.idx.add.f32.msk $0xffff, v0  }
0x2d: {  	v1 =	vld [tilespmem:s20+$0x90];
	_ =	sdelay $0x7  }
0x2e: {  	[tilespmem:v1+s10+$0x0] =	vst.idx.add.f32.msk $0xffff, v0  }
0x2f: {  	v1 =	vld [tilespmem:s20+$0xA0];
	_ =	sdelay $0x7  }
0x30: {  	[tilespmem:v1+s10+$0x0] =	vst.idx.add.f32.msk $0xffff, v0  }
0x31: {  	v1 =	vld [tilespmem:s20+$0xB0];
	_ =	sdelay $0x7  }
0x32: {  	[tilespmem:v1+s10+$0x0] =	vst.idx.add.f32.msk $0xffff, v0  }
0x33: {  	v1 =	vld [tilespmem:s20+$0xC0];
	_ =	sdelay $0x7  }
0x34: {  	[tilespmem:v1+s10+$0x0] =	vst.idx.add.f32.msk $0xffff, v0  }
0x35: {  	v1 =	vld [tilespmem:s20+$0xD0];
	_ =	sdelay $0x7  }
0x36: {  	[tilespmem:v1+s10+$0x0] =	vst.idx.add.f32.msk $0xffff, v0  }
0x37: {  	v1 =	vld [tilespmem:s20+$0xE0];
	_ =	sdelay $0x7  }
0x38: {  	[tilespmem:v1+s10+$0x0] =	vst.idx.add.f32.msk $0xffff, v0  }
0x39: {  	v1 =	vld [tilespmem:s20+$0xF0];
	_ =	sdelay $0x2  }
0x3a: {  	p0 =	sne.s32 s19, $0x13C00  }
.Ltmp0:
0x3b: {  	_ = 	snop;
	(pc) =	sbr.rel @p0 .LBB2_2-.Ltmp0, $2  }
0x3c: {  	_ =	sdelay $0x2  }
0x3d: {  	s19 =	sadd.s32 $0x400, s19;
	[tilespmem:v1+s10+$0x0] =	vst.idx.add.f32.msk $0xffff, v0  }
0x3e: {  	[spmem:s5] =	stream.strided.scatter [tilespmem:s10], [sflag:$0x1], $0x2800, s12, s11, $0x38;
	[tilespmem:$0xCA80] =	vst v63  }
0x3f: {  	_ =	swait.ge [sflag:s9], $0x2800  }
0x40: {  	[sflag:s9] =	ssyncset.done $0x0  }
0x41: {  	[sflag:s9] =	ssyncadd.s32 $0xFFFFD800  }
0x42: {  	[bflag:$0x0] =	sbarrier.arrive $0xFFFF  }
0x43: {  	[tilespmem:s15], [sflag:$0x1] =	stream.strided.gather [spmem:s6], $0x2800, s14, s13, $0x38;
	[tilespmem:$0xCA80] =	vst v63  }
0x44: {  	_ =	swait.ge [sflag:s9], $0x2800  }
0x45: {  	[sflag:s9] =	ssyncset.done $0x0  }
0x46: {  	[sflag:s9] =	ssyncadd.s32 $0xFFFFD800  }
0x47: {  	v5 =	vld [tilespmem:$0x7800]  }
0x48: {  	v4 =	vld [tilespmem:$0x7880]  }
0x49: {  	v1 =	vld [tilespmem:$0x7BA0]  }
0x4a: {  	v6 =	vld [tilespmem:$0x7900]  }
0x4b: {  	v8 =	vld [tilespmem:$0x7980]  }
0x4c: {  	v9 =	vld [tilespmem:$0x7A00]  }
0x4d: {  	v11 =	vld [tilespmem:$0x7A80]  }
0x4e: {  	[tilespmem:$0x1ED80] =	vst v1;
	v1 =	vld [tilespmem:$0x8C20]  }
0x4f: {  	v14 =	vld [tilespmem:$0x7B00]  }
0x50: {  	v17 =	vld [tilespmem:$0x7B80]  }
0x51: {  	v20 =	vld [tilespmem:$0x8C00]  }
0x52: {  	v24 =	vld [tilespmem:$0x8C80]  }
0x53: {  	[tilespmem:$0x1ED90] =	vst v1;
	v1 =	vld [tilespmem:$0x8CA0]  }
0x54: {  	v27 =	vld [tilespmem:$0x8D00]  }
0x55: {  	v31 =	vld [tilespmem:$0x8D80]  }
0x56: {  	v36 =	vld [tilespmem:$0x8E00]  }
0x57: {  	v37 =	vld [tilespmem:$0x8E80]  }
0x58: {  	[tilespmem:$0x1EDA0] =	vst v1;
	v1 =	vld [tilespmem:$0x8D20]  }
0x59: {  	v38 =	vld [tilespmem:$0x8F00]  }
0x5a: {  	v39 =	vld [tilespmem:$0x8F80]  }
0x5b: {  	v35 =	vld [tilespmem:$0x7810]  }
0x5c: {  	v40 =	vld [tilespmem:$0x7890]  }
0x5d: {  	[tilespmem:$0x1EDC0] =	vst v1;
	v1 =	vld [tilespmem:$0x8DA0]  }
0x5e: {  	v41 =	vld [tilespmem:$0x7910]  }
0x5f: {  	v42 =	vld [tilespmem:$0x7990]  }
0x60: {  	v43 =	vld [tilespmem:$0x7A10]  }
0x61: {  	v44 =	vld [tilespmem:$0x7A90]  }
0x62: {  	[tilespmem:$0x1EDE0] =	vst v1;
	v1 =	vld [tilespmem:$0x8E20]  }
0x63: {  	v45 =	vld [tilespmem:$0x7B10]  }
0x64: {  	v46 =	vld [tilespmem:$0x7B90]  }
0x65: {  	v47 =	vld [tilespmem:$0x8C10]  }
0x66: {  	v48 =	vld [tilespmem:$0x8C90]  }
0x67: {  	[tilespmem:$0x1EE00] =	vst v1;
	v1 =	vld [tilespmem:$0x8EA0]  }
0x68: {  	v49 =	vld [tilespmem:$0x8D10]  }
0x69: {  	v50 =	vld [tilespmem:$0x8D90]  }
0x6a: {  	v51 =	vld [tilespmem:$0x8E10]  }
0x6b: {  	v52 =	vld [tilespmem:$0x8E90]  }
0x6c: {  	[tilespmem:$0x1EE20] =	vst v1;
	v1 =	vld [tilespmem:$0x8F20]  }
0x6d: {  	v53 =	vld [tilespmem:$0x8F10]  }
0x6e: {  	v54 =	vld [tilespmem:$0x8F90]  }
0x6f: {  	v55 =	vld [tilespmem:$0x7820]  }
0x70: {  	v56 =	vld [tilespmem:$0x78A0]  }
0x71: {  	[tilespmem:$0x1EE50] =	vst v1;
	v1 =	vld [tilespmem:$0x8FA0]  }
0x72: {  	v57 =	vld [tilespmem:$0x7920]  }
0x73: {  	v58 =	vld [tilespmem:$0x79A0]  }
0x74: {  	v59 =	vld [tilespmem:$0x7A20]  }
0x75: {  	v60 =	vld [tilespmem:$0x7AA0]  }
0x76: {  	[tilespmem:$0x1EE80] =	vst v1;
	v1 =	vld [tilespmem:$0x8CB0]  }
0x77: {  	v33 =	vld [tilespmem:$0x7B20]  }
0x78: {  	v61 =	vld [tilespmem:$0x7830]  }
0x79: {  	v62 =	vld [tilespmem:$0x78B0]  }
0x7a: {  	v63 =	vld [tilespmem:$0x7930]  }
0x7b: {  	[tilespmem:$0x1EDB0] =	vst v1;
	v1 =	vld [tilespmem:$0x8D30]  }
0x7c: {  	v15 =	vld [tilespmem:$0x79B0]  }
0x7d: {  	v18 =	vld [tilespmem:$0x7A30]  }
0x7e: {  	v21 =	vld [tilespmem:$0x7AB0]  }
0x7f: {  	v23 =	vld [tilespmem:$0x7B30]  }
0x80: {  	[tilespmem:$0x1EDD0] =	vst v1;
	v1 =	vld [tilespmem:$0x8DB0]  }
0x81: {  	v28 =	vld [tilespmem:$0x7BB0]  }
0x82: {  	v32 =	vld [tilespmem:$0x8C30]  }
0x83: {  	v3 =	vld [tilespmem:$0x7840]  }
0x84: {  	v2 =	vld [tilespmem:$0x78C0]  }
0x85: {  	[tilespmem:$0x1EDF0] =	vst v1;
	v1 =	vld [tilespmem:$0x8E30]  }
0x86: {  	v7 =	vld [tilespmem:$0x7940]  }
0x87: {  	v10 =	vld [tilespmem:$0x79C0]  }
0x88: {  	v12 =	vld [tilespmem:$0x7A40]  }
0x89: {  	v13 =	vld [tilespmem:$0x7AC0]  }
0x8a: {  	[tilespmem:$0x1EE10] =	vst v1;
	v1 =	vld [tilespmem:$0x8EB0]  }
0x8b: {  	v16 =	vld [tilespmem:$0x7B40]  }
0x8c: {  	v19 =	vld [tilespmem:$0x7BC0]  }
0x8d: {  	v22 =	vld [tilespmem:$0x8C40]  }
0x8e: {  	v25 =	vld [tilespmem:$0x8CC0]  }
0x8f: {  	[tilespmem:$0x1EE40] =	vst v1;
	v1 =	vld [tilespmem:$0x8F30]  }
0x90: {  	v29 =	vld [tilespmem:$0x8D40]  }
0x91: {  	v34 =	vld [tilespmem:$0x8DC0]  }
0x92: {  	v30 =	vld [tilespmem:$0x7A60]  }
0x93: {  	v4 =	vadd.f32 v4, v5;
	v5 =	vld [tilespmem:$0x78D0]  }
0x94: {  	v35 =	vadd.f32 v40, v35;
	[tilespmem:$0x1EE70] =	vst v1;
	v1 =	vld [tilespmem:$0x8FB0]  }
0x95: {  	v40 =	vld [tilespmem:$0x7950];
	v4 =	vadd.f32 v6, v4  }
0x96: {  	v3 =	vadd.f32 v2, v3;
	v6 =	vld [tilespmem:$0x79D0];
	v35 =	vadd.f32 v41, v35  }
0x97: {  	v41 =	vld [tilespmem:$0x7A50];
	v4 =	vadd.f32 v8, v4  }
0x98: {  	v3 =	vadd.f32 v7, v3;
	v7 =	vld [tilespmem:$0x78F0];
	v35 =	vadd.f32 v42, v35  }
0x99: {  	v4 =	vadd.f32 v9, v4;
	[tilespmem:$0x1EEA0] =	vst v1;
	v1 =	vld [tilespmem:$0x8E40]  }
0x9a: {  	v8 =	vld [tilespmem:$0x7AD0];
	v35 =	vadd.f32 v43, v35  }
0x9b: {  	v42 =	vld [tilespmem:$0x7B50];
	v4 =	vadd.f32 v11, v4  }
0x9c: {  	v3 =	vadd.f32 v10, v3;
	v10 =	vld [tilespmem:$0x79F0];
	v35 =	vadd.f32 v44, v35  }
0x9d: {  	v9 =	vld [tilespmem:$0x7BD0];
	v4 =	vadd.f32 v14, v4  }
0x9e: {  	v35 =	vadd.f32 v45, v35;
	[tilespmem:$0x1EE30] =	vst v1;
	v1 =	vld [tilespmem:$0x8EC0]  }
0x9f: {  	v43 =	vld [tilespmem:$0x8C50];
	v4 =	vadd.f32 v17, v4  }
0xa0: {  	v3 =	vadd.f32 v12, v3;
	v11 =	vld [tilespmem:$0x8CD0];
	v35 =	vadd.f32 v46, v35  }
0xa1: {  	v44 =	vld [tilespmem:$0x8D50];
	v4 =	vadd.f32 v20, v4  }
0xa2: {  	v3 =	vadd.f32 v13, v3;
	v14 =	vld [tilespmem:$0x8DD0];
	v35 =	vadd.f32 v47, v35  }
0xa3: {  	v4 =	vadd.f32 v24, v4;
	[tilespmem:$0x1EE60] =	vst v1;
	v1 =	vld [tilespmem:$0x8F40]  }
0xa4: {  	v45 =	vld [tilespmem:$0x8E50];
	v3 =	vadd.f32 v16, v3;
	v35 =	vadd.f32 v48, v35  }
0xa5: {  	v17 =	vld [tilespmem:$0x8ED0];
	v4 =	vadd.f32 v27, v4  }
0xa6: {  	v3 =	vadd.f32 v19, v3;
	v47 =	vld [tilespmem:$0x7860];
	v24 =	vadd.f32 v49, v35  }
0xa7: {  	v20 =	vld [tilespmem:$0x78E0];
	v4 =	vadd.f32 v31, v4  }
0xa8: {  	v3 =	vadd.f32 v22, v3;
	v24 =	vadd.f32 v50, v24;
	[tilespmem:$0x1EE90] =	vst v1;
	v1 =	vld [tilespmem:$0x8FC0]  }
0xa9: {  	v48 =	vld [tilespmem:$0x7960];
	v36 =	vadd.f32 v36, v4  }
0xaa: {  	v3 =	vadd.f32 v25, v3;
	v27 =	vld [tilespmem:$0x79E0];
	v49 =	vadd.f32 v51, v24  }
0xab: {  	v35 =	vld [tilespmem:$0x7AE0];
	v36 =	vadd.f32 v37, v36  }
0xac: {  	v3 =	vadd.f32 v29, v3;
	v29 =	vld [tilespmem:$0x7C80];
	v37 =	vadd.f32 v52, v49  }
0xad: {  	v62 =	vadd.f32 v62, v61;
	v36 =	vadd.f32 v38, v36;
	[tilespmem:$0x1EEB0] =	vst v1;
	v1 =	vld [tilespmem:$0x7850]  }
0xae: {  	v20 =	vadd.f32 v20, v47;
	v47 =	vld [tilespmem:$0x9180];
	v53 =	vadd.f32 v53, v37  }
0xaf: {  	v31 =	vld [tilespmem:$0x7B60];
	v37 =	vadd.f32 v39, v36  }
0xb0: {  	v50 =	vld [tilespmem:$0x8CE0];
	v36 =	vadd.f32 v54, v53;
	v53 =	vadd.f32 v63, v62  }
0xb1: {  	v55 =	vadd.f32 v56, v55;
	v3 =	vadd.f32 v34, v3;
	v34 =	vld [tilespmem:$0x7E80]  }
0xb2: {  	v4 =	vld [tilespmem:$0x7BE0];
	v15 =	vadd.f32 v15, v53;
	v1 =	vadd.f32 v5, v1  }
0xb3: {  	v57 =	vadd.f32 v57, v55;
	v24 =	vld [tilespmem:$0x8C60]  }
0xb4: {  	v51 =	vld [tilespmem:$0x8E60];
	v15 =	vadd.f32 v18, v15;
	v1 =	vadd.f32 v40, v1  }
0xb5: {  	v52 =	vld [tilespmem:$0x8D60];
	v54 =	vadd.f32 v58, v57  }
0xb6: {  	v49 =	vld [tilespmem:$0x8DE0];
	v15 =	vadd.f32 v21, v15;
	v1 =	vadd.f32 v6, v1  }
0xb7: {  	v38 =	vld [tilespmem:$0x8EE0];
	v59 =	vadd.f32 v59, v54  }
0xb8: {  	v62 =	vld [tilespmem:$0x1ED80];
	v15 =	vadd.f32 v23, v15;
	v1 =	vadd.f32 v41, v1  }
0xb9: {  	v39 =	vld [tilespmem:$0x8F60];
	v61 =	vadd.f32 v60, v59  }
0xba: {  	v63 =	vld [tilespmem:$0x1ED90];
	v15 =	vadd.f32 v28, v15;
	v1 =	vadd.f32 v8, v1  }
0xbb: {  	v54 =	vld [tilespmem:$0x1EE00];
	v18 =	vadd.f32 v33, v61  }
0xbc: {  	v15 =	vadd.f32 v32, v15;
	v32 =	vld [tilespmem:$0x1EDA0];
	v1 =	vadd.f32 v42, v1  }
0xbd: {  	v56 =	vld [tilespmem:$0x1EE20];
	v18 =	vadd.f32 v62, v18  }
0xbe: {  	v33 =	vld [tilespmem:$0x1EDB0];
	v1 =	vadd.f32 v9, v1  }
0xbf: {  	v59 =	vld [tilespmem:$0x1EE50];
	v18 =	vadd.f32 v63, v18  }
0xc0: {  	v20 =	vadd.f32 v48, v20;
	v62 =	vld [tilespmem:$0x7C10];
	v1 =	vadd.f32 v43, v1  }
0xc1: {  	v18 =	vadd.f32 v32, v18;
	v32 =	vld [tilespmem:$0x7D00]  }
0xc2: {  	v20 =	vadd.f32 v27, v20;
	v1 =	vadd.f32 v11, v1;
	v11 =	vld [tilespmem:$0x7C00]  }
0xc3: {  	v15 =	vadd.f32 v33, v15;
	v33 =	vld [tilespmem:$0x7D80]  }
0xc4: {  	v20 =	vadd.f32 v30, v20;
	v53 =	vld [tilespmem:$0x1EDF0]  }
0xc5: {  	v57 =	vld [tilespmem:$0x1EE30]  }
0xc6: {  	v20 =	vadd.f32 v35, v20;
	v41 =	vld [tilespmem:$0x1EDC0];
	v1 =	vadd.f32 v44, v1  }
0xc7: {  	v42 =	vld [tilespmem:$0x1EDD0];
	v11 =	vadd.f32 v29, v11  }
0xc8: {  	v20 =	vadd.f32 v31, v20;
	v1 =	vadd.f32 v14, v1;
	v14 =	vld [tilespmem:$0x7E00]  }
0xc9: {  	v43 =	vld [tilespmem:$0x1EDE0];
	v11 =	vadd.f32 v32, v11  }
0xca: {  	v4 =	vadd.f32 v4, v20;
	v55 =	vld [tilespmem:$0x1EE10]  }
0xcb: {  	v60 =	vld [tilespmem:$0x1EE60];
	v11 =	vadd.f32 v33, v11  }
0xcc: {  	v4 =	vadd.f32 v24, v4;
	v18 =	vadd.f32 v41, v18;
	v41 =	vld [tilespmem:$0x7F00]  }
0xcd: {  	v3 =	vadd.f32 v57, v3;
	v57 =	vld [tilespmem:$0x9080];
	v11 =	vadd.f32 v14, v11  }
0xce: {  	v15 =	vadd.f32 v42, v15;
	v42 =	vld [tilespmem:$0x7F80];
	v18 =	vadd.f32 v43, v18  }
0xcf: {  	v4 =	vadd.f32 v50, v4;
	v5 =	vld [tilespmem:$0x7870];
	v11 =	vadd.f32 v34, v11  }
0xd0: {  	v44 =	vld [tilespmem:$0x9000];
	v18 =	vadd.f32 v54, v18  }
0xd1: {  	v4 =	vadd.f32 v52, v4;
	v40 =	vld [tilespmem:$0x7970];
	v11 =	vadd.f32 v41, v11  }
0xd2: {  	v15 =	vadd.f32 v53, v15;
	v53 =	vld [tilespmem:$0x7C90];
	v18 =	vadd.f32 v56, v18  }
0xd3: {  	v1 =	vadd.f32 v45, v1;
	v45 =	vld [tilespmem:$0x1EE90];
	v11 =	vadd.f32 v42, v11  }
0xd4: {  	v4 =	vadd.f32 v49, v4;
	v18 =	vadd.f32 v59, v18;
	v59 =	vld [tilespmem:$0x9100]  }
0xd5: {  	v15 =	vadd.f32 v55, v15;
	v55 =	vld [tilespmem:$0x1EEB0];
	v11 =	vadd.f32 v44, v11  }
0xd6: {  	v58 =	vld [tilespmem:$0x1EE40];
	v3 =	vadd.f32 v60, v3;
	v5 =	vadd.f32 v7, v5  }
0xd7: {  	v6 =	vld [tilespmem:$0x7A70];
	v1 =	vadd.f32 v17, v1;
	v7 =	vadd.f32 v57, v11  }
0xd8: {  	v17 =	vadd.f32 v53, v62;
	v53 =	vld [tilespmem:$0x9200];
	v3 =	vadd.f32 v45, v3  }
0xd9: {  	v61 =	vld [tilespmem:$0x1EE70];
	v5 =	vadd.f32 v40, v5;
	v7 =	vadd.f32 v59, v7  }
0xda: {  	v4 =	vadd.f32 v51, v4;
	v3 =	vadd.f32 v55, v3;
	v55 =	vld [tilespmem:$0x9280]  }
0xdb: {  	v2 =	vld [tilespmem:$0x8FE0];
	v5 =	vadd.f32 v10, v5;
	v7 =	vadd.f32 v47, v7  }
0xdc: {  	v4 =	vadd.f32 v38, v4;
	v43 =	vld [tilespmem:$0x9300];
	v15 =	vadd.f32 v58, v15  }
0xdd: {  	v5 =	vadd.f32 v6, v5;
	v6 =	vadd.f32 v53, v7  }
0xde: {  	v15 =	vadd.f32 v61, v15;
	v61 =	vld [tilespmem:$0x9380]  }
0xdf: {  	v26 =	vld [tilespmem:$0x8FD0];
	v4 =	vadd.f32 v39, v4;
	v6 =	vadd.f32 v55, v6  }
0xe0: {  	v12 =	vld [tilespmem:$0x7AF0]  }
0xe1: {  	v13 =	vld [tilespmem:$0x7BF0];
	v2 =	vadd.f32 v2, v4;
	[tilespmem:$0xA040] =	vst v3;
	v3 =	vadd.f32 v43, v6  }
0xe2: {  	v16 =	vld [tilespmem:$0x8CF0]  }
0xe3: {  	v46 =	vld [tilespmem:$0x8F50];
	[tilespmem:$0xA060] =	vst v2;
	v2 =	vadd.f32 v61, v3  }
0xe4: {  	v19 =	vld [tilespmem:$0x8DF0]  }
0xe5: {  	[tilespmem:$0xA080] =	vst v2;
	v2 =	vld [tilespmem:$0x91A0]  }
0xe6: {  	v22 =	vld [tilespmem:$0x8EF0]  }
0xe7: {  	v25 =	vld [tilespmem:$0x8FF0]  }
0xe8: {  	v48 =	vld [tilespmem:$0x7E90]  }
0xe9: {  	v30 =	vld [tilespmem:$0x9110]  }
0xea: {  	[tilespmem:$0x1EEC0] =	vst v2;
	v2 =	vld [tilespmem:$0x7DC0]  }
0xeb: {  	v35 =	vld [tilespmem:$0x9390]  }
0xec: {  	v31 =	vld [tilespmem:$0x9190]  }
0xed: {  	[tilespmem:$0xA000] =	vst v37;
	v37 =	vld [tilespmem:$0x92B0]  }
0xee: {  	v20 =	vld [tilespmem:$0x90B0]  }
0xef: {  	[tilespmem:$0x1EF10] =	vst v2;
	v2 =	vld [tilespmem:$0x7E40]  }
0xf0: {  	v21 =	vld [tilespmem:$0x7B70]  }
0xf1: {  	v50 =	vld [tilespmem:$0x7DA0]  }
0xf2: {  	v23 =	vld [tilespmem:$0x8D70]  }
0xf3: {  	v52 =	vld [tilespmem:$0x7EA0]  }
0xf4: {  	[tilespmem:$0x1EF20] =	vst v2;
	v2 =	vld [tilespmem:$0x7EC0]  }
0xf5: {  	v56 =	vld [tilespmem:$0x7D10]  }
0xf6: {  	v54 =	vld [tilespmem:$0x1EEA0]  }
0xf7: {  	v58 =	vld [tilespmem:$0x7D90]  }
0xf8: {  	v1 =	vadd.f32 v46, v1;
	v46 =	vld [tilespmem:$0x7E10]  }
0xf9: {  	[tilespmem:$0x1EF30] =	vst v2;
	v2 =	vld [tilespmem:$0x7F40]  }
0xfa: {  	v28 =	vld [tilespmem:$0x8F70];
	v17 =	vadd.f32 v56, v17  }
0xfb: {  	v63 =	vld [tilespmem:$0x1EE80]  }
0xfc: {  	v8 =	vld [tilespmem:$0x8C70];
	v17 =	vadd.f32 v58, v17  }
0xfd: {  	v5 =	vadd.f32 v12, v5;
	v15 =	vadd.f32 v54, v15;
	v54 =	vld [tilespmem:$0x7F10]  }
0xfe: {  	v17 =	vadd.f32 v46, v17;
	[tilespmem:$0x1EF40] =	vst v2;
	v2 =	vld [tilespmem:$0x7FC0]  }
0xff: {  	v40 =	vld [tilespmem:$0x7F90];
	v5 =	vadd.f32 v21, v5  }
0x100: {  	v51 =	vld [tilespmem:$0x7E20];
	v17 =	vadd.f32 v48, v17  }
0x101: {  	v60 =	vld [tilespmem:$0x9010];
	v5 =	vadd.f32 v13, v5  }
0x102: {  	v62 =	vld [tilespmem:$0x9090];
	v14 =	vadd.f32 v54, v17  }
0x103: {  	v5 =	vadd.f32 v8, v5;
	[tilespmem:$0x1EF60] =	vst v2;
	v2 =	vld [tilespmem:$0x9040]  }
0x104: {  	v10 =	vld [tilespmem:$0x7EB0];
	v18 =	vadd.f32 v63, v18;
	v63 =	vadd.f32 v40, v14  }
0x105: {  	v9 =	vld [tilespmem:$0x8E70];
	v5 =	vadd.f32 v16, v5  }
0x106: {  	v13 =	vld [tilespmem:$0x7F30];
	v8 =	vadd.f32 v60, v63  }
0x107: {  	v32 =	vld [tilespmem:$0x9210];
	v5 =	vadd.f32 v23, v5  }
0x108: {  	v8 =	vadd.f32 v62, v8;
	[tilespmem:$0x1EF80] =	vst v2;
	v2 =	vld [tilespmem:$0x90C0]  }
0x109: {  	v33 =	vld [tilespmem:$0x9290];
	v5 =	vadd.f32 v19, v5  }
0x10a: {  	[tilespmem:$0xA030] =	vst v15;
	v15 =	vld [tilespmem:$0x7FB0];
	v8 =	vadd.f32 v30, v8  }
0x10b: {  	v5 =	vadd.f32 v9, v5;
	v56 =	vld [tilespmem:$0x7D40]  }
0x10c: {  	v34 =	vld [tilespmem:$0x9310];
	v8 =	vadd.f32 v31, v8  }
0x10d: {  	v5 =	vadd.f32 v22, v5;
	[tilespmem:$0x1EFA0] =	vst v2;
	v2 =	vld [tilespmem:$0x9140]  }
0x10e: {  	[tilespmem:$0xA020] =	vst v18;
	v18 =	vld [tilespmem:$0x9030];
	v38 =	vadd.f32 v32, v8  }
0x10f: {  	v1 =	vadd.f32 v26, v1;
	v5 =	vadd.f32 v28, v5;
	v28 =	vld [tilespmem:$0x91B0]  }
0x110: {  	v41 =	vld [tilespmem:$0x7CC0];
	v7 =	vadd.f32 v33, v38  }
0x111: {  	[tilespmem:$0xA050] =	vst v1;
	v46 =	vld [tilespmem:$0x7CA0]  }
0x112: {  	v1 =	vadd.f32 v25, v5;
	v39 =	vadd.f32 v34, v7;
	[tilespmem:$0x1EFD0] =	vst v2;
	v2 =	vld [tilespmem:$0x91C0]  }
0x113: {  	v5 =	vld [tilespmem:$0x7D30]  }
0x114: {  	v25 =	vld [tilespmem:$0x9130];
	[tilespmem:$0xA070] =	vst v1;
	v1 =	vadd.f32 v35, v39  }
0x115: {  	v42 =	vld [tilespmem:$0x7C40]  }
0x116: {  	[tilespmem:$0xA090] =	vst v1;
	v1 =	vld [tilespmem:$0x9220]  }
0x117: {  	[tilespmem:$0x1F000] =	vst v2;
	v2 =	vld [tilespmem:$0x9240]  }
0x118: {  	v48 =	vld [tilespmem:$0x7D20]  }
0x119: {  	v54 =	vld [tilespmem:$0x9020]  }
0x11a: {  	v57 =	vld [tilespmem:$0x7C20]  }
0x11b: {  	[tilespmem:$0x1EED0] =	vst v1;
	v1 =	vld [tilespmem:$0x92A0]  }
0x11c: {  	[tilespmem:$0x1F040] =	vst v2;
	v2 =	vld [tilespmem:$0x92C0]  }
0x11d: {  	v59 =	vld [tilespmem:$0x9120]  }
0x11e: {  	v60 =	vld [tilespmem:$0x93B0]  }
0x11f: {  	v47 =	vld [tilespmem:$0x7FA0]  }
0x120: {  	[tilespmem:$0x1EEE0] =	vst v1;
	v1 =	vld [tilespmem:$0x9320]  }
0x121: {  	[tilespmem:$0x1F080] =	vst v2;
	v2 =	vld [tilespmem:$0x9340]  }
0x122: {  	v53 =	vld [tilespmem:$0x7F20]  }
0x123: {  	v55 =	vld [tilespmem:$0x90A0]  }
0x124: {  	v8 =	vld [tilespmem:$0x7E30]  }
0x125: {  	[tilespmem:$0x1EEF0] =	vst v1;
	v1 =	vld [tilespmem:$0x93A0]  }
0x126: {  	[tilespmem:$0x1F0C0] =	vst v2;
	v2 =	vld [tilespmem:$0x93C0]  }
0x127: {  	v3 =	vld [tilespmem:$0x7C30]  }
0x128: {  	v33 =	vld [tilespmem:$0x9230]  }
0x129: {  	[tilespmem:$0xA010] =	vst v36;
	v7 =	vld [tilespmem:$0x7DB0]  }
0x12a: {  	v39 =	vld [tilespmem:$0x9330];
	[tilespmem:$0x1EF00] =	vst v1  }
0x12b: {  	v1 =	vld [tilespmem:$0x7CB0];
	[tilespmem:$0x1F100] =	vst v2  }
0x12c: {  	v62 =	vld [tilespmem:$0x9370];
	_ =	sdelay $0x4  }
0x12d: {  	[tilespmem:$0x1F130] =	vst v62;
	v62 =	vld [tilespmem:$0x8300];
	_ =	sdelay $0x4  }
0x12e: {  	[tilespmem:$0x1F240] =	vst v62;
	v62 =	vld [tilespmem:$0x9700];
	_ =	sdelay $0x4  }
0x12f: {  	[tilespmem:$0x1F440] =	vst v62;
	v62 =	vld [tilespmem:$0x8310];
	_ =	sdelay $0x4  }
0x130: {  	[tilespmem:$0x1F260] =	vst v62;
	v62 =	vld [tilespmem:$0x9710];
	_ =	sdelay $0x4  }
0x131: {  	[tilespmem:$0x1F460] =	vst v62;
	v62 =	vld [tilespmem:$0x8320];
	_ =	sdelay $0x4  }
0x132: {  	[tilespmem:$0x1F290] =	vst v62;
	v62 =	vld [tilespmem:$0x95A0];
	_ =	sdelay $0x4  }
0x133: {  	[tilespmem:$0x1F3D0] =	vst v62;
	v62 =	vld [tilespmem:$0x82B0];
	_ =	sdelay $0x4  }
0x134: {  	[tilespmem:$0x1F270] =	vst v62;
	v62 =	vld [tilespmem:$0x8330];
	_ =	sdelay $0x4  }
0x135: {  	[tilespmem:$0x1F2B0] =	vst v62;
	v62 =	vld [tilespmem:$0x83B0];
	_ =	sdelay $0x4  }
0x136: {  	[tilespmem:$0x1F2F0] =	vst v62;
	v62 =	vld [tilespmem:$0x9430];
	_ =	sdelay $0x4  }
0x137: {  	[tilespmem:$0x1F330] =	vst v62;
	v62 =	vld [tilespmem:$0x94B0];
	_ =	sdelay $0x4  }
0x138: {  	[tilespmem:$0x1F370] =	vst v62;
	v62 =	vld [tilespmem:$0x9530];
	_ =	sdelay $0x4  }
0x139: {  	[tilespmem:$0x1F3B0] =	vst v62;
	v62 =	vld [tilespmem:$0x95B0];
	_ =	sdelay $0x4  }
0x13a: {  	[tilespmem:$0x1F3F0] =	vst v62;
	v62 =	vld [tilespmem:$0x9630];
	_ =	sdelay $0x4  }
0x13b: {  	[tilespmem:$0x1F430] =	vst v62;
	v62 =	vld [tilespmem:$0x96B0];
	_ =	sdelay $0x4  }
0x13c: {  	[tilespmem:$0x1F470] =	vst v62;
	v62 =	vld [tilespmem:$0x9730];
	_ =	sdelay $0x4  }
0x13d: {  	[tilespmem:$0x1F4B0] =	vst v62;
	v62 =	vld [tilespmem:$0x97B0];
	_ =	sdelay $0x4  }
0x13e: {  	[tilespmem:$0x1F4F0] =	vst v62;
	v62 =	vld [tilespmem:$0x8040];
	_ =	sdelay $0x4  }
0x13f: {  	[tilespmem:$0x1F4D0] =	vst v62;
	v62 =	vld [tilespmem:$0x80C0];
	_ =	sdelay $0x4  }
0x140: {  	[tilespmem:$0x1F4E0] =	vst v62;
	v62 =	vld [tilespmem:$0x8140];
	_ =	sdelay $0x4  }
0x141: {  	[tilespmem:$0x1F520] =	vst v62;
	v62 =	vld [tilespmem:$0x81C0];
	_ =	sdelay $0x4  }
0x142: {  	[tilespmem:$0x1F580] =	vst v62;
	v62 =	vld [tilespmem:$0x8240];
	_ =	sdelay $0x4  }
0x143: {  	[tilespmem:$0x1F5C0] =	vst v62;
	v62 =	vld [tilespmem:$0x82C0];
	_ =	sdelay $0x4  }
0x144: {  	[tilespmem:$0x1F600] =	vst v62;
	v62 =	vld [tilespmem:$0x8340];
	_ =	sdelay $0x4  }
0x145: {  	[tilespmem:$0x1F640] =	vst v62;
	v62 =	vld [tilespmem:$0x83C0];
	_ =	sdelay $0x4  }
0x146: {  	[tilespmem:$0x1F680] =	vst v62;
	v62 =	vld [tilespmem:$0x9440];
	_ =	sdelay $0x4  }
0x147: {  	[tilespmem:$0x1F6C0] =	vst v62;
	v62 =	vld [tilespmem:$0x94C0];
	_ =	sdelay $0x4  }
0x148: {  	[tilespmem:$0x1F700] =	vst v62;
	v62 =	vld [tilespmem:$0x9540];
	_ =	sdelay $0x4  }
0x149: {  	[tilespmem:$0x1F740] =	vst v62;
	v62 =	vld [tilespmem:$0x95C0];
	_ =	sdelay $0x4  }
0x14a: {  	[tilespmem:$0x1F780] =	vst v62;
	v62 =	vld [tilespmem:$0x9640];
	_ =	sdelay $0x4  }
0x14b: {  	[tilespmem:$0x1F7C0] =	vst v62;
	v62 =	vld [tilespmem:$0x96C0];
	_ =	sdelay $0x4  }
0x14c: {  	[tilespmem:$0x1F800] =	vst v62;
	v62 =	vld [tilespmem:$0x9740];
	_ =	sdelay $0x4  }
0x14d: {  	[tilespmem:$0x1F840] =	vst v62;
	v62 =	vld [tilespmem:$0x97C0];
	_ =	sdelay $0x4  }
0x14e: {  	[tilespmem:$0x1F880] =	vst v62;
	v62 =	vld [tilespmem:$0x8050];
	_ =	sdelay $0x4  }
0x14f: {  	[tilespmem:$0x1F500] =	vst v62;
	v62 =	vld [tilespmem:$0x80D0];
	_ =	sdelay $0x4  }
0x150: {  	[tilespmem:$0x1F510] =	vst v62;
	v62 =	vld [tilespmem:$0x8150];
	_ =	sdelay $0x4  }
0x151: {  	[tilespmem:$0x1F550] =	vst v62;
	v62 =	vld [tilespmem:$0x81D0];
	_ =	sdelay $0x4  }
0x152: {  	[tilespmem:$0x1F5A0] =	vst v62;
	v62 =	vld [tilespmem:$0x8250];
	_ =	sdelay $0x4  }
0x153: {  	[tilespmem:$0x1F5E0] =	vst v62;
	v62 =	vld [tilespmem:$0x82D0];
	_ =	sdelay $0x4  }
0x154: {  	[tilespmem:$0x1F620] =	vst v62;
	v62 =	vld [tilespmem:$0x8350];
	_ =	sdelay $0x4  }
0x155: {  	[tilespmem:$0x1F660] =	vst v62;
	v62 =	vld [tilespmem:$0x83D0];
	_ =	sdelay $0x4  }
0x156: {  	[tilespmem:$0x1F6A0] =	vst v62;
	v62 =	vld [tilespmem:$0x9450];
	_ =	sdelay $0x4  }
0x157: {  	[tilespmem:$0x1F6E0] =	vst v62;
	v62 =	vld [tilespmem:$0x94D0];
	_ =	sdelay $0x4  }
0x158: {  	[tilespmem:$0x1F720] =	vst v62;
	v62 =	vld [tilespmem:$0x9550];
	_ =	sdelay $0x4  }
0x159: {  	[tilespmem:$0x1F760] =	vst v62;
	v62 =	vld [tilespmem:$0x95D0];
	_ =	sdelay $0x4  }
0x15a: {  	[tilespmem:$0x1F7A0] =	vst v62;
	v62 =	vld [tilespmem:$0x9650];
	_ =	sdelay $0x4  }
0x15b: {  	[tilespmem:$0x1F7E0] =	vst v62;
	v62 =	vld [tilespmem:$0x96D0];
	_ =	sdelay $0x4  }
0x15c: {  	[tilespmem:$0x1F820] =	vst v62;
	v62 =	vld [tilespmem:$0x9750];
	_ =	sdelay $0x4  }
0x15d: {  	[tilespmem:$0x1F860] =	vst v62;
	v62 =	vld [tilespmem:$0x97D0];
	_ =	sdelay $0x4  }
0x15e: {  	[tilespmem:$0x1F8A0] =	vst v62;
	v62 =	vld [tilespmem:$0x8060];
	_ =	sdelay $0x4  }
0x15f: {  	[tilespmem:$0x1F530] =	vst v62;
	v62 =	vld [tilespmem:$0x80E0];
	_ =	sdelay $0x4  }
0x160: {  	[tilespmem:$0x1F540] =	vst v62;
	v62 =	vld [tilespmem:$0x8160];
	_ =	sdelay $0x4  }
0x161: {  	[tilespmem:$0x1F590] =	vst v62;
	v62 =	vld [tilespmem:$0x81E0];
	_ =	sdelay $0x4  }
0x162: {  	[tilespmem:$0x1F5D0] =	vst v62;
	v62 =	vld [tilespmem:$0x8260];
	_ =	sdelay $0x4  }
0x163: {  	[tilespmem:$0x1F610] =	vst v62;
	v62 =	vld [tilespmem:$0x82E0];
	_ =	sdelay $0x4  }
0x164: {  	[tilespmem:$0x1F650] =	vst v62;
	v62 =	vld [tilespmem:$0x8360];
	_ =	sdelay $0x4  }
0x165: {  	[tilespmem:$0x1F690] =	vst v62;
	v62 =	vld [tilespmem:$0x83E0];
	_ =	sdelay $0x2  }
0x166: {  	v26 =	vld [tilespmem:$0x7C50]  }
0x167: {  	v23 =	vld [tilespmem:$0x7CD0]  }
0x168: {  	[tilespmem:$0x1F6D0] =	vst v62;
	v62 =	vld [tilespmem:$0x9460]  }
0x169: {  	v29 =	vld [tilespmem:$0x7D50]  }
0x16a: {  	v35 =	vld [tilespmem:$0x7DD0]  }
0x16b: {  	v43 =	vld [tilespmem:$0x7E50]  }
0x16c: {  	v63 =	vld [tilespmem:$0x7ED0]  }
0x16d: {  	[tilespmem:$0x1F710] =	vst v62;
	v62 =	vld [tilespmem:$0x94E0]  }
0x16e: {  	v2 =	vld [tilespmem:$0x7F50]  }
0x16f: {  	v12 =	vld [tilespmem:$0x7C60]  }
0x170: {  	v11 =	vld [tilespmem:$0x7CE0]  }
0x171: {  	v16 =	vld [tilespmem:$0x7D60]  }
0x172: {  	[tilespmem:$0x1F750] =	vst v62;
	v62 =	vld [tilespmem:$0x9560]  }
0x173: {  	v19 =	vld [tilespmem:$0x7DE0]  }
0x174: {  	v27 =	vld [tilespmem:$0x7E60]  }
0x175: {  	v32 =	vld [tilespmem:$0x7EE0]  }
0x176: {  	v38 =	vld [tilespmem:$0x7F60]  }
0x177: {  	[tilespmem:$0x1F790] =	vst v62;
	v62 =	vld [tilespmem:$0x95E0]  }
0x178: {  	v58 =	vld [tilespmem:$0x7FE0]  }
0x179: {  	v4 =	vld [tilespmem:$0x7C70]  }
0x17a: {  	v6 =	vld [tilespmem:$0x7D70]  }
0x17b: {  	v9 =	vld [tilespmem:$0x7DF0]  }
0x17c: {  	v1 =	vadd.f32 v1, v3;
	[tilespmem:$0x1F7D0] =	vst v62;
	v62 =	vld [tilespmem:$0x9660]  }
0x17d: {  	v14 =	vld [tilespmem:$0x7E70]  }
0x17e: {  	v1 =	vadd.f32 v5, v1;
	v17 =	vld [tilespmem:$0x7EF0]  }
0x17f: {  	v21 =	vld [tilespmem:$0x7F70]  }
0x180: {  	v1 =	vadd.f32 v7, v1;
	v30 =	vld [tilespmem:$0x7FF0]  }
0x181: {  	[tilespmem:$0x1F810] =	vst v62;
	v62 =	vld [tilespmem:$0x96E0]  }
0x182: {  	v1 =	vadd.f32 v8, v1;
	v34 =	vld [tilespmem:$0x9070]  }
0x183: {  	v44 =	vld [tilespmem:$0x90F0]  }
0x184: {  	v1 =	vadd.f32 v10, v1;
	v40 =	vld [tilespmem:$0x9170]  }
0x185: {  	v45 =	vld [tilespmem:$0x91F0]  }
0x186: {  	v1 =	vadd.f32 v13, v1;
	[tilespmem:$0x1F850] =	vst v62;
	v62 =	vld [tilespmem:$0x9760]  }
0x187: {  	v49 =	vld [tilespmem:$0x9270]  }
0x188: {  	v1 =	vadd.f32 v15, v1;
	v61 =	vld [tilespmem:$0x92F0]  }
0x189: {  	v24 =	vld [tilespmem:$0x93F0]  }
0x18a: {  	v1 =	vadd.f32 v18, v1;
	v31 =	vld [tilespmem:$0x8000]  }
0x18b: {  	[tilespmem:$0x1F890] =	vst v62;
	v62 =	vld [tilespmem:$0x97E0]  }
0x18c: {  	v1 =	vadd.f32 v20, v1;
	v36 =	vld [tilespmem:$0x8080]  }
0x18d: {  	v22 =	vld [tilespmem:$0x80B0]  }
0x18e: {  	v1 =	vadd.f32 v25, v1;
	v3 =	vld [tilespmem:$0x8710]  }
0x18f: {  	v46 =	vadd.f32 v46, v57;
	v57 =	vld [tilespmem:$0x9B10]  }
0x190: {  	v1 =	vadd.f32 v28, v1;
	[tilespmem:$0x1F8C0] =	vst v62;
	v62 =	vld [tilespmem:$0x8070]  }
0x191: {  	v8 =	vld [tilespmem:$0x8420]  }
0x192: {  	v1 =	vadd.f32 v33, v1;
	v10 =	vld [tilespmem:$0x84A0]  }
0x193: {  	v13 =	vld [tilespmem:$0x8520]  }
0x194: {  	v1 =	vadd.f32 v37, v1;
	v15 =	vld [tilespmem:$0x85A0]  }
0x195: {  	[tilespmem:$0x1F560] =	vst v62;
	v62 =	vld [tilespmem:$0x80F0]  }
0x196: {  	v1 =	vadd.f32 v39, v1;
	v18 =	vld [tilespmem:$0x9AA0]  }
0x197: {  	v28 =	vld [tilespmem:$0x1EF10]  }
0x198: {  	v1 =	vadd.f32 v60, v1;
	v60 =	vld [tilespmem:$0x9830]  }
0x199: {  	v37 =	vld [tilespmem:$0x1EF40]  }
0x19a: {  	[tilespmem:$0x1F570] =	vst v62;
	v62 =	vld [tilespmem:$0x8170]  }
0x19b: {  	v20 =	vadd.f32 v41, v42;
	v41 =	vld [tilespmem:$0x1EF60]  }
0x19c: {  	[tilespmem:$0x1EF50] =	vst v2;
	v2 =	vld [tilespmem:$0x7FD0]  }
0x19d: {  	[tilespmem:$0x1F030] =	vst v40;
	v40 =	vld [tilespmem:$0x8100]  }
0x19e: {  	[tilespmem:$0x1F070] =	vst v45;
	v45 =	vld [tilespmem:$0x8180]  }
0x19f: {  	[tilespmem:$0x1F5B0] =	vst v62;
	v62 =	vld [tilespmem:$0x81F0]  }
0x1a0: {  	[tilespmem:$0x1F0B0] =	vst v49;
	v49 =	vld [tilespmem:$0x8200]  }
0x1a1: {  	[tilespmem:$0x1F0F0] =	vst v61;
	v61 =	vld [tilespmem:$0x8280]  }
0x1a2: {  	[tilespmem:$0x1F170] =	vst v24;
	v24 =	vld [tilespmem:$0x8380]  }
0x1a3: {  	[tilespmem:$0x1F150] =	vst v31;
	v31 =	vld [tilespmem:$0x9400]  }
0x1a4: {  	[tilespmem:$0x1F5F0] =	vst v62;
	v62 =	vld [tilespmem:$0x8270]  }
0x1a5: {  	[tilespmem:$0x1F160] =	vst v36;
	v36 =	vld [tilespmem:$0x9480]  }
0x1a6: {  	[tilespmem:$0x1FA10] =	vst v3;
	v3 =	vadd.f32 v48, v46;
	v46 =	vld [tilespmem:$0x9810]  }
0x1a7: {  	v48 =	vld [tilespmem:$0x9890]  }
0x1a8: {  	[tilespmem:$0x1F970] =	vst v13;
	v13 =	vld [tilespmem:$0x9920]  }
0x1a9: {  	[tilespmem:$0x1F630] =	vst v62;
	v62 =	vld [tilespmem:$0x82F0]  }
0x1aa: {  	[tilespmem:$0x1F940] =	vst v10;
	v10 =	vld [tilespmem:$0x9A20]  }
0x1ab: {  	[tilespmem:$0x1FB20] =	vst v57;
	v57 =	vld [tilespmem:$0x1EEE0]  }
0x1ac: {  	[tilespmem:$0x1F930] =	vst v8;
	v8 =	vld [tilespmem:$0x1EEF0]  }
0x1ad: {  	[tilespmem:$0x1F9A0] =	vst v15;
	v15 =	vld [tilespmem:$0x1EF00]  }
0x1ae: {  	[tilespmem:$0x1F670] =	vst v62;
	v62 =	vld [tilespmem:$0x8370]  }
0x1af: {  	v25 =	vadd.f32 v11, v12;
	v12 =	vld [tilespmem:$0x9930]  }
0x1b0: {  	v11 =	vld [tilespmem:$0x9A30]  }
0x1b1: {  	[tilespmem:$0x1FEF0] =	vst v1;
	v1 =	vadd.f32 v23, v26;
	v23 =	vld [tilespmem:$0x8440]  }
0x1b2: {  	v39 =	vld [tilespmem:$0x1EF50]  }
0x1b3: {  	[tilespmem:$0x1F6B0] =	vst v62;
	v62 =	vld [tilespmem:$0x83F0]  }
0x1b4: {  	v3 =	vadd.f32 v50, v3;
	v50 =	vld [tilespmem:$0x9990]  }
0x1b5: {  	v26 =	vadd.f32 v29, v1;
	v1 =	vld [tilespmem:$0x8630]  }
0x1b6: {  	v29 =	vadd.f32 v16, v25;
	v16 =	vld [tilespmem:$0x98B0]  }
0x1b7: {  	v25 =	vld [tilespmem:$0x85C0]  }
0x1b8: {  	[tilespmem:$0x1F6F0] =	vst v62;
	v62 =	vld [tilespmem:$0x9470]  }
0x1b9: {  	v3 =	vadd.f32 v51, v3;
	v51 =	vld [tilespmem:$0x9A10]  }
0x1ba: {  	v33 =	vadd.f32 v35, v26;
	v35 =	vld [tilespmem:$0x1EF30]  }
0x1bb: {  	v26 =	vld [tilespmem:$0x9BB0]  }
0x1bc: {  	[tilespmem:$0x1EF70] =	vst v2;
	v2 =	vld [tilespmem:$0x9050]  }
0x1bd: {  	[tilespmem:$0x1F730] =	vst v62;
	v62 =	vld [tilespmem:$0x94F0]  }
0x1be: {  	[tilespmem:$0x1F1A0] =	vst v40;
	v40 =	vld [tilespmem:$0x9500]  }
0x1bf: {  	[tilespmem:$0x1F1C0] =	vst v45;
	v45 =	vld [tilespmem:$0x9580]  }
0x1c0: {  	[tilespmem:$0x1F1E0] =	vst v49;
	v49 =	vld [tilespmem:$0x9600]  }
0x1c1: {  	[tilespmem:$0x1F210] =	vst v61;
	v61 =	vld [tilespmem:$0x9680]  }
0x1c2: {  	[tilespmem:$0x1F770] =	vst v62;
	v62 =	vld [tilespmem:$0x9570]  }
0x1c3: {  	[tilespmem:$0x1F280] =	vst v24;
	v24 =	vld [tilespmem:$0x9780]  }
0x1c4: {  	[tilespmem:$0x1F2C0] =	vst v31;
	v31 =	vld [tilespmem:$0x8010]  }
0x1c5: {  	[tilespmem:$0x1F300] =	vst v36;
	v36 =	vld [tilespmem:$0x8090]  }
0x1c6: {  	[tilespmem:$0x1FA70] =	vst v48;
	v48 =	vld [tilespmem:$0x9B90]  }
0x1c7: {  	[tilespmem:$0x1F7B0] =	vst v62;
	v62 =	vld [tilespmem:$0x95F0]  }
0x1c8: {  	[tilespmem:$0x1FA50] =	vst v46;
	v46 =	vld [tilespmem:$0x8620]  }
0x1c9: {  	v3 =	vadd.f32 v52, v3;
	v52 =	vld [tilespmem:$0x9A90]  }
0x1ca: {  	v42 =	vld [tilespmem:$0x1EF70]  }
0x1cb: {  	v7 =	vadd.f32 v43, v33;
	v43 =	vld [tilespmem:$0x1EF80]  }
0x1cc: {  	[tilespmem:$0x1F7F0] =	vst v62;
	v62 =	vld [tilespmem:$0x9670]  }
0x1cd: {  	[tilespmem:$0x1FAB0] =	vst v50;
	v50 =	vld [tilespmem:$0x1EEC0]  }
0x1ce: {  	v3 =	vadd.f32 v53, v3;
	v53 =	vld [tilespmem:$0x99A0]  }
0x1cf: {  	v7 =	vadd.f32 v63, v7;
	v63 =	vld [tilespmem:$0x8540]  }
0x1d0: {  	[tilespmem:$0x1FAE0] =	vst v51;
	v51 =	vld [tilespmem:$0x98A0]  }
0x1d1: {  	[tilespmem:$0x1F830] =	vst v62;
	v62 =	vld [tilespmem:$0x96F0]  }
0x1d2: {  	[tilespmem:$0x1EF90] =	vst v2;
	v2 =	vld [tilespmem:$0x90D0]  }
0x1d3: {  	[tilespmem:$0x1F340] =	vst v40;
	v40 =	vld [tilespmem:$0x8110]  }
0x1d4: {  	[tilespmem:$0x1F380] =	vst v45;
	v45 =	vld [tilespmem:$0x8190]  }
0x1d5: {  	[tilespmem:$0x1F3C0] =	vst v49;
	v49 =	vld [tilespmem:$0x8210]  }
0x1d6: {  	[tilespmem:$0x1F870] =	vst v62;
	v62 =	vld [tilespmem:$0x9770]  }
0x1d7: {  	[tilespmem:$0x1F400] =	vst v61;
	v61 =	vld [tilespmem:$0x8290]  }
0x1d8: {  	[tilespmem:$0x1F480] =	vst v24;
	v24 =	vld [tilespmem:$0x8390]  }
0x1d9: {  	[tilespmem:$0x1F180] =	vst v31;
	v31 =	vld [tilespmem:$0x9410]  }
0x1da: {  	[tilespmem:$0x1F190] =	vst v36;
	v36 =	vld [tilespmem:$0x9490]  }
0x1db: {  	[tilespmem:$0x1F8B0] =	vst v62;
	v62 =	vld [tilespmem:$0x97F0]  }
0x1dc: {  	v3 =	vadd.f32 v47, v3;
	v47 =	vld [tilespmem:$0x86A0]  }
0x1dd: {  	[tilespmem:$0x1F9D0] =	vst v46;
	v46 =	vld [tilespmem:$0x8720]  }
0x1de: {  	[tilespmem:$0x1EFC0] =	vst v2;
	v2 =	vld [tilespmem:$0x9150]  }
0x1df: {  	v7 =	vadd.f32 v39, v7;
	v39 =	vld [tilespmem:$0x87C0]  }
0x1e0: {  	[tilespmem:$0x1F8F0] =	vst v62;
	v62 =	vld [tilespmem:$0x8400]  }
0x1e1: {  	[tilespmem:$0x1FB00] =	vst v52;
	v52 =	vld [tilespmem:$0x1EED0]  }
0x1e2: {  	v3 =	vadd.f32 v54, v3;
	v54 =	vld [tilespmem:$0x9820]  }
0x1e3: {  	[tilespmem:$0x1EFF0] =	vst v2;
	v2 =	vld [tilespmem:$0x91D0]  }
0x1e4: {  	v7 =	vadd.f32 v42, v7;
	v42 =	vld [tilespmem:$0x1F070]  }
0x1e5: {  	[tilespmem:$0x1F8D0] =	vst v62;
	v62 =	vld [tilespmem:$0x8480]  }
0x1e6: {  	[tilespmem:$0x1FAD0] =	vst v53;
	v53 =	vld [tilespmem:$0x1EF90]  }
0x1e7: {  	[tilespmem:$0x1FB90] =	vst v63;
	v63 =	vld [tilespmem:$0x1F0C0]  }
0x1e8: {  	[tilespmem:$0x1F020] =	vst v2;
	v2 =	vld [tilespmem:$0x9250]  }
0x1e9: {  	v3 =	vadd.f32 v55, v3;
	v55 =	vld [tilespmem:$0x87A0]  }
0x1ea: {  	[tilespmem:$0x1F8E0] =	vst v62;
	v62 =	vld [tilespmem:$0x8500]  }
0x1eb: {  	[tilespmem:$0x1FA90] =	vst v51;
	v51 =	vld [tilespmem:$0x85B0]  }
0x1ec: {  	[tilespmem:$0x1F1B0] =	vst v40;
	v40 =	vld [tilespmem:$0x9510]  }
0x1ed: {  	[tilespmem:$0x1F060] =	vst v2;
	v2 =	vld [tilespmem:$0x92D0]  }
0x1ee: {  	[tilespmem:$0x1F1D0] =	vst v45;
	v45 =	vld [tilespmem:$0x9590]  }
0x1ef: {  	[tilespmem:$0x1F920] =	vst v62;
	v62 =	vld [tilespmem:$0x8580]  }
0x1f0: {  	[tilespmem:$0x1F200] =	vst v49;
	v49 =	vld [tilespmem:$0x9610]  }
0x1f1: {  	[tilespmem:$0x1F230] =	vst v61;
	v61 =	vld [tilespmem:$0x9690]  }
0x1f2: {  	[tilespmem:$0x1F0A0] =	vst v2;
	v2 =	vld [tilespmem:$0x9350]  }
0x1f3: {  	[tilespmem:$0x1F2A0] =	vst v24;
	v24 =	vld [tilespmem:$0x9790]  }
0x1f4: {  	[tilespmem:$0x1F960] =	vst v62;
	v62 =	vld [tilespmem:$0x8600]  }
0x1f5: {  	[tilespmem:$0x1F2E0] =	vst v31;
	v31 =	vld [tilespmem:$0x81A0]  }
0x1f6: {  	[tilespmem:$0x1F320] =	vst v36;
	v36 =	vld [tilespmem:$0x8220]  }
0x1f7: {  	[tilespmem:$0x1F0E0] =	vst v2;
	v2 =	vld [tilespmem:$0x93D0]  }
0x1f8: {  	[tilespmem:$0x1FA00] =	vst v47;
	v47 =	vld [tilespmem:$0x86B0]  }
0x1f9: {  	v3 =	vadd.f32 v59, v3;
	[tilespmem:$0x1F990] =	vst v62;
	v62 =	vld [tilespmem:$0x8680]  }
0x1fa: {  	v59 =	vld [tilespmem:$0x9B20]  }
0x1fb: {  	v3 =	vadd.f32 v50, v3;
	v50 =	vld [tilespmem:$0x8530]  }
0x1fc: {  	[tilespmem:$0x1F120] =	vst v2;
	v2 =	vld [tilespmem:$0x9060]  }
0x1fd: {  	[tilespmem:$0x1F3A0] =	vst v45;
	v45 =	vld [tilespmem:$0x8020]  }
0x1fe: {  	[tilespmem:$0x1F9C0] =	vst v62;
	v62 =	vld [tilespmem:$0x8700]  }
0x1ff: {  	[tilespmem:$0x1F360] =	vst v40;
	v40 =	vld [tilespmem:$0x80A0]  }
0x200: {  	[tilespmem:$0x1F420] =	vst v61;
	v61 =	vld [tilespmem:$0x8120]  }
0x201: {  	[tilespmem:$0x1EFB0] =	vst v2;
	v2 =	vld [tilespmem:$0x90E0]  }
0x202: {  	[tilespmem:$0x1F3E0] =	vst v49;
	v49 =	vld [tilespmem:$0x82A0]  }
0x203: {  	[tilespmem:$0x1F9F0] =	vst v62;
	v62 =	vld [tilespmem:$0x8780]  }
0x204: {  	[tilespmem:$0x1F4A0] =	vst v24;
	v24 =	vld [tilespmem:$0x83A0]  }
0x205: {  	[tilespmem:$0x1F1F0] =	vst v31;
	v31 =	vld [tilespmem:$0x9420]  }
0x206: {  	[tilespmem:$0x1EFE0] =	vst v2;
	v2 =	vld [tilespmem:$0x9160]  }
0x207: {  	[tilespmem:$0x1F220] =	vst v36;
	v36 =	vld [tilespmem:$0x94A0]  }
0x208: {  	v3 =	vadd.f32 v52, v3;
	[tilespmem:$0x1FA20] =	vst v62;
	v62 =	vld [tilespmem:$0x9800]  }
0x209: {  	v52 =	vld [tilespmem:$0x8730]  }
0x20a: {  	[tilespmem:$0x1FB40] =	vst v59;
	v59 =	vld [tilespmem:$0x1EFC0];
	v3 =	vadd.f32 v57, v3  }
0x20b: {  	[tilespmem:$0x1F010] =	vst v2;
	v2 =	vld [tilespmem:$0x91E0]  }
0x20c: {  	v5 =	vadd.f32 v8, v3;
	v3 =	vld [tilespmem:$0x9BA0]  }
0x20d: {  	[tilespmem:$0x1FA40] =	vst v62;
	v62 =	vld [tilespmem:$0x9880]  }
0x20e: {  	[tilespmem:$0x1F250] =	vst v49;
	v49 =	vld [tilespmem:$0x9520]  }
0x20f: {  	[tilespmem:$0x1F2D0] =	vst v24;
	v24 =	vld [tilespmem:$0x9620]  }
0x210: {  	[tilespmem:$0x1F050] =	vst v2;
	v2 =	vld [tilespmem:$0x9260]  }
0x211: {  	[tilespmem:$0x1F310] =	vst v31;
	v31 =	vld [tilespmem:$0x96A0]  }
0x212: {  	[tilespmem:$0x1FA60] =	vst v62;
	v62 =	vld [tilespmem:$0x9900]  }
0x213: {  	[tilespmem:$0x1F350] =	vst v36;
	v36 =	vld [tilespmem:$0x9720]  }
0x214: {  	v5 =	vadd.f32 v15, v5;
	v15 =	vld [tilespmem:$0x84B0]  }
0x215: {  	[tilespmem:$0x1F090] =	vst v2;
	v2 =	vld [tilespmem:$0x92E0]  }
0x216: {  	v7 =	vadd.f32 v53, v7;
	v33 =	vld [tilespmem:$0x1F020]  }
0x217: {  	[tilespmem:$0x1FA80] =	vst v62;
	v62 =	vld [tilespmem:$0x9980]  }
0x218: {  	v7 =	vadd.f32 v59, v7;
	v59 =	vld [tilespmem:$0x9940]  }
0x219: {  	[tilespmem:$0x1FEE0] =	vst v5;
	v5 =	vadd.f32 v56, v20;
	v56 =	vld [tilespmem:$0x1EFA0]  }
0x21a: {  	[tilespmem:$0x1F0D0] =	vst v2;
	v2 =	vld [tilespmem:$0x9360]  }
0x21b: {  	[tilespmem:$0x1FB50] =	vst v3;
	v3 =	vld [tilespmem:$0x8430]  }
0x21c: {  	[tilespmem:$0x1FAA0] =	vst v62;
	v62 =	vld [tilespmem:$0x9A00]  }
0x21d: {  	[tilespmem:$0x1F390] =	vst v49;
	v49 =	vld [tilespmem:$0x97A0]  }
0x21e: {  	[tilespmem:$0x1F410] =	vst v24;
	v24 =	vld [tilespmem:$0x8030]  }
0x21f: {  	[tilespmem:$0x1F110] =	vst v2;
	v2 =	vld [tilespmem:$0x93E0]  }
0x220: {  	[tilespmem:$0x1F450] =	vst v31;
	v31 =	vld [tilespmem:$0x8130]  }
0x221: {  	[tilespmem:$0x1FAC0] =	vst v62;
	v62 =	vld [tilespmem:$0x9A80]  }
0x222: {  	[tilespmem:$0x1F490] =	vst v36;
	v36 =	vld [tilespmem:$0x81B0]  }
0x223: {  	[tilespmem:$0x1F4C0] =	vst v49;
	v49 =	vld [tilespmem:$0x8230]  }
0x224: {  	[tilespmem:$0x1F140] =	vst v2;
	v2 =	vld [tilespmem:$0x7CF0]  }
0x225: {  	[tilespmem:$0x1FBB0] =	vst v25;
	v25 =	vld [tilespmem:$0x1F0E0]  }
0x226: {  	[tilespmem:$0x1FAF0] =	vst v62;
	v62 =	vld [tilespmem:$0x9B00]  }
0x227: {  	v57 =	vld [tilespmem:$0x1EFB0]  }
0x228: {  	v20 =	vld [tilespmem:$0x1EFE0]  }
0x229: {  	v53 =	vld [tilespmem:$0x1F090];
	v2 =	vadd.f32 v2, v4  }
0x22a: {  	v4 =	vadd.f32 v28, v5;
	v5 =	vadd.f32 v19, v29;
	v19 =	vld [tilespmem:$0x9AB0]  }
0x22b: {  	[tilespmem:$0x1FB10] =	vst v62;
	v62 =	vld [tilespmem:$0x9B80]  }
0x22c: {  	v28 =	vld [tilespmem:$0x8640]  }
0x22d: {  	v29 =	vld [tilespmem:$0x1F000]  }
0x22e: {  	v6 =	vadd.f32 v6, v2;
	v2 =	vld [tilespmem:$0x1EF20]  }
0x22f: {  	v5 =	vadd.f32 v27, v5;
	v27 =	vld [tilespmem:$0x1EFF0]  }
0x230: {  	[tilespmem:$0x1FB30] =	vst v62;
	v62 =	vld [tilespmem:$0x8410]  }
0x231: {  	v6 =	vadd.f32 v9, v6;
	v5 =	vadd.f32 v32, v5;
	v32 =	vld [tilespmem:$0x86C0]  }
0x232: {  	[tilespmem:$0x1FBD0] =	vst v28;
	v28 =	vld [tilespmem:$0x9A40]  }
0x233: {  	v6 =	vadd.f32 v14, v6;
	v14 =	vld [tilespmem:$0x99B0]  }
0x234: {  	v5 =	vadd.f32 v38, v5;
	v38 =	vld [tilespmem:$0x1F050]  }
0x235: {  	v4 =	vadd.f32 v2, v4;
	[tilespmem:$0x1F900] =	vst v62;
	v62 =	vld [tilespmem:$0x8490]  }
0x236: {  	v5 =	vadd.f32 v58, v5;
	v58 =	vld [tilespmem:$0x84C0]  }
0x237: {  	v6 =	vadd.f32 v17, v6;
	v17 =	vld [tilespmem:$0x1EFD0];
	v4 =	vadd.f32 v35, v4  }
0x238: {  	v35 =	vld [tilespmem:$0x8740]  }
0x239: {  	v7 =	vadd.f32 v27, v7;
	[tilespmem:$0x1FBF0] =	vst v32;
	v32 =	vld [tilespmem:$0x9AC0];
	v4 =	vadd.f32 v37, v4  }
0x23a: {  	[tilespmem:$0x1F910] =	vst v62;
	v62 =	vld [tilespmem:$0x8510]  }
0x23b: {  	v7 =	vadd.f32 v33, v7;
	v33 =	vld [tilespmem:$0x1F120];
	v4 =	vadd.f32 v41, v4  }
0x23c: {  	v6 =	vadd.f32 v21, v6;
	v5 =	vadd.f32 v57, v5;
	v57 =	vld [tilespmem:$0x1F0A0]  }
0x23d: {  	v37 =	vld [tilespmem:$0x1F040];
	v4 =	vadd.f32 v43, v4  }
0x23e: {  	v6 =	vadd.f32 v30, v6;
	v30 =	vld [tilespmem:$0x1F010]  }
0x23f: {  	v4 =	vadd.f32 v56, v4;
	[tilespmem:$0x1F950] =	vst v62;
	v62 =	vld [tilespmem:$0x8590]  }
0x240: {  	v5 =	vadd.f32 v20, v5;
	v20 =	vld [tilespmem:$0x99C0];
	v6 =	vadd.f32 v34, v6  }
0x241: {  	v41 =	vld [tilespmem:$0x1F060];
	v4 =	vadd.f32 v17, v4  }
0x242: {  	v6 =	vadd.f32 v44, v6;
	v44 =	vld [tilespmem:$0x1F080]  }
0x243: {  	[tilespmem:$0x1FC10] =	vst v35;
	v35 =	vld [tilespmem:$0x9B40];
	v4 =	vadd.f32 v29, v4  }
0x244: {  	[tilespmem:$0x1F980] =	vst v62;
	v62 =	vld [tilespmem:$0x8610]  }
0x245: {  	[tilespmem:$0x1FC30] =	vst v39;
	v43 =	vld [tilespmem:$0x9840];
	v4 =	vadd.f32 v37, v4  }
0x246: {  	[tilespmem:$0x1FCC0] =	vst v59;
	v5 =	vadd.f32 v30, v5;
	v29 =	vld [tilespmem:$0x1F100]  }
0x247: {  	[tilespmem:$0x1FD20] =	vst v28;
	v17 =	vld [tilespmem:$0x1F0D0];
	v4 =	vadd.f32 v44, v4  }
0x248: {  	[tilespmem:$0x1FB60] =	vst v58;
	v30 =	vld [tilespmem:$0x1F110];
	v5 =	vadd.f32 v38, v5  }
0x249: {  	v7 =	vadd.f32 v41, v7;
	v4 =	vadd.f32 v63, v4;
	[tilespmem:$0x1F9B0] =	vst v62;
	v62 =	vld [tilespmem:$0x8690]  }
0x24a: {  	[tilespmem:$0x1FD50] =	vst v32;
	v56 =	vld [tilespmem:$0x98C0];
	v5 =	vadd.f32 v53, v5  }
0x24b: {  	[tilespmem:$0x1FCF0] =	vst v20;
	v7 =	vadd.f32 v57, v7;
	v37 =	vld [tilespmem:$0x1F140];
	v4 =	vadd.f32 v29, v4  }
0x24c: {  	v2 =	vld [tilespmem:$0x87B0];
	[tilespmem:$0x1FD80] =	vst v35;
	v5 =	vadd.f32 v17, v5  }
0x24d: {  	v34 =	vld [tilespmem:$0x1F030];
	v7 =	vadd.f32 v25, v7;
	[tilespmem:$0x1FF00] =	vst v4  }
0x24e: {  	v4 =	vadd.f32 v30, v5;
	[tilespmem:$0x1F9E0] =	vst v62;
	v62 =	vld [tilespmem:$0x8790]  }
0x24f: {  	v27 =	vld [tilespmem:$0x1F0F0];
	[tilespmem:$0x1FC60] =	vst v43;
	v5 =	vadd.f32 v33, v7  }
0x250: {  	v21 =	vld [tilespmem:$0x9B30];
	[tilespmem:$0x1FC90] =	vst v56;
	v4 =	vadd.f32 v37, v4  }
0x251: {  	v58 =	vld [tilespmem:$0x1F0B0];
	[tilespmem:$0x1FF10] =	vst v5  }
0x252: {  	v6 =	vadd.f32 v34, v6;
	v34 =	vld [tilespmem:$0x1F130];
	[tilespmem:$0x1FF20] =	vst v4  }
0x253: {  	[tilespmem:$0x1FA30] =	vst v62;
	v62 =	vld [tilespmem:$0x9910]  }
0x254: {  	v4 =	vld [tilespmem:$0x1F150]  }
0x255: {  	v38 =	vld [tilespmem:$0x1F160]  }
0x256: {  	v39 =	vld [tilespmem:$0x9BC0]  }
0x257: {  	v41 =	vld [tilespmem:$0x1F170]  }
0x258: {  	v6 =	vadd.f32 v42, v6;
	v42 =	vld [tilespmem:$0x1F180]  }
0x259: {  	v43 =	vld [tilespmem:$0x1F190]  }
0x25a: {  	v44 =	vld [tilespmem:$0x8450]  }
0x25b: {  	v53 =	vld [tilespmem:$0x1F1A0]  }
0x25c: {  	v57 =	vld [tilespmem:$0x84D0]  }
0x25d: {  	v6 =	vadd.f32 v58, v6;
	v58 =	vld [tilespmem:$0x1F1B0]  }
0x25e: {  	v63 =	vld [tilespmem:$0x8550]  }
0x25f: {  	v17 =	vld [tilespmem:$0x1F1C0]  }
0x260: {  	v20 =	vld [tilespmem:$0x85D0]  }
0x261: {  	v59 =	vadd.f32 v22, v24;
	v22 =	vld [tilespmem:$0x1F1D0]  }
0x262: {  	v24 =	vld [tilespmem:$0x8650]  }
0x263: {  	v25 =	vld [tilespmem:$0x1F1E0]  }
0x264: {  	v6 =	vadd.f32 v27, v6;
	v27 =	vld [tilespmem:$0x1F1F0]  }
0x265: {  	v28 =	vld [tilespmem:$0x86D0]  }
0x266: {  	v29 =	vld [tilespmem:$0x1F200]  }
0x267: {  	v30 =	vld [tilespmem:$0x8750]  }
0x268: {  	v7 =	vadd.f32 v31, v59;
	v31 =	vld [tilespmem:$0x1F210]  }
0x269: {  	v32 =	vld [tilespmem:$0x1F220]  }
0x26a: {  	v33 =	vld [tilespmem:$0x87D0]  }
0x26b: {  	v5 =	vadd.f32 v34, v6;
	v34 =	vld [tilespmem:$0x1F230]  }
0x26c: {  	v35 =	vld [tilespmem:$0x9850]  }
0x26d: {  	v3 =	vadd.f32 v15, v3;
	v7 =	vadd.f32 v36, v7;
	v36 =	vld [tilespmem:$0x1F240]  }
0x26e: {  	v37 =	vld [tilespmem:$0x1F250]  }
0x26f: {  	v3 =	vadd.f32 v50, v3;
	v56 =	vadd.f32 v40, v45;
	v40 =	vld [tilespmem:$0x1F270]  }
0x270: {  	v45 =	vld [tilespmem:$0x1F2A0]  }
0x271: {  	v3 =	vadd.f32 v51, v3;
	v7 =	vadd.f32 v49, v7;
	v49 =	vld [tilespmem:$0x1F2B0]  }
0x272: {  	v6 =	vadd.f32 v61, v56;
	v56 =	vld [tilespmem:$0x1F2C0]  }
0x273: {  	v1 =	vadd.f32 v1, v3;
	v59 =	vld [tilespmem:$0x1F2E0]  }
0x274: {  	v61 =	vld [tilespmem:$0x1F2F0]  }
0x275: {  	v1 =	vadd.f32 v47, v1;
	v8 =	vld [tilespmem:$0x8470]  }
0x276: {  	v9 =	vld [tilespmem:$0x9C80]  }
0x277: {  	v1 =	vadd.f32 v52, v1;
	v15 =	vld [tilespmem:$0x1F9A0]  }
0x278: {  	v3 =	vld [tilespmem:$0x1F9F0]  }
0x279: {  	v1 =	vadd.f32 v2, v1;
	v47 =	vld [tilespmem:$0x1FA20]  }
0x27a: {  	v50 =	vld [tilespmem:$0x1FA30]  }
0x27b: {  	v1 =	vadd.f32 v60, v1;
	v51 =	vld [tilespmem:$0x1FA40]  }
0x27c: {  	v52 =	vld [tilespmem:$0x1FA50]  }
0x27d: {  	v1 =	vadd.f32 v16, v1;
	v2 =	vld [tilespmem:$0x1FA60]  }
0x27e: {  	v60 =	vld [tilespmem:$0x1FA90]  }
0x27f: {  	v1 =	vadd.f32 v12, v1;
	v16 =	vld [tilespmem:$0x1FAD0]  }
0x280: {  	v12 =	vld [tilespmem:$0x88A0]  }
0x281: {  	v1 =	vadd.f32 v14, v1;
	v14 =	vld [tilespmem:$0x8920]  }
0x282: {  	v4 =	vadd.f32 v38, v4;
	v38 =	vld [tilespmem:$0x98D0]  }
0x283: {  	[tilespmem:$0x1FDB0] =	vst v39;
	v39 =	vld [tilespmem:$0x1F260]  }
0x284: {  	v5 =	vadd.f32 v41, v5;
	v41 =	vld [tilespmem:$0x9950]  }
0x285: {  	[tilespmem:$0x1FB70] =	vst v44;
	v44 =	vld [tilespmem:$0x99D0]  }
0x286: {  	[tilespmem:$0x1FB80] =	vst v57;
	v57 =	vld [tilespmem:$0x1F2D0]  }
0x287: {  	[tilespmem:$0x1FBA0] =	vst v63;
	v63 =	vld [tilespmem:$0x9B50]  }
0x288: {  	[tilespmem:$0x1FBC0] =	vst v20;
	v20 =	vld [tilespmem:$0x1F310]  }
0x289: {  	[tilespmem:$0x1FBE0] =	vst v24;
	v24 =	vld [tilespmem:$0x1F320]  }
0x28a: {  	v6 =	vadd.f32 v27, v6;
	v27 =	vld [tilespmem:$0x1F340]  }
0x28b: {  	[tilespmem:$0x1FC00] =	vst v28;
	v28 =	vld [tilespmem:$0x1F350]  }
0x28c: {  	[tilespmem:$0x1FC20] =	vst v30;
	v30 =	vld [tilespmem:$0x1F370]  }
0x28d: {  	[tilespmem:$0x1FC50] =	vst v33;
	v33 =	vld [tilespmem:$0x1F3A0]  }
0x28e: {  	[tilespmem:$0x1FC80] =	vst v35;
	v35 =	vld [tilespmem:$0x1F3B0]  }
0x28f: {  	v7 =	vadd.f32 v40, v7;
	v40 =	vld [tilespmem:$0x1F3E0]  }
0x290: {  	[tilespmem:$0x1FE70] =	vst v9;
	v9 =	vld [tilespmem:$0x9E00]  }
0x291: {  	[tilespmem:$0x1FF30] =	vst v5;
	v5 =	vadd.f32 v43, v42;
	v42 =	vld [tilespmem:$0x1F280]  }
0x292: {  	v43 =	vld [tilespmem:$0x1F290]  }
0x293: {  	v4 =	vadd.f32 v53, v4;
	v53 =	vld [tilespmem:$0x9A50]  }
0x294: {  	v6 =	vadd.f32 v32, v6;
	v32 =	vld [tilespmem:$0x1F390]  }
0x295: {  	v7 =	vadd.f32 v49, v7;
	v49 =	vld [tilespmem:$0x1F420]  }
0x296: {  	v5 =	vadd.f32 v58, v5;
	v58 =	vld [tilespmem:$0x9AD0]  }
0x297: {  	v4 =	vadd.f32 v17, v4;
	v17 =	vld [tilespmem:$0x1F300]  }
0x298: {  	v7 =	vadd.f32 v61, v7;
	v61 =	vld [tilespmem:$0x85E0]  }
0x299: {  	v6 =	vadd.f32 v37, v6;
	v37 =	vld [tilespmem:$0x1F3C0]  }
0x29a: {  	[tilespmem:$0x1FCB0] =	vst v38;
	v38 =	vld [tilespmem:$0x1F3D0]  }
0x29b: {  	[tilespmem:$0x1FCE0] =	vst v41;
	v41 =	vld [tilespmem:$0x1F3F0]  }
0x29c: {  	[tilespmem:$0x1FD10] =	vst v44;
	v44 =	vld [tilespmem:$0x1F410]  }
0x29d: {  	[tilespmem:$0x1FDA0] =	vst v63;
	v63 =	vld [tilespmem:$0x1F450]  }
0x29e: {  	[tilespmem:$0x1FEA0] =	vst v9;
	v9 =	vld [tilespmem:$0x1F990]  }
0x29f: {  	v5 =	vadd.f32 v22, v5;
	v22 =	vld [tilespmem:$0x9BD0]  }
0x2a0: {  	v4 =	vadd.f32 v25, v4;
	v25 =	vld [tilespmem:$0x1F330]  }
0x2a1: {  	v6 =	vadd.f32 v43, v6;
	v43 =	vld [tilespmem:$0x1F400]  }
0x2a2: {  	[tilespmem:$0x1FD40] =	vst v53;
	v53 =	vld [tilespmem:$0x1F430]  }
0x2a3: {  	v5 =	vadd.f32 v29, v5;
	v29 =	vld [tilespmem:$0x1F360]  }
0x2a4: {  	v4 =	vadd.f32 v31, v4;
	v31 =	vld [tilespmem:$0x1F380]  }
0x2a5: {  	v6 =	vadd.f32 v57, v6;
	v57 =	vld [tilespmem:$0x8660]  }
0x2a6: {  	[tilespmem:$0x1FD70] =	vst v58;
	v58 =	vld [tilespmem:$0x1F440]  }
0x2a7: {  	v5 =	vadd.f32 v34, v5;
	v34 =	vld [tilespmem:$0x84E0]  }
0x2a8: {  	v4 =	vadd.f32 v36, v4;
	v36 =	vld [tilespmem:$0x8560]  }
0x2a9: {  	v6 =	vadd.f32 v20, v6;
	v20 =	vld [tilespmem:$0x1F460]  }
0x2aa: {  	[tilespmem:$0x1FDD0] =	vst v22;
	v22 =	vld [tilespmem:$0x1F470]  }
0x2ab: {  	v7 =	vadd.f32 v25, v7;
	v25 =	vld [tilespmem:$0x1F480]  }
0x2ac: {  	v5 =	vadd.f32 v39, v5;
	v39 =	vld [tilespmem:$0x8460]  }
0x2ad: {  	v4 =	vadd.f32 v42, v4;
	v42 =	vld [tilespmem:$0x8760]  }
0x2ae: {  	v6 =	vadd.f32 v28, v6;
	v28 =	vld [tilespmem:$0x99E0]  }
0x2af: {  	v7 =	vadd.f32 v30, v7;
	v30 =	vld [tilespmem:$0x1F4B0]  }
0x2b0: {  	v5 =	vadd.f32 v45, v5;
	v45 =	vld [tilespmem:$0x87E0]  }
0x2b1: {  	v4 =	vadd.f32 v56, v4;
	v56 =	vld [tilespmem:$0x9860]  }
0x2b2: {  	v6 =	vadd.f32 v32, v6;
	v32 =	vld [tilespmem:$0x1F4C0]  }
0x2b3: {  	v7 =	vadd.f32 v35, v7;
	v35 =	vld [tilespmem:$0x1F4E0]  }
0x2b4: {  	v5 =	vadd.f32 v59, v5;
	v59 =	vld [tilespmem:$0x86E0]  }
0x2b5: {  	v4 =	vadd.f32 v17, v4;
	v17 =	vld [tilespmem:$0x98E0]  }
0x2b6: {  	v6 =	vadd.f32 v38, v6;
	v38 =	vld [tilespmem:$0x1F4F0]  }
0x2b7: {  	v7 =	vadd.f32 v41, v7;
	v41 =	vld [tilespmem:$0x1F510]  }
0x2b8: {  	[tilespmem:$0x1FC40] =	vst v42;
	v42 =	vld [tilespmem:$0x9B60]  }
0x2b9: {  	v34 =	vadd.f32 v34, v39;
	v39 =	vld [tilespmem:$0x9DA0]  }
0x2ba: {  	v5 =	vadd.f32 v24, v5;
	v24 =	vld [tilespmem:$0x9960]  }
0x2bb: {  	v4 =	vadd.f32 v27, v4;
	v27 =	vld [tilespmem:$0x1F490]  }
0x2bc: {  	[tilespmem:$0x1FD30] =	vst v28;
	v28 =	vld [tilespmem:$0x1F5F0]  }
0x2bd: {  	v6 =	vadd.f32 v44, v6;
	v44 =	vld [tilespmem:$0x1F530]  }
0x2be: {  	[tilespmem:$0x1FC70] =	vst v45;
	v45 =	vld [tilespmem:$0x1F540]  }
0x2bf: {  	v7 =	vadd.f32 v53, v7;
	v53 =	vld [tilespmem:$0x1F550]  }
0x2c0: {  	[tilespmem:$0x1FCA0] =	vst v56;
	v56 =	vld [tilespmem:$0x1F560]  }
0x2c1: {  	v34 =	vadd.f32 v36, v34;
	v36 =	vld [tilespmem:$0x9F20]  }
0x2c2: {  	v5 =	vadd.f32 v29, v5;
	v29 =	vld [tilespmem:$0x1F4A0]  }
0x2c3: {  	v4 =	vadd.f32 v31, v4;
	v31 =	vld [tilespmem:$0x9A60]  }
0x2c4: {  	v6 =	vadd.f32 v63, v6;
	v63 =	vld [tilespmem:$0x1F580]  }
0x2c5: {  	[tilespmem:$0x1FCD0] =	vst v17;
	v17 =	vld [tilespmem:$0x1F590]  }
0x2c6: {  	v7 =	vadd.f32 v22, v7;
	v22 =	vld [tilespmem:$0x1F5B0]  }
0x2c7: {  	v5 =	vadd.f32 v33, v5;
	v33 =	vld [tilespmem:$0x1F4D0]  }
0x2c8: {  	v4 =	vadd.f32 v37, v4;
	v37 =	vld [tilespmem:$0x9AE0]  }
0x2c9: {  	[tilespmem:$0x1FDC0] =	vst v42;
	v42 =	vld [tilespmem:$0x1F690]  }
0x2ca: {  	[tilespmem:$0x1FD00] =	vst v24;
	v24 =	vld [tilespmem:$0x1F5C0]  }
0x2cb: {  	v5 =	vadd.f32 v40, v5;
	v40 =	vld [tilespmem:$0x1F500]  }
0x2cc: {  	v4 =	vadd.f32 v43, v4;
	v43 =	vld [tilespmem:$0x1F520]  }
0x2cd: {  	[tilespmem:$0x1FD60] =	vst v31;
	v31 =	vld [tilespmem:$0x1F620]  }
0x2ce: {  	v5 =	vadd.f32 v49, v5;
	v49 =	vld [tilespmem:$0x9BE0]  }
0x2cf: {  	v4 =	vadd.f32 v58, v4;
	v58 =	vld [tilespmem:$0x1F570]  }
0x2d0: {  	[tilespmem:$0x1FD90] =	vst v37;
	v37 =	vld [tilespmem:$0x84F0]  }
0x2d1: {  	v5 =	vadd.f32 v20, v5;
	v4 =	vadd.f32 v25, v4;
	v20 =	vld [tilespmem:$0x1F5A0]  }
0x2d2: {  	v25 =	vld [tilespmem:$0x1F5D0]  }
0x2d3: {  	[tilespmem:$0x1FF40] =	vst v4;
	v4 =	vadd.f32 v27, v6;
	v27 =	vld [tilespmem:$0x1F5E0]  }
0x2d4: {  	v5 =	vadd.f32 v29, v5;
	v29 =	vld [tilespmem:$0x1F600]  }
0x2d5: {  	v6 =	vadd.f32 v45, v44;
	v44 =	vld [tilespmem:$0x1F6B0]  }
0x2d6: {  	v45 =	vld [tilespmem:$0x1F6C0]  }
0x2d7: {  	[tilespmem:$0x1FDF0] =	vst v49;
	v49 =	vld [tilespmem:$0x1F6D0]  }
0x2d8: {  	[tilespmem:$0x1FF50] =	vst v5;
	v5 =	vadd.f32 v30, v7;
	v30 =	vld [tilespmem:$0x1F610]  }
0x2d9: {  	v4 =	vadd.f32 v32, v4;
	v32 =	vld [tilespmem:$0x1F630]  }
0x2da: {  	v7 =	vadd.f32 v58, v56;
	v56 =	vld [tilespmem:$0x1F6F0]  }
0x2db: {  	v58 =	vld [tilespmem:$0x1F700]  }
0x2dc: {  	v6 =	vadd.f32 v17, v6;
	v17 =	vld [tilespmem:$0x1F720]  }
0x2dd: {  	v7 =	vadd.f32 v22, v7;
	v22 =	vld [tilespmem:$0x8570]  }
0x2de: {  	v6 =	vadd.f32 v25, v6;
	v25 =	vld [tilespmem:$0x85F0]  }
0x2df: {  	[tilespmem:$0x1FF60] =	vst v4;
	v4 =	vadd.f32 v35, v33;
	v33 =	vld [tilespmem:$0x1F640]  }
0x2e0: {  	v5 =	vadd.f32 v38, v5;
	v35 =	vld [tilespmem:$0x1F650]  }
0x2e1: {  	v38 =	vld [tilespmem:$0x1F660]  }
0x2e2: {  	[tilespmem:$0x1FF70] =	vst v5;
	v5 =	vadd.f32 v41, v40;
	v40 =	vld [tilespmem:$0x1F670]  }
0x2e3: {  	v41 =	vld [tilespmem:$0x1F680]  }
0x2e4: {  	v4 =	vadd.f32 v43, v4;
	v43 =	vld [tilespmem:$0x1F6A0]  }
0x2e5: {  	v7 =	vadd.f32 v28, v7;
	v28 =	vld [tilespmem:$0x1F740]  }
0x2e6: {  	v6 =	vadd.f32 v30, v6;
	v30 =	vld [tilespmem:$0x1F750]  }
0x2e7: {  	v5 =	vadd.f32 v53, v5;
	v53 =	vld [tilespmem:$0x1F6E0]  }
0x2e8: {  	v4 =	vadd.f32 v63, v4;
	v63 =	vld [tilespmem:$0x1F710]  }
0x2e9: {  	v7 =	vadd.f32 v32, v7;
	v32 =	vld [tilespmem:$0x9BF0]  }
0x2ea: {  	v6 =	vadd.f32 v35, v6;
	v35 =	vld [tilespmem:$0x1F760]  }
0x2eb: {  	v5 =	vadd.f32 v20, v5;
	v20 =	vld [tilespmem:$0x1F730]  }
0x2ec: {  	v4 =	vadd.f32 v24, v4;
	v24 =	vld [tilespmem:$0x9B70]  }
0x2ed: {  	v7 =	vadd.f32 v40, v7;
	v40 =	vld [tilespmem:$0x98F0]  }
0x2ee: {  	v6 =	vadd.f32 v42, v6;
	v42 =	vld [tilespmem:$0x1F770]  }
0x2ef: {  	v5 =	vadd.f32 v27, v5;
	v27 =	vld [tilespmem:$0x8670]  }
0x2f0: {  	v4 =	vadd.f32 v29, v4;
	v29 =	vld [tilespmem:$0x86F0]  }
0x2f1: {  	v7 =	vadd.f32 v44, v7;
	v44 =	vld [tilespmem:$0x1F780]  }
0x2f2: {  	v6 =	vadd.f32 v49, v6;
	v49 =	vld [tilespmem:$0x1F790]  }
0x2f3: {  	[tilespmem:$0x1FE00] =	vst v32;
	v32 =	vld [tilespmem:$0x8A00]  }
0x2f4: {  	v5 =	vadd.f32 v31, v5;
	v31 =	vld [tilespmem:$0x8770]  }
0x2f5: {  	v4 =	vadd.f32 v33, v4;
	v33 =	vld [tilespmem:$0x87F0]  }
0x2f6: {  	v7 =	vadd.f32 v56, v7;
	v56 =	vld [tilespmem:$0x8800]  }
0x2f7: {  	v6 =	vadd.f32 v63, v6;
	v63 =	vld [tilespmem:$0x1F7B0]  }
0x2f8: {  	[tilespmem:$0x1FDE0] =	vst v24;
	v24 =	vld [tilespmem:$0x8980]  }
0x2f9: {  	v5 =	vadd.f32 v38, v5;
	v38 =	vld [tilespmem:$0x9870]  }
0x2fa: {  	v4 =	vadd.f32 v41, v4;
	v41 =	vld [tilespmem:$0x9970]  }
0x2fb: {  	v7 =	vadd.f32 v20, v7;
	v20 =	vld [tilespmem:$0x1F7D0]  }
0x2fc: {  	v6 =	vadd.f32 v30, v6;
	v30 =	vld [tilespmem:$0x1F7F0]  }
0x2fd: {  	v5 =	vadd.f32 v43, v5;
	v43 =	vld [tilespmem:$0x99F0]  }
0x2fe: {  	v4 =	vadd.f32 v45, v4;
	v45 =	vld [tilespmem:$0x9A70]  }
0x2ff: {  	[tilespmem:$0x1FE20] =	vst v32;
	v32 =	vld [tilespmem:$0x1F860]  }
0x300: {  	v6 =	vadd.f32 v49, v6;
	v49 =	vld [tilespmem:$0x8880]  }
0x301: {  	v7 =	vadd.f32 v42, v7;
	v42 =	vld [tilespmem:$0x1F810]  }
0x302: {  	v5 =	vadd.f32 v53, v5;
	v53 =	vld [tilespmem:$0x9AF0]  }
0x303: {  	v4 =	vadd.f32 v58, v4;
	v58 =	vld [tilespmem:$0x1F7A0]  }
0x304: {  	[tilespmem:$0x1FE10] =	vst v24;
	v24 =	vld [tilespmem:$0x1F840]  }
0x305: {  	v7 =	vadd.f32 v63, v7;
	v63 =	vld [tilespmem:$0x8900]  }
0x306: {  	v5 =	vadd.f32 v17, v5;
	v17 =	vld [tilespmem:$0x1F7C0]  }
0x307: {  	v4 =	vadd.f32 v28, v4;
	v28 =	vld [tilespmem:$0x1F7E0]  }
0x308: {  	v6 =	vadd.f32 v20, v6;
	v20 =	vld [tilespmem:$0x8B00]  }
0x309: {  	v7 =	vadd.f32 v30, v7;
	v30 =	vld [tilespmem:$0x8B80]  }
0x30a: {  	v5 =	vadd.f32 v35, v5;
	v35 =	vld [tilespmem:$0x1F800]  }
0x30b: {  	v4 =	vadd.f32 v44, v4;
	v44 =	vld [tilespmem:$0x8A80]  }
0x30c: {  	v6 =	vadd.f32 v42, v6;
	v42 =	vld [tilespmem:$0x9C00]  }
0x30d: {  	v5 =	vadd.f32 v58, v5;
	v58 =	vld [tilespmem:$0x1F820]  }
0x30e: {  	v4 =	vadd.f32 v17, v4;
	v17 =	vld [tilespmem:$0x1F830]  }
0x30f: {  	[tilespmem:$0x1FE40] =	vst v20;
	v20 =	vld [tilespmem:$0x1F8B0]  }
0x310: {  	v5 =	vadd.f32 v28, v5;
	v28 =	vld [tilespmem:$0x1F850]  }
0x311: {  	[tilespmem:$0x1FE50] =	vst v30;
	v30 =	vld [tilespmem:$0x1F8D0]  }
0x312: {  	v4 =	vadd.f32 v35, v4;
	v35 =	vld [tilespmem:$0x1F870]  }
0x313: {  	[tilespmem:$0x1FE30] =	vst v44;
	v44 =	vld [tilespmem:$0x1F880]  }
0x314: {  	[tilespmem:$0x1FE60] =	vst v42;
	v42 =	vld [tilespmem:$0x1F8F0]  }
0x315: {  	v5 =	vadd.f32 v58, v5;
	v58 =	vld [tilespmem:$0x1F890]  }
0x316: {  	v4 =	vadd.f32 v24, v4;
	v24 =	vld [tilespmem:$0x9D00]  }
0x317: {  	v7 =	vadd.f32 v17, v7;
	v17 =	vld [tilespmem:$0x1F8A0]  }
0x318: {  	v6 =	vadd.f32 v28, v6;
	v28 =	vld [tilespmem:$0x1F8C0]  }
0x319: {  	v5 =	vadd.f32 v32, v5;
	v32 =	vld [tilespmem:$0x1F8E0]  }
0x31a: {  	v7 =	vadd.f32 v35, v7;
	v4 =	vadd.f32 v44, v4;
	v35 =	vld [tilespmem:$0x9D80]  }
0x31b: {  	v44 =	vld [tilespmem:$0x1F900]  }
0x31c: {  	[tilespmem:$0x1FF80] =	vst v4;
	v4 =	vadd.f32 v58, v6;
	v58 =	vld [tilespmem:$0x1F910]  }
0x31d: {  	[tilespmem:$0x1FE80] =	vst v24;
	v24 =	vld [tilespmem:$0x1F940]  }
0x31e: {  	v5 =	vadd.f32 v17, v5;
	v17 =	vld [tilespmem:$0x1F920]  }
0x31f: {  	v4 =	vadd.f32 v28, v4;
	v28 =	vld [tilespmem:$0x9E80]  }
0x320: {  	[tilespmem:$0x1FF90] =	vst v5;
	v5 =	vadd.f32 v20, v7;
	v20 =	vld [tilespmem:$0x1F930]  }
0x321: {  	[tilespmem:$0x1FE90] =	vst v35;
	v35 =	vld [tilespmem:$0x1F960]  }
0x322: {  	[tilespmem:$0x1FFA0] =	vst v4;
	v4 =	vadd.f32 v32, v30;
	v30 =	vld [tilespmem:$0x1F950]  }
0x323: {  	v32 =	vld [tilespmem:$0x9F00]  }
0x324: {  	v5 =	vadd.f32 v42, v5;
	v42 =	vld [tilespmem:$0x1F970]  }
0x325: {  	v4 =	vadd.f32 v17, v4;
	v17 =	vld [tilespmem:$0x1F9B0]  }
0x326: {  	[tilespmem:$0x1FFB0] =	vst v5;
	v5 =	vadd.f32 v58, v44;
	v44 =	vld [tilespmem:$0x9F80]  }
0x327: {  	v58 =	vld [tilespmem:$0x1F980]  }
0x328: {  	[tilespmem:$0x1FEB0] =	vst v28;
	v28 =	vld [tilespmem:$0x8910]  }
0x329: {  	v6 =	vadd.f32 v24, v20;
	v20 =	vld [tilespmem:$0x8890]  }
0x32a: {  	v24 =	vld [tilespmem:$0x1F9C0]  }
0x32b: {  	v4 =	vadd.f32 v35, v4;
	v35 =	vld [tilespmem:$0x1F9E0]  }
0x32c: {  	v5 =	vadd.f32 v30, v5;
	v30 =	vld [tilespmem:$0x8810]  }
0x32d: {  	[tilespmem:$0x1FEC0] =	vst v32;
	v32 =	vld [tilespmem:$0x1F9D0]  }
0x32e: {  	v6 =	vadd.f32 v42, v6;
	v42 =	vld [tilespmem:$0x1FA00]  }
0x32f: {  	v4 =	vadd.f32 v9, v4;
	v9 =	vld [tilespmem:$0x1FAA0]  }
0x330: {  	[tilespmem:$0x1FED0] =	vst v44;
	v44 =	vld [tilespmem:$0x1FA10]  }
0x331: {  	v5 =	vadd.f32 v58, v5;
	v58 =	vld [tilespmem:$0x1FA80]  }
0x332: {  	v6 =	vadd.f32 v15, v6;
	v15 =	vld [tilespmem:$0x1FAC0]  }
0x333: {  	v4 =	vadd.f32 v24, v4;
	v24 =	vld [tilespmem:$0x1FAF0]  }
0x334: {  	v5 =	vadd.f32 v17, v5;
	v6 =	vadd.f32 v32, v6;
	v32 =	vld [tilespmem:$0x8990]  }
0x335: {  	v17 =	vld [tilespmem:$0x1FAE0]  }
0x336: {  	v3 =	vadd.f32 v3, v4;
	v5 =	vadd.f32 v35, v5;
	v35 =	vld [tilespmem:$0x8A10]  }
0x337: {  	v4 =	vadd.f32 v42, v6;
	v42 =	vld [tilespmem:$0x8A90]  }
0x338: {  	v3 =	vadd.f32 v47, v3;
	v47 =	vld [tilespmem:$0x1FB00]  }
0x339: {  	v5 =	vadd.f32 v44, v5;
	v44 =	vld [tilespmem:$0x8B10]  }
0x33a: {  	v4 =	vadd.f32 v46, v4;
	v46 =	vld [tilespmem:$0x8B90];
	v3 =	vadd.f32 v51, v3  }
0x33b: {  	v51 =	vld [tilespmem:$0x9C90];
	v5 =	vadd.f32 v50, v5  }
0x33c: {  	v4 =	vadd.f32 v55, v4;
	v55 =	vld [tilespmem:$0x1FA70];
	v2 =	vadd.f32 v2, v3  }
0x33d: {  	v50 =	vld [tilespmem:$0x9C10];
	v5 =	vadd.f32 v52, v5  }
0x33e: {  	v52 =	vld [tilespmem:$0x9D10];
	v3 =	vadd.f32 v54, v4;
	v2 =	vadd.f32 v58, v2  }
0x33f: {  	v54 =	vld [tilespmem:$0x9D90]  }
0x340: {  	v58 =	vld [tilespmem:$0x9E90];
	v3 =	vadd.f32 v60, v3;
	v2 =	vadd.f32 v9, v2  }
0x341: {  	v4 =	vadd.f32 v55, v5;
	v5 =	vadd.f32 v11, v1;
	v1 =	vld [tilespmem:$0x1FB10]  }
0x342: {  	v60 =	vld [tilespmem:$0x9F10];
	v2 =	vadd.f32 v15, v2  }
0x343: {  	v3 =	vadd.f32 v13, v3;
	v13 =	vld [tilespmem:$0x1FAB0]  }
0x344: {  	v55 =	vld [tilespmem:$0x9E10];
	v2 =	vadd.f32 v24, v2  }
0x345: {  	v11 =	vld [tilespmem:$0x1FBF0]  }
0x346: {  	v4 =	vadd.f32 v62, v4;
	v6 =	vadd.f32 v1, v2;
	v2 =	vld [tilespmem:$0x1FB30]  }
0x347: {  	v62 =	vld [tilespmem:$0x9F90]  }
0x348: {  	v15 =	vld [tilespmem:$0x89A0];
	v4 =	vadd.f32 v13, v4  }
0x349: {  	v1 =	vld [tilespmem:$0x1FB20]  }
0x34a: {  	v9 =	vadd.f32 v19, v5;
	v19 =	vld [tilespmem:$0x8BA0];
	v4 =	vadd.f32 v17, v4  }
0x34b: {  	v5 =	vld [tilespmem:$0x9CB0];
	v2 =	vadd.f32 v2, v6  }
0x34c: {  	v3 =	vadd.f32 v16, v3;
	v16 =	vld [tilespmem:$0x8A20];
	v4 =	vadd.f32 v47, v4  }
0x34d: {  	[tilespmem:$0x1FFC0] =	vst v2;
	v2 =	vld [tilespmem:$0x1FB40]  }
0x34e: {  	v3 =	vadd.f32 v10, v3;
	v10 =	vld [tilespmem:$0x1FBE0];
	v1 =	vadd.f32 v1, v4  }
0x34f: {  	v13 =	vld [tilespmem:$0x8820]  }
0x350: {  	v7 =	vadd.f32 v18, v3;
	v18 =	vld [tilespmem:$0x8B20];
	v1 =	vadd.f32 v48, v1  }
0x351: {  	v3 =	vld [tilespmem:$0x1FB80]  }
0x352: {  	[tilespmem:$0x1FFD0] =	vst v1;
	v1 =	vadd.f32 v21, v9;
	v24 =	vadd.f32 v2, v7;
	v2 =	vld [tilespmem:$0x1FB50]  }
0x353: {  	v17 =	vld [tilespmem:$0x8AA0]  }
0x354: {  	v47 =	vld [tilespmem:$0x1FBB0];
	v1 =	vadd.f32 v26, v1  }
0x355: {  	v6 =	vld [tilespmem:$0x9DB0]  }
0x356: {  	v12 =	vadd.f32 v12, v13;
	[tilespmem:$0x1FFF0] =	vst v1;
	v1 =	vld [tilespmem:$0x1FB70]  }
0x357: {  	v4 =	vld [tilespmem:$0x8AB0];
	v2 =	vadd.f32 v2, v24  }
0x358: {  	v14 =	vadd.f32 v14, v12;
	v12 =	vld [tilespmem:$0x9DC0]  }
0x359: {  	[tilespmem:$0x1FFE0] =	vst v2;
	v2 =	vld [tilespmem:$0x1FB60]  }
0x35a: {  	v48 =	vld [tilespmem:$0x1FBC0]  }
0x35b: {  	v1 =	vadd.f32 v3, v1;
	v3 =	vld [tilespmem:$0x1FB90]  }
0x35c: {  	v21 =	vld [tilespmem:$0x9C20]  }
0x35d: {  	v9 =	vadd.f32 v61, v34;
	v34 =	vld [tilespmem:$0x9FA0]  }
0x35e: {  	v61 =	vld [tilespmem:$0x8830];
	v2 =	vadd.f32 v2, v23  }
0x35f: {  	v26 =	vld [tilespmem:$0x9E20]  }
0x360: {  	v2 =	vadd.f32 v3, v2;
	v3 =	vld [tilespmem:$0x1FBA0]  }
0x361: {  	v7 =	vld [tilespmem:$0x88C0]  }
0x362: {  	v24 =	vld [tilespmem:$0x9D20]  }
0x363: {  	v23 =	vld [tilespmem:$0x9CA0]  }
0x364: {  	v2 =	vadd.f32 v47, v2;
	v47 =	vld [tilespmem:$0x1FC10]  }
0x365: {  	v1 =	vadd.f32 v3, v1;
	v3 =	vadd.f32 v37, v8;
	v37 =	vld [tilespmem:$0x9EA0]  }
0x366: {  	v8 =	vld [tilespmem:$0x1FBD0]  }
0x367: {  	v3 =	vadd.f32 v22, v3;
	v22 =	vadd.f32 v57, v9;
	v57 =	vld [tilespmem:$0x88B0]  }
0x368: {  	v1 =	vadd.f32 v48, v1;
	v48 =	vld [tilespmem:$0x1FC20]  }
0x369: {  	v9 =	vld [tilespmem:$0x1FC40]  }
0x36a: {  	v3 =	vadd.f32 v25, v3;
	v25 =	vld [tilespmem:$0x1FC00]  }
0x36b: {  	v22 =	vadd.f32 v59, v22;
	v59 =	vld [tilespmem:$0x89B0]  }
0x36c: {  	v1 =	vadd.f32 v10, v1;
	v10 =	vld [tilespmem:$0x1FC50]  }
0x36d: {  	v2 =	vadd.f32 v8, v2;
	v8 =	vld [tilespmem:$0x1FC30]  }
0x36e: {  	v3 =	vadd.f32 v27, v3;
	v27 =	vld [tilespmem:$0x1FC70]  }
0x36f: {  	v2 =	vadd.f32 v11, v2;
	v11 =	vld [tilespmem:$0x1FC60]  }
0x370: {  	v22 =	vadd.f32 v9, v22;
	v9 =	vld [tilespmem:$0x1FCB0]  }
0x371: {  	v61 =	vadd.f32 v57, v61;
	v57 =	vld [tilespmem:$0x1FE20]  }
0x372: {  	v3 =	vadd.f32 v29, v3;
	v29 =	vld [tilespmem:$0x8A30]  }
0x373: {  	v1 =	vadd.f32 v25, v1;
	v25 =	vld [tilespmem:$0x8930]  }
0x374: {  	v2 =	vadd.f32 v47, v2;
	v47 =	vld [tilespmem:$0x1FC80]  }
0x375: {  	v3 =	vadd.f32 v31, v3;
	v31 =	vld [tilespmem:$0x8B30]  }
0x376: {  	v1 =	vadd.f32 v48, v1;
	v48 =	vld [tilespmem:$0x1FC90]  }
0x377: {  	v2 =	vadd.f32 v8, v2;
	v22 =	vadd.f32 v27, v22;
	v27 =	vld [tilespmem:$0x8BB0]  }
0x378: {  	v8 =	vld [tilespmem:$0x1FCA0]  }
0x379: {  	v1 =	vadd.f32 v10, v1;
	v2 =	vadd.f32 v11, v2;
	v10 =	vld [tilespmem:$0x1FCC0]  }
0x37a: {  	v11 =	vld [tilespmem:$0x1FCD0]  }
0x37b: {  	v1 =	vadd.f32 v47, v1;
	v2 =	vadd.f32 v48, v2;
	v48 =	vld [tilespmem:$0x1FCF0]  }
0x37c: {  	v47 =	vld [tilespmem:$0x1FCE0]  }
0x37d: {  	v1 =	vadd.f32 v9, v1;
	v9 =	vld [tilespmem:$0x1FD00]  }
0x37e: {  	v2 =	vadd.f32 v10, v2;
	v10 =	vld [tilespmem:$0x1FD10]  }
0x37f: {  	v3 =	vadd.f32 v33, v3;
	v33 =	vld [tilespmem:$0x9C30];
	v22 =	vadd.f32 v8, v22  }
0x380: {  	v2 =	vadd.f32 v48, v2;
	v48 =	vld [tilespmem:$0x1FD40]  }
0x381: {  	v22 =	vadd.f32 v11, v22;
	v11 =	vld [tilespmem:$0x1FD20];
	v1 =	vadd.f32 v47, v1  }
0x382: {  	v3 =	vadd.f32 v38, v3;
	v47 =	vld [tilespmem:$0x1FD30]  }
0x383: {  	v22 =	vadd.f32 v9, v22;
	v9 =	vld [tilespmem:$0x1FD50];
	v1 =	vadd.f32 v10, v1  }
0x384: {  	v38 =	vld [tilespmem:$0x9D30]  }
0x385: {  	v3 =	vadd.f32 v40, v3;
	v1 =	vadd.f32 v48, v1;
	v48 =	vld [tilespmem:$0x1FD80]  }
0x386: {  	v40 =	vld [tilespmem:$0x9E30];
	v2 =	vadd.f32 v11, v2  }
0x387: {  	v8 =	vld [tilespmem:$0x9EB0];
	v3 =	vadd.f32 v41, v3  }
0x388: {  	v22 =	vadd.f32 v47, v22;
	v47 =	vld [tilespmem:$0x1FD70];
	v2 =	vadd.f32 v9, v2  }
0x389: {  	v41 =	vld [tilespmem:$0x9F30];
	v3 =	vadd.f32 v43, v3  }
0x38a: {  	v2 =	vadd.f32 v48, v2;
	v48 =	vld [tilespmem:$0x1FDA0]  }
0x38b: {  	v43 =	vld [tilespmem:$0x8840];
	v3 =	vadd.f32 v45, v3  }
0x38c: {  	v11 =	vld [tilespmem:$0x1FD60]  }
0x38d: {  	v3 =	vadd.f32 v53, v3;
	v53 =	vld [tilespmem:$0x1FDB0];
	v1 =	vadd.f32 v47, v1  }
0x38e: {  	v47 =	vld [tilespmem:$0x1FD90]  }
0x38f: {  	v1 =	vadd.f32 v48, v1;
	v48 =	vld [tilespmem:$0x1FDD0]  }
0x390: {  	v45 =	vld [tilespmem:$0x8940]  }
0x391: {  	v10 =	vld [tilespmem:$0x9FB0]  }
0x392: {  	v22 =	vadd.f32 v11, v22;
	v53 =	vadd.f32 v53, v2;
	v2 =	vld [tilespmem:$0x1FDC0]  }
0x393: {  	v7 =	vadd.f32 v7, v43;
	v43 =	vld [tilespmem:$0x1FEE0]  }
0x394: {  	v22 =	vadd.f32 v47, v22;
	v47 =	vadd.f32 v48, v1;
	v48 =	vld [tilespmem:$0x1FDF0]  }
0x395: {  	v9 =	vld [tilespmem:$0x89C0]  }
0x396: {  	v7 =	vadd.f32 v45, v7;
	v45 =	vld [tilespmem:$0x8A70]  }
0x397: {  	v22 =	vadd.f32 v2, v22;
	v1 =	vld [tilespmem:$0x1FDE0]  }
0x398: {  	v11 =	vld [tilespmem:$0x8A40]  }
0x399: {  	v48 =	vadd.f32 v48, v22;
	v22 =	vadd.f32 v49, v56;
	v49 =	vld [tilespmem:$0x1FE00]  }
0x39a: {  	[tilespmem:$0xA0A0] =	vst v43;
	v43 =	vld [tilespmem:$0x1FFA0]  }
0x39b: {  	v2 =	vld [tilespmem:$0x8AC0]  }
0x39c: {  	v1 =	vadd.f32 v1, v3;
	v3 =	vld [tilespmem:$0x8B40]  }
0x39d: {  	v7 =	vadd.f32 v9, v7;
	v56 =	vld [tilespmem:$0x8BC0]  }
0x39e: {  	v49 =	vadd.f32 v49, v1;
	v1 =	vadd.f32 v20, v30;
	v20 =	vld [tilespmem:$0x9C40]  }
0x39f: {  	v7 =	vadd.f32 v11, v7;
	v30 =	vadd.f32 v63, v22;
	v22 =	vld [tilespmem:$0x9CC0]  }
0x3a0: {  	v63 =	vld [tilespmem:$0x1FE10]  }
0x3a1: {  	v2 =	vadd.f32 v2, v7;
	v13 =	vadd.f32 v28, v1;
	v1 =	vld [tilespmem:$0x9D40]  }
0x3a2: {  	v28 =	vadd.f32 v25, v61;
	v25 =	vld [tilespmem:$0x9E40]  }
0x3a3: {  	v2 =	vadd.f32 v3, v2;
	v61 =	vadd.f32 v15, v14;
	v14 =	vld [tilespmem:$0x9EC0]  }
0x3a4: {  	v15 =	vld [tilespmem:$0x9F40]  }
0x3a5: {  	v2 =	vadd.f32 v56, v2;
	v56 =	vld [tilespmem:$0x1FFF0]  }
0x3a6: {  	v28 =	vadd.f32 v59, v28;
	v59 =	vld [tilespmem:$0x1FE50]  }
0x3a7: {  	v13 =	vadd.f32 v32, v13;
	v16 =	vadd.f32 v16, v61;
	v61 =	vld [tilespmem:$0x1FE60]  }
0x3a8: {  	v30 =	vadd.f32 v63, v30;
	v63 =	vld [tilespmem:$0x1FE30]  }
0x3a9: {  	v35 =	vadd.f32 v35, v13;
	v13 =	vld [tilespmem:$0x9FC0]  }
0x3aa: {  	v28 =	vadd.f32 v29, v28;
	v29 =	vld [tilespmem:$0x8850]  }
0x3ab: {  	v16 =	vadd.f32 v17, v16;
	v17 =	vld [tilespmem:$0x88D0]  }
0x3ac: {  	v30 =	vadd.f32 v57, v30;
	v57 =	vld [tilespmem:$0x1FE40]  }
0x3ad: {  	v4 =	vadd.f32 v4, v28;
	v28 =	vld [tilespmem:$0x8950]  }
0x3ae: {  	v16 =	vadd.f32 v18, v16;
	v18 =	vld [tilespmem:$0x89D0]  }
0x3af: {  	v42 =	vadd.f32 v42, v35;
	v35 =	vld [tilespmem:$0x9E50]  }
0x3b0: {  	v4 =	vadd.f32 v31, v4;
	v31 =	vld [tilespmem:$0x8A50]  }
0x3b1: {  	v16 =	vadd.f32 v19, v16;
	v19 =	vld [tilespmem:$0x8AD0]  }
0x3b2: {  	v30 =	vadd.f32 v63, v30;
	v63 =	vld [tilespmem:$0x1FE70]  }
0x3b3: {  	v32 =	vadd.f32 v44, v42;
	v42 =	vld [tilespmem:$0x1FE80]  }
0x3b4: {  	v44 =	vld [tilespmem:$0x1FE90]  }
0x3b5: {  	v4 =	vadd.f32 v27, v4;
	v27 =	vld [tilespmem:$0x8B50]  }
0x3b6: {  	v16 =	vadd.f32 v21, v16;
	v21 =	vld [tilespmem:$0x8BD0]  }
0x3b7: {  	v32 =	vadd.f32 v46, v32;
	v46 =	vld [tilespmem:$0x1FEA0]  }
0x3b8: {  	v30 =	vadd.f32 v57, v30;
	v57 =	vld [tilespmem:$0x1FED0]  }
0x3b9: {  	v4 =	vadd.f32 v33, v4;
	v33 =	vld [tilespmem:$0x9C50]  }
0x3ba: {  	v16 =	vadd.f32 v23, v16;
	v23 =	vld [tilespmem:$0x9CD0]  }
0x3bb: {  	v32 =	vadd.f32 v50, v32;
	v50 =	vld [tilespmem:$0x1FEB0]  }
0x3bc: {  	v30 =	vadd.f32 v59, v30;
	v59 =	vld [tilespmem:$0x8960]  }
0x3bd: {  	v4 =	vadd.f32 v5, v4;
	v5 =	vld [tilespmem:$0x9D50]  }
0x3be: {  	v16 =	vadd.f32 v24, v16;
	v24 =	vld [tilespmem:$0x9DD0]  }
0x3bf: {  	v32 =	vadd.f32 v51, v32;
	v51 =	vld [tilespmem:$0x8860]  }
0x3c0: {  	v30 =	vadd.f32 v61, v30;
	v61 =	vadd.f32 v17, v29;
	v29 =	vld [tilespmem:$0x9C60]  }
0x3c1: {  	v4 =	vadd.f32 v38, v4;
	v38 =	vld [tilespmem:$0x9ED0]  }
0x3c2: {  	v32 =	vadd.f32 v52, v32;
	v52 =	vld [tilespmem:$0x1FEC0]  }
0x3c3: {  	v16 =	vadd.f32 v39, v16;
	v39 =	vld [tilespmem:$0x1FF80]  }
0x3c4: {  	v4 =	vadd.f32 v6, v4;
	v6 =	vld [tilespmem:$0x9F50]  }
0x3c5: {  	v30 =	vadd.f32 v63, v30;
	v16 =	vadd.f32 v26, v16;
	v26 =	vld [tilespmem:$0x9FD0]  }
0x3c6: {  	v32 =	vadd.f32 v54, v32;
	v54 =	vld [tilespmem:$0x88E0]  }
0x3c7: {  	v30 =	vadd.f32 v42, v30;
	v42 =	vld [tilespmem:$0x8A60]  }
0x3c8: {  	v32 =	vadd.f32 v55, v32;
	v55 =	vld [tilespmem:$0x8870]  }
0x3c9: {  	v16 =	vadd.f32 v37, v16;
	v37 =	vld [tilespmem:$0x9CE0]  }
0x3ca: {  	v30 =	vadd.f32 v44, v30;
	v4 =	vadd.f32 v40, v4;
	v40 =	vld [tilespmem:$0x9CF0]  }
0x3cb: {  	v32 =	vadd.f32 v58, v32;
	v58 =	vld [tilespmem:$0x88F0]  }
0x3cc: {  	v30 =	vadd.f32 v46, v30;
	v46 =	vld [tilespmem:$0x1FEF0]  }
0x3cd: {  	v16 =	vadd.f32 v36, v16;
	v36 =	vld [tilespmem:$0x1FF70]  }
0x3ce: {  	v63 =	vadd.f32 v54, v51;
	v51 =	vld [tilespmem:$0x1FF00]  }
0x3cf: {  	v4 =	vadd.f32 v8, v4;
	v54 =	vld [tilespmem:$0x1FF10]  }
0x3d0: {  	v2 =	vadd.f32 v20, v2;
	v32 =	vadd.f32 v60, v32;
	v60 =	vld [tilespmem:$0x8970]  }
0x3d1: {  	v4 =	vadd.f32 v41, v4;
	v41 =	vld [tilespmem:$0x89F0]  }
0x3d2: {  	v2 =	vadd.f32 v22, v2;
	v30 =	vadd.f32 v50, v30;
	v50 =	vld [tilespmem:$0x8AE0]  }
0x3d3: {  	v16 =	vadd.f32 v34, v16;
	v34 =	vld [tilespmem:$0x9C70]  }
0x3d4: {  	v1 =	vadd.f32 v1, v2;
	v44 =	vadd.f32 v59, v63;
	v59 =	vld [tilespmem:$0x8B70]  }
0x3d5: {  	v63 =	vld [tilespmem:$0x8BF0]  }
0x3d6: {  	v1 =	vadd.f32 v12, v1;
	v32 =	vadd.f32 v62, v32;
	v62 =	vld [tilespmem:$0x89E0]  }
0x3d7: {  	v30 =	vadd.f32 v52, v30;
	v4 =	vadd.f32 v10, v4;
	v52 =	vld [tilespmem:$0x8AF0]  }
0x3d8: {  	v10 =	vadd.f32 v28, v61;
	v61 =	vld [tilespmem:$0x8BE0];
	v8 =	vadd.f32 v58, v55  }
0x3d9: {  	v1 =	vadd.f32 v25, v1;
	v28 =	vld [tilespmem:$0x1FF50]  }
0x3da: {  	[tilespmem:$0xA160] =	vst v43;
	v55 =	vld [tilespmem:$0x8B60];
	v10 =	vadd.f32 v18, v10;
	v8 =	vadd.f32 v60, v8  }
0x3db: {  	[tilespmem:$0xA0B0] =	vst v46;
	v46 =	vld [tilespmem:$0x9DE0];
	v30 =	vadd.f32 v57, v30;
	v9 =	vadd.f32 v62, v44  }
0x3dc: {  	[tilespmem:$0xA1C0] =	vst v53;
	v57 =	vld [tilespmem:$0x1FF20];
	v10 =	vadd.f32 v31, v10;
	v8 =	vadd.f32 v41, v8  }
0x3dd: {  	v1 =	vadd.f32 v14, v1;
	[tilespmem:$0xA0C0] =	vst v51;
	v51 =	vld [tilespmem:$0x1FFD0];
	v58 =	vadd.f32 v42, v9  }
0x3de: {  	[tilespmem:$0xA0D0] =	vst v54;
	v54 =	vld [tilespmem:$0x1FFE0];
	v10 =	vadd.f32 v19, v10;
	v8 =	vadd.f32 v45, v8  }
0x3df: {  	[tilespmem:$0xA1D0] =	vst v47;
	v1 =	vadd.f32 v15, v1;
	v60 =	vld [tilespmem:$0x1FF30];
	v3 =	vadd.f32 v50, v58  }
0x3e0: {  	[tilespmem:$0xA1E0] =	vst v48;
	v31 =	vld [tilespmem:$0x1FF60];
	v10 =	vadd.f32 v27, v10;
	v8 =	vadd.f32 v52, v8  }
0x3e1: {  	[tilespmem:$0xA1F0] =	vst v49;
	v1 =	vadd.f32 v13, v1;
	v62 =	vld [tilespmem:$0x1FF40];
	v3 =	vadd.f32 v55, v3  }
0x3e2: {  	[tilespmem:$0xA1B0] =	vst v56;
	v41 =	vld [tilespmem:$0x1FF90];
	v10 =	vadd.f32 v21, v10;
	v8 =	vadd.f32 v59, v8  }
0x3e3: {  	[tilespmem:$0xA240] =	vst v1;
	v44 =	vld [tilespmem:$0x9D70];
	v3 =	vadd.f32 v61, v3  }
0x3e4: {  	[tilespmem:$0xA140] =	vst v39;
	v42 =	vld [tilespmem:$0x9D60];
	v10 =	vadd.f32 v33, v10;
	v7 =	vadd.f32 v63, v8  }
0x3e5: {  	[tilespmem:$0xA220] =	vst v16;
	v45 =	vld [tilespmem:$0x1FFB0];
	v3 =	vadd.f32 v29, v3  }
0x3e6: {  	[tilespmem:$0xA0E0] =	vst v57;
	v57 =	vld [tilespmem:$0x9EE0];
	v10 =	vadd.f32 v23, v10;
	v7 =	vadd.f32 v34, v7  }
0x3e7: {  	[tilespmem:$0xA130] =	vst v36;
	v2 =	vadd.f32 v37, v3;
	v3 =	vld [tilespmem:$0x9DF0]  }
0x3e8: {  	[tilespmem:$0xA210] =	vst v32;
	v52 =	vld [tilespmem:$0x9E60];
	v5 =	vadd.f32 v5, v10;
	v7 =	vadd.f32 v40, v7  }
0x3e9: {  	[tilespmem:$0xA230] =	vst v4;
	v55 =	vld [tilespmem:$0x9E70];
	v2 =	vadd.f32 v42, v2  }
0x3ea: {  	[tilespmem:$0xA0F0] =	vst v60;
	v60 =	vld [tilespmem:$0x9F70];
	v5 =	vadd.f32 v24, v5;
	v7 =	vadd.f32 v44, v7  }
0x3eb: {  	[tilespmem:$0xA200] =	vst v30;
	v58 =	vld [tilespmem:$0x9EF0];
	v2 =	vadd.f32 v46, v2  }
0x3ec: {  	[tilespmem:$0xA110] =	vst v28;
	v59 =	vld [tilespmem:$0x9F60];
	v5 =	vadd.f32 v35, v5;
	v3 =	vadd.f32 v3, v7  }
0x3ed: {  	[tilespmem:$0xA190] =	vst v51;
	v50 =	vld [tilespmem:$0x1FFC0];
	v2 =	vadd.f32 v52, v2  }
0x3ee: {  	[tilespmem:$0xA1A0] =	vst v54;
	v61 =	vld [tilespmem:$0x9FE0];
	v5 =	vadd.f32 v38, v5;
	v3 =	vadd.f32 v55, v3  }
0x3ef: {  	[tilespmem:$0xA100] =	vst v62;
	v62 =	vld [tilespmem:$0x9FF0];
	v2 =	vadd.f32 v57, v2  }
0x3f0: {  	[tilespmem:$0xA120] =	vst v31;
	v5 =	vadd.f32 v6, v5;
	v3 =	vadd.f32 v58, v3  }
0x3f1: {  	[tilespmem:$0xA150] =	vst v41;
	v2 =	vadd.f32 v59, v2  }
0x3f2: {  	[tilespmem:$0xA170] =	vst v45;
	v63 =	vadd.f32 v26, v5;
	v3 =	vadd.f32 v60, v3  }
0x3f3: {  	[tilespmem:$0xA180] =	vst v50;
	v1 =	vadd.f32 v61, v2  }
0x3f4: {  	s18 =	sadd.s32 $0x1, s18;
	[tilespmem:$0xA250] =	vst v63;
	v2 =	vadd.f32 v62, v3  }
0x3f5: {  	p0 =	sne.s32 s18, s8;
	[tilespmem:$0xA260] =	vst v1  }
.Ltmp1:
0x3f6: {  	[tilespmem:$0xA270] =	vst v2;
	(pc) =	sbr.rel @p0 .LBB2_1-.Ltmp1, $4  }
0x3f7: {  	[hbm4b:s7+s11] =	stream.strided.scatter [tilespmem:s17], [sflag:$0x1], $0x280, s16, s11, $0x38;
	[tilespmem:$0xCA80] =	vst v63  }
0x3f8: {  	_ =	swait.ge [sflag:s9], $0x280  }
0x3f9: {  	[sflag:s9] =	ssyncset.done $0x0  }
0x3fa: {  	[sflag:s9] =	ssyncadd.s32 $0xFFFFFD80  }
0x3fb: {  	_ =	sfence.sel $0x180000  }
0x3fc: {  	[bflag:$0x0] =	sbarrier.arrive $0xFFFF  }
0x3fd: {  	p0 =	sne.s32 s1, $0x0;
	_ =	strace $0x90000047  }
0x3fe: {  	s0 =	sadd.s32 @!p0 $0x100000, s0;
	[bflag:$0x2] =	sbarrier.arrive $0xFFFF  }
0x3ff: {  	[sflag:s0] =	ssyncadd.tile.s32 @!p0 $0x1;
	_ =	shalt  }
.Lfunc_end2:
_tile_overlayer_lowered:
.L_overlay_start_2:
0x400: {  	(tag) =	ssettag $0x2  }
0x401: {  	s0 =	rddreg [dreg:$0x0];
	s2 =	stileid.u32  }
0x402: {  	s1 =	rddreg [dreg:$0x1];
	p0 =	sne.s32 s2, $0x0  }
0x403: {  	s3 =	rddreg [dreg:$0x2];
	[bflag:$0x3] =	sbarrier.arrive $0xFFFF;
	s2 =	simm.s32 @!p0 $0x1C01  }
0x404: {  	[timem:s3], [sflag:s2] =	dma.local @!p0 [hbm:s0], s1  }
0x405: {  	s0 =	simm.s32 @!p0 $0x1  }
0x406: {  	_ =	swait.ge @!p0 [sflag:s0], s1  }
0x407: {  	s1 =	ssub.s32 @!p0 $0x0, s1;
	[sflag:s0] =	ssyncset.done @!p0 $0x0  }
0x408: {  	[sflag:s0] =	ssyncadd.s32 @!p0 s1  }
0x409: {  	[bflag:$0x3] =	sbarrier.arrive $0xFFFF  }
0x40a: {  	_ =	shalt  }

// kernel: kernel.9.cloned.1.call-start
scs
__scs_entry_jumppad:
0x0: {  	(pc) =	sbr.rel $0x88, $3  }
0x1: {  	(tag) =	ssettag $0x0;
	lr =	simm.s32 $0x1  }
0x2: {  	[smem:$0x3F9B] =	sst lr;
	_ =	strace $0xD0000000  }
0x3: {  	_ = 	snop  }
0x4: {  	_ = 	snop  }
0x5: {  	_ = 	snop  }
0x6: {  	_ = 	snop  }
0x7: {  	_ = 	snop  }
__scs_overlays_trampoline_lowered:
0x8: {  	[smem:$0x3FAA] =	sst s0  }
0x9: {  	[smem:$0x3FAB] =	sst s1  }
0xa: {  	[smem:$0x3FAC] =	sst s2  }
0xb: {  	[smem:$0x3FAD] =	sst s3  }
0xc: {  	[smem:$0x3FAE] =	sst s4  }
0xd: {  	[smem:$0x3FAF] =	sst s5  }
0xe: {  	[smem:$0x3FB0] =	sst s6  }
0xf: {  	[smem:$0x3FB1] =	sst s7  }
0x10: {  	[smem:$0x3FB2] =	sst s8  }
0x11: {  	[smem:$0x3FB3] =	sst s9;
	s0 =	simm.s32 @!p0 $0x0  }
0x12: {  	s1 =	sld [smem:$0x3F99];
	s0 =	simm.s32 @p0 $0x1  }
0x13: {  	[smem:$0x3FB4] =	sst s0;
	s0 =	simm.s32 @!p1 $0x0  }
0x14: {  	s2 =	sld [smem:$0x3F98];
	s0 =	simm.s32 @p1 $0x1  }
0x15: {  	[smem:$0x3FB5] =	sst s0;
	s0 =	simm.s32 @!p2 $0x0  }
0x16: {  	s3 =	sld [smem:$0x3FDB];
	s0 =	simm.s32 @p2 $0x1  }
0x17: {  	s4 =	simm.s32 $0x1BF5;
	[smem:$0x3FB7] =	sst s0  }
0x18: {  	s0 =	sld [smem:$0x3F9A];
	_ =	swait.ge [sflag:s4], $0x0  }
0x19: {  	s7 =	sld [smem:$0x3F9B]  }
0x1a: {  	s8 =	sadd.s32 $0xFFFFE003, lr  }
0x1b: {  	s9 =	sadd.s32 $0xFFFFFEF7, lr;
	s5 =	simm.s32 $0xFFFFFFFF;
	p2 =	slt.u32 s8, $0xFFFFF086  }
0x1c: {  	p1 =	slt.u32 s9, $0xF7A;
	s5 =	simm.s32 @!p2 $0x0  }
0x1d: {  	s5 =	simm.s32 @p1 $0x1;
	p0 =	seq.s32 s7, s2  }
0x1e: {  	s7 =	smul.u32 @!p0 $0xF7A, s2;
	p2 =	seq.s32 @!p0 s5, $0x0  }
0x1f: {  	s9 =	smul.u32 $0xF7A, s1;
	s8 =	simm.s32 @!p0 $0x1BF5;
	p2 =	por !p2, p0  }
0x20: {  	[sflag:s8] =	ssyncset.s32 @!p0 $0xFFFFF086;
	s6 =	sadd.s32 @!p0 s3, s7;
	s7 =	simm.s32 @!p0 $0x108  }
0x21: {  	s3 =	sadd.s32 s3, s9;
	s6 =	sadd.s32 @!p0 $0x88, s6;
	s7 =	simm.s32 @p2 $0x1082  }
0x22: {  	[simem:s7], [sflag:s8] =	dma.local @!p0 [hbm:s6], $0xF7A  }
0x23: {  	s9 =	sor.u32 $0xD0000000, s2;
	s6 =	simm.s32 $0x108;
	_ =	swait.ge @!p0 [sflag:s8], $0x0  }
0x24: {  	s3 =	sadd.s32 $0x88, s3;
	s6 =	simm.s32 @!p1 $0x1082;
	[sflag:s4] =	ssyncset.s32 $0xFFFFF086  }
0x25: {  	[simem:s6], [sflag:s4] =	dma.local [hbm:s3], $0xF7A  }
0x26: {  	[smem:$0x3F9B] =	sst s1;
	(tag) =	ssettag s2;
	_ =	strace s9  }
0x27: {  	s1 =	sld [smem:$0x3FAB]  }
0x28: {  	s2 =	sld [smem:$0x3FAC]  }
0x29: {  	s4 =	sld [smem:$0x3FAE]  }
0x2a: {  	p0 =	seq.s32 s5, $0x0;
	s5 =	sld [smem:$0x3FAF]  }
0x2b: {  	s6 =	sld [smem:$0x3FB0]  }
0x2c: {  	s7 =	sld [smem:$0x3FB1]  }
0x2d: {  	s3 =	simm.s32 $0x108;
	s8 =	sld [smem:$0x3FB2]  }
0x2e: {  	s3 =	simm.s32 @!p0 $0x1082;
	s9 =	sld [smem:$0x3FB3]  }
0x2f: {  	lr =	sadd.s32 s0, s3;
	s0 =	sld [smem:$0x3FAA]  }
0x30: {  	s3 =	sld [smem:$0x3FAD]  }
0x31: {  	[smem:$0x3FB6] =	sst s10  }
0x32: {  	s10 =	sld [smem:$0x3FB4];
	_ =	sdelay $0x3  }
0x33: {  	p0 =	seq.s32 s10, $0x1;
	s10 =	sld [smem:$0x3FB6];
	_ =	sdelay $0x3  }
0x34: {  	[smem:$0x3FB6] =	sst s10  }
0x35: {  	s10 =	sld [smem:$0x3FB5];
	_ =	sdelay $0x3  }
0x36: {  	p1 =	seq.s32 s10, $0x1;
	s10 =	sld [smem:$0x3FB6];
	_ =	sdelay $0x3  }
0x37: {  	[smem:$0x3FB6] =	sst s10  }
0x38: {  	s10 =	sld [smem:$0x3FB7]  }
0x39: {  	_ = 	snop;
	(pc) =	sbr.ind lr, $3  }
0x3a: {  	_ = 	snop  }
0x3b: {  	_ = 	snop  }
0x3c: {  	p2 =	seq.s32 s10, $0x1;
	s10 =	sld [smem:$0x3FB6]  }
0x3d: {  	_ =	shalt  }
0x3e: {  	_ =	shalt  }
0x3f: {  	_ =	shalt  }
0x40: {  	_ =	shalt  }
0x41: {  	_ =	shalt  }
0x42: {  	_ =	shalt  }
0x43: {  	_ =	shalt  }
0x44: {  	_ =	shalt  }
0x45: {  	_ =	shalt  }
0x46: {  	_ =	shalt  }
0x47: {  	_ =	shalt  }
0x48: {  	_ =	shalt  }
0x49: {  	_ =	shalt  }
0x4a: {  	_ =	shalt  }
0x4b: {  	_ =	shalt  }
0x4c: {  	_ =	shalt  }
0x4d: {  	_ =	shalt  }
0x4e: {  	_ =	shalt  }
0x4f: {  	_ =	shalt  }
0x50: {  	_ =	shalt  }
0x51: {  	_ =	shalt  }
0x52: {  	_ =	shalt  }
0x53: {  	_ =	shalt  }
0x54: {  	_ =	shalt  }
0x55: {  	_ =	shalt  }
0x56: {  	_ =	shalt  }
0x57: {  	_ =	shalt  }
0x58: {  	_ =	shalt  }
0x59: {  	_ =	shalt  }
0x5a: {  	_ =	shalt  }
0x5b: {  	_ =	shalt  }
0x5c: {  	_ =	shalt  }
0x5d: {  	_ =	shalt  }
0x5e: {  	_ =	shalt  }
0x5f: {  	_ =	shalt  }
0x60: {  	_ =	shalt  }
0x61: {  	_ =	shalt  }
0x62: {  	_ =	shalt  }
0x63: {  	_ =	shalt  }
0x64: {  	_ =	shalt  }
0x65: {  	_ =	shalt  }
0x66: {  	_ =	shalt  }
0x67: {  	_ =	shalt  }
0x68: {  	_ =	shalt  }
0x69: {  	_ =	shalt  }
0x6a: {  	_ =	shalt  }
0x6b: {  	_ =	shalt  }
0x6c: {  	_ =	shalt  }
0x6d: {  	_ =	shalt  }
0x6e: {  	_ =	shalt  }
0x6f: {  	_ =	shalt  }
0x70: {  	_ =	shalt  }
0x71: {  	_ =	shalt  }
0x72: {  	_ =	shalt  }
0x73: {  	_ =	shalt  }
0x74: {  	_ =	shalt  }
0x75: {  	_ =	shalt  }
0x76: {  	_ =	shalt  }
0x77: {  	_ =	shalt  }
0x78: {  	_ =	shalt  }
0x79: {  	_ =	shalt  }
0x7a: {  	_ =	shalt  }
0x7b: {  	_ =	shalt  }
0x7c: {  	_ =	shalt  }
0x7d: {  	_ =	shalt  }
0x7e: {  	_ =	shalt  }
0x7f: {  	_ =	shalt  }
0x80: {  	_ =	shalt  }
0x81: {  	_ =	shalt  }
0x82: {  	_ =	shalt  }
0x83: {  	_ =	shalt  }
0x84: {  	_ =	shalt  }
0x85: {  	_ =	shalt  }
0x86: {  	_ =	shalt  }
0x87: {  	_ =	shalt  }
.Lfunc_end0:
.L_simem_size_0:
called_computation.1_lowered:
.L_overlay_start_0:
0x88: {  	s2 =	sld [smem:$0x3FD9]  }
0x89: {  	s3 =	sld [smem:$0x3FFE];
	_ =	sdelay $0x1  }
0x8a: {  	s1 =	srdreg.scid  }
0x8b: {  	s0 =	sand.u32 $0x1, s1  }
0x8c: {  	s16 =	sshll.u32 s0, $0xA;
	s2 =	sadd.s32 s3, s2  }
0x8d: {  	s2 =	sadd.s32 s2, s16  }
0x8e: {  	[smem:$0x3FC2] =	sst s2  }
0x8f: {  	_ = 	snop  }
0x90: {  	(tm) =	ssettm $0x1  }
0x91: {  	s17 =	sld [smem:$0x3FFB];
	_ =	sdelay $0x3  }
0x92: {  	_ =	strace s17  }
0x93: {  	s2 =	sld [smem:$0x3FFC];
	_ =	sdelay $0x3  }
0x94: {  	_ =	strace s2  }
0x95: {  	s2 =	sld [smem:$0x3FFD];
	_ =	sdelay $0x3  }
0x96: {  	_ =	strace s2  }
0x97: {  	_ =	strace $0x8FFFFFFF  }
0x98: {  	s18 =	sld [smem:$0x3FDB];
	_ =	sdelay $0x1  }
0x99: {  	s19 =	simm.s32 $_scs_section_size  }
0x9a: {  	s4 =	simm.s32 $_size__tile_overlayer_lowered;
	s5 =	simm.s32 $_tile_overlayer_lowered  }
0x9b: {  	s22 =	simm.s32 $0x1BFF;
	s21 =	sshll.u32 s5, $0x1;
	s2 =	sadd.s32 s19, s18  }
0x9c: {  	s6 =	simm.s32 $0x0;
	s20 =	sshll.u32 s4, $0x1;
	s4 =	sadd.s32 s21, s2  }
0x9d: {  	[timem:s6], [sflag:s22] =	dma.local [hbm:s4], s20  }
0x9e: {  	_ =	swait.ge [sflag:s22], s20  }
0x9f: {  	s3 =	ssub.s32 $0x0, s20;
	[sflag:s22] =	ssyncset.done $0x0  }
0xa0: {  	[sflag:s22] =	ssyncadd.s32 s3;
	_ =	sdelay $0x1  }
0xa1: {  	s23 =	simm.s32 $0x1B8B  }
0xa2: {  	_ =	swait.ge [sflag:s23], $0x1  }
0xa3: {  	[sflag:s23] =	ssyncset.done $0x0  }
0xa4: {  	s25 =	simm.s32 $0x1B8E;
	s24 =	sld [smem:$0x3FFE];
	[sflag:s23] =	ssyncadd.s32 $0xFFFFFFFF  }
0xa5: {  	s26 =	simm.s32 $execute0_lowered;
	[smem:$0x3FD2] =	sst s25  }
0xa6: {  	s4 =	sshll.u32 s26, $0x1;
	_ =	strace $0x80000049;
	[dreg:$0x1] =	wrdreg $0xFFFFFFFF  }
0xa7: {  	s28 =	simm.s32 $_size_execute0_lowered;
	s2 =	sadd.s32 s2, s4;
	[dreg:$0x0] =	wrdreg $0x0  }
0xa8: {  	s4 =	sshll.u32 s28, $0x1;
	[dreg:$0x2] =	wrdreg s2  }
0xa9: {  	[dreg:$0x3] =	wrdreg s4  }
0xaa: {  	[dreg:$0x4] =	wrdreg $0xC0  }
0xab: {  	_ =	task [dreg:s6], $0x5FFFF  }
0xac: {  	[dreg:$0x1] =	wrdreg $0xFFFFFFFF  }
0xad: {  	[dreg:$0x0] =	wrdreg $0x60  }
0xae: {  	[dreg:$0x2] =	wrdreg s24  }
0xaf: {  	[dreg:$0x3] =	wrdreg $0xE0000  }
0xb0: {  	[dreg:$0x4] =	wrdreg $0x9  }
0xb1: {  	_ =	task.clear_ibuf [dreg:s6], $0x5FFFF;
	_ =	strace $0x90000049  }
0xb2: {  	s29 =	simm.s32 $0x9;
	_ =	strace $0x8000004B  }
0xb3: {  	_ =	swait.ge [sflag:s29], $0x1  }
0xb4: {  	[sflag:s29] =	ssyncadd.s32 $0xFFFFFFFF  }
0xb5: {  	_ =	strace $0x9000004B  }
0xb6: {  	_ =	sfence  }
0xb7: {  	s30 =	sld [smem:$0x0];
	_ =	sdelay $0x2  }
0xb8: {  	s31 =	sshll.u32 s1, $0xD;
	s1 =	sshrl.u32 s1, $0x2  }
0xb9: {  	s3 =	sand.u32 $0x4000, s31;
	s1 =	sadd.s32 s1, s30  }
0xba: {  	s0 =	sor.u32 s3, s0;
	s1 =	sshll.u32 s1, $0x11  }
0xbb: {  	s0 =	sor.u32 s1, s0  }
0xbc: {  	s0 =	sadd.s32 $0x8F2B, s0  }
0xbd: {  	[sflag:s0] =	ssyncadd.remote.s32 $0x1  }
0xbe: {  	_ =	sfence.sel $0xFFFF  }
0xbf: {  	[dreg:$0x0] =	wrdreg $0xFFFFFFFF;
	(pc) =	sbr.abs _section_cstart, $3  }
0xc0: {  	[dreg:$0x1] =	wrdreg $0xFFFFFFFF  }
0xc1: {  	_ =	task.clear_ibuf [dreg:s6], $0x2FFFF;
	_ =	strace $0x9FFFFFFF  }
0xc2: {  	(tm) =	ssettm $0x7FFFFFFF  }
0xc3: {  	_ =	shalt  }
tec
execute0_lowered:
.L_overlay_start_1:
0x0: {  	(tag) =	ssettag $0x1  }
0x1: {  	s5 =	rddreg [dreg:$0x0]  }
0x2: {  	s2 =	rddreg [dreg:$0x1]  }
0x3: {  	s0 =	srdreg.scid;
	s1 =	rddreg [dreg:$0x2];
	s3 =	simm.s32 $0x0  }
0x4: {  	s13 =	simm.s32 $0x5000;
	s14 =	simm.s32 $0x80;
	s6 =	sand.u32 $0x1, s0  }
0x5: {  	s15 =	simm.s32 $0xA000;
	s0 =	stileid.u32;
	s4 =	smul.u32 $0x50000, s6  }
0x6: {  	s16 =	simm.s32 $0xC000;
	s17 =	simm.s32 $0x1;
	s7 =	smul.u32 $0x5000, s0  }
0x7: {  	s18 =	simm.s32 $0x2;
	s19 =	simm.s32 $0x4F80;
	s26 =	smul.u32 $0x14000, s0  }
0x8: {  	s20 =	simm.s32 $0x9F00;
	s21 =	simm.s32 $0x9F80;
	s9 =	smul.u32 $0x140000, s6  }
0x9: {  	[smem:$0x7FF] =	sst s3;
	s10 =	ssub.s32 $0x2, s6;
	s6 =	smul.u32 $0x14000, s6  }
0xa: {  	s22 =	simm.s32 $0x0;
	_ =	strace $0x8000004A;
	s12 =	smul.u32 $0x1400, s0  }
0xb: {  	s31 =	sshll.u32 s0, $0x6;
	s11 =	sshrl.u32 s10, $0x1;
	s4 =	sadd.s32 s7, s4  }
0xc: {  	s9 =	sadd.s32 s26, s9;
	s10 =	ssub.s32 s10, s11;
	s28 =	sshrl.u32 s26, $0x1  }
0xd: {  	s30 =	sadd.s32 s12, s6;
	s6 =	sor.u32 $0x1C03, s31;
	s12 =	simm.s32 $0x3  }
0xe: {  	s8 =	sshrl.u32 s4, $0x3;
	s4 =	sadd.s32 $0x2AE00, s5;
	s9 =	sshrl.u32 s9, $0x4  }
0xf: {  	s29 =	sadd.s32 s28, s2;
	s10 =	smax.u32 s10, $0x1;
	s8 =	sadd.s32 s8, s5  }
0x10: {  	s9 =	sadd.s32 s9, s5;
	s5 =	sadd.s32 s4, s30;
	s11 =	sshrl.u32 s29, $0x3  }
0x11: {  	s7 =	sadd.s32 $0x16E00, s8;
	s8 =	sadd.s32 $0x2E00, s8;
	s9 =	sadd.s32 $0x52E00, s9  }
.LBB2_1:
0x12: {  	[spmem:s11], [sflag:s6] =	dma.local [hbm:s5], $0x1400  }
0x13: {  	_ =	swait.ge [sflag:s12], $0x1400  }
0x14: {  	[sflag:s12] =	ssyncset.done $0x0  }
0x15: {  	[sflag:s12] =	ssyncadd.s32 $0xFFFFEC00  }
0x16: {  	[bflag:$0x0] =	sbarrier.arrive $0xFFFF  }
0x17: {  	[tilespmem:s3], [sflag:$0x3] =	stream.linear.gather [hbm4b:s7+s3], $0x5000, $0x38;
	[tilespmem:$0x18000] =	vst v63  }
0x18: {  	_ =	swait.ge [sflag:s12], $0x5000  }
0x19: {  	[sflag:s12] =	ssyncset.done $0x0  }
0x1a: {  	[sflag:s12] =	ssyncadd.s32 $0xFFFFB000  }
0x1b: {  	[tilespmem:s13], [sflag:$0x3] =	stream.linear.gather [hbm4b:s8+s3], $0x5000, $0x38;
	[tilespmem:$0x18000] =	vst v63  }
0x1c: {  	_ =	swait.ge [sflag:s12], $0x5000  }
0x1d: {  	[sflag:s12] =	ssyncset.done $0x0  }
0x1e: {  	[sflag:s12] =	ssyncadd.s32 $0xFFFFB000  }
0x1f: {  	[tilespmem:s15], [sflag:$0x1] =	stream.indirect.gather [hbm4b:s4+s14], $0x40, s3, s14, $0xb8;
	[tilespmem:$0x18000] =	vst v63  }
0x20: {  	s23 =	simm.s32 $0x80  }
0x21: {  	[tilespmem:s16], [sflag:$0x2] =	stream.indirect.gather [hbm4b:s4+s14], $0x40, s23, s14, $0xb8;
	[tilespmem:$0x18000] =	vst v63  }
0x22: {  	_ =	swait.ge [sflag:s17], $0x2000  }
0x23: {  	[sflag:s17] =	ssyncset.done $0x0  }
0x24: {  	s29 =	simm.s32 $0x5000;
	[sflag:s17] =	ssyncadd.s32 $0xFFFFE000  }
0x25: {  	[spmem:s2] =	stream.indirect.scatter.add.bf16 [tilespmem:s15], [sflag:$0x3], $0x40, s29, s14, $0xb8;
	[tilespmem:$0x18000] =	vst v63  }
0x26: {  	_ =	swait.ge [sflag:s12], $0x2000  }
0x27: {  	[sflag:s12] =	ssyncset.done $0x0  }
0x28: {  	s30 =	simm.s32 $0x100;
	[sflag:s12] =	ssyncadd.s32 $0xFFFFE000  }
0x29: {  	[tilespmem:s15], [sflag:$0x1] =	stream.indirect.gather [hbm4b:s4+s14], $0x40, s30, s14, $0xb8;
	[tilespmem:$0x18000] =	vst v63  }
0x2a: {  	_ =	swait.ge [sflag:s18], $0x2000  }
0x2b: {  	[sflag:s18] =	ssyncset.done $0x0  }
0x2c: {  	s31 =	simm.s32 $0x5080;
	[sflag:s18] =	ssyncadd.s32 $0xFFFFE000  }
0x2d: {  	[spmem:s2] =	stream.indirect.scatter.add.bf16 [tilespmem:s16], [sflag:$0x3], $0x40, s31, s14, $0xb8;
	[tilespmem:$0x18000] =	vst v63  }
0x2e: {  	_ =	swait.ge [sflag:s12], $0x2000  }
0x2f: {  	s24 =	simm.s32 $0x800;
	s23 =	simm.s32 $0x100;
	[sflag:s12] =	ssyncset.done $0x0  }
.LBB2_2:
0x30: {  	s25 =	sadd.s32 $0x80, s23  }
0x31: {  	[sflag:s12] =	ssyncadd.s32 $0xFFFFE000;
	s26 =	smov.u32 s24;
	s28 =	sadd.s32 $0x400, s24  }
0x32: {  	[tilespmem:s16], [sflag:$0x2] =	stream.indirect.gather [hbm4b:s4+s14], $0x40, s25, s14, $0xb8;
	[tilespmem:$0x18000] =	vst v63  }
0x33: {  	p0 =	sne.s32 s24, $0x13800;
	_ =	swait.ge [sflag:s17], $0x2000  }
0x34: {  	[sflag:s17] =	ssyncset.done $0x0  }
0x35: {  	s24 =	sadd.s32 $0x5000, s23;
	[sflag:s17] =	ssyncadd.s32 $0xFFFFE000  }
0x36: {  	[spmem:s2] =	stream.indirect.scatter.add.bf16 [tilespmem:s15], [sflag:$0x3], $0x40, s24, s14, $0xb8;
	[tilespmem:$0x18000] =	vst v63  }
0x37: {  	_ =	swait.ge [sflag:s12], $0x2000  }
0x38: {  	[sflag:s12] =	ssyncset.done $0x0  }
0x39: {  	s24 =	sadd.s32 $0x100, s23;
	[sflag:s12] =	ssyncadd.s32 $0xFFFFE000  }
0x3a: {  	[tilespmem:s15], [sflag:$0x1] =	stream.indirect.gather [hbm4b:s4+s14], $0x40, s24, s14, $0xb8;
	[tilespmem:$0x18000] =	vst v63  }
0x3b: {  	_ =	swait.ge [sflag:s18], $0x2000  }
.Ltmp0:
0x3c: {  	[sflag:s18] =	ssyncset.done $0x0;
	(pc) =	sbr.rel @p0 .LBB2_2-.Ltmp0, $4  }
0x3d: {  	s23 =	sadd.s32 $0x5080, s23;
	[sflag:s18] =	ssyncadd.s32 $0xFFFFE000  }
0x3e: {  	[spmem:s2] =	stream.indirect.scatter.add.bf16 [tilespmem:s16], [sflag:$0x3], $0x40, s23, s14, $0xb8;
	[tilespmem:$0x18000] =	vst v63  }
0x3f: {  	_ =	swait.ge [sflag:s12], $0x2000  }
0x40: {  	s24 =	smov.u32 s28;
	s23 =	sshra.s32 s26, $0x2;
	[sflag:s12] =	ssyncset.done $0x0  }
0x41: {  	s24 =	sadd.s32 $0x80, s23;
	[sflag:s12] =	ssyncadd.s32 $0xFFFFE000  }
0x42: {  	[tilespmem:s16], [sflag:$0x2] =	stream.indirect.gather [hbm4b:s4+s14], $0x40, s24, s14, $0xb8;
	[tilespmem:$0x18000] =	vst v63  }
0x43: {  	_ =	swait.ge [sflag:s17], $0x2000  }
0x44: {  	[sflag:s17] =	ssyncset.done $0x0  }
0x45: {  	s29 =	sadd.s32 $0x5000, s23;
	[sflag:s17] =	ssyncadd.s32 $0xFFFFE000  }
0x46: {  	[spmem:s2] =	stream.indirect.scatter.add.bf16 [tilespmem:s15], [sflag:$0x3], $0x40, s29, s14, $0xb8;
	[tilespmem:$0x18000] =	vst v63  }
0x47: {  	_ =	swait.ge [sflag:s12], $0x2000  }
0x48: {  	[sflag:s12] =	ssyncset.done $0x0  }
0x49: {  	s30 =	sadd.s32 $0x100, s23;
	[sflag:s12] =	ssyncadd.s32 $0xFFFFE000  }
0x4a: {  	[tilespmem:s15], [sflag:$0x1] =	stream.indirect.gather [hbm4b:s4+s14], $0x40, s30, s14, $0xb8;
	[tilespmem:$0x18000] =	vst v63  }
0x4b: {  	_ =	swait.ge [sflag:s18], $0x2000  }
0x4c: {  	[sflag:s18] =	ssyncset.done $0x0  }
0x4d: {  	s31 =	sadd.s32 $0x5080, s23;
	[sflag:s18] =	ssyncadd.s32 $0xFFFFE000  }
0x4e: {  	[spmem:s2] =	stream.indirect.scatter.add.bf16 [tilespmem:s16], [sflag:$0x3], $0x40, s31, s14, $0xb8;
	[tilespmem:$0x18000] =	vst v63  }
0x4f: {  	_ =	swait.ge [sflag:s12], $0x2000  }
0x50: {  	[sflag:s12] =	ssyncset.done $0x0  }
0x51: {  	[sflag:s12] =	ssyncadd.s32 $0xFFFFE000  }
0x52: {  	[tilespmem:s16], [sflag:$0x2] =	stream.indirect.gather [hbm4b:s4+s14], $0x40, s19, s14, $0xb8;
	[tilespmem:$0x18000] =	vst v63  }
0x53: {  	_ =	swait.ge [sflag:s17], $0x2000  }
0x54: {  	[sflag:s17] =	ssyncset.done $0x0  }
0x55: {  	[sflag:s17] =	ssyncadd.s32 $0xFFFFE000  }
0x56: {  	[spmem:s2] =	stream.indirect.scatter.add.bf16 [tilespmem:s15], [sflag:$0x3], $0x40, s20, s14, $0xb8;
	[tilespmem:$0x18000] =	vst v63  }
0x57: {  	_ =	swait.ge [sflag:s12], $0x2000  }
0x58: {  	[sflag:s12] =	ssyncset.done $0x0  }
0x59: {  	[sflag:s12] =	ssyncadd.s32 $0xFFFFE000  }
0x5a: {  	_ =	swait.ge [sflag:s18], $0x2000  }
0x5b: {  	[sflag:s18] =	ssyncset.done $0x0  }
0x5c: {  	[sflag:s18] =	ssyncadd.s32 $0xFFFFE000  }
0x5d: {  	[spmem:s2] =	stream.indirect.scatter.add.bf16 [tilespmem:s16], [sflag:$0x3], $0x40, s21, s14, $0xb8;
	[tilespmem:$0x18000] =	vst v63  }
0x5e: {  	_ =	swait.ge [sflag:s12], $0x2000  }
0x5f: {  	s22 =	sadd.s32 $0x1, s22;
	[sflag:s12] =	ssyncset.done $0x0  }
0x60: {  	p0 =	sne.s32 s22, s10;
	[sflag:s12] =	ssyncadd.s32 $0xFFFFE000  }
.Ltmp1:
0x61: {  	[bflag:$0x0] =	sbarrier.arrive $0xFFFF;
	(pc) =	sbr.rel @p0 .LBB2_1-.Ltmp1, $4  }
0x62: {  	[hbm:s9], [sflag:s6] =	dma.local [spmem:s11], $0x1400  }
0x63: {  	_ =	swait.ge [sflag:s12], $0x1400  }
0x64: {  	[sflag:s12] =	ssyncset.done $0x0  }
0x65: {  	[sflag:s12] =	ssyncadd.s32 $0xFFFFEC00  }
0x66: {  	_ =	sfence.sel $0x180000  }
0x67: {  	[bflag:$0x0] =	sbarrier.arrive $0xFFFF  }
0x68: {  	p0 =	sne.s32 s0, $0x0;
	_ =	strace $0x9000004A  }
0x69: {  	s0 =	sadd.s32 @!p0 $0x100000, s1;
	[bflag:$0x2] =	sbarrier.arrive $0xFFFF  }
0x6a: {  	[sflag:s0] =	ssyncadd.tile.s32 @!p0 $0x1;
	_ =	shalt  }
.Lfunc_end2:
_tile_overlayer_lowered:
.L_overlay_start_2:
0x6b: {  	(tag) =	ssettag $0x2  }
0x6c: {  	s0 =	rddreg [dreg:$0x0];
	s2 =	stileid.u32  }
0x6d: {  	s1 =	rddreg [dreg:$0x1];
	p0 =	sne.s32 s2, $0x0  }
0x6e: {  	s3 =	rddreg [dreg:$0x2];
	[bflag:$0x3] =	sbarrier.arrive $0xFFFF;
	s2 =	simm.s32 @!p0 $0x1C03  }
0x6f: {  	[timem:s3], [sflag:s2] =	dma.local @!p0 [hbm:s0], s1  }
0x70: {  	s0 =	simm.s32 @!p0 $0x3  }
0x71: {  	_ =	swait.ge @!p0 [sflag:s0], s1  }
0x72: {  	s1 =	ssub.s32 @!p0 $0x0, s1;
	[sflag:s0] =	ssyncset.done @!p0 $0x0  }
0x73: {  	[sflag:s0] =	ssyncadd.s32 @!p0 s1  }
0x74: {  	[bflag:$0x3] =	sbarrier.arrive $0xFFFF  }
0x75: {  	_ =	shalt  }

</sc_bundles>
